<compile_context>
chip_gen: v7x
topology: tpu7x:2x2x1
jax: 0.10.2.dev20260603
libtpu: 0.0.44.dev20260713+nightly
codegen_flags: <defaults>
</compile_context>

<pallas_src>
import functools

import jax
import jax.numpy as jnp
from jax import lax
from jax.experimental import pallas as pl
from jax.experimental.pallas import tpu as pltpu
from jax.experimental.pallas import tpu_sc as plsc




def _c_body(ea_ref, w_ref, b_ref, out_ref):
    out_ref[...] = (
        jnp.dot(ea_ref[...], w_ref[...], preferred_element_type=jnp.float32)
        + b_ref[...]
    )


def _edge_bias_table(edge_attr, W3, b_msg, E, ED, H):
    EB = 8000
    return pl.pallas_call(
        _c_body,
        grid=(E // EB,),
        in_specs=[
            pl.BlockSpec((EB, ED), lambda i: (i, 0)),
            pl.BlockSpec((ED, H), lambda i: (0, 0)),
            pl.BlockSpec((1, H), lambda i: (0, 0)),
        ],
        out_specs=pl.BlockSpec((EB, H), lambda i: (i, 0)),
        out_shape=jax.ShapeDtypeStruct((E, H), jnp.float32),
    )(edge_attr, W3, b_msg.reshape(1, H))


def _ab_body(h_ref, w1_ref, w2_ref, a_ref, b_ref):
    h = h_ref[...]
    a_ref[...] = jnp.dot(h, w1_ref[...], preferred_element_type=jnp.float32)
    b_ref[...] = jnp.dot(h, w2_ref[...], preferred_element_type=jnp.float32)


def _proj_ab(h, W1, W2, N, H):
    NB = 2000
    nspec = pl.BlockSpec((NB, H), lambda i: (i, 0))
    nshape = jax.ShapeDtypeStruct((N, H), jnp.float32)
    return pl.pallas_call(
        _ab_body,
        grid=(N // NB,),
        in_specs=[
            nspec,
            pl.BlockSpec((H, H), lambda i: (0, 0)),
            pl.BlockSpec((H, H), lambda i: (0, 0)),
        ],
        out_specs=[nspec, nspec],
        out_shape=[nshape, nshape],
    )(h, W1, W2)


def _upd_mid_body(p_ref, mp_ref, h_ref, wum_ref, wuh_ref, bu_ref, w1_ref,
                  w2_ref, m_ref, hn_ref, a_ref, b_ref):
    m = mp_ref[...] + p_ref[...]
    hn = jnp.tanh(
        jnp.dot(m, wum_ref[...], preferred_element_type=jnp.float32)
        + jnp.dot(h_ref[...], wuh_ref[...], preferred_element_type=jnp.float32)
        + bu_ref[...]
    )
    m_ref[...] = m
    hn_ref[...] = hn
    a_ref[...] = jnp.dot(hn, w1_ref[...], preferred_element_type=jnp.float32)
    b_ref[...] = jnp.dot(hn, w2_ref[...], preferred_element_type=jnp.float32)


def _update_mid(P, m_prev, h, Wum, Wuh, b_upd, W1, W2, N, H):
    NB = 2000
    wspec = pl.BlockSpec((H, H), lambda i: (0, 0))
    nspec = pl.BlockSpec((NB, H), lambda i: (i, 0))
    nshape = jax.ShapeDtypeStruct((N, H), jnp.float32)
    return pl.pallas_call(
        _upd_mid_body,
        grid=(N // NB,),
        in_specs=[
            nspec, nspec, nspec, wspec, wspec,
            pl.BlockSpec((1, H), lambda i: (0, 0)),
            wspec, wspec,
        ],
        out_specs=[nspec, nspec, nspec, nspec],
        out_shape=[nshape, nshape, nshape, nshape],
    )(P, m_prev, h, Wum, Wuh, b_upd.reshape(1, H), W1, W2)


def _readout_body(h_ref, wo_ref, bo_ref, out_ref, acc_ref):
    i = pl.program_id(0)
    part = jnp.sum(h_ref[...], axis=0, keepdims=True)

    @pl.when(i == 0)
    def _():
        acc_ref[...] = part

    @pl.when(i > 0)
    def _():
        acc_ref[...] = acc_ref[...] + part

    @pl.when(i == pl.num_programs(0) - 1)
    def _():
        out_ref[...] = jnp.tanh(
            jnp.dot(acc_ref[...], wo_ref[...], preferred_element_type=jnp.float32)
            + bo_ref[...]
        )


def _readout(h, W_out, b_out, N, H):
    NB = 2000
    return pl.pallas_call(
        _readout_body,
        grid=(N // NB,),
        in_specs=[
            pl.BlockSpec((NB, H), lambda i: (i, 0)),
            pl.BlockSpec((H, H), lambda i: (0, 0)),
            pl.BlockSpec((1, H), lambda i: (0, 0)),
        ],
        out_specs=pl.BlockSpec((1, H), lambda i: (0, 0)),
        out_shape=jax.ShapeDtypeStruct((1, H), jnp.float32),
        scratch_shapes=[pltpu.VMEM((1, H), jnp.float32)],
    )(h, W_out, b_out.reshape(1, H))




def _make_edge_kernel(N, E, H):
    info = plsc.get_sparse_core_info()
    NC, NS = info.num_cores, info.num_subcores
    N2 = N // 2
    EPT = E // NS
    CHUNK = 32
    NCHUNKS = EPT // CHUNK
    ZROWS = 40
    AROWS = N2 + ZROWS
    NZCHUNKS = AROWS // ZROWS
    NOCHUNKS = N2 // ZROWS
    assert NC == 2 and EPT * NS == E and CHUNK * NCHUNKS == EPT
    assert CHUNK % 16 == 0 and ZROWS % 8 == 0 and NCHUNKS % 2 == 1
    assert NZCHUNKS * ZROWS == AROWS and NOCHUNKS * ZROWS == N2

    mesh = plsc.VectorSubcoreMesh(core_axis_name="c", subcore_axis_name="s")

    @functools.partial(
        pl.kernel,
        out_type=jax.ShapeDtypeStruct((N, H), jnp.float32),
        mesh=mesh,
        scratch_types=[
            pltpu.VMEM((EPT,), jnp.int32),
            pltpu.VMEM((EPT,), jnp.int32),
            [pltpu.VMEM((CHUNK,), jnp.int32) for _ in range(2)],
            [pltpu.VMEM((CHUNK,), jnp.int32) for _ in range(2)],
            pltpu.VMEM((4, CHUNK), jnp.int32),
            [pltpu.VMEM((CHUNK, H), jnp.float32) for _ in range(2)],
            [pltpu.VMEM((CHUNK, H), jnp.float32) for _ in range(2)],
            [pltpu.VMEM((CHUNK, H), jnp.float32) for _ in range(2)],
            [pltpu.VMEM((CHUNK, H), jnp.float32) for _ in range(2)],
            pltpu.VMEM((ZROWS, H), jnp.float32),
            pltpu.VMEM_SHARED((AROWS, H), jnp.float32),
            [pltpu.SemaphoreType.DMA for _ in range(2)],
            [pltpu.SemaphoreType.DMA for _ in range(2)],
        ],
    )
    def edge_kernel(a_hbm, b_hbm, c_hbm, dst_hbm, src_hbm, out_hbm,
                    dib_v, sib_v, di, si, dl4_v, ar, br, cr, mg,
                    zb_v, m_sh, sg, ss):
        cid = lax.axis_index("c")
        sid = lax.axis_index("s")
        nvec = H // 16

        zval = jnp.zeros((16,), jnp.float32)

        def zb_body(j, _):
            zb_v[j // nvec, pl.ds((j % nvec) * 16, 16)] = zval
            return 0

        lax.fori_loop(0, ZROWS * nvec, zb_body, 0)
        for k in range((NZCHUNKS + NS - 1) // NS):
            zc = sid + k * NS

            @pl.when(zc < NZCHUNKS)
            def _():
                pltpu.sync_copy(
                    zb_v, m_sh.at[pl.ds(pl.multiple_of(zc * ZROWS, 8), ZROWS)])
        plsc.subcore_barrier()

        base_t = sid * EPT
        nbase = cid * N2
        pltpu.sync_copy(dst_hbm.at[pl.ds(base_t, EPT)], dib_v)
        pltpu.sync_copy(src_hbm.at[pl.ds(base_t, EPT)], sib_v)

        def issue(i, b):
            ioff = i * CHUNK
            islot = jnp.bitwise_and(i, 3)
            for k in range(CHUNK // 16):
                so = pl.ds(k * 16, 16)
                sl = pl.ds(ioff + k * 16, 16)
                dv = dib_v[sl]
                di[b][so] = dv
                si[b][so] = sib_v[sl]
                loc = dv - nbase
                ok = jnp.logical_and(loc >= 0, loc < N2)
                dl4_v[islot, so] = jnp.where(ok, loc, N2)
            pltpu.async_copy(a_hbm.at[di[b]], ar[b], sg[b])
            pltpu.async_copy(b_hbm.at[si[b]], br[b], sg[b])
            pltpu.async_copy(
                c_hbm.at[pl.ds(pl.multiple_of(base_t + ioff, 8), CHUNK)],
                cr[b], sg[b])

        def wait_gathers(b):
            pltpu.make_async_copy(a_hbm.at[di[b]], ar[b], sg[b]).wait()
            pltpu.make_async_copy(b_hbm.at[si[b]], br[b], sg[b]).wait()
            pltpu.make_async_copy(
                c_hbm.at[pl.ds(0, CHUNK)], cr[b], sg[b]).wait()

        def wait_scatter(b):
            pltpu.make_async_copy(mg[b], m_sh.at[dl4_v.at[0]], ss[b]).wait()

        def compute(b):
            def row_body(r2, _):
                for u in range(2):
                    r = r2 * 2 + u
                    for v in range(nvec):
                        sl = pl.ds(v * 16, 16)
                        zn = ar[b][r, sl] + br[b][r, sl] + cr[b][r, sl]
                        e = jnp.exp(jnp.minimum(zn, 80.0))
                        mg[b][r, sl] = (1.0 - e) / (1.0 + e)
                return 0

            lax.fori_loop(0, CHUNK // 2, row_body, 0)

        def scatter(i, b):
            pltpu.async_copy(
                mg[b], m_sh.at[dl4_v.at[jnp.bitwise_and(i, 3)]], ss[b],
                add=True)

        issue(0, 0)

        def grp_body(g, _):
            for b in range(2):
                i = g * 2 + b

                @pl.when(i + 1 < NCHUNKS)
                def _():
                    issue(i + 1, 1 - b)

                wait_gathers(b)

                @pl.when(i >= 2)
                def _():
                    wait_scatter(b)

                compute(b)
                scatter(i, b)
            return 0

        lax.fori_loop(0, NCHUNKS // 2, grp_body, 0)
        wait_gathers(0)
        wait_scatter(0)
        compute(0)
        scatter(NCHUNKS - 1, 0)
        wait_scatter(0)
        wait_scatter(1)
        plsc.subcore_barrier()

        for k in range((NOCHUNKS + NS - 1) // NS):
            zc = sid + k * NS

            @pl.when(zc < NOCHUNKS)
            def _():
                off = pl.multiple_of(zc * ZROWS, 8)
                pltpu.sync_copy(m_sh.at[pl.ds(off, ZROWS)], zb_v)
                pltpu.sync_copy(
                    zb_v,
                    out_hbm.at[pl.ds(pl.multiple_of(nbase + off, 8), ZROWS)])

    return edge_kernel




def kernel(x, edge_index, edge_attr, W_msg, b_msg, W_upd, b_upd, W_out, b_out):
    N, H = x.shape
    E = edge_index.shape[1]
    ED = edge_attr.shape[1]

    W1 = W_msg[:H] * -2.0
    W2 = W_msg[H:2 * H] * -2.0
    W3 = W_msg[2 * H:] * -2.0
    Wum = W_upd[:H]
    Wuh = W_upd[H:]
    dst = edge_index[0]
    src = edge_index[1]

    C = _edge_bias_table(edge_attr, W3, b_msg * -2.0, E, ED, H)
    A0, B0 = _proj_ab(x, W1, W2, N, H)

    edge_kernel = _make_edge_kernel(N, E, H)

    def body(carry, _):
        m, h, A, B = carry
        P = edge_kernel(A, B, C, dst, src)
        m, h, A, B = _update_mid(P, m, h, Wum, Wuh, b_upd, W1, W2, N, H)
        return (m, h, A, B), None

    m0 = jnp.zeros((N, H), jnp.float32)
    (m, h, A, B), _ = lax.scan(body, (m0, x, A0, B0), None, length=2)
    out = _readout(h, W_out, b_out, N, H)
    return out.reshape(H)

# --- scband reference (transcript-rebuilt; emitter-appended) ---
"""Pipeline reference for scband-edge-only-mpnn-62680752718359 (READ-ONLY COPY).

The authoritative reference and input builder live on the scoring server;
editing this copy changes nothing except your own understanding.
"""

import jax, jax.numpy as jnp
import numpy as np

N = 10000
E = 320000
H = 128
ED = 16
N_ITERS = 2


def setup_inputs(seed: int = 0) -> dict:
    key = jax.random.key(seed)
    ks = jax.random.split(key, 9)
    x = jax.random.normal(ks[0], (N, H), dtype=jnp.float32)
    edge_index = jax.random.randint(ks[1], (2, E), 0, N, dtype=jnp.int32)
    edge_attr = jax.random.normal(ks[2], (E, ED), dtype=jnp.float32)
    # message fn params: linear on concat(h_v, h_w, e_vw) -> message_dim
    W_msg = jax.random.normal(ks[3], (2 * H + ED, H), dtype=jnp.float32) * 0.05
    b_msg = jnp.zeros((H,), dtype=jnp.float32)
    # vertex update params: linear on concat(m_v, h_v) -> hidden_dim
    W_upd = jax.random.normal(ks[4], (2 * H, H), dtype=jnp.float32) * 0.05
    b_upd = jnp.zeros((H,), dtype=jnp.float32)
    # readout params: linear on summed hidden states
    W_out = jax.random.normal(ks[5], (H, H), dtype=jnp.float32) * 0.05
    b_out = jnp.zeros((H,), dtype=jnp.float32)
    return {"x": x, "edge_index": edge_index, "edge_attr": edge_attr,
            "W_msg": W_msg, "b_msg": b_msg, "W_upd": W_upd, "b_upd": b_upd,
            "W_out": W_out, "b_out": b_out}


def reference(x, edge_index, edge_attr, W_msg, b_msg, W_upd, b_upd, W_out, b_out):
    # Tensorized, synchronous version of EdgeOnlyMPNN.forward:
    # for each iter: per-edge message m_vw = message(h_v, h_w, e_vw),
    # accumulated into persistent per-node message m_v (NOT reset across iters),
    # then h_v = vertex_update(m_v, h_v). Readout over all node hiddens.
    n = x.shape[0]
    dst = edge_index[0]  # v: the node receiving/aggregating
    src = edge_index[1]  # w: the neighbor
    h = x
    m = jnp.zeros((n, H), dtype=x.dtype)
    for _ in range(N_ITERS):
        h_v = jnp.take(h, dst, axis=0)
        h_w = jnp.take(h, src, axis=0)
        msg_in = jnp.concatenate([h_v, h_w, edge_attr], axis=-1)
        m_e = jnp.tanh(msg_in @ W_msg + b_msg)
        agg = jax.ops.segment_sum(m_e, dst, num_segments=n)
        m = m + agg
        upd_in = jnp.concatenate([m, h], axis=-1)
        h = jnp.tanh(upd_in @ W_upd + b_upd)
    out = jnp.tanh(jnp.sum(h, axis=0) @ W_out + b_out)
    return out

if __name__ == "__main__":
    import jax
    _d = setup_inputs()
    print(jax.jit(kernel)(*tuple(_d.values())))

</pallas_src>

<mosaic_0001>
#map = affine_map<(d0, d1) -> (0, 0)>
#map1 = affine_map<(d0, d1) -> (0)>
module attributes {stable_mosaic.version = 14 : i64} {
  func.func @edge_kernel(%arg0: i32, %arg1: i32, %arg2: memref<10000x128xf32, #tpu.memory_space<hbm>>, %arg3: memref<10000x128xf32, #tpu.memory_space<hbm>>, %arg4: memref<320000x128xf32, #tpu.memory_space<hbm>>, %arg5: memref<320000xi32, #tpu.memory_space<hbm>>, %arg6: memref<320000xi32, #tpu.memory_space<hbm>>, %arg7: memref<10000x128xf32, #tpu.memory_space<hbm>>, %arg8: memref<20000xi32, #tpu.memory_space<vmem>>, %arg9: memref<20000xi32, #tpu.memory_space<vmem>>, %arg10: memref<32xi32, #tpu.memory_space<vmem>>, %arg11: memref<32xi32, #tpu.memory_space<vmem>>, %arg12: memref<32xi32, #tpu.memory_space<vmem>>, %arg13: memref<32xi32, #tpu.memory_space<vmem>>, %arg14: memref<4x32xi32, #tpu.memory_space<vmem>>, %arg15: memref<32x128xf32, #tpu.memory_space<vmem>>, %arg16: memref<32x128xf32, #tpu.memory_space<vmem>>, %arg17: memref<32x128xf32, #tpu.memory_space<vmem>>, %arg18: memref<32x128xf32, #tpu.memory_space<vmem>>, %arg19: memref<32x128xf32, #tpu.memory_space<vmem>>, %arg20: memref<32x128xf32, #tpu.memory_space<vmem>>, %arg21: memref<32x128xf32, #tpu.memory_space<vmem>>, %arg22: memref<32x128xf32, #tpu.memory_space<vmem>>, %arg23: memref<40x128xf32, #tpu.memory_space<vmem>>, %arg24: memref<5040x128xf32, #tpu.memory_space<vmem_shared>>, %arg25: memref<!tpu.dma_semaphore, #tpu.memory_space<semaphore_mem>>, %arg26: memref<!tpu.dma_semaphore, #tpu.memory_space<semaphore_mem>>, %arg27: memref<!tpu.dma_semaphore, #tpu.memory_space<semaphore_mem>>, %arg28: memref<!tpu.dma_semaphore, #tpu.memory_space<semaphore_mem>>) attributes {dimension_semantics = [#tpu.dimension_semantics<core_parallel>, #tpu.dimension_semantics<subcore_parallel>], iteration_bounds = array<i64: 2, 16>, scalar_prefetch = 0 : i64, scratch_operands = 21 : i64, tpu.core_type = #tpu.core_type<sc_vector_subcore>, window_params = [{transform_indices = #map}, {transform_indices = #map}, {transform_indices = #map}, {transform_indices = #map1}, {transform_indices = #map1}, {transform_indices = #map}]} {
    %broadcast_in_dim3A = arith.constant 0.000000e+00 : f32
    %broadcast_in_dim3A_0 = vector.broadcast %broadcast_in_dim3A : f32 to vector<16xf32>
    %scan3A = arith.constant 0 : i32
    %scan3A_1 = arith.constant 0 : i32
    %scan3A_2 = arith.constant 320 : i32
    %scan3A_3 = arith.addi %scan3A_1, %scan3A_2 : i32
    %scan3A_4 = arith.constant 1 : i32
    %scan3A_5 = scf.for %scan3A_243 = %scan3A_1 to %scan3A_3 step %scan3A_4 iter_args(%scan3A_244 = %scan3A) -> (i32)  : i32 {
      %jit3A_245 = arith.constant 8 : i32
      %div3A = arith.divsi %scan3A_243, %jit3A_245 : i32
      %sign3A = arith.constant 0 : i32
      %sign3A_246 = arith.cmpi sgt, %scan3A_243, %sign3A : i32
      %sign3A_247 = arith.extui %sign3A_246 : i1 to i32
      %sign3A_248 = arith.constant 0 : i32
      %sign3A_249 = arith.cmpi slt, %scan3A_243, %sign3A_248 : i32
      %sign3A_250 = arith.extui %sign3A_249 : i1 to i32
      %sign3A_251 = arith.subi %sign3A_247, %sign3A_250 : i32
      %sign3A_252 = arith.constant 0 : i32
      %sign3A_253 = arith.cmpi sgt, %jit3A_245, %sign3A_252 : i32
      %sign3A_254 = arith.extui %sign3A_253 : i1 to i32
      %sign3A_255 = arith.constant 0 : i32
      %sign3A_256 = arith.cmpi slt, %jit3A_245, %sign3A_255 : i32
      %sign3A_257 = arith.extui %sign3A_256 : i1 to i32
      %sign3A_258 = arith.subi %sign3A_254, %sign3A_257 : i32
      %ne3A = arith.cmpi ne, %sign3A_251, %sign3A_258 : i32
      %rem3A = arith.remsi %scan3A_243, %jit3A_245 : i32
      %ne3A_259 = arith.constant 0 : i32
      %ne3A_260 = arith.cmpi ne, %rem3A, %ne3A_259 : i32
      %and3A_261 = arith.andi %ne3A, %ne3A_260 : i1
      %sub3A_262 = arith.constant 1 : i32
      %sub3A_263 = arith.subi %div3A, %sub3A_262 : i32
      %select_n3A_264 = arith.select %and3A_261, %sub3A_263, %div3A : i32
      %jit3A_265 = arith.constant 8 : i32
      %eq3A = arith.constant 0 : i32
      %eq3A_266 = arith.cmpi eq, %jit3A_265, %eq3A : i32
      %jit3A_267 = arith.constant 1 : i32
      %select_n3A_268 = arith.select %eq3A_266, %jit3A_267, %jit3A_265 : i32
      %rem3A_269 = arith.remsi %scan3A_243, %select_n3A_268 : i32
      %ne3A_270 = arith.constant 0 : i32
      %ne3A_271 = arith.cmpi ne, %rem3A_269, %ne3A_270 : i32
      %lt3A_272 = arith.constant 0 : i32
      %lt3A_273 = arith.cmpi slt, %rem3A_269, %lt3A_272 : i32
      %lt3A_274 = arith.constant 0 : i32
      %lt3A_275 = arith.cmpi slt, %select_n3A_268, %lt3A_274 : i32
      %ne3A_276 = arith.xori %lt3A_273, %lt3A_275 : i1
      %and3A_277 = arith.andi %ne3A_276, %ne3A_271 : i1
      %add3A_278 = arith.addi %rem3A_269, %select_n3A_268 : i32
      %select_n3A_279 = arith.select %and3A_277, %add3A_278, %rem3A_269 : i32
      %mul3A_280 = arith.constant 16 : i32
      %mul3A_281 = arith.muli %select_n3A_279, %mul3A_280 : i32
      %swap3A_282 = arith.index_cast %select_n3A_264 : i32 to index
      %swap3A_283 = arith.index_cast %mul3A_281 : i32 to index
      %swap3A_284 = tpu.vector_load %arg23[%swap3A_282, %swap3A_283] {strides = array<i32>} : memref<40x128xf32, #tpu.memory_space<vmem>>, vector<1x16xf32>,
      %swap3A_285 = vector.shape_cast %swap3A_284 : vector<1x16xf32> to vector<16xf32>
      %swap3A_286 = vector.shape_cast %broadcast_in_dim3A_0 : vector<16xf32> to vector<1x16xf32>
      tpu.vector_store %arg23[%swap3A_282, %swap3A_283], %swap3A_286 {strides = array<i32>} : memref<40x128xf32, #tpu.memory_space<vmem>>, vector<1x16xf32>,
      %scan3A_287 = arith.constant 0 : i32
      scf.yield %scan3A_287 : i32
    }
    %scan3A_6 = arith.constant 320 : i32
    %add3A = arith.constant 0 : i32
    %add3A_7 = arith.addi %arg1, %add3A : i32
    %lt3A = arith.constant 126 : i32
    %lt3A_8 = arith.cmpi slt, %add3A_7, %lt3A : i32
    %convert_element_type3A = arith.extui %lt3A_8 : i1 to i32
    %cond3A = arith.constant 0 : i32
    %cond3A_9 = arith.cmpi ne, %convert_element_type3A, %cond3A : i32
    scf.if %cond3A_9 {
      %mul3A_243 = arith.constant 40 : i32
      %mul3A_244 = arith.muli %add3A_7, %mul3A_243 : i32
      %multiple_of3A_245 = tpu.assume_multiple %mul3A_244, 8 : i32
      "tpu.region"() ({
        %run_scoped3A = tpu.sem_alloc : memref<!tpu.dma_semaphore, #tpu.memory_space<semaphore_mem>>
        %dma_start3A_246 = arith.constant 0 : i32
        %dma_start3A_247 = tpu.memref_slice %arg24[%multiple_of3A_245, %dma_start3A_246] : memref<5040x128xf32, #tpu.memory_space<vmem_shared>> -> memref<40x128xf32, #tpu.memory_space<vmem_shared>>
        %dma_start3A_248 = arith.constant 0 : i32
        %dma_start3A_249 = tpu.memref_slice %arg24[%multiple_of3A_245, %dma_start3A_248] : memref<5040x128xf32, #tpu.memory_space<vmem_shared>> -> memref<40x128xf32, #tpu.memory_space<vmem_shared>>
        tpu.enqueue_dma source(%arg23 : memref<40x128xf32, #tpu.memory_space<vmem>>) target(%dma_start3A_249 : memref<40x128xf32, #tpu.memory_space<vmem_shared>>) target_semaphore(%run_scoped3A : memref<!tpu.dma_semaphore, #tpu.memory_space<semaphore_mem>>)
        %dma_wait3A_250 = arith.constant 0 : i32
        %dma_wait3A_251 = tpu.memref_slice %arg24[%multiple_of3A_245, %dma_wait3A_250] : memref<5040x128xf32, #tpu.memory_space<vmem_shared>> -> memref<40x128xf32, #tpu.memory_space<vmem_shared>>
        %dma_wait3A_252 = arith.constant 0 : i32
        %dma_wait3A_253 = tpu.memref_slice %arg24[%multiple_of3A_245, %dma_wait3A_252] : memref<5040x128xf32, #tpu.memory_space<vmem_shared>> -> memref<40x128xf32, #tpu.memory_space<vmem_shared>>
        tpu.wait_dma2 semaphore(%run_scoped3A : memref<!tpu.dma_semaphore, #tpu.memory_space<semaphore_mem>>) src(%arg23 : memref<40x128xf32, #tpu.memory_space<vmem>>) dst(%dma_wait3A_253 : memref<40x128xf32, #tpu.memory_space<vmem_shared>>)
        tpu.yield
      }) : () -> ()
    } else {
    }
    %add3A_10 = arith.constant 16 : i32
    %add3A_11 = arith.addi %arg1, %add3A_10 : i32
    %lt3A_12 = arith.constant 126 : i32
    %lt3A_13 = arith.cmpi slt, %add3A_11, %lt3A_12 : i32
    %convert_element_type3A_14 = arith.extui %lt3A_13 : i1 to i32
    %cond3A_15 = arith.constant 0 : i32
    %cond3A_16 = arith.cmpi ne, %convert_element_type3A_14, %cond3A_15 : i32
    scf.if %cond3A_16 {
      %mul3A_243 = arith.constant 40 : i32
      %mul3A_244 = arith.muli %add3A_11, %mul3A_243 : i32
      %multiple_of3A_245 = tpu.assume_multiple %mul3A_244, 8 : i32
      "tpu.region"() ({
        %run_scoped3A = tpu.sem_alloc : memref<!tpu.dma_semaphore, #tpu.memory_space<semaphore_mem>>
        %dma_start3A_246 = arith.constant 0 : i32
        %dma_start3A_247 = tpu.memref_slice %arg24[%multiple_of3A_245, %dma_start3A_246] : memref<5040x128xf32, #tpu.memory_space<vmem_shared>> -> memref<40x128xf32, #tpu.memory_space<vmem_shared>>
        %dma_start3A_248 = arith.constant 0 : i32
        %dma_start3A_249 = tpu.memref_slice %arg24[%multiple_of3A_245, %dma_start3A_248] : memref<5040x128xf32, #tpu.memory_space<vmem_shared>> -> memref<40x128xf32, #tpu.memory_space<vmem_shared>>
        tpu.enqueue_dma source(%arg23 : memref<40x128xf32, #tpu.memory_space<vmem>>) target(%dma_start3A_249 : memref<40x128xf32, #tpu.memory_space<vmem_shared>>) target_semaphore(%run_scoped3A : memref<!tpu.dma_semaphore, #tpu.memory_space<semaphore_mem>>)
        %dma_wait3A_250 = arith.constant 0 : i32
        %dma_wait3A_251 = tpu.memref_slice %arg24[%multiple_of3A_245, %dma_wait3A_250] : memref<5040x128xf32, #tpu.memory_space<vmem_shared>> -> memref<40x128xf32, #tpu.memory_space<vmem_shared>>
        %dma_wait3A_252 = arith.constant 0 : i32
        %dma_wait3A_253 = tpu.memref_slice %arg24[%multiple_of3A_245, %dma_wait3A_252] : memref<5040x128xf32, #tpu.memory_space<vmem_shared>> -> memref<40x128xf32, #tpu.memory_space<vmem_shared>>
        tpu.wait_dma2 semaphore(%run_scoped3A : memref<!tpu.dma_semaphore, #tpu.memory_space<semaphore_mem>>) src(%arg23 : memref<40x128xf32, #tpu.memory_space<vmem>>) dst(%dma_wait3A_253 : memref<40x128xf32, #tpu.memory_space<vmem_shared>>)
        tpu.yield
      }) : () -> ()
    } else {
    }
    %add3A_17 = arith.constant 32 : i32
    %add3A_18 = arith.addi %arg1, %add3A_17 : i32
    %lt3A_19 = arith.constant 126 : i32
    %lt3A_20 = arith.cmpi slt, %add3A_18, %lt3A_19 : i32
    %convert_element_type3A_21 = arith.extui %lt3A_20 : i1 to i32
    %cond3A_22 = arith.constant 0 : i32
    %cond3A_23 = arith.cmpi ne, %convert_element_type3A_21, %cond3A_22 : i32
    scf.if %cond3A_23 {
      %mul3A_243 = arith.constant 40 : i32
      %mul3A_244 = arith.muli %add3A_18, %mul3A_243 : i32
      %multiple_of3A_245 = tpu.assume_multiple %mul3A_244, 8 : i32
      "tpu.region"() ({
        %run_scoped3A = tpu.sem_alloc : memref<!tpu.dma_semaphore, #tpu.memory_space<semaphore_mem>>
        %dma_start3A_246 = arith.constant 0 : i32
        %dma_start3A_247 = tpu.memref_slice %arg24[%multiple_of3A_245, %dma_start3A_246] : memref<5040x128xf32, #tpu.memory_space<vmem_shared>> -> memref<40x128xf32, #tpu.memory_space<vmem_shared>>
        %dma_start3A_248 = arith.constant 0 : i32
        %dma_start3A_249 = tpu.memref_slice %arg24[%multiple_of3A_245, %dma_start3A_248] : memref<5040x128xf32, #tpu.memory_space<vmem_shared>> -> memref<40x128xf32, #tpu.memory_space<vmem_shared>>
        tpu.enqueue_dma source(%arg23 : memref<40x128xf32, #tpu.memory_space<vmem>>) target(%dma_start3A_249 : memref<40x128xf32, #tpu.memory_space<vmem_shared>>) target_semaphore(%run_scoped3A : memref<!tpu.dma_semaphore, #tpu.memory_space<semaphore_mem>>)
        %dma_wait3A_250 = arith.constant 0 : i32
        %dma_wait3A_251 = tpu.memref_slice %arg24[%multiple_of3A_245, %dma_wait3A_250] : memref<5040x128xf32, #tpu.memory_space<vmem_shared>> -> memref<40x128xf32, #tpu.memory_space<vmem_shared>>
        %dma_wait3A_252 = arith.constant 0 : i32
        %dma_wait3A_253 = tpu.memref_slice %arg24[%multiple_of3A_245, %dma_wait3A_252] : memref<5040x128xf32, #tpu.memory_space<vmem_shared>> -> memref<40x128xf32, #tpu.memory_space<vmem_shared>>
        tpu.wait_dma2 semaphore(%run_scoped3A : memref<!tpu.dma_semaphore, #tpu.memory_space<semaphore_mem>>) src(%arg23 : memref<40x128xf32, #tpu.memory_space<vmem>>) dst(%dma_wait3A_253 : memref<40x128xf32, #tpu.memory_space<vmem_shared>>)
        tpu.yield
      }) : () -> ()
    } else {
    }
    %add3A_24 = arith.constant 48 : i32
    %add3A_25 = arith.addi %arg1, %add3A_24 : i32
    %lt3A_26 = arith.constant 126 : i32
    %lt3A_27 = arith.cmpi slt, %add3A_25, %lt3A_26 : i32
    %convert_element_type3A_28 = arith.extui %lt3A_27 : i1 to i32
    %cond3A_29 = arith.constant 0 : i32
    %cond3A_30 = arith.cmpi ne, %convert_element_type3A_28, %cond3A_29 : i32
    scf.if %cond3A_30 {
      %mul3A_243 = arith.constant 40 : i32
      %mul3A_244 = arith.muli %add3A_25, %mul3A_243 : i32
      %multiple_of3A_245 = tpu.assume_multiple %mul3A_244, 8 : i32
      "tpu.region"() ({
        %run_scoped3A = tpu.sem_alloc : memref<!tpu.dma_semaphore, #tpu.memory_space<semaphore_mem>>
        %dma_start3A_246 = arith.constant 0 : i32
        %dma_start3A_247 = tpu.memref_slice %arg24[%multiple_of3A_245, %dma_start3A_246] : memref<5040x128xf32, #tpu.memory_space<vmem_shared>> -> memref<40x128xf32, #tpu.memory_space<vmem_shared>>
        %dma_start3A_248 = arith.constant 0 : i32
        %dma_start3A_249 = tpu.memref_slice %arg24[%multiple_of3A_245, %dma_start3A_248] : memref<5040x128xf32, #tpu.memory_space<vmem_shared>> -> memref<40x128xf32, #tpu.memory_space<vmem_shared>>
        tpu.enqueue_dma source(%arg23 : memref<40x128xf32, #tpu.memory_space<vmem>>) target(%dma_start3A_249 : memref<40x128xf32, #tpu.memory_space<vmem_shared>>) target_semaphore(%run_scoped3A : memref<!tpu.dma_semaphore, #tpu.memory_space<semaphore_mem>>)
        %dma_wait3A_250 = arith.constant 0 : i32
        %dma_wait3A_251 = tpu.memref_slice %arg24[%multiple_of3A_245, %dma_wait3A_250] : memref<5040x128xf32, #tpu.memory_space<vmem_shared>> -> memref<40x128xf32, #tpu.memory_space<vmem_shared>>
        %dma_wait3A_252 = arith.constant 0 : i32
        %dma_wait3A_253 = tpu.memref_slice %arg24[%multiple_of3A_245, %dma_wait3A_252] : memref<5040x128xf32, #tpu.memory_space<vmem_shared>> -> memref<40x128xf32, #tpu.memory_space<vmem_shared>>
        tpu.wait_dma2 semaphore(%run_scoped3A : memref<!tpu.dma_semaphore, #tpu.memory_space<semaphore_mem>>) src(%arg23 : memref<40x128xf32, #tpu.memory_space<vmem>>) dst(%dma_wait3A_253 : memref<40x128xf32, #tpu.memory_space<vmem_shared>>)
        tpu.yield
      }) : () -> ()
    } else {
    }
    %add3A_31 = arith.constant 64 : i32
    %add3A_32 = arith.addi %arg1, %add3A_31 : i32
    %lt3A_33 = arith.constant 126 : i32
    %lt3A_34 = arith.cmpi slt, %add3A_32, %lt3A_33 : i32
    %convert_element_type3A_35 = arith.extui %lt3A_34 : i1 to i32
    %cond3A_36 = arith.constant 0 : i32
    %cond3A_37 = arith.cmpi ne, %convert_element_type3A_35, %cond3A_36 : i32
    scf.if %cond3A_37 {
      %mul3A_243 = arith.constant 40 : i32
      %mul3A_244 = arith.muli %add3A_32, %mul3A_243 : i32
      %multiple_of3A_245 = tpu.assume_multiple %mul3A_244, 8 : i32
      "tpu.region"() ({
        %run_scoped3A = tpu.sem_alloc : memref<!tpu.dma_semaphore, #tpu.memory_space<semaphore_mem>>
        %dma_start3A_246 = arith.constant 0 : i32
        %dma_start3A_247 = tpu.memref_slice %arg24[%multiple_of3A_245, %dma_start3A_246] : memref<5040x128xf32, #tpu.memory_space<vmem_shared>> -> memref<40x128xf32, #tpu.memory_space<vmem_shared>>
        %dma_start3A_248 = arith.constant 0 : i32
        %dma_start3A_249 = tpu.memref_slice %arg24[%multiple_of3A_245, %dma_start3A_248] : memref<5040x128xf32, #tpu.memory_space<vmem_shared>> -> memref<40x128xf32, #tpu.memory_space<vmem_shared>>
        tpu.enqueue_dma source(%arg23 : memref<40x128xf32, #tpu.memory_space<vmem>>) target(%dma_start3A_249 : memref<40x128xf32, #tpu.memory_space<vmem_shared>>) target_semaphore(%run_scoped3A : memref<!tpu.dma_semaphore, #tpu.memory_space<semaphore_mem>>)
        %dma_wait3A_250 = arith.constant 0 : i32
        %dma_wait3A_251 = tpu.memref_slice %arg24[%multiple_of3A_245, %dma_wait3A_250] : memref<5040x128xf32, #tpu.memory_space<vmem_shared>> -> memref<40x128xf32, #tpu.memory_space<vmem_shared>>
        %dma_wait3A_252 = arith.constant 0 : i32
        %dma_wait3A_253 = tpu.memref_slice %arg24[%multiple_of3A_245, %dma_wait3A_252] : memref<5040x128xf32, #tpu.memory_space<vmem_shared>> -> memref<40x128xf32, #tpu.memory_space<vmem_shared>>
        tpu.wait_dma2 semaphore(%run_scoped3A : memref<!tpu.dma_semaphore, #tpu.memory_space<semaphore_mem>>) src(%arg23 : memref<40x128xf32, #tpu.memory_space<vmem>>) dst(%dma_wait3A_253 : memref<40x128xf32, #tpu.memory_space<vmem_shared>>)
        tpu.yield
      }) : () -> ()
    } else {
    }
    %add3A_38 = arith.constant 80 : i32
    %add3A_39 = arith.addi %arg1, %add3A_38 : i32
    %lt3A_40 = arith.constant 126 : i32
    %lt3A_41 = arith.cmpi slt, %add3A_39, %lt3A_40 : i32
    %convert_element_type3A_42 = arith.extui %lt3A_41 : i1 to i32
    %cond3A_43 = arith.constant 0 : i32
    %cond3A_44 = arith.cmpi ne, %convert_element_type3A_42, %cond3A_43 : i32
    scf.if %cond3A_44 {
      %mul3A_243 = arith.constant 40 : i32
      %mul3A_244 = arith.muli %add3A_39, %mul3A_243 : i32
      %multiple_of3A_245 = tpu.assume_multiple %mul3A_244, 8 : i32
      "tpu.region"() ({
        %run_scoped3A = tpu.sem_alloc : memref<!tpu.dma_semaphore, #tpu.memory_space<semaphore_mem>>
        %dma_start3A_246 = arith.constant 0 : i32
        %dma_start3A_247 = tpu.memref_slice %arg24[%multiple_of3A_245, %dma_start3A_246] : memref<5040x128xf32, #tpu.memory_space<vmem_shared>> -> memref<40x128xf32, #tpu.memory_space<vmem_shared>>
        %dma_start3A_248 = arith.constant 0 : i32
        %dma_start3A_249 = tpu.memref_slice %arg24[%multiple_of3A_245, %dma_start3A_248] : memref<5040x128xf32, #tpu.memory_space<vmem_shared>> -> memref<40x128xf32, #tpu.memory_space<vmem_shared>>
        tpu.enqueue_dma source(%arg23 : memref<40x128xf32, #tpu.memory_space<vmem>>) target(%dma_start3A_249 : memref<40x128xf32, #tpu.memory_space<vmem_shared>>) target_semaphore(%run_scoped3A : memref<!tpu.dma_semaphore, #tpu.memory_space<semaphore_mem>>)
        %dma_wait3A_250 = arith.constant 0 : i32
        %dma_wait3A_251 = tpu.memref_slice %arg24[%multiple_of3A_245, %dma_wait3A_250] : memref<5040x128xf32, #tpu.memory_space<vmem_shared>> -> memref<40x128xf32, #tpu.memory_space<vmem_shared>>
        %dma_wait3A_252 = arith.constant 0 : i32
        %dma_wait3A_253 = tpu.memref_slice %arg24[%multiple_of3A_245, %dma_wait3A_252] : memref<5040x128xf32, #tpu.memory_space<vmem_shared>> -> memref<40x128xf32, #tpu.memory_space<vmem_shared>>
        tpu.wait_dma2 semaphore(%run_scoped3A : memref<!tpu.dma_semaphore, #tpu.memory_space<semaphore_mem>>) src(%arg23 : memref<40x128xf32, #tpu.memory_space<vmem>>) dst(%dma_wait3A_253 : memref<40x128xf32, #tpu.memory_space<vmem_shared>>)
        tpu.yield
      }) : () -> ()
    } else {
    }
    %add3A_45 = arith.constant 96 : i32
    %add3A_46 = arith.addi %arg1, %add3A_45 : i32
    %lt3A_47 = arith.constant 126 : i32
    %lt3A_48 = arith.cmpi slt, %add3A_46, %lt3A_47 : i32
    %convert_element_type3A_49 = arith.extui %lt3A_48 : i1 to i32
    %cond3A_50 = arith.constant 0 : i32
    %cond3A_51 = arith.cmpi ne, %convert_element_type3A_49, %cond3A_50 : i32
    scf.if %cond3A_51 {
      %mul3A_243 = arith.constant 40 : i32
      %mul3A_244 = arith.muli %add3A_46, %mul3A_243 : i32
      %multiple_of3A_245 = tpu.assume_multiple %mul3A_244, 8 : i32
      "tpu.region"() ({
        %run_scoped3A = tpu.sem_alloc : memref<!tpu.dma_semaphore, #tpu.memory_space<semaphore_mem>>
        %dma_start3A_246 = arith.constant 0 : i32
        %dma_start3A_247 = tpu.memref_slice %arg24[%multiple_of3A_245, %dma_start3A_246] : memref<5040x128xf32, #tpu.memory_space<vmem_shared>> -> memref<40x128xf32, #tpu.memory_space<vmem_shared>>
        %dma_start3A_248 = arith.constant 0 : i32
        %dma_start3A_249 = tpu.memref_slice %arg24[%multiple_of3A_245, %dma_start3A_248] : memref<5040x128xf32, #tpu.memory_space<vmem_shared>> -> memref<40x128xf32, #tpu.memory_space<vmem_shared>>
        tpu.enqueue_dma source(%arg23 : memref<40x128xf32, #tpu.memory_space<vmem>>) target(%dma_start3A_249 : memref<40x128xf32, #tpu.memory_space<vmem_shared>>) target_semaphore(%run_scoped3A : memref<!tpu.dma_semaphore, #tpu.memory_space<semaphore_mem>>)
        %dma_wait3A_250 = arith.constant 0 : i32
        %dma_wait3A_251 = tpu.memref_slice %arg24[%multiple_of3A_245, %dma_wait3A_250] : memref<5040x128xf32, #tpu.memory_space<vmem_shared>> -> memref<40x128xf32, #tpu.memory_space<vmem_shared>>
        %dma_wait3A_252 = arith.constant 0 : i32
        %dma_wait3A_253 = tpu.memref_slice %arg24[%multiple_of3A_245, %dma_wait3A_252] : memref<5040x128xf32, #tpu.memory_space<vmem_shared>> -> memref<40x128xf32, #tpu.memory_space<vmem_shared>>
        tpu.wait_dma2 semaphore(%run_scoped3A : memref<!tpu.dma_semaphore, #tpu.memory_space<semaphore_mem>>) src(%arg23 : memref<40x128xf32, #tpu.memory_space<vmem>>) dst(%dma_wait3A_253 : memref<40x128xf32, #tpu.memory_space<vmem_shared>>)
        tpu.yield
      }) : () -> ()
    } else {
    }
    %add3A_52 = arith.constant 112 : i32
    %add3A_53 = arith.addi %arg1, %add3A_52 : i32
    %lt3A_54 = arith.constant 126 : i32
    %lt3A_55 = arith.cmpi slt, %add3A_53, %lt3A_54 : i32
    %convert_element_type3A_56 = arith.extui %lt3A_55 : i1 to i32
    %cond3A_57 = arith.constant 0 : i32
    %cond3A_58 = arith.cmpi ne, %convert_element_type3A_56, %cond3A_57 : i32
    scf.if %cond3A_58 {
      %mul3A_243 = arith.constant 40 : i32
      %mul3A_244 = arith.muli %add3A_53, %mul3A_243 : i32
      %multiple_of3A_245 = tpu.assume_multiple %mul3A_244, 8 : i32
      "tpu.region"() ({
        %run_scoped3A = tpu.sem_alloc : memref<!tpu.dma_semaphore, #tpu.memory_space<semaphore_mem>>
        %dma_start3A_246 = arith.constant 0 : i32
        %dma_start3A_247 = tpu.memref_slice %arg24[%multiple_of3A_245, %dma_start3A_246] : memref<5040x128xf32, #tpu.memory_space<vmem_shared>> -> memref<40x128xf32, #tpu.memory_space<vmem_shared>>
        %dma_start3A_248 = arith.constant 0 : i32
        %dma_start3A_249 = tpu.memref_slice %arg24[%multiple_of3A_245, %dma_start3A_248] : memref<5040x128xf32, #tpu.memory_space<vmem_shared>> -> memref<40x128xf32, #tpu.memory_space<vmem_shared>>
        tpu.enqueue_dma source(%arg23 : memref<40x128xf32, #tpu.memory_space<vmem>>) target(%dma_start3A_249 : memref<40x128xf32, #tpu.memory_space<vmem_shared>>) target_semaphore(%run_scoped3A : memref<!tpu.dma_semaphore, #tpu.memory_space<semaphore_mem>>)
        %dma_wait3A_250 = arith.constant 0 : i32
        %dma_wait3A_251 = tpu.memref_slice %arg24[%multiple_of3A_245, %dma_wait3A_250] : memref<5040x128xf32, #tpu.memory_space<vmem_shared>> -> memref<40x128xf32, #tpu.memory_space<vmem_shared>>
        %dma_wait3A_252 = arith.constant 0 : i32
        %dma_wait3A_253 = tpu.memref_slice %arg24[%multiple_of3A_245, %dma_wait3A_252] : memref<5040x128xf32, #tpu.memory_space<vmem_shared>> -> memref<40x128xf32, #tpu.memory_space<vmem_shared>>
        tpu.wait_dma2 semaphore(%run_scoped3A : memref<!tpu.dma_semaphore, #tpu.memory_space<semaphore_mem>>) src(%arg23 : memref<40x128xf32, #tpu.memory_space<vmem>>) dst(%dma_wait3A_253 : memref<40x128xf32, #tpu.memory_space<vmem_shared>>)
        tpu.yield
      }) : () -> ()
    } else {
    }
    %barrier3A = arith.constant 0 : index
    tpu.barrier barrier_id(%barrier3A)
    %mul3A = arith.constant 20000 : i32
    %mul3A_59 = arith.muli %arg1, %mul3A : i32
    %mul3A_60 = arith.constant 5000 : i32
    %mul3A_61 = arith.muli %arg0, %mul3A_60 : i32
    "tpu.region"() ({
      %run_scoped3A = tpu.sem_alloc : memref<!tpu.dma_semaphore, #tpu.memory_space<semaphore_mem>>
      %dma_start3A_243 = tpu.memref_slice %arg5[%mul3A_59] : memref<320000xi32, #tpu.memory_space<hbm>> -> memref<20000xi32, #tpu.memory_space<hbm>>
      %dma_start3A_244 = tpu.memref_slice %arg5[%mul3A_59] : memref<320000xi32, #tpu.memory_space<hbm>> -> memref<20000xi32, #tpu.memory_space<hbm>>
      tpu.enqueue_dma source(%dma_start3A_244 : memref<20000xi32, #tpu.memory_space<hbm>>) target(%arg8 : memref<20000xi32, #tpu.memory_space<vmem>>) target_semaphore(%run_scoped3A : memref<!tpu.dma_semaphore, #tpu.memory_space<semaphore_mem>>)
      %dma_wait3A_245 = tpu.memref_slice %arg5[%mul3A_59] : memref<320000xi32, #tpu.memory_space<hbm>> -> memref<20000xi32, #tpu.memory_space<hbm>>
      %dma_wait3A_246 = tpu.memref_slice %arg5[%mul3A_59] : memref<320000xi32, #tpu.memory_space<hbm>> -> memref<20000xi32, #tpu.memory_space<hbm>>
      tpu.wait_dma2 semaphore(%run_scoped3A : memref<!tpu.dma_semaphore, #tpu.memory_space<semaphore_mem>>) src(%dma_wait3A_246 : memref<20000xi32, #tpu.memory_space<hbm>>) dst(%arg8 : memref<20000xi32, #tpu.memory_space<vmem>>)
      tpu.yield
    }) : () -> ()
    "tpu.region"() ({
      %run_scoped3A = tpu.sem_alloc : memref<!tpu.dma_semaphore, #tpu.memory_space<semaphore_mem>>
      %dma_start3A_243 = tpu.memref_slice %arg6[%mul3A_59] : memref<320000xi32, #tpu.memory_space<hbm>> -> memref<20000xi32, #tpu.memory_space<hbm>>
      %dma_start3A_244 = tpu.memref_slice %arg6[%mul3A_59] : memref<320000xi32, #tpu.memory_space<hbm>> -> memref<20000xi32, #tpu.memory_space<hbm>>
      tpu.enqueue_dma source(%dma_start3A_244 : memref<20000xi32, #tpu.memory_space<hbm>>) target(%arg9 : memref<20000xi32, #tpu.memory_space<vmem>>) target_semaphore(%run_scoped3A : memref<!tpu.dma_semaphore, #tpu.memory_space<semaphore_mem>>)
      %dma_wait3A_245 = tpu.memref_slice %arg6[%mul3A_59] : memref<320000xi32, #tpu.memory_space<hbm>> -> memref<20000xi32, #tpu.memory_space<hbm>>
      %dma_wait3A_246 = tpu.memref_slice %arg6[%mul3A_59] : memref<320000xi32, #tpu.memory_space<hbm>> -> memref<20000xi32, #tpu.memory_space<hbm>>
      tpu.wait_dma2 semaphore(%run_scoped3A : memref<!tpu.dma_semaphore, #tpu.memory_space<semaphore_mem>>) src(%dma_wait3A_246 : memref<20000xi32, #tpu.memory_space<hbm>>) dst(%arg9 : memref<20000xi32, #tpu.memory_space<vmem>>)
      tpu.yield
    }) : () -> ()
    %and3A = arith.constant 0 : i32
    %and3A_62 = arith.constant 3 : i32
    %and3A_63 = arith.andi %and3A, %and3A_62 : i32
    %get3A = arith.constant 0 : index
    %get3A_64 = tpu.vector_load %arg8[%get3A] {strides = array<i32>} : memref<20000xi32, #tpu.memory_space<vmem>>, vector<16xi32>,
    %get3A_65 = vector.shape_cast %get3A_64 : vector<16xi32> to vector<16xi32>
    %swap3A = arith.constant 0 : index
    %swap3A_66 = tpu.vector_load %arg10[%swap3A] {strides = array<i32>} : memref<32xi32, #tpu.memory_space<vmem>>, vector<16xi32>,
    %swap3A_67 = vector.shape_cast %swap3A_66 : vector<16xi32> to vector<16xi32>
    %swap3A_68 = vector.shape_cast %get3A_65 : vector<16xi32> to vector<16xi32>
    tpu.vector_store %arg10[%swap3A], %swap3A_68 {strides = array<i32>} : memref<32xi32, #tpu.memory_space<vmem>>, vector<16xi32>,
    %get3A_69 = arith.constant 0 : index
    %get3A_70 = tpu.vector_load %arg9[%get3A_69] {strides = array<i32>} : memref<20000xi32, #tpu.memory_space<vmem>>, vector<16xi32>,
    %get3A_71 = vector.shape_cast %get3A_70 : vector<16xi32> to vector<16xi32>
    %swap3A_72 = arith.constant 0 : index
    %swap3A_73 = tpu.vector_load %arg12[%swap3A_72] {strides = array<i32>} : memref<32xi32, #tpu.memory_space<vmem>>, vector<16xi32>,
    %swap3A_74 = vector.shape_cast %swap3A_73 : vector<16xi32> to vector<16xi32>
    %swap3A_75 = vector.shape_cast %get3A_71 : vector<16xi32> to vector<16xi32>
    tpu.vector_store %arg12[%swap3A_72], %swap3A_75 {strides = array<i32>} : memref<32xi32, #tpu.memory_space<vmem>>, vector<16xi32>,
    %sub3A = vector.broadcast %mul3A_61 : i32 to vector<16xi32>
    %sub3A_76 = arith.subi %get3A_65, %sub3A : vector<16xi32>
    %ge3A = arith.constant 0 : i32
    %ge3A_77 = vector.broadcast %ge3A : i32 to vector<16xi32>
    %ge3A_78 = arith.cmpi sge, %sub3A_76, %ge3A_77 : vector<16xi32>
    %lt3A_79 = arith.constant 5000 : i32
    %lt3A_80 = vector.broadcast %lt3A_79 : i32 to vector<16xi32>
    %lt3A_81 = arith.cmpi slt, %sub3A_76, %lt3A_80 : vector<16xi32>
    %and3A_82 = arith.andi %ge3A_78, %lt3A_81 : vector<16xi1>
    %jit3A = arith.constant 5000 : i32
    %broadcast_in_dim3A_83 = vector.broadcast %jit3A : i32 to vector<16xi32>
    %select_n3A = arith.select %and3A_82, %sub3A_76, %broadcast_in_dim3A_83 : vector<16xi1>, vector<16xi32>
    %swap3A_84 = arith.index_cast %and3A_63 : i32 to index
    %swap3A_85 = arith.constant 0 : index
    %swap3A_86 = tpu.vector_load %arg14[%swap3A_84, %swap3A_85] {strides = array<i32>} : memref<4x32xi32, #tpu.memory_space<vmem>>, vector<1x16xi32>,
    %swap3A_87 = vector.shape_cast %swap3A_86 : vector<1x16xi32> to vector<16xi32>
    %swap3A_88 = vector.shape_cast %select_n3A : vector<16xi32> to vector<1x16xi32>
    tpu.vector_store %arg14[%swap3A_84, %swap3A_85], %swap3A_88 {strides = array<i32>} : memref<4x32xi32, #tpu.memory_space<vmem>>, vector<1x16xi32>,
    %get3A_89 = arith.constant 16 : index
    %get3A_90 = tpu.vector_load %arg8[%get3A_89] {strides = array<i32>} : memref<20000xi32, #tpu.memory_space<vmem>>, vector<16xi32>,
    %get3A_91 = vector.shape_cast %get3A_90 : vector<16xi32> to vector<16xi32>
    %swap3A_92 = arith.constant 16 : index
    %swap3A_93 = tpu.vector_load %arg10[%swap3A_92] {strides = array<i32>} : memref<32xi32, #tpu.memory_space<vmem>>, vector<16xi32>,
    %swap3A_94 = vector.shape_cast %swap3A_93 : vector<16xi32> to vector<16xi32>
    %swap3A_95 = vector.shape_cast %get3A_91 : vector<16xi32> to vector<16xi32>
    tpu.vector_store %arg10[%swap3A_92], %swap3A_95 {strides = array<i32>} : memref<32xi32, #tpu.memory_space<vmem>>, vector<16xi32>,
    %get3A_96 = arith.constant 16 : index
    %get3A_97 = tpu.vector_load %arg9[%get3A_96] {strides = array<i32>} : memref<20000xi32, #tpu.memory_space<vmem>>, vector<16xi32>,
    %get3A_98 = vector.shape_cast %get3A_97 : vector<16xi32> to vector<16xi32>
    %swap3A_99 = arith.constant 16 : index
    %swap3A_100 = tpu.vector_load %arg12[%swap3A_99] {strides = array<i32>} : memref<32xi32, #tpu.memory_space<vmem>>, vector<16xi32>,
    %swap3A_101 = vector.shape_cast %swap3A_100 : vector<16xi32> to vector<16xi32>
    %swap3A_102 = vector.shape_cast %get3A_98 : vector<16xi32> to vector<16xi32>
    tpu.vector_store %arg12[%swap3A_99], %swap3A_102 {strides = array<i32>} : memref<32xi32, #tpu.memory_space<vmem>>, vector<16xi32>,
    %sub3A_103 = vector.broadcast %mul3A_61 : i32 to vector<16xi32>
    %sub3A_104 = arith.subi %get3A_91, %sub3A_103 : vector<16xi32>
    %ge3A_105 = arith.constant 0 : i32
    %ge3A_106 = vector.broadcast %ge3A_105 : i32 to vector<16xi32>
    %ge3A_107 = arith.cmpi sge, %sub3A_104, %ge3A_106 : vector<16xi32>
    %lt3A_108 = arith.constant 5000 : i32
    %lt3A_109 = vector.broadcast %lt3A_108 : i32 to vector<16xi32>
    %lt3A_110 = arith.cmpi slt, %sub3A_104, %lt3A_109 : vector<16xi32>
    %and3A_111 = arith.andi %ge3A_107, %lt3A_110 : vector<16xi1>
    %jit3A_112 = arith.constant 5000 : i32
    %broadcast_in_dim3A_113 = vector.broadcast %jit3A_112 : i32 to vector<16xi32>
    %select_n3A_114 = arith.select %and3A_111, %sub3A_104, %broadcast_in_dim3A_113 : vector<16xi1>, vector<16xi32>
    %swap3A_115 = arith.index_cast %and3A_63 : i32 to index
    %swap3A_116 = arith.constant 16 : index
    %swap3A_117 = tpu.vector_load %arg14[%swap3A_115, %swap3A_116] {strides = array<i32>} : memref<4x32xi32, #tpu.memory_space<vmem>>, vector<1x16xi32>,
    %swap3A_118 = vector.shape_cast %swap3A_117 : vector<1x16xi32> to vector<16xi32>
    %swap3A_119 = vector.shape_cast %select_n3A_114 : vector<16xi32> to vector<1x16xi32>
    tpu.vector_store %arg14[%swap3A_115, %swap3A_116], %swap3A_119 {strides = array<i32>} : memref<4x32xi32, #tpu.memory_space<vmem>>, vector<1x16xi32>,
    %dma_start3A = arith.constant 0 : i32
    %dma_start3A_120 = arith.constant 0 : i32
    %dma_start3A_121 = tpu.memref_slice %arg2[%dma_start3A, %dma_start3A_120] : memref<10000x128xf32, #tpu.memory_space<hbm>> -> memref<10000x128xf32, #tpu.memory_space<hbm>>
    tpu.enqueue_indirect_dma source(%dma_start3A_121 : memref<10000x128xf32, #tpu.memory_space<hbm>>) target(%arg15 : memref<32x128xf32, #tpu.memory_space<vmem>>) offsets(%arg10 : memref<32xi32, #tpu.memory_space<vmem>>) semaphore(%arg25 : memref<!tpu.dma_semaphore, #tpu.memory_space<semaphore_mem>>)
    %dma_start3A_122 = arith.constant 0 : i32
    %dma_start3A_123 = arith.constant 0 : i32
    %dma_start3A_124 = tpu.memref_slice %arg3[%dma_start3A_122, %dma_start3A_123] : memref<10000x128xf32, #tpu.memory_space<hbm>> -> memref<10000x128xf32, #tpu.memory_space<hbm>>
    tpu.enqueue_indirect_dma source(%dma_start3A_124 : memref<10000x128xf32, #tpu.memory_space<hbm>>) target(%arg17 : memref<32x128xf32, #tpu.memory_space<vmem>>) offsets(%arg12 : memref<32xi32, #tpu.memory_space<vmem>>) semaphore(%arg25 : memref<!tpu.dma_semaphore, #tpu.memory_space<semaphore_mem>>)
    %add3A_125 = arith.constant 0 : i32
    %add3A_126 = arith.addi %mul3A_59, %add3A_125 : i32
    %multiple_of3A = tpu.assume_multiple %add3A_126, 8 : i32
    %dma_start3A_127 = arith.constant 0 : i32
    %dma_start3A_128 = tpu.memref_slice %arg4[%multiple_of3A, %dma_start3A_127] : memref<320000x128xf32, #tpu.memory_space<hbm>> -> memref<32x128xf32, #tpu.memory_space<hbm>>
    %dma_start3A_129 = arith.constant 0 : i32
    %dma_start3A_130 = tpu.memref_slice %arg4[%multiple_of3A, %dma_start3A_129] : memref<320000x128xf32, #tpu.memory_space<hbm>> -> memref<32x128xf32, #tpu.memory_space<hbm>>
    tpu.enqueue_dma source(%dma_start3A_130 : memref<32x128xf32, #tpu.memory_space<hbm>>) target(%arg19 : memref<32x128xf32, #tpu.memory_space<vmem>>) target_semaphore(%arg25 : memref<!tpu.dma_semaphore, #tpu.memory_space<semaphore_mem>>)
    %scan3A_131 = arith.constant 0 : i32
    %scan3A_132 = arith.constant 0 : i32
    %scan3A_133 = arith.constant 312 : i32
    %scan3A_134 = arith.addi %scan3A_132, %scan3A_133 : i32
    %scan3A_135 = arith.constant 1 : i32
    %scan3A_136 = scf.for %scan3A_243 = %scan3A_132 to %scan3A_134 step %scan3A_135 iter_args(%scan3A_244 = %scan3A_131) -> (i32)  : i32 {
      %mul3A_245 = arith.constant 2 : i32
      %mul3A_246 = arith.muli %scan3A_243, %mul3A_245 : i32
      %add3A_247 = arith.constant 0 : i32
      %add3A_248 = arith.addi %mul3A_246, %add3A_247 : i32
      %add3A_249 = arith.constant 1 : i32
      %add3A_250 = arith.addi %add3A_248, %add3A_249 : i32
      %lt3A_251 = arith.constant 625 : i32
      %lt3A_252 = arith.cmpi slt, %add3A_250, %lt3A_251 : i32
      %convert_element_type3A_253 = arith.extui %lt3A_252 : i1 to i32
      %cond3A_254 = arith.constant 0 : i32
      %cond3A_255 = arith.cmpi ne, %convert_element_type3A_253, %cond3A_254 : i32
      scf.if %cond3A_255 {
        %add3A_332 = arith.constant 1 : i32
        %add3A_333 = arith.addi %add3A_248, %add3A_332 : i32
        %mul3A_334 = arith.constant 32 : i32
        %mul3A_335 = arith.muli %add3A_333, %mul3A_334 : i32
        %and3A_336 = arith.constant 3 : i32
        %and3A_337 = arith.andi %add3A_333, %and3A_336 : i32
        %add3A_338 = arith.constant 0 : i32
        %add3A_339 = arith.addi %mul3A_335, %add3A_338 : i32
        %get3A_340 = arith.index_cast %add3A_339 : i32 to index
        %get3A_341 = tpu.vector_load %arg8[%get3A_340] {strides = array<i32>} : memref<20000xi32, #tpu.memory_space<vmem>>, vector<16xi32>,
        %get3A_342 = vector.shape_cast %get3A_341 : vector<16xi32> to vector<16xi32>
        %swap3A_343 = arith.constant 0 : index
        %swap3A_344 = tpu.vector_load %arg11[%swap3A_343] {strides = array<i32>} : memref<32xi32, #tpu.memory_space<vmem>>, vector<16xi32>,
        %swap3A_345 = vector.shape_cast %swap3A_344 : vector<16xi32> to vector<16xi32>
        %swap3A_346 = vector.shape_cast %get3A_342 : vector<16xi32> to vector<16xi32>
        tpu.vector_store %arg11[%swap3A_343], %swap3A_346 {strides = array<i32>} : memref<32xi32, #tpu.memory_space<vmem>>, vector<16xi32>,
        %get3A_347 = arith.index_cast %add3A_339 : i32 to index
        %get3A_348 = tpu.vector_load %arg9[%get3A_347] {strides = array<i32>} : memref<20000xi32, #tpu.memory_space<vmem>>, vector<16xi32>,
        %get3A_349 = vector.shape_cast %get3A_348 : vector<16xi32> to vector<16xi32>
        %swap3A_350 = arith.constant 0 : index
        %swap3A_351 = tpu.vector_load %arg13[%swap3A_350] {strides = array<i32>} : memref<32xi32, #tpu.memory_space<vmem>>, vector<16xi32>,
        %swap3A_352 = vector.shape_cast %swap3A_351 : vector<16xi32> to vector<16xi32>
        %swap3A_353 = vector.shape_cast %get3A_349 : vector<16xi32> to vector<16xi32>
        tpu.vector_store %arg13[%swap3A_350], %swap3A_353 {strides = array<i32>} : memref<32xi32, #tpu.memory_space<vmem>>, vector<16xi32>,
        %sub3A_354 = vector.broadcast %mul3A_61 : i32 to vector<16xi32>
        %sub3A_355 = arith.subi %get3A_342, %sub3A_354 : vector<16xi32>
        %ge3A_356 = arith.constant 0 : i32
        %ge3A_357 = vector.broadcast %ge3A_356 : i32 to vector<16xi32>
        %ge3A_358 = arith.cmpi sge, %sub3A_355, %ge3A_357 : vector<16xi32>
        %lt3A_359 = arith.constant 5000 : i32
        %lt3A_360 = vector.broadcast %lt3A_359 : i32 to vector<16xi32>
        %lt3A_361 = arith.cmpi slt, %sub3A_355, %lt3A_360 : vector<16xi32>
        %and3A_362 = arith.andi %ge3A_358, %lt3A_361 : vector<16xi1>
        %jit3A_363 = arith.constant 5000 : i32
        %broadcast_in_dim3A_364 = vector.broadcast %jit3A_363 : i32 to vector<16xi32>
        %select_n3A_365 = arith.select %and3A_362, %sub3A_355, %broadcast_in_dim3A_364 : vector<16xi1>, vector<16xi32>
        %swap3A_366 = arith.index_cast %and3A_337 : i32 to index
        %swap3A_367 = arith.constant 0 : index
        %swap3A_368 = tpu.vector_load %arg14[%swap3A_366, %swap3A_367] {strides = array<i32>} : memref<4x32xi32, #tpu.memory_space<vmem>>, vector<1x16xi32>,
        %swap3A_369 = vector.shape_cast %swap3A_368 : vector<1x16xi32> to vector<16xi32>
        %swap3A_370 = vector.shape_cast %select_n3A_365 : vector<16xi32> to vector<1x16xi32>
        tpu.vector_store %arg14[%swap3A_366, %swap3A_367], %swap3A_370 {strides = array<i32>} : memref<4x32xi32, #tpu.memory_space<vmem>>, vector<1x16xi32>,
        %add3A_371 = arith.constant 16 : i32
        %add3A_372 = arith.addi %mul3A_335, %add3A_371 : i32
        %get3A_373 = arith.index_cast %add3A_372 : i32 to index
        %get3A_374 = tpu.vector_load %arg8[%get3A_373] {strides = array<i32>} : memref<20000xi32, #tpu.memory_space<vmem>>, vector<16xi32>,
        %get3A_375 = vector.shape_cast %get3A_374 : vector<16xi32> to vector<16xi32>
        %swap3A_376 = arith.constant 16 : index
        %swap3A_377 = tpu.vector_load %arg11[%swap3A_376] {strides = array<i32>} : memref<32xi32, #tpu.memory_space<vmem>>, vector<16xi32>,
        %swap3A_378 = vector.shape_cast %swap3A_377 : vector<16xi32> to vector<16xi32>
        %swap3A_379 = vector.shape_cast %get3A_375 : vector<16xi32> to vector<16xi32>
        tpu.vector_store %arg11[%swap3A_376], %swap3A_379 {strides = array<i32>} : memref<32xi32, #tpu.memory_space<vmem>>, vector<16xi32>,
        %get3A_380 = arith.index_cast %add3A_372 : i32 to index
        %get3A_381 = tpu.vector_load %arg9[%get3A_380] {strides = array<i32>} : memref<20000xi32, #tpu.memory_space<vmem>>, vector<16xi32>,
        %get3A_382 = vector.shape_cast %get3A_381 : vector<16xi32> to vector<16xi32>
        %swap3A_383 = arith.constant 16 : index
        %swap3A_384 = tpu.vector_load %arg13[%swap3A_383] {strides = array<i32>} : memref<32xi32, #tpu.memory_space<vmem>>, vector<16xi32>,
        %swap3A_385 = vector.shape_cast %swap3A_384 : vector<16xi32> to vector<16xi32>
        %swap3A_386 = vector.shape_cast %get3A_382 : vector<16xi32> to vector<16xi32>
        tpu.vector_store %arg13[%swap3A_383], %swap3A_386 {strides = array<i32>} : memref<32xi32, #tpu.memory_space<vmem>>, vector<16xi32>,
        %sub3A_387 = vector.broadcast %mul3A_61 : i32 to vector<16xi32>
        %sub3A_388 = arith.subi %get3A_375, %sub3A_387 : vector<16xi32>
        %ge3A_389 = arith.constant 0 : i32
        %ge3A_390 = vector.broadcast %ge3A_389 : i32 to vector<16xi32>
        %ge3A_391 = arith.cmpi sge, %sub3A_388, %ge3A_390 : vector<16xi32>
        %lt3A_392 = arith.constant 5000 : i32
        %lt3A_393 = vector.broadcast %lt3A_392 : i32 to vector<16xi32>
        %lt3A_394 = arith.cmpi slt, %sub3A_388, %lt3A_393 : vector<16xi32>
        %and3A_395 = arith.andi %ge3A_391, %lt3A_394 : vector<16xi1>
        %jit3A_396 = arith.constant 5000 : i32
        %broadcast_in_dim3A_397 = vector.broadcast %jit3A_396 : i32 to vector<16xi32>
        %select_n3A_398 = arith.select %and3A_395, %sub3A_388, %broadcast_in_dim3A_397 : vector<16xi1>, vector<16xi32>
        %swap3A_399 = arith.index_cast %and3A_337 : i32 to index
        %swap3A_400 = arith.constant 16 : index
        %swap3A_401 = tpu.vector_load %arg14[%swap3A_399, %swap3A_400] {strides = array<i32>} : memref<4x32xi32, #tpu.memory_space<vmem>>, vector<1x16xi32>,
        %swap3A_402 = vector.shape_cast %swap3A_401 : vector<1x16xi32> to vector<16xi32>
        %swap3A_403 = vector.shape_cast %select_n3A_398 : vector<16xi32> to vector<1x16xi32>
        tpu.vector_store %arg14[%swap3A_399, %swap3A_400], %swap3A_403 {strides = array<i32>} : memref<4x32xi32, #tpu.memory_space<vmem>>, vector<1x16xi32>,
        %dma_start3A_404 = arith.constant 0 : i32
        %dma_start3A_405 = arith.constant 0 : i32
        %dma_start3A_406 = tpu.memref_slice %arg2[%dma_start3A_404, %dma_start3A_405] : memref<10000x128xf32, #tpu.memory_space<hbm>> -> memref<10000x128xf32, #tpu.memory_space<hbm>>
        tpu.enqueue_indirect_dma source(%dma_start3A_406 : memref<10000x128xf32, #tpu.memory_space<hbm>>) target(%arg16 : memref<32x128xf32, #tpu.memory_space<vmem>>) offsets(%arg11 : memref<32xi32, #tpu.memory_space<vmem>>) semaphore(%arg26 : memref<!tpu.dma_semaphore, #tpu.memory_space<semaphore_mem>>)
        %dma_start3A_407 = arith.constant 0 : i32
        %dma_start3A_408 = arith.constant 0 : i32
        %dma_start3A_409 = tpu.memref_slice %arg3[%dma_start3A_407, %dma_start3A_408] : memref<10000x128xf32, #tpu.memory_space<hbm>> -> memref<10000x128xf32, #tpu.memory_space<hbm>>
        tpu.enqueue_indirect_dma source(%dma_start3A_409 : memref<10000x128xf32, #tpu.memory_space<hbm>>) target(%arg18 : memref<32x128xf32, #tpu.memory_space<vmem>>) offsets(%arg13 : memref<32xi32, #tpu.memory_space<vmem>>) semaphore(%arg26 : memref<!tpu.dma_semaphore, #tpu.memory_space<semaphore_mem>>)
        %add3A_410 = arith.addi %mul3A_59, %mul3A_335 : i32
        %multiple_of3A_411 = tpu.assume_multiple %add3A_410, 8 : i32
        %dma_start3A_412 = arith.constant 0 : i32
        %dma_start3A_413 = tpu.memref_slice %arg4[%multiple_of3A_411, %dma_start3A_412] : memref<320000x128xf32, #tpu.memory_space<hbm>> -> memref<32x128xf32, #tpu.memory_space<hbm>>
        %dma_start3A_414 = arith.constant 0 : i32
        %dma_start3A_415 = tpu.memref_slice %arg4[%multiple_of3A_411, %dma_start3A_414] : memref<320000x128xf32, #tpu.memory_space<hbm>> -> memref<32x128xf32, #tpu.memory_space<hbm>>
        tpu.enqueue_dma source(%dma_start3A_415 : memref<32x128xf32, #tpu.memory_space<hbm>>) target(%arg20 : memref<32x128xf32, #tpu.memory_space<vmem>>) target_semaphore(%arg26 : memref<!tpu.dma_semaphore, #tpu.memory_space<semaphore_mem>>)
      } else {
      }
      %dma_wait3A_256 = arith.constant 0 : i32
      %dma_wait3A_257 = arith.constant 0 : i32
      %dma_wait3A_258 = tpu.memref_slice %arg2[%dma_wait3A_256, %dma_wait3A_257] : memref<10000x128xf32, #tpu.memory_space<hbm>> -> memref<10000x128xf32, #tpu.memory_space<hbm>>
      tpu.wait_indirect_dma semaphore(%arg25 : memref<!tpu.dma_semaphore, #tpu.memory_space<semaphore_mem>>) src(%dma_wait3A_258 : memref<10000x128xf32, #tpu.memory_space<hbm>>) dst(%arg15 : memref<32x128xf32, #tpu.memory_space<vmem>>)
      %dma_wait3A_259 = arith.constant 0 : i32
      %dma_wait3A_260 = arith.constant 0 : i32
      %dma_wait3A_261 = tpu.memref_slice %arg3[%dma_wait3A_259, %dma_wait3A_260] : memref<10000x128xf32, #tpu.memory_space<hbm>> -> memref<10000x128xf32, #tpu.memory_space<hbm>>
      tpu.wait_indirect_dma semaphore(%arg25 : memref<!tpu.dma_semaphore, #tpu.memory_space<semaphore_mem>>) src(%dma_wait3A_261 : memref<10000x128xf32, #tpu.memory_space<hbm>>) dst(%arg17 : memref<32x128xf32, #tpu.memory_space<vmem>>)
      %dma_wait3A_262 = arith.constant 0 : i32
      %dma_wait3A_263 = arith.constant 0 : i32
      %dma_wait3A_264 = tpu.memref_slice %arg4[%dma_wait3A_262, %dma_wait3A_263] : memref<320000x128xf32, #tpu.memory_space<hbm>> -> memref<32x128xf32, #tpu.memory_space<hbm>>
      %dma_wait3A_265 = arith.constant 0 : i32
      %dma_wait3A_266 = arith.constant 0 : i32
      %dma_wait3A_267 = tpu.memref_slice %arg4[%dma_wait3A_265, %dma_wait3A_266] : memref<320000x128xf32, #tpu.memory_space<hbm>> -> memref<32x128xf32, #tpu.memory_space<hbm>>
      tpu.wait_dma2 semaphore(%arg25 : memref<!tpu.dma_semaphore, #tpu.memory_space<semaphore_mem>>) src(%dma_wait3A_267 : memref<32x128xf32, #tpu.memory_space<hbm>>) dst(%arg19 : memref<32x128xf32, #tpu.memory_space<vmem>>)
      %ge3A_268 = arith.constant 2 : i32
      %ge3A_269 = arith.cmpi sge, %add3A_248, %ge3A_268 : i32
      %convert_element_type3A_270 = arith.extui %ge3A_269 : i1 to i32
      %cond3A_271 = arith.constant 0 : i32
      %cond3A_272 = arith.cmpi ne, %convert_element_type3A_270, %cond3A_271 : i32
      scf.if %cond3A_272 {
        %dma_wait3A_332 = arith.constant 0 : i32
        %dma_wait3A_333 = arith.constant 0 : i32
        %dma_wait3A_334 = tpu.memref_slice %arg14[%dma_wait3A_332, %dma_wait3A_333] : memref<4x32xi32, #tpu.memory_space<vmem>> -> memref<1x32xi32, #tpu.memory_space<vmem>>
        %dma_wait3A_335 = tpu.memref_squeeze %dma_wait3A_334 : memref<1x32xi32, #tpu.memory_space<vmem>> -> memref<32xi32, #tpu.memory_space<vmem>>
        %dma_wait3A_336 = arith.constant 0 : i32
        %dma_wait3A_337 = arith.constant 0 : i32
        %dma_wait3A_338 = tpu.memref_slice %arg24[%dma_wait3A_336, %dma_wait3A_337] : memref<5040x128xf32, #tpu.memory_space<vmem_shared>> -> memref<5040x128xf32, #tpu.memory_space<vmem_shared>>
        tpu.wait_indirect_dma semaphore(%arg27 : memref<!tpu.dma_semaphore, #tpu.memory_space<semaphore_mem>>) src(%arg21 : memref<32x128xf32, #tpu.memory_space<vmem>>) dst(%dma_wait3A_338 : memref<5040x128xf32, #tpu.memory_space<vmem_shared>>)
      } else {
      }
      %scan3A_273 = arith.constant 0 : i32
      %scan3A_274 = arith.constant 0 : i32
      %scan3A_275 = arith.constant 16 : i32
      %scan3A_276 = arith.addi %scan3A_274, %scan3A_275 : i32
      %scan3A_277 = arith.constant 1 : i32
      %scan3A_278 = scf.for %scan3A_332 = %scan3A_274 to %scan3A_276 step %scan3A_277 iter_args(%scan3A_333 = %scan3A_273) -> (i32)  : i32 {
        %mul3A_334 = arith.constant 2 : i32
        %mul3A_335 = arith.muli %scan3A_332, %mul3A_334 : i32
        %add3A_336 = arith.constant 0 : i32
        %add3A_337 = arith.addi %mul3A_335, %add3A_336 : i32
        %get3A_338 = arith.index_cast %add3A_337 : i32 to index
        %get3A_339 = arith.constant 0 : index
        %get3A_340 = tpu.vector_load %arg15[%get3A_338, %get3A_339] {strides = array<i32>} : memref<32x128xf32, #tpu.memory_space<vmem>>, vector<1x16xf32>,
        %get3A_341 = vector.shape_cast %get3A_340 : vector<1x16xf32> to vector<16xf32>
        %get3A_342 = arith.index_cast %add3A_337 : i32 to index
        %get3A_343 = arith.constant 0 : index
        %get3A_344 = tpu.vector_load %arg17[%get3A_342, %get3A_343] {strides = array<i32>} : memref<32x128xf32, #tpu.memory_space<vmem>>, vector<1x16xf32>,
        %get3A_345 = vector.shape_cast %get3A_344 : vector<1x16xf32> to vector<16xf32>
        %add3A_346 = arith.addf %get3A_341, %get3A_345 : vector<16xf32>
        %get3A_347 = arith.index_cast %add3A_337 : i32 to index
        %get3A_348 = arith.constant 0 : index
        %get3A_349 = tpu.vector_load %arg19[%get3A_347, %get3A_348] {strides = array<i32>} : memref<32x128xf32, #tpu.memory_space<vmem>>, vector<1x16xf32>,
        %get3A_350 = vector.shape_cast %get3A_349 : vector<1x16xf32> to vector<16xf32>
        %add3A_351 = arith.addf %add3A_346, %get3A_350 : vector<16xf32>
        %min3A = arith.constant 8.000000e+01 : f32
        %min3A_352 = vector.broadcast %min3A : f32 to vector<16xf32>
        %min3A_353 = arith.minimumf %add3A_351, %min3A_352 : vector<16xf32>
        %exp3A = math.exp %min3A_353 : vector<16xf32>
        %sub3A_354 = arith.constant 1.000000e+00 : f32
        %sub3A_355 = vector.broadcast %sub3A_354 : f32 to vector<16xf32>
        %sub3A_356 = arith.subf %sub3A_355, %exp3A : vector<16xf32>
        %add3A_357 = arith.constant 1.000000e+00 : f32
        %add3A_358 = vector.broadcast %add3A_357 : f32 to vector<16xf32>
        %add3A_359 = arith.addf %add3A_358, %exp3A : vector<16xf32>
        %div3A = arith.divf %sub3A_356, %add3A_359 : vector<16xf32>
        %swap3A_360 = arith.index_cast %add3A_337 : i32 to index
        %swap3A_361 = arith.constant 0 : index
        %swap3A_362 = tpu.vector_load %arg21[%swap3A_360, %swap3A_361] {strides = array<i32>} : memref<32x128xf32, #tpu.memory_space<vmem>>, vector<1x16xf32>,
        %swap3A_363 = vector.shape_cast %swap3A_362 : vector<1x16xf32> to vector<16xf32>
        %swap3A_364 = vector.shape_cast %div3A : vector<16xf32> to vector<1x16xf32>
        tpu.vector_store %arg21[%swap3A_360, %swap3A_361], %swap3A_364 {strides = array<i32>} : memref<32x128xf32, #tpu.memory_space<vmem>>, vector<1x16xf32>,
        %get3A_365 = arith.index_cast %add3A_337 : i32 to index
        %get3A_366 = arith.constant 16 : index
        %get3A_367 = tpu.vector_load %arg15[%get3A_365, %get3A_366] {strides = array<i32>} : memref<32x128xf32, #tpu.memory_space<vmem>>, vector<1x16xf32>,
        %get3A_368 = vector.shape_cast %get3A_367 : vector<1x16xf32> to vector<16xf32>
        %get3A_369 = arith.index_cast %add3A_337 : i32 to index
        %get3A_370 = arith.constant 16 : index
        %get3A_371 = tpu.vector_load %arg17[%get3A_369, %get3A_370] {strides = array<i32>} : memref<32x128xf32, #tpu.memory_space<vmem>>, vector<1x16xf32>,
        %get3A_372 = vector.shape_cast %get3A_371 : vector<1x16xf32> to vector<16xf32>
        %add3A_373 = arith.addf %get3A_368, %get3A_372 : vector<16xf32>
        %get3A_374 = arith.index_cast %add3A_337 : i32 to index
        %get3A_375 = arith.constant 16 : index
        %get3A_376 = tpu.vector_load %arg19[%get3A_374, %get3A_375] {strides = array<i32>} : memref<32x128xf32, #tpu.memory_space<vmem>>, vector<1x16xf32>,
        %get3A_377 = vector.shape_cast %get3A_376 : vector<1x16xf32> to vector<16xf32>
        %add3A_378 = arith.addf %add3A_373, %get3A_377 : vector<16xf32>
        %min3A_379 = arith.constant 8.000000e+01 : f32
        %min3A_380 = vector.broadcast %min3A_379 : f32 to vector<16xf32>
        %min3A_381 = arith.minimumf %add3A_378, %min3A_380 : vector<16xf32>
        %exp3A_382 = math.exp %min3A_381 : vector<16xf32>
        %sub3A_383 = arith.constant 1.000000e+00 : f32
        %sub3A_384 = vector.broadcast %sub3A_383 : f32 to vector<16xf32>
        %sub3A_385 = arith.subf %sub3A_384, %exp3A_382 : vector<16xf32>
        %add3A_386 = arith.constant 1.000000e+00 : f32
        %add3A_387 = vector.broadcast %add3A_386 : f32 to vector<16xf32>
        %add3A_388 = arith.addf %add3A_387, %exp3A_382 : vector<16xf32>
        %div3A_389 = arith.divf %sub3A_385, %add3A_388 : vector<16xf32>
        %swap3A_390 = arith.index_cast %add3A_337 : i32 to index
        %swap3A_391 = arith.constant 16 : index
        %swap3A_392 = tpu.vector_load %arg21[%swap3A_390, %swap3A_391] {strides = array<i32>} : memref<32x128xf32, #tpu.memory_space<vmem>>, vector<1x16xf32>,
        %swap3A_393 = vector.shape_cast %swap3A_392 : vector<1x16xf32> to vector<16xf32>
        %swap3A_394 = vector.shape_cast %div3A_389 : vector<16xf32> to vector<1x16xf32>
        tpu.vector_store %arg21[%swap3A_390, %swap3A_391], %swap3A_394 {strides = array<i32>} : memref<32x128xf32, #tpu.memory_space<vmem>>, vector<1x16xf32>,
        %get3A_395 = arith.index_cast %add3A_337 : i32 to index
        %get3A_396 = arith.constant 32 : index
        %get3A_397 = tpu.vector_load %arg15[%get3A_395, %get3A_396] {strides = array<i32>} : memref<32x128xf32, #tpu.memory_space<vmem>>, vector<1x16xf32>,
        %get3A_398 = vector.shape_cast %get3A_397 : vector<1x16xf32> to vector<16xf32>
        %get3A_399 = arith.index_cast %add3A_337 : i32 to index
        %get3A_400 = arith.constant 32 : index
        %get3A_401 = tpu.vector_load %arg17[%get3A_399, %get3A_400] {strides = array<i32>} : memref<32x128xf32, #tpu.memory_space<vmem>>, vector<1x16xf32>,
        %get3A_402 = vector.shape_cast %get3A_401 : vector<1x16xf32> to vector<16xf32>
        %add3A_403 = arith.addf %get3A_398, %get3A_402 : vector<16xf32>
        %get3A_404 = arith.index_cast %add3A_337 : i32 to index
        %get3A_405 = arith.constant 32 : index
        %get3A_406 = tpu.vector_load %arg19[%get3A_404, %get3A_405] {strides = array<i32>} : memref<32x128xf32, #tpu.memory_space<vmem>>, vector<1x16xf32>,
        %get3A_407 = vector.shape_cast %get3A_406 : vector<1x16xf32> to vector<16xf32>
        %add3A_408 = arith.addf %add3A_403, %get3A_407 : vector<16xf32>
        %min3A_409 = arith.constant 8.000000e+01 : f32
        %min3A_410 = vector.broadcast %min3A_409 : f32 to vector<16xf32>
        %min3A_411 = arith.minimumf %add3A_408, %min3A_410 : vector<16xf32>
        %exp3A_412 = math.exp %min3A_411 : vector<16xf32>
        %sub3A_413 = arith.constant 1.000000e+00 : f32
        %sub3A_414 = vector.broadcast %sub3A_413 : f32 to vector<16xf32>
        %sub3A_415 = arith.subf %sub3A_414, %exp3A_412 : vector<16xf32>
        %add3A_416 = arith.constant 1.000000e+00 : f32
        %add3A_417 = vector.broadcast %add3A_416 : f32 to vector<16xf32>
        %add3A_418 = arith.addf %add3A_417, %exp3A_412 : vector<16xf32>
        %div3A_419 = arith.divf %sub3A_415, %add3A_418 : vector<16xf32>
        %swap3A_420 = arith.index_cast %add3A_337 : i32 to index
        %swap3A_421 = arith.constant 32 : index
        %swap3A_422 = tpu.vector_load %arg21[%swap3A_420, %swap3A_421] {strides = array<i32>} : memref<32x128xf32, #tpu.memory_space<vmem>>, vector<1x16xf32>,
        %swap3A_423 = vector.shape_cast %swap3A_422 : vector<1x16xf32> to vector<16xf32>
        %swap3A_424 = vector.shape_cast %div3A_419 : vector<16xf32> to vector<1x16xf32>
        tpu.vector_store %arg21[%swap3A_420, %swap3A_421], %swap3A_424 {strides = array<i32>} : memref<32x128xf32, #tpu.memory_space<vmem>>, vector<1x16xf32>,
        %get3A_425 = arith.index_cast %add3A_337 : i32 to index
        %get3A_426 = arith.constant 48 : index
        %get3A_427 = tpu.vector_load %arg15[%get3A_425, %get3A_426] {strides = array<i32>} : memref<32x128xf32, #tpu.memory_space<vmem>>, vector<1x16xf32>,
        %get3A_428 = vector.shape_cast %get3A_427 : vector<1x16xf32> to vector<16xf32>
        %get3A_429 = arith.index_cast %add3A_337 : i32 to index
        %get3A_430 = arith.constant 48 : index
        %get3A_431 = tpu.vector_load %arg17[%get3A_429, %get3A_430] {strides = array<i32>} : memref<32x128xf32, #tpu.memory_space<vmem>>, vector<1x16xf32>,
        %get3A_432 = vector.shape_cast %get3A_431 : vector<1x16xf32> to vector<16xf32>
        %add3A_433 = arith.addf %get3A_428, %get3A_432 : vector<16xf32>
        %get3A_434 = arith.index_cast %add3A_337 : i32 to index
        %get3A_435 = arith.constant 48 : index
        %get3A_436 = tpu.vector_load %arg19[%get3A_434, %get3A_435] {strides = array<i32>} : memref<32x128xf32, #tpu.memory_space<vmem>>, vector<1x16xf32>,
        %get3A_437 = vector.shape_cast %get3A_436 : vector<1x16xf32> to vector<16xf32>
        %add3A_438 = arith.addf %add3A_433, %get3A_437 : vector<16xf32>
        %min3A_439 = arith.constant 8.000000e+01 : f32
        %min3A_440 = vector.broadcast %min3A_439 : f32 to vector<16xf32>
        %min3A_441 = arith.minimumf %add3A_438, %min3A_440 : vector<16xf32>
        %exp3A_442 = math.exp %min3A_441 : vector<16xf32>
        %sub3A_443 = arith.constant 1.000000e+00 : f32
        %sub3A_444 = vector.broadcast %sub3A_443 : f32 to vector<16xf32>
        %sub3A_445 = arith.subf %sub3A_444, %exp3A_442 : vector<16xf32>
        %add3A_446 = arith.constant 1.000000e+00 : f32
        %add3A_447 = vector.broadcast %add3A_446 : f32 to vector<16xf32>
        %add3A_448 = arith.addf %add3A_447, %exp3A_442 : vector<16xf32>
        %div3A_449 = arith.divf %sub3A_445, %add3A_448 : vector<16xf32>
        %swap3A_450 = arith.index_cast %add3A_337 : i32 to index
        %swap3A_451 = arith.constant 48 : index
        %swap3A_452 = tpu.vector_load %arg21[%swap3A_450, %swap3A_451] {strides = array<i32>} : memref<32x128xf32, #tpu.memory_space<vmem>>, vector<1x16xf32>,
        %swap3A_453 = vector.shape_cast %swap3A_452 : vector<1x16xf32> to vector<16xf32>
        %swap3A_454 = vector.shape_cast %div3A_449 : vector<16xf32> to vector<1x16xf32>
        tpu.vector_store %arg21[%swap3A_450, %swap3A_451], %swap3A_454 {strides = array<i32>} : memref<32x128xf32, #tpu.memory_space<vmem>>, vector<1x16xf32>,
        %get3A_455 = arith.index_cast %add3A_337 : i32 to index
        %get3A_456 = arith.constant 64 : index
        %get3A_457 = tpu.vector_load %arg15[%get3A_455, %get3A_456] {strides = array<i32>} : memref<32x128xf32, #tpu.memory_space<vmem>>, vector<1x16xf32>,
        %get3A_458 = vector.shape_cast %get3A_457 : vector<1x16xf32> to vector<16xf32>
        %get3A_459 = arith.index_cast %add3A_337 : i32 to index
        %get3A_460 = arith.constant 64 : index
        %get3A_461 = tpu.vector_load %arg17[%get3A_459, %get3A_460] {strides = array<i32>} : memref<32x128xf32, #tpu.memory_space<vmem>>, vector<1x16xf32>,
        %get3A_462 = vector.shape_cast %get3A_461 : vector<1x16xf32> to vector<16xf32>
        %add3A_463 = arith.addf %get3A_458, %get3A_462 : vector<16xf32>
        %get3A_464 = arith.index_cast %add3A_337 : i32 to index
        %get3A_465 = arith.constant 64 : index
        %get3A_466 = tpu.vector_load %arg19[%get3A_464, %get3A_465] {strides = array<i32>} : memref<32x128xf32, #tpu.memory_space<vmem>>, vector<1x16xf32>,
        %get3A_467 = vector.shape_cast %get3A_466 : vector<1x16xf32> to vector<16xf32>
        %add3A_468 = arith.addf %add3A_463, %get3A_467 : vector<16xf32>
        %min3A_469 = arith.constant 8.000000e+01 : f32
        %min3A_470 = vector.broadcast %min3A_469 : f32 to vector<16xf32>
        %min3A_471 = arith.minimumf %add3A_468, %min3A_470 : vector<16xf32>
        %exp3A_472 = math.exp %min3A_471 : vector<16xf32>
        %sub3A_473 = arith.constant 1.000000e+00 : f32
        %sub3A_474 = vector.broadcast %sub3A_473 : f32 to vector<16xf32>
        %sub3A_475 = arith.subf %sub3A_474, %exp3A_472 : vector<16xf32>
        %add3A_476 = arith.constant 1.000000e+00 : f32
        %add3A_477 = vector.broadcast %add3A_476 : f32 to vector<16xf32>
        %add3A_478 = arith.addf %add3A_477, %exp3A_472 : vector<16xf32>
        %div3A_479 = arith.divf %sub3A_475, %add3A_478 : vector<16xf32>
        %swap3A_480 = arith.index_cast %add3A_337 : i32 to index
        %swap3A_481 = arith.constant 64 : index
        %swap3A_482 = tpu.vector_load %arg21[%swap3A_480, %swap3A_481] {strides = array<i32>} : memref<32x128xf32, #tpu.memory_space<vmem>>, vector<1x16xf32>,
        %swap3A_483 = vector.shape_cast %swap3A_482 : vector<1x16xf32> to vector<16xf32>
        %swap3A_484 = vector.shape_cast %div3A_479 : vector<16xf32> to vector<1x16xf32>
        tpu.vector_store %arg21[%swap3A_480, %swap3A_481], %swap3A_484 {strides = array<i32>} : memref<32x128xf32, #tpu.memory_space<vmem>>, vector<1x16xf32>,
        %get3A_485 = arith.index_cast %add3A_337 : i32 to index
        %get3A_486 = arith.constant 80 : index
        %get3A_487 = tpu.vector_load %arg15[%get3A_485, %get3A_486] {strides = array<i32>} : memref<32x128xf32, #tpu.memory_space<vmem>>, vector<1x16xf32>,
        %get3A_488 = vector.shape_cast %get3A_487 : vector<1x16xf32> to vector<16xf32>
        %get3A_489 = arith.index_cast %add3A_337 : i32 to index
        %get3A_490 = arith.constant 80 : index
        %get3A_491 = tpu.vector_load %arg17[%get3A_489, %get3A_490] {strides = array<i32>} : memref<32x128xf32, #tpu.memory_space<vmem>>, vector<1x16xf32>,
        %get3A_492 = vector.shape_cast %get3A_491 : vector<1x16xf32> to vector<16xf32>
        %add3A_493 = arith.addf %get3A_488, %get3A_492 : vector<16xf32>
        %get3A_494 = arith.index_cast %add3A_337 : i32 to index
        %get3A_495 = arith.constant 80 : index
        %get3A_496 = tpu.vector_load %arg19[%get3A_494, %get3A_495] {strides = array<i32>} : memref<32x128xf32, #tpu.memory_space<vmem>>, vector<1x16xf32>,
        %get3A_497 = vector.shape_cast %get3A_496 : vector<1x16xf32> to vector<16xf32>
        %add3A_498 = arith.addf %add3A_493, %get3A_497 : vector<16xf32>
        %min3A_499 = arith.constant 8.000000e+01 : f32
        %min3A_500 = vector.broadcast %min3A_499 : f32 to vector<16xf32>
        %min3A_501 = arith.minimumf %add3A_498, %min3A_500 : vector<16xf32>
        %exp3A_502 = math.exp %min3A_501 : vector<16xf32>
        %sub3A_503 = arith.constant 1.000000e+00 : f32
        %sub3A_504 = vector.broadcast %sub3A_503 : f32 to vector<16xf32>
        %sub3A_505 = arith.subf %sub3A_504, %exp3A_502 : vector<16xf32>
        %add3A_506 = arith.constant 1.000000e+00 : f32
        %add3A_507 = vector.broadcast %add3A_506 : f32 to vector<16xf32>
        %add3A_508 = arith.addf %add3A_507, %exp3A_502 : vector<16xf32>
        %div3A_509 = arith.divf %sub3A_505, %add3A_508 : vector<16xf32>
        %swap3A_510 = arith.index_cast %add3A_337 : i32 to index
        %swap3A_511 = arith.constant 80 : index
        %swap3A_512 = tpu.vector_load %arg21[%swap3A_510, %swap3A_511] {strides = array<i32>} : memref<32x128xf32, #tpu.memory_space<vmem>>, vector<1x16xf32>,
        %swap3A_513 = vector.shape_cast %swap3A_512 : vector<1x16xf32> to vector<16xf32>
        %swap3A_514 = vector.shape_cast %div3A_509 : vector<16xf32> to vector<1x16xf32>
        tpu.vector_store %arg21[%swap3A_510, %swap3A_511], %swap3A_514 {strides = array<i32>} : memref<32x128xf32, #tpu.memory_space<vmem>>, vector<1x16xf32>,
        %get3A_515 = arith.index_cast %add3A_337 : i32 to index
        %get3A_516 = arith.constant 96 : index
        %get3A_517 = tpu.vector_load %arg15[%get3A_515, %get3A_516] {strides = array<i32>} : memref<32x128xf32, #tpu.memory_space<vmem>>, vector<1x16xf32>,
        %get3A_518 = vector.shape_cast %get3A_517 : vector<1x16xf32> to vector<16xf32>
        %get3A_519 = arith.index_cast %add3A_337 : i32 to index
        %get3A_520 = arith.constant 96 : index
        %get3A_521 = tpu.vector_load %arg17[%get3A_519, %get3A_520] {strides = array<i32>} : memref<32x128xf32, #tpu.memory_space<vmem>>, vector<1x16xf32>,
        %get3A_522 = vector.shape_cast %get3A_521 : vector<1x16xf32> to vector<16xf32>
        %add3A_523 = arith.addf %get3A_518, %get3A_522 : vector<16xf32>
        %get3A_524 = arith.index_cast %add3A_337 : i32 to index
        %get3A_525 = arith.constant 96 : index
        %get3A_526 = tpu.vector_load %arg19[%get3A_524, %get3A_525] {strides = array<i32>} : memref<32x128xf32, #tpu.memory_space<vmem>>, vector<1x16xf32>,
        %get3A_527 = vector.shape_cast %get3A_526 : vector<1x16xf32> to vector<16xf32>
        %add3A_528 = arith.addf %add3A_523, %get3A_527 : vector<16xf32>
        %min3A_529 = arith.constant 8.000000e+01 : f32
        %min3A_530 = vector.broadcast %min3A_529 : f32 to vector<16xf32>
        %min3A_531 = arith.minimumf %add3A_528, %min3A_530 : vector<16xf32>
        %exp3A_532 = math.exp %min3A_531 : vector<16xf32>
        %sub3A_533 = arith.constant 1.000000e+00 : f32
        %sub3A_534 = vector.broadcast %sub3A_533 : f32 to vector<16xf32>
        %sub3A_535 = arith.subf %sub3A_534, %exp3A_532 : vector<16xf32>
        %add3A_536 = arith.constant 1.000000e+00 : f32
        %add3A_537 = vector.broadcast %add3A_536 : f32 to vector<16xf32>
        %add3A_538 = arith.addf %add3A_537, %exp3A_532 : vector<16xf32>
        %div3A_539 = arith.divf %sub3A_535, %add3A_538 : vector<16xf32>
        %swap3A_540 = arith.index_cast %add3A_337 : i32 to index
        %swap3A_541 = arith.constant 96 : index
        %swap3A_542 = tpu.vector_load %arg21[%swap3A_540, %swap3A_541] {strides = array<i32>} : memref<32x128xf32, #tpu.memory_space<vmem>>, vector<1x16xf32>,
        %swap3A_543 = vector.shape_cast %swap3A_542 : vector<1x16xf32> to vector<16xf32>
        %swap3A_544 = vector.shape_cast %div3A_539 : vector<16xf32> to vector<1x16xf32>
        tpu.vector_store %arg21[%swap3A_540, %swap3A_541], %swap3A_544 {strides = array<i32>} : memref<32x128xf32, #tpu.memory_space<vmem>>, vector<1x16xf32>,
        %get3A_545 = arith.index_cast %add3A_337 : i32 to index
        %get3A_546 = arith.constant 112 : index
        %get3A_547 = tpu.vector_load %arg15[%get3A_545, %get3A_546] {strides = array<i32>} : memref<32x128xf32, #tpu.memory_space<vmem>>, vector<1x16xf32>,
        %get3A_548 = vector.shape_cast %get3A_547 : vector<1x16xf32> to vector<16xf32>
        %get3A_549 = arith.index_cast %add3A_337 : i32 to index
        %get3A_550 = arith.constant 112 : index
        %get3A_551 = tpu.vector_load %arg17[%get3A_549, %get3A_550] {strides = array<i32>} : memref<32x128xf32, #tpu.memory_space<vmem>>, vector<1x16xf32>,
        %get3A_552 = vector.shape_cast %get3A_551 : vector<1x16xf32> to vector<16xf32>
        %add3A_553 = arith.addf %get3A_548, %get3A_552 : vector<16xf32>
        %get3A_554 = arith.index_cast %add3A_337 : i32 to index
        %get3A_555 = arith.constant 112 : index
        %get3A_556 = tpu.vector_load %arg19[%get3A_554, %get3A_555] {strides = array<i32>} : memref<32x128xf32, #tpu.memory_space<vmem>>, vector<1x16xf32>,
        %get3A_557 = vector.shape_cast %get3A_556 : vector<1x16xf32> to vector<16xf32>
        %add3A_558 = arith.addf %add3A_553, %get3A_557 : vector<16xf32>
        %min3A_559 = arith.constant 8.000000e+01 : f32
        %min3A_560 = vector.broadcast %min3A_559 : f32 to vector<16xf32>
        %min3A_561 = arith.minimumf %add3A_558, %min3A_560 : vector<16xf32>
        %exp3A_562 = math.exp %min3A_561 : vector<16xf32>
        %sub3A_563 = arith.constant 1.000000e+00 : f32
        %sub3A_564 = vector.broadcast %sub3A_563 : f32 to vector<16xf32>
        %sub3A_565 = arith.subf %sub3A_564, %exp3A_562 : vector<16xf32>
        %add3A_566 = arith.constant 1.000000e+00 : f32
        %add3A_567 = vector.broadcast %add3A_566 : f32 to vector<16xf32>
        %add3A_568 = arith.addf %add3A_567, %exp3A_562 : vector<16xf32>
        %div3A_569 = arith.divf %sub3A_565, %add3A_568 : vector<16xf32>
        %swap3A_570 = arith.index_cast %add3A_337 : i32 to index
        %swap3A_571 = arith.constant 112 : index
        %swap3A_572 = tpu.vector_load %arg21[%swap3A_570, %swap3A_571] {strides = array<i32>} : memref<32x128xf32, #tpu.memory_space<vmem>>, vector<1x16xf32>,
        %swap3A_573 = vector.shape_cast %swap3A_572 : vector<1x16xf32> to vector<16xf32>
        %swap3A_574 = vector.shape_cast %div3A_569 : vector<16xf32> to vector<1x16xf32>
        tpu.vector_store %arg21[%swap3A_570, %swap3A_571], %swap3A_574 {strides = array<i32>} : memref<32x128xf32, #tpu.memory_space<vmem>>, vector<1x16xf32>,
        %mul3A_575 = arith.constant 2 : i32
        %mul3A_576 = arith.muli %scan3A_332, %mul3A_575 : i32
        %add3A_577 = arith.constant 1 : i32
        %add3A_578 = arith.addi %mul3A_576, %add3A_577 : i32
        %get3A_579 = arith.index_cast %add3A_578 : i32 to index
        %get3A_580 = arith.constant 0 : index
        %get3A_581 = tpu.vector_load %arg15[%get3A_579, %get3A_580] {strides = array<i32>} : memref<32x128xf32, #tpu.memory_space<vmem>>, vector<1x16xf32>,
        %get3A_582 = vector.shape_cast %get3A_581 : vector<1x16xf32> to vector<16xf32>
        %get3A_583 = arith.index_cast %add3A_578 : i32 to index
        %get3A_584 = arith.constant 0 : index
        %get3A_585 = tpu.vector_load %arg17[%get3A_583, %get3A_584] {strides = array<i32>} : memref<32x128xf32, #tpu.memory_space<vmem>>, vector<1x16xf32>,
        %get3A_586 = vector.shape_cast %get3A_585 : vector<1x16xf32> to vector<16xf32>
        %add3A_587 = arith.addf %get3A_582, %get3A_586 : vector<16xf32>
        %get3A_588 = arith.index_cast %add3A_578 : i32 to index
        %get3A_589 = arith.constant 0 : index
        %get3A_590 = tpu.vector_load %arg19[%get3A_588, %get3A_589] {strides = array<i32>} : memref<32x128xf32, #tpu.memory_space<vmem>>, vector<1x16xf32>,
        %get3A_591 = vector.shape_cast %get3A_590 : vector<1x16xf32> to vector<16xf32>
        %add3A_592 = arith.addf %add3A_587, %get3A_591 : vector<16xf32>
        %min3A_593 = arith.constant 8.000000e+01 : f32
        %min3A_594 = vector.broadcast %min3A_593 : f32 to vector<16xf32>
        %min3A_595 = arith.minimumf %add3A_592, %min3A_594 : vector<16xf32>
        %exp3A_596 = math.exp %min3A_595 : vector<16xf32>
        %sub3A_597 = arith.constant 1.000000e+00 : f32
        %sub3A_598 = vector.broadcast %sub3A_597 : f32 to vector<16xf32>
        %sub3A_599 = arith.subf %sub3A_598, %exp3A_596 : vector<16xf32>
        %add3A_600 = arith.constant 1.000000e+00 : f32
        %add3A_601 = vector.broadcast %add3A_600 : f32 to vector<16xf32>
        %add3A_602 = arith.addf %add3A_601, %exp3A_596 : vector<16xf32>
        %div3A_603 = arith.divf %sub3A_599, %add3A_602 : vector<16xf32>
        %swap3A_604 = arith.index_cast %add3A_578 : i32 to index
        %swap3A_605 = arith.constant 0 : index
        %swap3A_606 = tpu.vector_load %arg21[%swap3A_604, %swap3A_605] {strides = array<i32>} : memref<32x128xf32, #tpu.memory_space<vmem>>, vector<1x16xf32>,
        %swap3A_607 = vector.shape_cast %swap3A_606 : vector<1x16xf32> to vector<16xf32>
        %swap3A_608 = vector.shape_cast %div3A_603 : vector<16xf32> to vector<1x16xf32>
        tpu.vector_store %arg21[%swap3A_604, %swap3A_605], %swap3A_608 {strides = array<i32>} : memref<32x128xf32, #tpu.memory_space<vmem>>, vector<1x16xf32>,
        %get3A_609 = arith.index_cast %add3A_578 : i32 to index
        %get3A_610 = arith.constant 16 : index
        %get3A_611 = tpu.vector_load %arg15[%get3A_609, %get3A_610] {strides = array<i32>} : memref<32x128xf32, #tpu.memory_space<vmem>>, vector<1x16xf32>,
        %get3A_612 = vector.shape_cast %get3A_611 : vector<1x16xf32> to vector<16xf32>
        %get3A_613 = arith.index_cast %add3A_578 : i32 to index
        %get3A_614 = arith.constant 16 : index
        %get3A_615 = tpu.vector_load %arg17[%get3A_613, %get3A_614] {strides = array<i32>} : memref<32x128xf32, #tpu.memory_space<vmem>>, vector<1x16xf32>,
        %get3A_616 = vector.shape_cast %get3A_615 : vector<1x16xf32> to vector<16xf32>
        %add3A_617 = arith.addf %get3A_612, %get3A_616 : vector<16xf32>
        %get3A_618 = arith.index_cast %add3A_578 : i32 to index
        %get3A_619 = arith.constant 16 : index
        %get3A_620 = tpu.vector_load %arg19[%get3A_618, %get3A_619] {strides = array<i32>} : memref<32x128xf32, #tpu.memory_space<vmem>>, vector<1x16xf32>,
        %get3A_621 = vector.shape_cast %get3A_620 : vector<1x16xf32> to vector<16xf32>
        %add3A_622 = arith.addf %add3A_617, %get3A_621 : vector<16xf32>
        %min3A_623 = arith.constant 8.000000e+01 : f32
        %min3A_624 = vector.broadcast %min3A_623 : f32 to vector<16xf32>
        %min3A_625 = arith.minimumf %add3A_622, %min3A_624 : vector<16xf32>
        %exp3A_626 = math.exp %min3A_625 : vector<16xf32>
        %sub3A_627 = arith.constant 1.000000e+00 : f32
        %sub3A_628 = vector.broadcast %sub3A_627 : f32 to vector<16xf32>
        %sub3A_629 = arith.subf %sub3A_628, %exp3A_626 : vector<16xf32>
        %add3A_630 = arith.constant 1.000000e+00 : f32
        %add3A_631 = vector.broadcast %add3A_630 : f32 to vector<16xf32>
        %add3A_632 = arith.addf %add3A_631, %exp3A_626 : vector<16xf32>
        %div3A_633 = arith.divf %sub3A_629, %add3A_632 : vector<16xf32>
        %swap3A_634 = arith.index_cast %add3A_578 : i32 to index
        %swap3A_635 = arith.constant 16 : index
        %swap3A_636 = tpu.vector_load %arg21[%swap3A_634, %swap3A_635] {strides = array<i32>} : memref<32x128xf32, #tpu.memory_space<vmem>>, vector<1x16xf32>,
        %swap3A_637 = vector.shape_cast %swap3A_636 : vector<1x16xf32> to vector<16xf32>
        %swap3A_638 = vector.shape_cast %div3A_633 : vector<16xf32> to vector<1x16xf32>
        tpu.vector_store %arg21[%swap3A_634, %swap3A_635], %swap3A_638 {strides = array<i32>} : memref<32x128xf32, #tpu.memory_space<vmem>>, vector<1x16xf32>,
        %get3A_639 = arith.index_cast %add3A_578 : i32 to index
        %get3A_640 = arith.constant 32 : index
        %get3A_641 = tpu.vector_load %arg15[%get3A_639, %get3A_640] {strides = array<i32>} : memref<32x128xf32, #tpu.memory_space<vmem>>, vector<1x16xf32>,
        %get3A_642 = vector.shape_cast %get3A_641 : vector<1x16xf32> to vector<16xf32>
        %get3A_643 = arith.index_cast %add3A_578 : i32 to index
        %get3A_644 = arith.constant 32 : index
        %get3A_645 = tpu.vector_load %arg17[%get3A_643, %get3A_644] {strides = array<i32>} : memref<32x128xf32, #tpu.memory_space<vmem>>, vector<1x16xf32>,
        %get3A_646 = vector.shape_cast %get3A_645 : vector<1x16xf32> to vector<16xf32>
        %add3A_647 = arith.addf %get3A_642, %get3A_646 : vector<16xf32>
        %get3A_648 = arith.index_cast %add3A_578 : i32 to index
        %get3A_649 = arith.constant 32 : index
        %get3A_650 = tpu.vector_load %arg19[%get3A_648, %get3A_649] {strides = array<i32>} : memref<32x128xf32, #tpu.memory_space<vmem>>, vector<1x16xf32>,
        %get3A_651 = vector.shape_cast %get3A_650 : vector<1x16xf32> to vector<16xf32>
        %add3A_652 = arith.addf %add3A_647, %get3A_651 : vector<16xf32>
        %min3A_653 = arith.constant 8.000000e+01 : f32
        %min3A_654 = vector.broadcast %min3A_653 : f32 to vector<16xf32>
        %min3A_655 = arith.minimumf %add3A_652, %min3A_654 : vector<16xf32>
        %exp3A_656 = math.exp %min3A_655 : vector<16xf32>
        %sub3A_657 = arith.constant 1.000000e+00 : f32
        %sub3A_658 = vector.broadcast %sub3A_657 : f32 to vector<16xf32>
        %sub3A_659 = arith.subf %sub3A_658, %exp3A_656 : vector<16xf32>
        %add3A_660 = arith.constant 1.000000e+00 : f32
        %add3A_661 = vector.broadcast %add3A_660 : f32 to vector<16xf32>
        %add3A_662 = arith.addf %add3A_661, %exp3A_656 : vector<16xf32>
        %div3A_663 = arith.divf %sub3A_659, %add3A_662 : vector<16xf32>
        %swap3A_664 = arith.index_cast %add3A_578 : i32 to index
        %swap3A_665 = arith.constant 32 : index
        %swap3A_666 = tpu.vector_load %arg21[%swap3A_664, %swap3A_665] {strides = array<i32>} : memref<32x128xf32, #tpu.memory_space<vmem>>, vector<1x16xf32>,
        %swap3A_667 = vector.shape_cast %swap3A_666 : vector<1x16xf32> to vector<16xf32>
        %swap3A_668 = vector.shape_cast %div3A_663 : vector<16xf32> to vector<1x16xf32>
        tpu.vector_store %arg21[%swap3A_664, %swap3A_665], %swap3A_668 {strides = array<i32>} : memref<32x128xf32, #tpu.memory_space<vmem>>, vector<1x16xf32>,
        %get3A_669 = arith.index_cast %add3A_578 : i32 to index
        %get3A_670 = arith.constant 48 : index
        %get3A_671 = tpu.vector_load %arg15[%get3A_669, %get3A_670] {strides = array<i32>} : memref<32x128xf32, #tpu.memory_space<vmem>>, vector<1x16xf32>,
        %get3A_672 = vector.shape_cast %get3A_671 : vector<1x16xf32> to vector<16xf32>
        %get3A_673 = arith.index_cast %add3A_578 : i32 to index
        %get3A_674 = arith.constant 48 : index
        %get3A_675 = tpu.vector_load %arg17[%get3A_673, %get3A_674] {strides = array<i32>} : memref<32x128xf32, #tpu.memory_space<vmem>>, vector<1x16xf32>,
        %get3A_676 = vector.shape_cast %get3A_675 : vector<1x16xf32> to vector<16xf32>
        %add3A_677 = arith.addf %get3A_672, %get3A_676 : vector<16xf32>
        %get3A_678 = arith.index_cast %add3A_578 : i32 to index
        %get3A_679 = arith.constant 48 : index
        %get3A_680 = tpu.vector_load %arg19[%get3A_678, %get3A_679] {strides = array<i32>} : memref<32x128xf32, #tpu.memory_space<vmem>>, vector<1x16xf32>,
        %get3A_681 = vector.shape_cast %get3A_680 : vector<1x16xf32> to vector<16xf32>
        %add3A_682 = arith.addf %add3A_677, %get3A_681 : vector<16xf32>
        %min3A_683 = arith.constant 8.000000e+01 : f32
        %min3A_684 = vector.broadcast %min3A_683 : f32 to vector<16xf32>
        %min3A_685 = arith.minimumf %add3A_682, %min3A_684 : vector<16xf32>
        %exp3A_686 = math.exp %min3A_685 : vector<16xf32>
        %sub3A_687 = arith.constant 1.000000e+00 : f32
        %sub3A_688 = vector.broadcast %sub3A_687 : f32 to vector<16xf32>
        %sub3A_689 = arith.subf %sub3A_688, %exp3A_686 : vector<16xf32>
        %add3A_690 = arith.constant 1.000000e+00 : f32
        %add3A_691 = vector.broadcast %add3A_690 : f32 to vector<16xf32>
        %add3A_692 = arith.addf %add3A_691, %exp3A_686 : vector<16xf32>
        %div3A_693 = arith.divf %sub3A_689, %add3A_692 : vector<16xf32>
        %swap3A_694 = arith.index_cast %add3A_578 : i32 to index
        %swap3A_695 = arith.constant 48 : index
        %swap3A_696 = tpu.vector_load %arg21[%swap3A_694, %swap3A_695] {strides = array<i32>} : memref<32x128xf32, #tpu.memory_space<vmem>>, vector<1x16xf32>,
        %swap3A_697 = vector.shape_cast %swap3A_696 : vector<1x16xf32> to vector<16xf32>
        %swap3A_698 = vector.shape_cast %div3A_693 : vector<16xf32> to vector<1x16xf32>
        tpu.vector_store %arg21[%swap3A_694, %swap3A_695], %swap3A_698 {strides = array<i32>} : memref<32x128xf32, #tpu.memory_space<vmem>>, vector<1x16xf32>,
        %get3A_699 = arith.index_cast %add3A_578 : i32 to index
        %get3A_700 = arith.constant 64 : index
        %get3A_701 = tpu.vector_load %arg15[%get3A_699, %get3A_700] {strides = array<i32>} : memref<32x128xf32, #tpu.memory_space<vmem>>, vector<1x16xf32>,
        %get3A_702 = vector.shape_cast %get3A_701 : vector<1x16xf32> to vector<16xf32>
        %get3A_703 = arith.index_cast %add3A_578 : i32 to index
        %get3A_704 = arith.constant 64 : index
        %get3A_705 = tpu.vector_load %arg17[%get3A_703, %get3A_704] {strides = array<i32>} : memref<32x128xf32, #tpu.memory_space<vmem>>, vector<1x16xf32>,
        %get3A_706 = vector.shape_cast %get3A_705 : vector<1x16xf32> to vector<16xf32>
        %add3A_707 = arith.addf %get3A_702, %get3A_706 : vector<16xf32>
        %get3A_708 = arith.index_cast %add3A_578 : i32 to index
        %get3A_709 = arith.constant 64 : index
        %get3A_710 = tpu.vector_load %arg19[%get3A_708, %get3A_709] {strides = array<i32>} : memref<32x128xf32, #tpu.memory_space<vmem>>, vector<1x16xf32>,
        %get3A_711 = vector.shape_cast %get3A_710 : vector<1x16xf32> to vector<16xf32>
        %add3A_712 = arith.addf %add3A_707, %get3A_711 : vector<16xf32>
        %min3A_713 = arith.constant 8.000000e+01 : f32
        %min3A_714 = vector.broadcast %min3A_713 : f32 to vector<16xf32>
        %min3A_715 = arith.minimumf %add3A_712, %min3A_714 : vector<16xf32>
        %exp3A_716 = math.exp %min3A_715 : vector<16xf32>
        %sub3A_717 = arith.constant 1.000000e+00 : f32
        %sub3A_718 = vector.broadcast %sub3A_717 : f32 to vector<16xf32>
        %sub3A_719 = arith.subf %sub3A_718, %exp3A_716 : vector<16xf32>
        %add3A_720 = arith.constant 1.000000e+00 : f32
        %add3A_721 = vector.broadcast %add3A_720 : f32 to vector<16xf32>
        %add3A_722 = arith.addf %add3A_721, %exp3A_716 : vector<16xf32>
        %div3A_723 = arith.divf %sub3A_719, %add3A_722 : vector<16xf32>
        %swap3A_724 = arith.index_cast %add3A_578 : i32 to index
        %swap3A_725 = arith.constant 64 : index
        %swap3A_726 = tpu.vector_load %arg21[%swap3A_724, %swap3A_725] {strides = array<i32>} : memref<32x128xf32, #tpu.memory_space<vmem>>, vector<1x16xf32>,
        %swap3A_727 = vector.shape_cast %swap3A_726 : vector<1x16xf32> to vector<16xf32>
        %swap3A_728 = vector.shape_cast %div3A_723 : vector<16xf32> to vector<1x16xf32>
        tpu.vector_store %arg21[%swap3A_724, %swap3A_725], %swap3A_728 {strides = array<i32>} : memref<32x128xf32, #tpu.memory_space<vmem>>, vector<1x16xf32>,
        %get3A_729 = arith.index_cast %add3A_578 : i32 to index
        %get3A_730 = arith.constant 80 : index
        %get3A_731 = tpu.vector_load %arg15[%get3A_729, %get3A_730] {strides = array<i32>} : memref<32x128xf32, #tpu.memory_space<vmem>>, vector<1x16xf32>,
        %get3A_732 = vector.shape_cast %get3A_731 : vector<1x16xf32> to vector<16xf32>
        %get3A_733 = arith.index_cast %add3A_578 : i32 to index
        %get3A_734 = arith.constant 80 : index
        %get3A_735 = tpu.vector_load %arg17[%get3A_733, %get3A_734] {strides = array<i32>} : memref<32x128xf32, #tpu.memory_space<vmem>>, vector<1x16xf32>,
        %get3A_736 = vector.shape_cast %get3A_735 : vector<1x16xf32> to vector<16xf32>
        %add3A_737 = arith.addf %get3A_732, %get3A_736 : vector<16xf32>
        %get3A_738 = arith.index_cast %add3A_578 : i32 to index
        %get3A_739 = arith.constant 80 : index
        %get3A_740 = tpu.vector_load %arg19[%get3A_738, %get3A_739] {strides = array<i32>} : memref<32x128xf32, #tpu.memory_space<vmem>>, vector<1x16xf32>,
        %get3A_741 = vector.shape_cast %get3A_740 : vector<1x16xf32> to vector<16xf32>
        %add3A_742 = arith.addf %add3A_737, %get3A_741 : vector<16xf32>
        %min3A_743 = arith.constant 8.000000e+01 : f32
        %min3A_744 = vector.broadcast %min3A_743 : f32 to vector<16xf32>
        %min3A_745 = arith.minimumf %add3A_742, %min3A_744 : vector<16xf32>
        %exp3A_746 = math.exp %min3A_745 : vector<16xf32>
        %sub3A_747 = arith.constant 1.000000e+00 : f32
        %sub3A_748 = vector.broadcast %sub3A_747 : f32 to vector<16xf32>
        %sub3A_749 = arith.subf %sub3A_748, %exp3A_746 : vector<16xf32>
        %add3A_750 = arith.constant 1.000000e+00 : f32
        %add3A_751 = vector.broadcast %add3A_750 : f32 to vector<16xf32>
        %add3A_752 = arith.addf %add3A_751, %exp3A_746 : vector<16xf32>
        %div3A_753 = arith.divf %sub3A_749, %add3A_752 : vector<16xf32>
        %swap3A_754 = arith.index_cast %add3A_578 : i32 to index
        %swap3A_755 = arith.constant 80 : index
        %swap3A_756 = tpu.vector_load %arg21[%swap3A_754, %swap3A_755] {strides = array<i32>} : memref<32x128xf32, #tpu.memory_space<vmem>>, vector<1x16xf32>,
        %swap3A_757 = vector.shape_cast %swap3A_756 : vector<1x16xf32> to vector<16xf32>
        %swap3A_758 = vector.shape_cast %div3A_753 : vector<16xf32> to vector<1x16xf32>
        tpu.vector_store %arg21[%swap3A_754, %swap3A_755], %swap3A_758 {strides = array<i32>} : memref<32x128xf32, #tpu.memory_space<vmem>>, vector<1x16xf32>,
        %get3A_759 = arith.index_cast %add3A_578 : i32 to index
        %get3A_760 = arith.constant 96 : index
        %get3A_761 = tpu.vector_load %arg15[%get3A_759, %get3A_760] {strides = array<i32>} : memref<32x128xf32, #tpu.memory_space<vmem>>, vector<1x16xf32>,
        %get3A_762 = vector.shape_cast %get3A_761 : vector<1x16xf32> to vector<16xf32>
        %get3A_763 = arith.index_cast %add3A_578 : i32 to index
        %get3A_764 = arith.constant 96 : index
        %get3A_765 = tpu.vector_load %arg17[%get3A_763, %get3A_764] {strides = array<i32>} : memref<32x128xf32, #tpu.memory_space<vmem>>, vector<1x16xf32>,
        %get3A_766 = vector.shape_cast %get3A_765 : vector<1x16xf32> to vector<16xf32>
        %add3A_767 = arith.addf %get3A_762, %get3A_766 : vector<16xf32>
        %get3A_768 = arith.index_cast %add3A_578 : i32 to index
        %get3A_769 = arith.constant 96 : index
        %get3A_770 = tpu.vector_load %arg19[%get3A_768, %get3A_769] {strides = array<i32>} : memref<32x128xf32, #tpu.memory_space<vmem>>, vector<1x16xf32>,
        %get3A_771 = vector.shape_cast %get3A_770 : vector<1x16xf32> to vector<16xf32>
        %add3A_772 = arith.addf %add3A_767, %get3A_771 : vector<16xf32>
        %min3A_773 = arith.constant 8.000000e+01 : f32
        %min3A_774 = vector.broadcast %min3A_773 : f32 to vector<16xf32>
        %min3A_775 = arith.minimumf %add3A_772, %min3A_774 : vector<16xf32>
        %exp3A_776 = math.exp %min3A_775 : vector<16xf32>
        %sub3A_777 = arith.constant 1.000000e+00 : f32
        %sub3A_778 = vector.broadcast %sub3A_777 : f32 to vector<16xf32>
        %sub3A_779 = arith.subf %sub3A_778, %exp3A_776 : vector<16xf32>
        %add3A_780 = arith.constant 1.000000e+00 : f32
        %add3A_781 = vector.broadcast %add3A_780 : f32 to vector<16xf32>
        %add3A_782 = arith.addf %add3A_781, %exp3A_776 : vector<16xf32>
        %div3A_783 = arith.divf %sub3A_779, %add3A_782 : vector<16xf32>
        %swap3A_784 = arith.index_cast %add3A_578 : i32 to index
        %swap3A_785 = arith.constant 96 : index
        %swap3A_786 = tpu.vector_load %arg21[%swap3A_784, %swap3A_785] {strides = array<i32>} : memref<32x128xf32, #tpu.memory_space<vmem>>, vector<1x16xf32>,
        %swap3A_787 = vector.shape_cast %swap3A_786 : vector<1x16xf32> to vector<16xf32>
        %swap3A_788 = vector.shape_cast %div3A_783 : vector<16xf32> to vector<1x16xf32>
        tpu.vector_store %arg21[%swap3A_784, %swap3A_785], %swap3A_788 {strides = array<i32>} : memref<32x128xf32, #tpu.memory_space<vmem>>, vector<1x16xf32>,
        %get3A_789 = arith.index_cast %add3A_578 : i32 to index
        %get3A_790 = arith.constant 112 : index
        %get3A_791 = tpu.vector_load %arg15[%get3A_789, %get3A_790] {strides = array<i32>} : memref<32x128xf32, #tpu.memory_space<vmem>>, vector<1x16xf32>,
        %get3A_792 = vector.shape_cast %get3A_791 : vector<1x16xf32> to vector<16xf32>
        %get3A_793 = arith.index_cast %add3A_578 : i32 to index
        %get3A_794 = arith.constant 112 : index
        %get3A_795 = tpu.vector_load %arg17[%get3A_793, %get3A_794] {strides = array<i32>} : memref<32x128xf32, #tpu.memory_space<vmem>>, vector<1x16xf32>,
        %get3A_796 = vector.shape_cast %get3A_795 : vector<1x16xf32> to vector<16xf32>
        %add3A_797 = arith.addf %get3A_792, %get3A_796 : vector<16xf32>
        %get3A_798 = arith.index_cast %add3A_578 : i32 to index
        %get3A_799 = arith.constant 112 : index
        %get3A_800 = tpu.vector_load %arg19[%get3A_798, %get3A_799] {strides = array<i32>} : memref<32x128xf32, #tpu.memory_space<vmem>>, vector<1x16xf32>,
        %get3A_801 = vector.shape_cast %get3A_800 : vector<1x16xf32> to vector<16xf32>
        %add3A_802 = arith.addf %add3A_797, %get3A_801 : vector<16xf32>
        %min3A_803 = arith.constant 8.000000e+01 : f32
        %min3A_804 = vector.broadcast %min3A_803 : f32 to vector<16xf32>
        %min3A_805 = arith.minimumf %add3A_802, %min3A_804 : vector<16xf32>
        %exp3A_806 = math.exp %min3A_805 : vector<16xf32>
        %sub3A_807 = arith.constant 1.000000e+00 : f32
        %sub3A_808 = vector.broadcast %sub3A_807 : f32 to vector<16xf32>
        %sub3A_809 = arith.subf %sub3A_808, %exp3A_806 : vector<16xf32>
        %add3A_810 = arith.constant 1.000000e+00 : f32
        %add3A_811 = vector.broadcast %add3A_810 : f32 to vector<16xf32>
        %add3A_812 = arith.addf %add3A_811, %exp3A_806 : vector<16xf32>
        %div3A_813 = arith.divf %sub3A_809, %add3A_812 : vector<16xf32>
        %swap3A_814 = arith.index_cast %add3A_578 : i32 to index
        %swap3A_815 = arith.constant 112 : index
        %swap3A_816 = tpu.vector_load %arg21[%swap3A_814, %swap3A_815] {strides = array<i32>} : memref<32x128xf32, #tpu.memory_space<vmem>>, vector<1x16xf32>,
        %swap3A_817 = vector.shape_cast %swap3A_816 : vector<1x16xf32> to vector<16xf32>
        %swap3A_818 = vector.shape_cast %div3A_813 : vector<16xf32> to vector<1x16xf32>
        tpu.vector_store %arg21[%swap3A_814, %swap3A_815], %swap3A_818 {strides = array<i32>} : memref<32x128xf32, #tpu.memory_space<vmem>>, vector<1x16xf32>,
        %scan3A_819 = arith.constant 0 : i32
        scf.yield %scan3A_819 : i32
      }
      %scan3A_279 = arith.constant 16 : i32
      %and3A_280 = arith.constant 3 : i32
      %and3A_281 = arith.andi %add3A_248, %and3A_280 : i32
      %dma_start3A_282 = arith.constant 0 : i32
      %dma_start3A_283 = tpu.memref_slice %arg14[%and3A_281, %dma_start3A_282] : memref<4x32xi32, #tpu.memory_space<vmem>> -> memref<1x32xi32, #tpu.memory_space<vmem>>
      %dma_start3A_284 = tpu.memref_squeeze %dma_start3A_283 : memref<1x32xi32, #tpu.memory_space<vmem>> -> memref<32xi32, #tpu.memory_space<vmem>>
      %dma_start3A_285 = arith.constant 0 : i32
      %dma_start3A_286 = arith.constant 0 : i32
      %dma_start3A_287 = tpu.memref_slice %arg24[%dma_start3A_285, %dma_start3A_286] : memref<5040x128xf32, #tpu.memory_space<vmem_shared>> -> memref<5040x128xf32, #tpu.memory_space<vmem_shared>>
      tpu.enqueue_indirect_dma source(%arg21 : memref<32x128xf32, #tpu.memory_space<vmem>>) target(%dma_start3A_287 : memref<5040x128xf32, #tpu.memory_space<vmem_shared>>) offsets(%dma_start3A_284 : memref<32xi32, #tpu.memory_space<vmem>>) semaphore(%arg27 : memref<!tpu.dma_semaphore, #tpu.memory_space<semaphore_mem>>) {add = true}
      %mul3A_288 = arith.constant 2 : i32
      %mul3A_289 = arith.muli %scan3A_243, %mul3A_288 : i32
      %add3A_290 = arith.constant 1 : i32
      %add3A_291 = arith.addi %mul3A_289, %add3A_290 : i32
      %add3A_292 = arith.constant 1 : i32
      %add3A_293 = arith.addi %add3A_291, %add3A_292 : i32
      %lt3A_294 = arith.constant 625 : i32
      %lt3A_295 = arith.cmpi slt, %add3A_293, %lt3A_294 : i32
      %convert_element_type3A_296 = arith.extui %lt3A_295 : i1 to i32
      %cond3A_297 = arith.constant 0 : i32
      %cond3A_298 = arith.cmpi ne, %convert_element_type3A_296, %cond3A_297 : i32
      scf.if %cond3A_298 {
        %add3A_332 = arith.constant 1 : i32
        %add3A_333 = arith.addi %add3A_291, %add3A_332 : i32
        %mul3A_334 = arith.constant 32 : i32
        %mul3A_335 = arith.muli %add3A_333, %mul3A_334 : i32
        %and3A_336 = arith.constant 3 : i32
        %and3A_337 = arith.andi %add3A_333, %and3A_336 : i32
        %add3A_338 = arith.constant 0 : i32
        %add3A_339 = arith.addi %mul3A_335, %add3A_338 : i32
        %get3A_340 = arith.index_cast %add3A_339 : i32 to index
        %get3A_341 = tpu.vector_load %arg8[%get3A_340] {strides = array<i32>} : memref<20000xi32, #tpu.memory_space<vmem>>, vector<16xi32>,
        %get3A_342 = vector.shape_cast %get3A_341 : vector<16xi32> to vector<16xi32>
        %swap3A_343 = arith.constant 0 : index
        %swap3A_344 = tpu.vector_load %arg10[%swap3A_343] {strides = array<i32>} : memref<32xi32, #tpu.memory_space<vmem>>, vector<16xi32>,
        %swap3A_345 = vector.shape_cast %swap3A_344 : vector<16xi32> to vector<16xi32>
        %swap3A_346 = vector.shape_cast %get3A_342 : vector<16xi32> to vector<16xi32>
        tpu.vector_store %arg10[%swap3A_343], %swap3A_346 {strides = array<i32>} : memref<32xi32, #tpu.memory_space<vmem>>, vector<16xi32>,
        %get3A_347 = arith.index_cast %add3A_339 : i32 to index
        %get3A_348 = tpu.vector_load %arg9[%get3A_347] {strides = array<i32>} : memref<20000xi32, #tpu.memory_space<vmem>>, vector<16xi32>,
        %get3A_349 = vector.shape_cast %get3A_348 : vector<16xi32> to vector<16xi32>
        %swap3A_350 = arith.constant 0 : index
        %swap3A_351 = tpu.vector_load %arg12[%swap3A_350] {strides = array<i32>} : memref<32xi32, #tpu.memory_space<vmem>>, vector<16xi32>,
        %swap3A_352 = vector.shape_cast %swap3A_351 : vector<16xi32> to vector<16xi32>
        %swap3A_353 = vector.shape_cast %get3A_349 : vector<16xi32> to vector<16xi32>
        tpu.vector_store %arg12[%swap3A_350], %swap3A_353 {strides = array<i32>} : memref<32xi32, #tpu.memory_space<vmem>>, vector<16xi32>,
        %sub3A_354 = vector.broadcast %mul3A_61 : i32 to vector<16xi32>
        %sub3A_355 = arith.subi %get3A_342, %sub3A_354 : vector<16xi32>
        %ge3A_356 = arith.constant 0 : i32
        %ge3A_357 = vector.broadcast %ge3A_356 : i32 to vector<16xi32>
        %ge3A_358 = arith.cmpi sge, %sub3A_355, %ge3A_357 : vector<16xi32>
        %lt3A_359 = arith.constant 5000 : i32
        %lt3A_360 = vector.broadcast %lt3A_359 : i32 to vector<16xi32>
        %lt3A_361 = arith.cmpi slt, %sub3A_355, %lt3A_360 : vector<16xi32>
        %and3A_362 = arith.andi %ge3A_358, %lt3A_361 : vector<16xi1>
        %jit3A_363 = arith.constant 5000 : i32
        %broadcast_in_dim3A_364 = vector.broadcast %jit3A_363 : i32 to vector<16xi32>
        %select_n3A_365 = arith.select %and3A_362, %sub3A_355, %broadcast_in_dim3A_364 : vector<16xi1>, vector<16xi32>
        %swap3A_366 = arith.index_cast %and3A_337 : i32 to index
        %swap3A_367 = arith.constant 0 : index
        %swap3A_368 = tpu.vector_load %arg14[%swap3A_366, %swap3A_367] {strides = array<i32>} : memref<4x32xi32, #tpu.memory_space<vmem>>, vector<1x16xi32>,
        %swap3A_369 = vector.shape_cast %swap3A_368 : vector<1x16xi32> to vector<16xi32>
        %swap3A_370 = vector.shape_cast %select_n3A_365 : vector<16xi32> to vector<1x16xi32>
        tpu.vector_store %arg14[%swap3A_366, %swap3A_367], %swap3A_370 {strides = array<i32>} : memref<4x32xi32, #tpu.memory_space<vmem>>, vector<1x16xi32>,
        %add3A_371 = arith.constant 16 : i32
        %add3A_372 = arith.addi %mul3A_335, %add3A_371 : i32
        %get3A_373 = arith.index_cast %add3A_372 : i32 to index
        %get3A_374 = tpu.vector_load %arg8[%get3A_373] {strides = array<i32>} : memref<20000xi32, #tpu.memory_space<vmem>>, vector<16xi32>,
        %get3A_375 = vector.shape_cast %get3A_374 : vector<16xi32> to vector<16xi32>
        %swap3A_376 = arith.constant 16 : index
        %swap3A_377 = tpu.vector_load %arg10[%swap3A_376] {strides = array<i32>} : memref<32xi32, #tpu.memory_space<vmem>>, vector<16xi32>,
        %swap3A_378 = vector.shape_cast %swap3A_377 : vector<16xi32> to vector<16xi32>
        %swap3A_379 = vector.shape_cast %get3A_375 : vector<16xi32> to vector<16xi32>
        tpu.vector_store %arg10[%swap3A_376], %swap3A_379 {strides = array<i32>} : memref<32xi32, #tpu.memory_space<vmem>>, vector<16xi32>,
        %get3A_380 = arith.index_cast %add3A_372 : i32 to index
        %get3A_381 = tpu.vector_load %arg9[%get3A_380] {strides = array<i32>} : memref<20000xi32, #tpu.memory_space<vmem>>, vector<16xi32>,
        %get3A_382 = vector.shape_cast %get3A_381 : vector<16xi32> to vector<16xi32>
        %swap3A_383 = arith.constant 16 : index
        %swap3A_384 = tpu.vector_load %arg12[%swap3A_383] {strides = array<i32>} : memref<32xi32, #tpu.memory_space<vmem>>, vector<16xi32>,
        %swap3A_385 = vector.shape_cast %swap3A_384 : vector<16xi32> to vector<16xi32>
        %swap3A_386 = vector.shape_cast %get3A_382 : vector<16xi32> to vector<16xi32>
        tpu.vector_store %arg12[%swap3A_383], %swap3A_386 {strides = array<i32>} : memref<32xi32, #tpu.memory_space<vmem>>, vector<16xi32>,
        %sub3A_387 = vector.broadcast %mul3A_61 : i32 to vector<16xi32>
        %sub3A_388 = arith.subi %get3A_375, %sub3A_387 : vector<16xi32>
        %ge3A_389 = arith.constant 0 : i32
        %ge3A_390 = vector.broadcast %ge3A_389 : i32 to vector<16xi32>
        %ge3A_391 = arith.cmpi sge, %sub3A_388, %ge3A_390 : vector<16xi32>
        %lt3A_392 = arith.constant 5000 : i32
        %lt3A_393 = vector.broadcast %lt3A_392 : i32 to vector<16xi32>
        %lt3A_394 = arith.cmpi slt, %sub3A_388, %lt3A_393 : vector<16xi32>
        %and3A_395 = arith.andi %ge3A_391, %lt3A_394 : vector<16xi1>
        %jit3A_396 = arith.constant 5000 : i32
        %broadcast_in_dim3A_397 = vector.broadcast %jit3A_396 : i32 to vector<16xi32>
        %select_n3A_398 = arith.select %and3A_395, %sub3A_388, %broadcast_in_dim3A_397 : vector<16xi1>, vector<16xi32>
        %swap3A_399 = arith.index_cast %and3A_337 : i32 to index
        %swap3A_400 = arith.constant 16 : index
        %swap3A_401 = tpu.vector_load %arg14[%swap3A_399, %swap3A_400] {strides = array<i32>} : memref<4x32xi32, #tpu.memory_space<vmem>>, vector<1x16xi32>,
        %swap3A_402 = vector.shape_cast %swap3A_401 : vector<1x16xi32> to vector<16xi32>
        %swap3A_403 = vector.shape_cast %select_n3A_398 : vector<16xi32> to vector<1x16xi32>
        tpu.vector_store %arg14[%swap3A_399, %swap3A_400], %swap3A_403 {strides = array<i32>} : memref<4x32xi32, #tpu.memory_space<vmem>>, vector<1x16xi32>,
        %dma_start3A_404 = arith.constant 0 : i32
        %dma_start3A_405 = arith.constant 0 : i32
        %dma_start3A_406 = tpu.memref_slice %arg2[%dma_start3A_404, %dma_start3A_405] : memref<10000x128xf32, #tpu.memory_space<hbm>> -> memref<10000x128xf32, #tpu.memory_space<hbm>>
        tpu.enqueue_indirect_dma source(%dma_start3A_406 : memref<10000x128xf32, #tpu.memory_space<hbm>>) target(%arg15 : memref<32x128xf32, #tpu.memory_space<vmem>>) offsets(%arg10 : memref<32xi32, #tpu.memory_space<vmem>>) semaphore(%arg25 : memref<!tpu.dma_semaphore, #tpu.memory_space<semaphore_mem>>)
        %dma_start3A_407 = arith.constant 0 : i32
        %dma_start3A_408 = arith.constant 0 : i32
        %dma_start3A_409 = tpu.memref_slice %arg3[%dma_start3A_407, %dma_start3A_408] : memref<10000x128xf32, #tpu.memory_space<hbm>> -> memref<10000x128xf32, #tpu.memory_space<hbm>>
        tpu.enqueue_indirect_dma source(%dma_start3A_409 : memref<10000x128xf32, #tpu.memory_space<hbm>>) target(%arg17 : memref<32x128xf32, #tpu.memory_space<vmem>>) offsets(%arg12 : memref<32xi32, #tpu.memory_space<vmem>>) semaphore(%arg25 : memref<!tpu.dma_semaphore, #tpu.memory_space<semaphore_mem>>)
        %add3A_410 = arith.addi %mul3A_59, %mul3A_335 : i32
        %multiple_of3A_411 = tpu.assume_multiple %add3A_410, 8 : i32
        %dma_start3A_412 = arith.constant 0 : i32
        %dma_start3A_413 = tpu.memref_slice %arg4[%multiple_of3A_411, %dma_start3A_412] : memref<320000x128xf32, #tpu.memory_space<hbm>> -> memref<32x128xf32, #tpu.memory_space<hbm>>
        %dma_start3A_414 = arith.constant 0 : i32
        %dma_start3A_415 = tpu.memref_slice %arg4[%multiple_of3A_411, %dma_start3A_414] : memref<320000x128xf32, #tpu.memory_space<hbm>> -> memref<32x128xf32, #tpu.memory_space<hbm>>
        tpu.enqueue_dma source(%dma_start3A_415 : memref<32x128xf32, #tpu.memory_space<hbm>>) target(%arg19 : memref<32x128xf32, #tpu.memory_space<vmem>>) target_semaphore(%arg25 : memref<!tpu.dma_semaphore, #tpu.memory_space<semaphore_mem>>)
      } else {
      }
      %dma_wait3A_299 = arith.constant 0 : i32
      %dma_wait3A_300 = arith.constant 0 : i32
      %dma_wait3A_301 = tpu.memref_slice %arg2[%dma_wait3A_299, %dma_wait3A_300] : memref<10000x128xf32, #tpu.memory_space<hbm>> -> memref<10000x128xf32, #tpu.memory_space<hbm>>
      tpu.wait_indirect_dma semaphore(%arg26 : memref<!tpu.dma_semaphore, #tpu.memory_space<semaphore_mem>>) src(%dma_wait3A_301 : memref<10000x128xf32, #tpu.memory_space<hbm>>) dst(%arg16 : memref<32x128xf32, #tpu.memory_space<vmem>>)
      %dma_wait3A_302 = arith.constant 0 : i32
      %dma_wait3A_303 = arith.constant 0 : i32
      %dma_wait3A_304 = tpu.memref_slice %arg3[%dma_wait3A_302, %dma_wait3A_303] : memref<10000x128xf32, #tpu.memory_space<hbm>> -> memref<10000x128xf32, #tpu.memory_space<hbm>>
      tpu.wait_indirect_dma semaphore(%arg26 : memref<!tpu.dma_semaphore, #tpu.memory_space<semaphore_mem>>) src(%dma_wait3A_304 : memref<10000x128xf32, #tpu.memory_space<hbm>>) dst(%arg18 : memref<32x128xf32, #tpu.memory_space<vmem>>)
      %dma_wait3A_305 = arith.constant 0 : i32
      %dma_wait3A_306 = arith.constant 0 : i32
      %dma_wait3A_307 = tpu.memref_slice %arg4[%dma_wait3A_305, %dma_wait3A_306] : memref<320000x128xf32, #tpu.memory_space<hbm>> -> memref<32x128xf32, #tpu.memory_space<hbm>>
      %dma_wait3A_308 = arith.constant 0 : i32
      %dma_wait3A_309 = arith.constant 0 : i32
      %dma_wait3A_310 = tpu.memref_slice %arg4[%dma_wait3A_308, %dma_wait3A_309] : memref<320000x128xf32, #tpu.memory_space<hbm>> -> memref<32x128xf32, #tpu.memory_space<hbm>>
      tpu.wait_dma2 semaphore(%arg26 : memref<!tpu.dma_semaphore, #tpu.memory_space<semaphore_mem>>) src(%dma_wait3A_310 : memref<32x128xf32, #tpu.memory_space<hbm>>) dst(%arg20 : memref<32x128xf32, #tpu.memory_space<vmem>>)
      %ge3A_311 = arith.constant 2 : i32
      %ge3A_312 = arith.cmpi sge, %add3A_291, %ge3A_311 : i32
      %convert_element_type3A_313 = arith.extui %ge3A_312 : i1 to i32
      %cond3A_314 = arith.constant 0 : i32
      %cond3A_315 = arith.cmpi ne, %convert_element_type3A_313, %cond3A_314 : i32
      scf.if %cond3A_315 {
        %dma_wait3A_332 = arith.constant 0 : i32
        %dma_wait3A_333 = arith.constant 0 : i32
        %dma_wait3A_334 = tpu.memref_slice %arg14[%dma_wait3A_332, %dma_wait3A_333] : memref<4x32xi32, #tpu.memory_space<vmem>> -> memref<1x32xi32, #tpu.memory_space<vmem>>
        %dma_wait3A_335 = tpu.memref_squeeze %dma_wait3A_334 : memref<1x32xi32, #tpu.memory_space<vmem>> -> memref<32xi32, #tpu.memory_space<vmem>>
        %dma_wait3A_336 = arith.constant 0 : i32
        %dma_wait3A_337 = arith.constant 0 : i32
        %dma_wait3A_338 = tpu.memref_slice %arg24[%dma_wait3A_336, %dma_wait3A_337] : memref<5040x128xf32, #tpu.memory_space<vmem_shared>> -> memref<5040x128xf32, #tpu.memory_space<vmem_shared>>
        tpu.wait_indirect_dma semaphore(%arg28 : memref<!tpu.dma_semaphore, #tpu.memory_space<semaphore_mem>>) src(%arg22 : memref<32x128xf32, #tpu.memory_space<vmem>>) dst(%dma_wait3A_338 : memref<5040x128xf32, #tpu.memory_space<vmem_shared>>)
      } else {
      }
      %scan3A_316 = arith.constant 0 : i32
      %scan3A_317 = arith.constant 0 : i32
      %scan3A_318 = arith.constant 16 : i32
      %scan3A_319 = arith.addi %scan3A_317, %scan3A_318 : i32
      %scan3A_320 = arith.constant 1 : i32
      %scan3A_321 = scf.for %scan3A_332 = %scan3A_317 to %scan3A_319 step %scan3A_320 iter_args(%scan3A_333 = %scan3A_316) -> (i32)  : i32 {
        %mul3A_334 = arith.constant 2 : i32
        %mul3A_335 = arith.muli %scan3A_332, %mul3A_334 : i32
        %add3A_336 = arith.constant 0 : i32
        %add3A_337 = arith.addi %mul3A_335, %add3A_336 : i32
        %get3A_338 = arith.index_cast %add3A_337 : i32 to index
        %get3A_339 = arith.constant 0 : index
        %get3A_340 = tpu.vector_load %arg16[%get3A_338, %get3A_339] {strides = array<i32>} : memref<32x128xf32, #tpu.memory_space<vmem>>, vector<1x16xf32>,
        %get3A_341 = vector.shape_cast %get3A_340 : vector<1x16xf32> to vector<16xf32>
        %get3A_342 = arith.index_cast %add3A_337 : i32 to index
        %get3A_343 = arith.constant 0 : index
        %get3A_344 = tpu.vector_load %arg18[%get3A_342, %get3A_343] {strides = array<i32>} : memref<32x128xf32, #tpu.memory_space<vmem>>, vector<1x16xf32>,
        %get3A_345 = vector.shape_cast %get3A_344 : vector<1x16xf32> to vector<16xf32>
        %add3A_346 = arith.addf %get3A_341, %get3A_345 : vector<16xf32>
        %get3A_347 = arith.index_cast %add3A_337 : i32 to index
        %get3A_348 = arith.constant 0 : index
        %get3A_349 = tpu.vector_load %arg20[%get3A_347, %get3A_348] {strides = array<i32>} : memref<32x128xf32, #tpu.memory_space<vmem>>, vector<1x16xf32>,
        %get3A_350 = vector.shape_cast %get3A_349 : vector<1x16xf32> to vector<16xf32>
        %add3A_351 = arith.addf %add3A_346, %get3A_350 : vector<16xf32>
        %min3A = arith.constant 8.000000e+01 : f32
        %min3A_352 = vector.broadcast %min3A : f32 to vector<16xf32>
        %min3A_353 = arith.minimumf %add3A_351, %min3A_352 : vector<16xf32>
        %exp3A = math.exp %min3A_353 : vector<16xf32>
        %sub3A_354 = arith.constant 1.000000e+00 : f32
        %sub3A_355 = vector.broadcast %sub3A_354 : f32 to vector<16xf32>
        %sub3A_356 = arith.subf %sub3A_355, %exp3A : vector<16xf32>
        %add3A_357 = arith.constant 1.000000e+00 : f32
        %add3A_358 = vector.broadcast %add3A_357 : f32 to vector<16xf32>
        %add3A_359 = arith.addf %add3A_358, %exp3A : vector<16xf32>
        %div3A = arith.divf %sub3A_356, %add3A_359 : vector<16xf32>
        %swap3A_360 = arith.index_cast %add3A_337 : i32 to index
        %swap3A_361 = arith.constant 0 : index
        %swap3A_362 = tpu.vector_load %arg22[%swap3A_360, %swap3A_361] {strides = array<i32>} : memref<32x128xf32, #tpu.memory_space<vmem>>, vector<1x16xf32>,
        %swap3A_363 = vector.shape_cast %swap3A_362 : vector<1x16xf32> to vector<16xf32>
        %swap3A_364 = vector.shape_cast %div3A : vector<16xf32> to vector<1x16xf32>
        tpu.vector_store %arg22[%swap3A_360, %swap3A_361], %swap3A_364 {strides = array<i32>} : memref<32x128xf32, #tpu.memory_space<vmem>>, vector<1x16xf32>,
        %get3A_365 = arith.index_cast %add3A_337 : i32 to index
        %get3A_366 = arith.constant 16 : index
        %get3A_367 = tpu.vector_load %arg16[%get3A_365, %get3A_366] {strides = array<i32>} : memref<32x128xf32, #tpu.memory_space<vmem>>, vector<1x16xf32>,
        %get3A_368 = vector.shape_cast %get3A_367 : vector<1x16xf32> to vector<16xf32>
        %get3A_369 = arith.index_cast %add3A_337 : i32 to index
        %get3A_370 = arith.constant 16 : index
        %get3A_371 = tpu.vector_load %arg18[%get3A_369, %get3A_370] {strides = array<i32>} : memref<32x128xf32, #tpu.memory_space<vmem>>, vector<1x16xf32>,
        %get3A_372 = vector.shape_cast %get3A_371 : vector<1x16xf32> to vector<16xf32>
        %add3A_373 = arith.addf %get3A_368, %get3A_372 : vector<16xf32>
        %get3A_374 = arith.index_cast %add3A_337 : i32 to index
        %get3A_375 = arith.constant 16 : index
        %get3A_376 = tpu.vector_load %arg20[%get3A_374, %get3A_375] {strides = array<i32>} : memref<32x128xf32, #tpu.memory_space<vmem>>, vector<1x16xf32>,
        %get3A_377 = vector.shape_cast %get3A_376 : vector<1x16xf32> to vector<16xf32>
        %add3A_378 = arith.addf %add3A_373, %get3A_377 : vector<16xf32>
        %min3A_379 = arith.constant 8.000000e+01 : f32
        %min3A_380 = vector.broadcast %min3A_379 : f32 to vector<16xf32>
        %min3A_381 = arith.minimumf %add3A_378, %min3A_380 : vector<16xf32>
        %exp3A_382 = math.exp %min3A_381 : vector<16xf32>
        %sub3A_383 = arith.constant 1.000000e+00 : f32
        %sub3A_384 = vector.broadcast %sub3A_383 : f32 to vector<16xf32>
        %sub3A_385 = arith.subf %sub3A_384, %exp3A_382 : vector<16xf32>
        %add3A_386 = arith.constant 1.000000e+00 : f32
        %add3A_387 = vector.broadcast %add3A_386 : f32 to vector<16xf32>
        %add3A_388 = arith.addf %add3A_387, %exp3A_382 : vector<16xf32>
        %div3A_389 = arith.divf %sub3A_385, %add3A_388 : vector<16xf32>
        %swap3A_390 = arith.index_cast %add3A_337 : i32 to index
        %swap3A_391 = arith.constant 16 : index
        %swap3A_392 = tpu.vector_load %arg22[%swap3A_390, %swap3A_391] {strides = array<i32>} : memref<32x128xf32, #tpu.memory_space<vmem>>, vector<1x16xf32>,
        %swap3A_393 = vector.shape_cast %swap3A_392 : vector<1x16xf32> to vector<16xf32>
        %swap3A_394 = vector.shape_cast %div3A_389 : vector<16xf32> to vector<1x16xf32>
        tpu.vector_store %arg22[%swap3A_390, %swap3A_391], %swap3A_394 {strides = array<i32>} : memref<32x128xf32, #tpu.memory_space<vmem>>, vector<1x16xf32>,
        %get3A_395 = arith.index_cast %add3A_337 : i32 to index
        %get3A_396 = arith.constant 32 : index
        %get3A_397 = tpu.vector_load %arg16[%get3A_395, %get3A_396] {strides = array<i32>} : memref<32x128xf32, #tpu.memory_space<vmem>>, vector<1x16xf32>,
        %get3A_398 = vector.shape_cast %get3A_397 : vector<1x16xf32> to vector<16xf32>
        %get3A_399 = arith.index_cast %add3A_337 : i32 to index
        %get3A_400 = arith.constant 32 : index
        %get3A_401 = tpu.vector_load %arg18[%get3A_399, %get3A_400] {strides = array<i32>} : memref<32x128xf32, #tpu.memory_space<vmem>>, vector<1x16xf32>,
        %get3A_402 = vector.shape_cast %get3A_401 : vector<1x16xf32> to vector<16xf32>
        %add3A_403 = arith.addf %get3A_398, %get3A_402 : vector<16xf32>
        %get3A_404 = arith.index_cast %add3A_337 : i32 to index
        %get3A_405 = arith.constant 32 : index
        %get3A_406 = tpu.vector_load %arg20[%get3A_404, %get3A_405] {strides = array<i32>} : memref<32x128xf32, #tpu.memory_space<vmem>>, vector<1x16xf32>,
        %get3A_407 = vector.shape_cast %get3A_406 : vector<1x16xf32> to vector<16xf32>
        %add3A_408 = arith.addf %add3A_403, %get3A_407 : vector<16xf32>
        %min3A_409 = arith.constant 8.000000e+01 : f32
        %min3A_410 = vector.broadcast %min3A_409 : f32 to vector<16xf32>
        %min3A_411 = arith.minimumf %add3A_408, %min3A_410 : vector<16xf32>
        %exp3A_412 = math.exp %min3A_411 : vector<16xf32>
        %sub3A_413 = arith.constant 1.000000e+00 : f32
        %sub3A_414 = vector.broadcast %sub3A_413 : f32 to vector<16xf32>
        %sub3A_415 = arith.subf %sub3A_414, %exp3A_412 : vector<16xf32>
        %add3A_416 = arith.constant 1.000000e+00 : f32
        %add3A_417 = vector.broadcast %add3A_416 : f32 to vector<16xf32>
        %add3A_418 = arith.addf %add3A_417, %exp3A_412 : vector<16xf32>
        %div3A_419 = arith.divf %sub3A_415, %add3A_418 : vector<16xf32>
        %swap3A_420 = arith.index_cast %add3A_337 : i32 to index
        %swap3A_421 = arith.constant 32 : index
        %swap3A_422 = tpu.vector_load %arg22[%swap3A_420, %swap3A_421] {strides = array<i32>} : memref<32x128xf32, #tpu.memory_space<vmem>>, vector<1x16xf32>,
        %swap3A_423 = vector.shape_cast %swap3A_422 : vector<1x16xf32> to vector<16xf32>
        %swap3A_424 = vector.shape_cast %div3A_419 : vector<16xf32> to vector<1x16xf32>
        tpu.vector_store %arg22[%swap3A_420, %swap3A_421], %swap3A_424 {strides = array<i32>} : memref<32x128xf32, #tpu.memory_space<vmem>>, vector<1x16xf32>,
        %get3A_425 = arith.index_cast %add3A_337 : i32 to index
        %get3A_426 = arith.constant 48 : index
        %get3A_427 = tpu.vector_load %arg16[%get3A_425, %get3A_426] {strides = array<i32>} : memref<32x128xf32, #tpu.memory_space<vmem>>, vector<1x16xf32>,
        %get3A_428 = vector.shape_cast %get3A_427 : vector<1x16xf32> to vector<16xf32>
        %get3A_429 = arith.index_cast %add3A_337 : i32 to index
        %get3A_430 = arith.constant 48 : index
        %get3A_431 = tpu.vector_load %arg18[%get3A_429, %get3A_430] {strides = array<i32>} : memref<32x128xf32, #tpu.memory_space<vmem>>, vector<1x16xf32>,
        %get3A_432 = vector.shape_cast %get3A_431 : vector<1x16xf32> to vector<16xf32>
        %add3A_433 = arith.addf %get3A_428, %get3A_432 : vector<16xf32>
        %get3A_434 = arith.index_cast %add3A_337 : i32 to index
        %get3A_435 = arith.constant 48 : index
        %get3A_436 = tpu.vector_load %arg20[%get3A_434, %get3A_435] {strides = array<i32>} : memref<32x128xf32, #tpu.memory_space<vmem>>, vector<1x16xf32>,
        %get3A_437 = vector.shape_cast %get3A_436 : vector<1x16xf32> to vector<16xf32>
        %add3A_438 = arith.addf %add3A_433, %get3A_437 : vector<16xf32>
        %min3A_439 = arith.constant 8.000000e+01 : f32
        %min3A_440 = vector.broadcast %min3A_439 : f32 to vector<16xf32>
        %min3A_441 = arith.minimumf %add3A_438, %min3A_440 : vector<16xf32>
        %exp3A_442 = math.exp %min3A_441 : vector<16xf32>
        %sub3A_443 = arith.constant 1.000000e+00 : f32
        %sub3A_444 = vector.broadcast %sub3A_443 : f32 to vector<16xf32>
        %sub3A_445 = arith.subf %sub3A_444, %exp3A_442 : vector<16xf32>
        %add3A_446 = arith.constant 1.000000e+00 : f32
        %add3A_447 = vector.broadcast %add3A_446 : f32 to vector<16xf32>
        %add3A_448 = arith.addf %add3A_447, %exp3A_442 : vector<16xf32>
        %div3A_449 = arith.divf %sub3A_445, %add3A_448 : vector<16xf32>
        %swap3A_450 = arith.index_cast %add3A_337 : i32 to index
        %swap3A_451 = arith.constant 48 : index
        %swap3A_452 = tpu.vector_load %arg22[%swap3A_450, %swap3A_451] {strides = array<i32>} : memref<32x128xf32, #tpu.memory_space<vmem>>, vector<1x16xf32>,
        %swap3A_453 = vector.shape_cast %swap3A_452 : vector<1x16xf32> to vector<16xf32>
        %swap3A_454 = vector.shape_cast %div3A_449 : vector<16xf32> to vector<1x16xf32>
        tpu.vector_store %arg22[%swap3A_450, %swap3A_451], %swap3A_454 {strides = array<i32>} : memref<32x128xf32, #tpu.memory_space<vmem>>, vector<1x16xf32>,
        %get3A_455 = arith.index_cast %add3A_337 : i32 to index
        %get3A_456 = arith.constant 64 : index
        %get3A_457 = tpu.vector_load %arg16[%get3A_455, %get3A_456] {strides = array<i32>} : memref<32x128xf32, #tpu.memory_space<vmem>>, vector<1x16xf32>,
        %get3A_458 = vector.shape_cast %get3A_457 : vector<1x16xf32> to vector<16xf32>
        %get3A_459 = arith.index_cast %add3A_337 : i32 to index
        %get3A_460 = arith.constant 64 : index
        %get3A_461 = tpu.vector_load %arg18[%get3A_459, %get3A_460] {strides = array<i32>} : memref<32x128xf32, #tpu.memory_space<vmem>>, vector<1x16xf32>,
        %get3A_462 = vector.shape_cast %get3A_461 : vector<1x16xf32> to vector<16xf32>
        %add3A_463 = arith.addf %get3A_458, %get3A_462 : vector<16xf32>
        %get3A_464 = arith.index_cast %add3A_337 : i32 to index
        %get3A_465 = arith.constant 64 : index
        %get3A_466 = tpu.vector_load %arg20[%get3A_464, %get3A_465] {strides = array<i32>} : memref<32x128xf32, #tpu.memory_space<vmem>>, vector<1x16xf32>,
        %get3A_467 = vector.shape_cast %get3A_466 : vector<1x16xf32> to vector<16xf32>
        %add3A_468 = arith.addf %add3A_463, %get3A_467 : vector<16xf32>
        %min3A_469 = arith.constant 8.000000e+01 : f32
        %min3A_470 = vector.broadcast %min3A_469 : f32 to vector<16xf32>
        %min3A_471 = arith.minimumf %add3A_468, %min3A_470 : vector<16xf32>
        %exp3A_472 = math.exp %min3A_471 : vector<16xf32>
        %sub3A_473 = arith.constant 1.000000e+00 : f32
        %sub3A_474 = vector.broadcast %sub3A_473 : f32 to vector<16xf32>
        %sub3A_475 = arith.subf %sub3A_474, %exp3A_472 : vector<16xf32>
        %add3A_476 = arith.constant 1.000000e+00 : f32
        %add3A_477 = vector.broadcast %add3A_476 : f32 to vector<16xf32>
        %add3A_478 = arith.addf %add3A_477, %exp3A_472 : vector<16xf32>
        %div3A_479 = arith.divf %sub3A_475, %add3A_478 : vector<16xf32>
        %swap3A_480 = arith.index_cast %add3A_337 : i32 to index
        %swap3A_481 = arith.constant 64 : index
        %swap3A_482 = tpu.vector_load %arg22[%swap3A_480, %swap3A_481] {strides = array<i32>} : memref<32x128xf32, #tpu.memory_space<vmem>>, vector<1x16xf32>,
        %swap3A_483 = vector.shape_cast %swap3A_482 : vector<1x16xf32> to vector<16xf32>
        %swap3A_484 = vector.shape_cast %div3A_479 : vector<16xf32> to vector<1x16xf32>
        tpu.vector_store %arg22[%swap3A_480, %swap3A_481], %swap3A_484 {strides = array<i32>} : memref<32x128xf32, #tpu.memory_space<vmem>>, vector<1x16xf32>,
        %get3A_485 = arith.index_cast %add3A_337 : i32 to index
        %get3A_486 = arith.constant 80 : index
        %get3A_487 = tpu.vector_load %arg16[%get3A_485, %get3A_486] {strides = array<i32>} : memref<32x128xf32, #tpu.memory_space<vmem>>, vector<1x16xf32>,
        %get3A_488 = vector.shape_cast %get3A_487 : vector<1x16xf32> to vector<16xf32>
        %get3A_489 = arith.index_cast %add3A_337 : i32 to index
        %get3A_490 = arith.constant 80 : index
        %get3A_491 = tpu.vector_load %arg18[%get3A_489, %get3A_490] {strides = array<i32>} : memref<32x128xf32, #tpu.memory_space<vmem>>, vector<1x16xf32>,
        %get3A_492 = vector.shape_cast %get3A_491 : vector<1x16xf32> to vector<16xf32>
        %add3A_493 = arith.addf %get3A_488, %get3A_492 : vector<16xf32>
        %get3A_494 = arith.index_cast %add3A_337 : i32 to index
        %get3A_495 = arith.constant 80 : index
        %get3A_496 = tpu.vector_load %arg20[%get3A_494, %get3A_495] {strides = array<i32>} : memref<32x128xf32, #tpu.memory_space<vmem>>, vector<1x16xf32>,
        %get3A_497 = vector.shape_cast %get3A_496 : vector<1x16xf32> to vector<16xf32>
        %add3A_498 = arith.addf %add3A_493, %get3A_497 : vector<16xf32>
        %min3A_499 = arith.constant 8.000000e+01 : f32
        %min3A_500 = vector.broadcast %min3A_499 : f32 to vector<16xf32>
        %min3A_501 = arith.minimumf %add3A_498, %min3A_500 : vector<16xf32>
        %exp3A_502 = math.exp %min3A_501 : vector<16xf32>
        %sub3A_503 = arith.constant 1.000000e+00 : f32
        %sub3A_504 = vector.broadcast %sub3A_503 : f32 to vector<16xf32>
        %sub3A_505 = arith.subf %sub3A_504, %exp3A_502 : vector<16xf32>
        %add3A_506 = arith.constant 1.000000e+00 : f32
        %add3A_507 = vector.broadcast %add3A_506 : f32 to vector<16xf32>
        %add3A_508 = arith.addf %add3A_507, %exp3A_502 : vector<16xf32>
        %div3A_509 = arith.divf %sub3A_505, %add3A_508 : vector<16xf32>
        %swap3A_510 = arith.index_cast %add3A_337 : i32 to index
        %swap3A_511 = arith.constant 80 : index
        %swap3A_512 = tpu.vector_load %arg22[%swap3A_510, %swap3A_511] {strides = array<i32>} : memref<32x128xf32, #tpu.memory_space<vmem>>, vector<1x16xf32>,
        %swap3A_513 = vector.shape_cast %swap3A_512 : vector<1x16xf32> to vector<16xf32>
        %swap3A_514 = vector.shape_cast %div3A_509 : vector<16xf32> to vector<1x16xf32>
        tpu.vector_store %arg22[%swap3A_510, %swap3A_511], %swap3A_514 {strides = array<i32>} : memref<32x128xf32, #tpu.memory_space<vmem>>, vector<1x16xf32>,
        %get3A_515 = arith.index_cast %add3A_337 : i32 to index
        %get3A_516 = arith.constant 96 : index
        %get3A_517 = tpu.vector_load %arg16[%get3A_515, %get3A_516] {strides = array<i32>} : memref<32x128xf32, #tpu.memory_space<vmem>>, vector<1x16xf32>,
        %get3A_518 = vector.shape_cast %get3A_517 : vector<1x16xf32> to vector<16xf32>
        %get3A_519 = arith.index_cast %add3A_337 : i32 to index
        %get3A_520 = arith.constant 96 : index
        %get3A_521 = tpu.vector_load %arg18[%get3A_519, %get3A_520] {strides = array<i32>} : memref<32x128xf32, #tpu.memory_space<vmem>>, vector<1x16xf32>,
        %get3A_522 = vector.shape_cast %get3A_521 : vector<1x16xf32> to vector<16xf32>
        %add3A_523 = arith.addf %get3A_518, %get3A_522 : vector<16xf32>
        %get3A_524 = arith.index_cast %add3A_337 : i32 to index
        %get3A_525 = arith.constant 96 : index
        %get3A_526 = tpu.vector_load %arg20[%get3A_524, %get3A_525] {strides = array<i32>} : memref<32x128xf32, #tpu.memory_space<vmem>>, vector<1x16xf32>,
        %get3A_527 = vector.shape_cast %get3A_526 : vector<1x16xf32> to vector<16xf32>
        %add3A_528 = arith.addf %add3A_523, %get3A_527 : vector<16xf32>
        %min3A_529 = arith.constant 8.000000e+01 : f32
        %min3A_530 = vector.broadcast %min3A_529 : f32 to vector<16xf32>
        %min3A_531 = arith.minimumf %add3A_528, %min3A_530 : vector<16xf32>
        %exp3A_532 = math.exp %min3A_531 : vector<16xf32>
        %sub3A_533 = arith.constant 1.000000e+00 : f32
        %sub3A_534 = vector.broadcast %sub3A_533 : f32 to vector<16xf32>
        %sub3A_535 = arith.subf %sub3A_534, %exp3A_532 : vector<16xf32>
        %add3A_536 = arith.constant 1.000000e+00 : f32
        %add3A_537 = vector.broadcast %add3A_536 : f32 to vector<16xf32>
        %add3A_538 = arith.addf %add3A_537, %exp3A_532 : vector<16xf32>
        %div3A_539 = arith.divf %sub3A_535, %add3A_538 : vector<16xf32>
        %swap3A_540 = arith.index_cast %add3A_337 : i32 to index
        %swap3A_541 = arith.constant 96 : index
        %swap3A_542 = tpu.vector_load %arg22[%swap3A_540, %swap3A_541] {strides = array<i32>} : memref<32x128xf32, #tpu.memory_space<vmem>>, vector<1x16xf32>,
        %swap3A_543 = vector.shape_cast %swap3A_542 : vector<1x16xf32> to vector<16xf32>
        %swap3A_544 = vector.shape_cast %div3A_539 : vector<16xf32> to vector<1x16xf32>
        tpu.vector_store %arg22[%swap3A_540, %swap3A_541], %swap3A_544 {strides = array<i32>} : memref<32x128xf32, #tpu.memory_space<vmem>>, vector<1x16xf32>,
        %get3A_545 = arith.index_cast %add3A_337 : i32 to index
        %get3A_546 = arith.constant 112 : index
        %get3A_547 = tpu.vector_load %arg16[%get3A_545, %get3A_546] {strides = array<i32>} : memref<32x128xf32, #tpu.memory_space<vmem>>, vector<1x16xf32>,
        %get3A_548 = vector.shape_cast %get3A_547 : vector<1x16xf32> to vector<16xf32>
        %get3A_549 = arith.index_cast %add3A_337 : i32 to index
        %get3A_550 = arith.constant 112 : index
        %get3A_551 = tpu.vector_load %arg18[%get3A_549, %get3A_550] {strides = array<i32>} : memref<32x128xf32, #tpu.memory_space<vmem>>, vector<1x16xf32>,
        %get3A_552 = vector.shape_cast %get3A_551 : vector<1x16xf32> to vector<16xf32>
        %add3A_553 = arith.addf %get3A_548, %get3A_552 : vector<16xf32>
        %get3A_554 = arith.index_cast %add3A_337 : i32 to index
        %get3A_555 = arith.constant 112 : index
        %get3A_556 = tpu.vector_load %arg20[%get3A_554, %get3A_555] {strides = array<i32>} : memref<32x128xf32, #tpu.memory_space<vmem>>, vector<1x16xf32>,
        %get3A_557 = vector.shape_cast %get3A_556 : vector<1x16xf32> to vector<16xf32>
        %add3A_558 = arith.addf %add3A_553, %get3A_557 : vector<16xf32>
        %min3A_559 = arith.constant 8.000000e+01 : f32
        %min3A_560 = vector.broadcast %min3A_559 : f32 to vector<16xf32>
        %min3A_561 = arith.minimumf %add3A_558, %min3A_560 : vector<16xf32>
        %exp3A_562 = math.exp %min3A_561 : vector<16xf32>
        %sub3A_563 = arith.constant 1.000000e+00 : f32
        %sub3A_564 = vector.broadcast %sub3A_563 : f32 to vector<16xf32>
        %sub3A_565 = arith.subf %sub3A_564, %exp3A_562 : vector<16xf32>
        %add3A_566 = arith.constant 1.000000e+00 : f32
        %add3A_567 = vector.broadcast %add3A_566 : f32 to vector<16xf32>
        %add3A_568 = arith.addf %add3A_567, %exp3A_562 : vector<16xf32>
        %div3A_569 = arith.divf %sub3A_565, %add3A_568 : vector<16xf32>
        %swap3A_570 = arith.index_cast %add3A_337 : i32 to index
        %swap3A_571 = arith.constant 112 : index
        %swap3A_572 = tpu.vector_load %arg22[%swap3A_570, %swap3A_571] {strides = array<i32>} : memref<32x128xf32, #tpu.memory_space<vmem>>, vector<1x16xf32>,
        %swap3A_573 = vector.shape_cast %swap3A_572 : vector<1x16xf32> to vector<16xf32>
        %swap3A_574 = vector.shape_cast %div3A_569 : vector<16xf32> to vector<1x16xf32>
        tpu.vector_store %arg22[%swap3A_570, %swap3A_571], %swap3A_574 {strides = array<i32>} : memref<32x128xf32, #tpu.memory_space<vmem>>, vector<1x16xf32>,
        %mul3A_575 = arith.constant 2 : i32
        %mul3A_576 = arith.muli %scan3A_332, %mul3A_575 : i32
        %add3A_577 = arith.constant 1 : i32
        %add3A_578 = arith.addi %mul3A_576, %add3A_577 : i32
        %get3A_579 = arith.index_cast %add3A_578 : i32 to index
        %get3A_580 = arith.constant 0 : index
        %get3A_581 = tpu.vector_load %arg16[%get3A_579, %get3A_580] {strides = array<i32>} : memref<32x128xf32, #tpu.memory_space<vmem>>, vector<1x16xf32>,
        %get3A_582 = vector.shape_cast %get3A_581 : vector<1x16xf32> to vector<16xf32>
        %get3A_583 = arith.index_cast %add3A_578 : i32 to index
        %get3A_584 = arith.constant 0 : index
        %get3A_585 = tpu.vector_load %arg18[%get3A_583, %get3A_584] {strides = array<i32>} : memref<32x128xf32, #tpu.memory_space<vmem>>, vector<1x16xf32>,
        %get3A_586 = vector.shape_cast %get3A_585 : vector<1x16xf32> to vector<16xf32>
        %add3A_587 = arith.addf %get3A_582, %get3A_586 : vector<16xf32>
        %get3A_588 = arith.index_cast %add3A_578 : i32 to index
        %get3A_589 = arith.constant 0 : index
        %get3A_590 = tpu.vector_load %arg20[%get3A_588, %get3A_589] {strides = array<i32>} : memref<32x128xf32, #tpu.memory_space<vmem>>, vector<1x16xf32>,
        %get3A_591 = vector.shape_cast %get3A_590 : vector<1x16xf32> to vector<16xf32>
        %add3A_592 = arith.addf %add3A_587, %get3A_591 : vector<16xf32>
        %min3A_593 = arith.constant 8.000000e+01 : f32
        %min3A_594 = vector.broadcast %min3A_593 : f32 to vector<16xf32>
        %min3A_595 = arith.minimumf %add3A_592, %min3A_594 : vector<16xf32>
        %exp3A_596 = math.exp %min3A_595 : vector<16xf32>
        %sub3A_597 = arith.constant 1.000000e+00 : f32
        %sub3A_598 = vector.broadcast %sub3A_597 : f32 to vector<16xf32>
        %sub3A_599 = arith.subf %sub3A_598, %exp3A_596 : vector<16xf32>
        %add3A_600 = arith.constant 1.000000e+00 : f32
        %add3A_601 = vector.broadcast %add3A_600 : f32 to vector<16xf32>
        %add3A_602 = arith.addf %add3A_601, %exp3A_596 : vector<16xf32>
        %div3A_603 = arith.divf %sub3A_599, %add3A_602 : vector<16xf32>
        %swap3A_604 = arith.index_cast %add3A_578 : i32 to index
        %swap3A_605 = arith.constant 0 : index
        %swap3A_606 = tpu.vector_load %arg22[%swap3A_604, %swap3A_605] {strides = array<i32>} : memref<32x128xf32, #tpu.memory_space<vmem>>, vector<1x16xf32>,
        %swap3A_607 = vector.shape_cast %swap3A_606 : vector<1x16xf32> to vector<16xf32>
        %swap3A_608 = vector.shape_cast %div3A_603 : vector<16xf32> to vector<1x16xf32>
        tpu.vector_store %arg22[%swap3A_604, %swap3A_605], %swap3A_608 {strides = array<i32>} : memref<32x128xf32, #tpu.memory_space<vmem>>, vector<1x16xf32>,
        %get3A_609 = arith.index_cast %add3A_578 : i32 to index
        %get3A_610 = arith.constant 16 : index
        %get3A_611 = tpu.vector_load %arg16[%get3A_609, %get3A_610] {strides = array<i32>} : memref<32x128xf32, #tpu.memory_space<vmem>>, vector<1x16xf32>,
        %get3A_612 = vector.shape_cast %get3A_611 : vector<1x16xf32> to vector<16xf32>
        %get3A_613 = arith.index_cast %add3A_578 : i32 to index
        %get3A_614 = arith.constant 16 : index
        %get3A_615 = tpu.vector_load %arg18[%get3A_613, %get3A_614] {strides = array<i32>} : memref<32x128xf32, #tpu.memory_space<vmem>>, vector<1x16xf32>,
        %get3A_616 = vector.shape_cast %get3A_615 : vector<1x16xf32> to vector<16xf32>
        %add3A_617 = arith.addf %get3A_612, %get3A_616 : vector<16xf32>
        %get3A_618 = arith.index_cast %add3A_578 : i32 to index
        %get3A_619 = arith.constant 16 : index
        %get3A_620 = tpu.vector_load %arg20[%get3A_618, %get3A_619] {strides = array<i32>} : memref<32x128xf32, #tpu.memory_space<vmem>>, vector<1x16xf32>,
        %get3A_621 = vector.shape_cast %get3A_620 : vector<1x16xf32> to vector<16xf32>
        %add3A_622 = arith.addf %add3A_617, %get3A_621 : vector<16xf32>
        %min3A_623 = arith.constant 8.000000e+01 : f32
        %min3A_624 = vector.broadcast %min3A_623 : f32 to vector<16xf32>
        %min3A_625 = arith.minimumf %add3A_622, %min3A_624 : vector<16xf32>
        %exp3A_626 = math.exp %min3A_625 : vector<16xf32>
        %sub3A_627 = arith.constant 1.000000e+00 : f32
        %sub3A_628 = vector.broadcast %sub3A_627 : f32 to vector<16xf32>
        %sub3A_629 = arith.subf %sub3A_628, %exp3A_626 : vector<16xf32>
        %add3A_630 = arith.constant 1.000000e+00 : f32
        %add3A_631 = vector.broadcast %add3A_630 : f32 to vector<16xf32>
        %add3A_632 = arith.addf %add3A_631, %exp3A_626 : vector<16xf32>
        %div3A_633 = arith.divf %sub3A_629, %add3A_632 : vector<16xf32>
        %swap3A_634 = arith.index_cast %add3A_578 : i32 to index
        %swap3A_635 = arith.constant 16 : index
        %swap3A_636 = tpu.vector_load %arg22[%swap3A_634, %swap3A_635] {strides = array<i32>} : memref<32x128xf32, #tpu.memory_space<vmem>>, vector<1x16xf32>,
        %swap3A_637 = vector.shape_cast %swap3A_636 : vector<1x16xf32> to vector<16xf32>
        %swap3A_638 = vector.shape_cast %div3A_633 : vector<16xf32> to vector<1x16xf32>
        tpu.vector_store %arg22[%swap3A_634, %swap3A_635], %swap3A_638 {strides = array<i32>} : memref<32x128xf32, #tpu.memory_space<vmem>>, vector<1x16xf32>,
        %get3A_639 = arith.index_cast %add3A_578 : i32 to index
        %get3A_640 = arith.constant 32 : index
        %get3A_641 = tpu.vector_load %arg16[%get3A_639, %get3A_640] {strides = array<i32>} : memref<32x128xf32, #tpu.memory_space<vmem>>, vector<1x16xf32>,
        %get3A_642 = vector.shape_cast %get3A_641 : vector<1x16xf32> to vector<16xf32>
        %get3A_643 = arith.index_cast %add3A_578 : i32 to index
        %get3A_644 = arith.constant 32 : index
        %get3A_645 = tpu.vector_load %arg18[%get3A_643, %get3A_644] {strides = array<i32>} : memref<32x128xf32, #tpu.memory_space<vmem>>, vector<1x16xf32>,
        %get3A_646 = vector.shape_cast %get3A_645 : vector<1x16xf32> to vector<16xf32>
        %add3A_647 = arith.addf %get3A_642, %get3A_646 : vector<16xf32>
        %get3A_648 = arith.index_cast %add3A_578 : i32 to index
        %get3A_649 = arith.constant 32 : index
        %get3A_650 = tpu.vector_load %arg20[%get3A_648, %get3A_649] {strides = array<i32>} : memref<32x128xf32, #tpu.memory_space<vmem>>, vector<1x16xf32>,
        %get3A_651 = vector.shape_cast %get3A_650 : vector<1x16xf32> to vector<16xf32>
        %add3A_652 = arith.addf %add3A_647, %get3A_651 : vector<16xf32>
        %min3A_653 = arith.constant 8.000000e+01 : f32
        %min3A_654 = vector.broadcast %min3A_653 : f32 to vector<16xf32>
        %min3A_655 = arith.minimumf %add3A_652, %min3A_654 : vector<16xf32>
        %exp3A_656 = math.exp %min3A_655 : vector<16xf32>
        %sub3A_657 = arith.constant 1.000000e+00 : f32
        %sub3A_658 = vector.broadcast %sub3A_657 : f32 to vector<16xf32>
        %sub3A_659 = arith.subf %sub3A_658, %exp3A_656 : vector<16xf32>
        %add3A_660 = arith.constant 1.000000e+00 : f32
        %add3A_661 = vector.broadcast %add3A_660 : f32 to vector<16xf32>
        %add3A_662 = arith.addf %add3A_661, %exp3A_656 : vector<16xf32>
        %div3A_663 = arith.divf %sub3A_659, %add3A_662 : vector<16xf32>
        %swap3A_664 = arith.index_cast %add3A_578 : i32 to index
        %swap3A_665 = arith.constant 32 : index
        %swap3A_666 = tpu.vector_load %arg22[%swap3A_664, %swap3A_665] {strides = array<i32>} : memref<32x128xf32, #tpu.memory_space<vmem>>, vector<1x16xf32>,
        %swap3A_667 = vector.shape_cast %swap3A_666 : vector<1x16xf32> to vector<16xf32>
        %swap3A_668 = vector.shape_cast %div3A_663 : vector<16xf32> to vector<1x16xf32>
        tpu.vector_store %arg22[%swap3A_664, %swap3A_665], %swap3A_668 {strides = array<i32>} : memref<32x128xf32, #tpu.memory_space<vmem>>, vector<1x16xf32>,
        %get3A_669 = arith.index_cast %add3A_578 : i32 to index
        %get3A_670 = arith.constant 48 : index
        %get3A_671 = tpu.vector_load %arg16[%get3A_669, %get3A_670] {strides = array<i32>} : memref<32x128xf32, #tpu.memory_space<vmem>>, vector<1x16xf32>,
        %get3A_672 = vector.shape_cast %get3A_671 : vector<1x16xf32> to vector<16xf32>
        %get3A_673 = arith.index_cast %add3A_578 : i32 to index
        %get3A_674 = arith.constant 48 : index
        %get3A_675 = tpu.vector_load %arg18[%get3A_673, %get3A_674] {strides = array<i32>} : memref<32x128xf32, #tpu.memory_space<vmem>>, vector<1x16xf32>,
        %get3A_676 = vector.shape_cast %get3A_675 : vector<1x16xf32> to vector<16xf32>
        %add3A_677 = arith.addf %get3A_672, %get3A_676 : vector<16xf32>
        %get3A_678 = arith.index_cast %add3A_578 : i32 to index
        %get3A_679 = arith.constant 48 : index
        %get3A_680 = tpu.vector_load %arg20[%get3A_678, %get3A_679] {strides = array<i32>} : memref<32x128xf32, #tpu.memory_space<vmem>>, vector<1x16xf32>,
        %get3A_681 = vector.shape_cast %get3A_680 : vector<1x16xf32> to vector<16xf32>
        %add3A_682 = arith.addf %add3A_677, %get3A_681 : vector<16xf32>
        %min3A_683 = arith.constant 8.000000e+01 : f32
        %min3A_684 = vector.broadcast %min3A_683 : f32 to vector<16xf32>
        %min3A_685 = arith.minimumf %add3A_682, %min3A_684 : vector<16xf32>
        %exp3A_686 = math.exp %min3A_685 : vector<16xf32>
        %sub3A_687 = arith.constant 1.000000e+00 : f32
        %sub3A_688 = vector.broadcast %sub3A_687 : f32 to vector<16xf32>
        %sub3A_689 = arith.subf %sub3A_688, %exp3A_686 : vector<16xf32>
        %add3A_690 = arith.constant 1.000000e+00 : f32
        %add3A_691 = vector.broadcast %add3A_690 : f32 to vector<16xf32>
        %add3A_692 = arith.addf %add3A_691, %exp3A_686 : vector<16xf32>
        %div3A_693 = arith.divf %sub3A_689, %add3A_692 : vector<16xf32>
        %swap3A_694 = arith.index_cast %add3A_578 : i32 to index
        %swap3A_695 = arith.constant 48 : index
        %swap3A_696 = tpu.vector_load %arg22[%swap3A_694, %swap3A_695] {strides = array<i32>} : memref<32x128xf32, #tpu.memory_space<vmem>>, vector<1x16xf32>,
        %swap3A_697 = vector.shape_cast %swap3A_696 : vector<1x16xf32> to vector<16xf32>
        %swap3A_698 = vector.shape_cast %div3A_693 : vector<16xf32> to vector<1x16xf32>
        tpu.vector_store %arg22[%swap3A_694, %swap3A_695], %swap3A_698 {strides = array<i32>} : memref<32x128xf32, #tpu.memory_space<vmem>>, vector<1x16xf32>,
        %get3A_699 = arith.index_cast %add3A_578 : i32 to index
        %get3A_700 = arith.constant 64 : index
        %get3A_701 = tpu.vector_load %arg16[%get3A_699, %get3A_700] {strides = array<i32>} : memref<32x128xf32, #tpu.memory_space<vmem>>, vector<1x16xf32>,
        %get3A_702 = vector.shape_cast %get3A_701 : vector<1x16xf32> to vector<16xf32>
        %get3A_703 = arith.index_cast %add3A_578 : i32 to index
        %get3A_704 = arith.constant 64 : index
        %get3A_705 = tpu.vector_load %arg18[%get3A_703, %get3A_704] {strides = array<i32>} : memref<32x128xf32, #tpu.memory_space<vmem>>, vector<1x16xf32>,
        %get3A_706 = vector.shape_cast %get3A_705 : vector<1x16xf32> to vector<16xf32>
        %add3A_707 = arith.addf %get3A_702, %get3A_706 : vector<16xf32>
        %get3A_708 = arith.index_cast %add3A_578 : i32 to index
        %get3A_709 = arith.constant 64 : index
        %get3A_710 = tpu.vector_load %arg20[%get3A_708, %get3A_709] {strides = array<i32>} : memref<32x128xf32, #tpu.memory_space<vmem>>, vector<1x16xf32>,
        %get3A_711 = vector.shape_cast %get3A_710 : vector<1x16xf32> to vector<16xf32>
        %add3A_712 = arith.addf %add3A_707, %get3A_711 : vector<16xf32>
        %min3A_713 = arith.constant 8.000000e+01 : f32
        %min3A_714 = vector.broadcast %min3A_713 : f32 to vector<16xf32>
        %min3A_715 = arith.minimumf %add3A_712, %min3A_714 : vector<16xf32>
        %exp3A_716 = math.exp %min3A_715 : vector<16xf32>
        %sub3A_717 = arith.constant 1.000000e+00 : f32
        %sub3A_718 = vector.broadcast %sub3A_717 : f32 to vector<16xf32>
        %sub3A_719 = arith.subf %sub3A_718, %exp3A_716 : vector<16xf32>
        %add3A_720 = arith.constant 1.000000e+00 : f32
        %add3A_721 = vector.broadcast %add3A_720 : f32 to vector<16xf32>
        %add3A_722 = arith.addf %add3A_721, %exp3A_716 : vector<16xf32>
        %div3A_723 = arith.divf %sub3A_719, %add3A_722 : vector<16xf32>
        %swap3A_724 = arith.index_cast %add3A_578 : i32 to index
        %swap3A_725 = arith.constant 64 : index
        %swap3A_726 = tpu.vector_load %arg22[%swap3A_724, %swap3A_725] {strides = array<i32>} : memref<32x128xf32, #tpu.memory_space<vmem>>, vector<1x16xf32>,
        %swap3A_727 = vector.shape_cast %swap3A_726 : vector<1x16xf32> to vector<16xf32>
        %swap3A_728 = vector.shape_cast %div3A_723 : vector<16xf32> to vector<1x16xf32>
        tpu.vector_store %arg22[%swap3A_724, %swap3A_725], %swap3A_728 {strides = array<i32>} : memref<32x128xf32, #tpu.memory_space<vmem>>, vector<1x16xf32>,
        %get3A_729 = arith.index_cast %add3A_578 : i32 to index
        %get3A_730 = arith.constant 80 : index
        %get3A_731 = tpu.vector_load %arg16[%get3A_729, %get3A_730] {strides = array<i32>} : memref<32x128xf32, #tpu.memory_space<vmem>>, vector<1x16xf32>,
        %get3A_732 = vector.shape_cast %get3A_731 : vector<1x16xf32> to vector<16xf32>
        %get3A_733 = arith.index_cast %add3A_578 : i32 to index
        %get3A_734 = arith.constant 80 : index
        %get3A_735 = tpu.vector_load %arg18[%get3A_733, %get3A_734] {strides = array<i32>} : memref<32x128xf32, #tpu.memory_space<vmem>>, vector<1x16xf32>,
        %get3A_736 = vector.shape_cast %get3A_735 : vector<1x16xf32> to vector<16xf32>
        %add3A_737 = arith.addf %get3A_732, %get3A_736 : vector<16xf32>
        %get3A_738 = arith.index_cast %add3A_578 : i32 to index
        %get3A_739 = arith.constant 80 : index
        %get3A_740 = tpu.vector_load %arg20[%get3A_738, %get3A_739] {strides = array<i32>} : memref<32x128xf32, #tpu.memory_space<vmem>>, vector<1x16xf32>,
        %get3A_741 = vector.shape_cast %get3A_740 : vector<1x16xf32> to vector<16xf32>
        %add3A_742 = arith.addf %add3A_737, %get3A_741 : vector<16xf32>
        %min3A_743 = arith.constant 8.000000e+01 : f32
        %min3A_744 = vector.broadcast %min3A_743 : f32 to vector<16xf32>
        %min3A_745 = arith.minimumf %add3A_742, %min3A_744 : vector<16xf32>
        %exp3A_746 = math.exp %min3A_745 : vector<16xf32>
        %sub3A_747 = arith.constant 1.000000e+00 : f32
        %sub3A_748 = vector.broadcast %sub3A_747 : f32 to vector<16xf32>
        %sub3A_749 = arith.subf %sub3A_748, %exp3A_746 : vector<16xf32>
        %add3A_750 = arith.constant 1.000000e+00 : f32
        %add3A_751 = vector.broadcast %add3A_750 : f32 to vector<16xf32>
        %add3A_752 = arith.addf %add3A_751, %exp3A_746 : vector<16xf32>
        %div3A_753 = arith.divf %sub3A_749, %add3A_752 : vector<16xf32>
        %swap3A_754 = arith.index_cast %add3A_578 : i32 to index
        %swap3A_755 = arith.constant 80 : index
        %swap3A_756 = tpu.vector_load %arg22[%swap3A_754, %swap3A_755] {strides = array<i32>} : memref<32x128xf32, #tpu.memory_space<vmem>>, vector<1x16xf32>,
        %swap3A_757 = vector.shape_cast %swap3A_756 : vector<1x16xf32> to vector<16xf32>
        %swap3A_758 = vector.shape_cast %div3A_753 : vector<16xf32> to vector<1x16xf32>
        tpu.vector_store %arg22[%swap3A_754, %swap3A_755], %swap3A_758 {strides = array<i32>} : memref<32x128xf32, #tpu.memory_space<vmem>>, vector<1x16xf32>,
        %get3A_759 = arith.index_cast %add3A_578 : i32 to index
        %get3A_760 = arith.constant 96 : index
        %get3A_761 = tpu.vector_load %arg16[%get3A_759, %get3A_760] {strides = array<i32>} : memref<32x128xf32, #tpu.memory_space<vmem>>, vector<1x16xf32>,
        %get3A_762 = vector.shape_cast %get3A_761 : vector<1x16xf32> to vector<16xf32>
        %get3A_763 = arith.index_cast %add3A_578 : i32 to index
        %get3A_764 = arith.constant 96 : index
        %get3A_765 = tpu.vector_load %arg18[%get3A_763, %get3A_764] {strides = array<i32>} : memref<32x128xf32, #tpu.memory_space<vmem>>, vector<1x16xf32>,
        %get3A_766 = vector.shape_cast %get3A_765 : vector<1x16xf32> to vector<16xf32>
        %add3A_767 = arith.addf %get3A_762, %get3A_766 : vector<16xf32>
        %get3A_768 = arith.index_cast %add3A_578 : i32 to index
        %get3A_769 = arith.constant 96 : index
        %get3A_770 = tpu.vector_load %arg20[%get3A_768, %get3A_769] {strides = array<i32>} : memref<32x128xf32, #tpu.memory_space<vmem>>, vector<1x16xf32>,
        %get3A_771 = vector.shape_cast %get3A_770 : vector<1x16xf32> to vector<16xf32>
        %add3A_772 = arith.addf %add3A_767, %get3A_771 : vector<16xf32>
        %min3A_773 = arith.constant 8.000000e+01 : f32
        %min3A_774 = vector.broadcast %min3A_773 : f32 to vector<16xf32>
        %min3A_775 = arith.minimumf %add3A_772, %min3A_774 : vector<16xf32>
        %exp3A_776 = math.exp %min3A_775 : vector<16xf32>
        %sub3A_777 = arith.constant 1.000000e+00 : f32
        %sub3A_778 = vector.broadcast %sub3A_777 : f32 to vector<16xf32>
        %sub3A_779 = arith.subf %sub3A_778, %exp3A_776 : vector<16xf32>
        %add3A_780 = arith.constant 1.000000e+00 : f32
        %add3A_781 = vector.broadcast %add3A_780 : f32 to vector<16xf32>
        %add3A_782 = arith.addf %add3A_781, %exp3A_776 : vector<16xf32>
        %div3A_783 = arith.divf %sub3A_779, %add3A_782 : vector<16xf32>
        %swap3A_784 = arith.index_cast %add3A_578 : i32 to index
        %swap3A_785 = arith.constant 96 : index
        %swap3A_786 = tpu.vector_load %arg22[%swap3A_784, %swap3A_785] {strides = array<i32>} : memref<32x128xf32, #tpu.memory_space<vmem>>, vector<1x16xf32>,
        %swap3A_787 = vector.shape_cast %swap3A_786 : vector<1x16xf32> to vector<16xf32>
        %swap3A_788 = vector.shape_cast %div3A_783 : vector<16xf32> to vector<1x16xf32>
        tpu.vector_store %arg22[%swap3A_784, %swap3A_785], %swap3A_788 {strides = array<i32>} : memref<32x128xf32, #tpu.memory_space<vmem>>, vector<1x16xf32>,
        %get3A_789 = arith.index_cast %add3A_578 : i32 to index
        %get3A_790 = arith.constant 112 : index
        %get3A_791 = tpu.vector_load %arg16[%get3A_789, %get3A_790] {strides = array<i32>} : memref<32x128xf32, #tpu.memory_space<vmem>>, vector<1x16xf32>,
        %get3A_792 = vector.shape_cast %get3A_791 : vector<1x16xf32> to vector<16xf32>
        %get3A_793 = arith.index_cast %add3A_578 : i32 to index
        %get3A_794 = arith.constant 112 : index
        %get3A_795 = tpu.vector_load %arg18[%get3A_793, %get3A_794] {strides = array<i32>} : memref<32x128xf32, #tpu.memory_space<vmem>>, vector<1x16xf32>,
        %get3A_796 = vector.shape_cast %get3A_795 : vector<1x16xf32> to vector<16xf32>
        %add3A_797 = arith.addf %get3A_792, %get3A_796 : vector<16xf32>
        %get3A_798 = arith.index_cast %add3A_578 : i32 to index
        %get3A_799 = arith.constant 112 : index
        %get3A_800 = tpu.vector_load %arg20[%get3A_798, %get3A_799] {strides = array<i32>} : memref<32x128xf32, #tpu.memory_space<vmem>>, vector<1x16xf32>,
        %get3A_801 = vector.shape_cast %get3A_800 : vector<1x16xf32> to vector<16xf32>
        %add3A_802 = arith.addf %add3A_797, %get3A_801 : vector<16xf32>
        %min3A_803 = arith.constant 8.000000e+01 : f32
        %min3A_804 = vector.broadcast %min3A_803 : f32 to vector<16xf32>
        %min3A_805 = arith.minimumf %add3A_802, %min3A_804 : vector<16xf32>
        %exp3A_806 = math.exp %min3A_805 : vector<16xf32>
        %sub3A_807 = arith.constant 1.000000e+00 : f32
        %sub3A_808 = vector.broadcast %sub3A_807 : f32 to vector<16xf32>
        %sub3A_809 = arith.subf %sub3A_808, %exp3A_806 : vector<16xf32>
        %add3A_810 = arith.constant 1.000000e+00 : f32
        %add3A_811 = vector.broadcast %add3A_810 : f32 to vector<16xf32>
        %add3A_812 = arith.addf %add3A_811, %exp3A_806 : vector<16xf32>
        %div3A_813 = arith.divf %sub3A_809, %add3A_812 : vector<16xf32>
        %swap3A_814 = arith.index_cast %add3A_578 : i32 to index
        %swap3A_815 = arith.constant 112 : index
        %swap3A_816 = tpu.vector_load %arg22[%swap3A_814, %swap3A_815] {strides = array<i32>} : memref<32x128xf32, #tpu.memory_space<vmem>>, vector<1x16xf32>,
        %swap3A_817 = vector.shape_cast %swap3A_816 : vector<1x16xf32> to vector<16xf32>
        %swap3A_818 = vector.shape_cast %div3A_813 : vector<16xf32> to vector<1x16xf32>
        tpu.vector_store %arg22[%swap3A_814, %swap3A_815], %swap3A_818 {strides = array<i32>} : memref<32x128xf32, #tpu.memory_space<vmem>>, vector<1x16xf32>,
        %scan3A_819 = arith.constant 0 : i32
        scf.yield %scan3A_819 : i32
      }
      %scan3A_322 = arith.constant 16 : i32
      %and3A_323 = arith.constant 3 : i32
      %and3A_324 = arith.andi %add3A_291, %and3A_323 : i32
      %dma_start3A_325 = arith.constant 0 : i32
      %dma_start3A_326 = tpu.memref_slice %arg14[%and3A_324, %dma_start3A_325] : memref<4x32xi32, #tpu.memory_space<vmem>> -> memref<1x32xi32, #tpu.memory_space<vmem>>
      %dma_start3A_327 = tpu.memref_squeeze %dma_start3A_326 : memref<1x32xi32, #tpu.memory_space<vmem>> -> memref<32xi32, #tpu.memory_space<vmem>>
      %dma_start3A_328 = arith.constant 0 : i32
      %dma_start3A_329 = arith.constant 0 : i32
      %dma_start3A_330 = tpu.memref_slice %arg24[%dma_start3A_328, %dma_start3A_329] : memref<5040x128xf32, #tpu.memory_space<vmem_shared>> -> memref<5040x128xf32, #tpu.memory_space<vmem_shared>>
      tpu.enqueue_indirect_dma source(%arg22 : memref<32x128xf32, #tpu.memory_space<vmem>>) target(%dma_start3A_330 : memref<5040x128xf32, #tpu.memory_space<vmem_shared>>) offsets(%dma_start3A_327 : memref<32xi32, #tpu.memory_space<vmem>>) semaphore(%arg28 : memref<!tpu.dma_semaphore, #tpu.memory_space<semaphore_mem>>) {add = true}
      %scan3A_331 = arith.constant 0 : i32
      scf.yield %scan3A_331 : i32
    }
    %scan3A_137 = arith.constant 312 : i32
    %dma_wait3A = arith.constant 0 : i32
    %dma_wait3A_138 = arith.constant 0 : i32
    %dma_wait3A_139 = tpu.memref_slice %arg2[%dma_wait3A, %dma_wait3A_138] : memref<10000x128xf32, #tpu.memory_space<hbm>> -> memref<10000x128xf32, #tpu.memory_space<hbm>>
    tpu.wait_indirect_dma semaphore(%arg25 : memref<!tpu.dma_semaphore, #tpu.memory_space<semaphore_mem>>) src(%dma_wait3A_139 : memref<10000x128xf32, #tpu.memory_space<hbm>>) dst(%arg15 : memref<32x128xf32, #tpu.memory_space<vmem>>)
    %dma_wait3A_140 = arith.constant 0 : i32
    %dma_wait3A_141 = arith.constant 0 : i32
    %dma_wait3A_142 = tpu.memref_slice %arg3[%dma_wait3A_140, %dma_wait3A_141] : memref<10000x128xf32, #tpu.memory_space<hbm>> -> memref<10000x128xf32, #tpu.memory_space<hbm>>
    tpu.wait_indirect_dma semaphore(%arg25 : memref<!tpu.dma_semaphore, #tpu.memory_space<semaphore_mem>>) src(%dma_wait3A_142 : memref<10000x128xf32, #tpu.memory_space<hbm>>) dst(%arg17 : memref<32x128xf32, #tpu.memory_space<vmem>>)
    %dma_wait3A_143 = arith.constant 0 : i32
    %dma_wait3A_144 = arith.constant 0 : i32
    %dma_wait3A_145 = tpu.memref_slice %arg4[%dma_wait3A_143, %dma_wait3A_144] : memref<320000x128xf32, #tpu.memory_space<hbm>> -> memref<32x128xf32, #tpu.memory_space<hbm>>
    %dma_wait3A_146 = arith.constant 0 : i32
    %dma_wait3A_147 = arith.constant 0 : i32
    %dma_wait3A_148 = tpu.memref_slice %arg4[%dma_wait3A_146, %dma_wait3A_147] : memref<320000x128xf32, #tpu.memory_space<hbm>> -> memref<32x128xf32, #tpu.memory_space<hbm>>
    tpu.wait_dma2 semaphore(%arg25 : memref<!tpu.dma_semaphore, #tpu.memory_space<semaphore_mem>>) src(%dma_wait3A_148 : memref<32x128xf32, #tpu.memory_space<hbm>>) dst(%arg19 : memref<32x128xf32, #tpu.memory_space<vmem>>)
    %dma_wait3A_149 = arith.constant 0 : i32
    %dma_wait3A_150 = arith.constant 0 : i32
    %dma_wait3A_151 = tpu.memref_slice %arg14[%dma_wait3A_149, %dma_wait3A_150] : memref<4x32xi32, #tpu.memory_space<vmem>> -> memref<1x32xi32, #tpu.memory_space<vmem>>
    %dma_wait3A_152 = tpu.memref_squeeze %dma_wait3A_151 : memref<1x32xi32, #tpu.memory_space<vmem>> -> memref<32xi32, #tpu.memory_space<vmem>>
    %dma_wait3A_153 = arith.constant 0 : i32
    %dma_wait3A_154 = arith.constant 0 : i32
    %dma_wait3A_155 = tpu.memref_slice %arg24[%dma_wait3A_153, %dma_wait3A_154] : memref<5040x128xf32, #tpu.memory_space<vmem_shared>> -> memref<5040x128xf32, #tpu.memory_space<vmem_shared>>
    tpu.wait_indirect_dma semaphore(%arg27 : memref<!tpu.dma_semaphore, #tpu.memory_space<semaphore_mem>>) src(%arg21 : memref<32x128xf32, #tpu.memory_space<vmem>>) dst(%dma_wait3A_155 : memref<5040x128xf32, #tpu.memory_space<vmem_shared>>)
    %scan3A_156 = arith.constant 0 : i32
    %scan3A_157 = arith.constant 0 : i32
    %scan3A_158 = arith.constant 16 : i32
    %scan3A_159 = arith.addi %scan3A_157, %scan3A_158 : i32
    %scan3A_160 = arith.constant 1 : i32
    %scan3A_161 = scf.for %scan3A_243 = %scan3A_157 to %scan3A_159 step %scan3A_160 iter_args(%scan3A_244 = %scan3A_156) -> (i32)  : i32 {
      %mul3A_245 = arith.constant 2 : i32
      %mul3A_246 = arith.muli %scan3A_243, %mul3A_245 : i32
      %add3A_247 = arith.constant 0 : i32
      %add3A_248 = arith.addi %mul3A_246, %add3A_247 : i32
      %get3A_249 = arith.index_cast %add3A_248 : i32 to index
      %get3A_250 = arith.constant 0 : index
      %get3A_251 = tpu.vector_load %arg15[%get3A_249, %get3A_250] {strides = array<i32>} : memref<32x128xf32, #tpu.memory_space<vmem>>, vector<1x16xf32>,
      %get3A_252 = vector.shape_cast %get3A_251 : vector<1x16xf32> to vector<16xf32>
      %get3A_253 = arith.index_cast %add3A_248 : i32 to index
      %get3A_254 = arith.constant 0 : index
      %get3A_255 = tpu.vector_load %arg17[%get3A_253, %get3A_254] {strides = array<i32>} : memref<32x128xf32, #tpu.memory_space<vmem>>, vector<1x16xf32>,
      %get3A_256 = vector.shape_cast %get3A_255 : vector<1x16xf32> to vector<16xf32>
      %add3A_257 = arith.addf %get3A_252, %get3A_256 : vector<16xf32>
      %get3A_258 = arith.index_cast %add3A_248 : i32 to index
      %get3A_259 = arith.constant 0 : index
      %get3A_260 = tpu.vector_load %arg19[%get3A_258, %get3A_259] {strides = array<i32>} : memref<32x128xf32, #tpu.memory_space<vmem>>, vector<1x16xf32>,
      %get3A_261 = vector.shape_cast %get3A_260 : vector<1x16xf32> to vector<16xf32>
      %add3A_262 = arith.addf %add3A_257, %get3A_261 : vector<16xf32>
      %min3A = arith.constant 8.000000e+01 : f32
      %min3A_263 = vector.broadcast %min3A : f32 to vector<16xf32>
      %min3A_264 = arith.minimumf %add3A_262, %min3A_263 : vector<16xf32>
      %exp3A = math.exp %min3A_264 : vector<16xf32>
      %sub3A_265 = arith.constant 1.000000e+00 : f32
      %sub3A_266 = vector.broadcast %sub3A_265 : f32 to vector<16xf32>
      %sub3A_267 = arith.subf %sub3A_266, %exp3A : vector<16xf32>
      %add3A_268 = arith.constant 1.000000e+00 : f32
      %add3A_269 = vector.broadcast %add3A_268 : f32 to vector<16xf32>
      %add3A_270 = arith.addf %add3A_269, %exp3A : vector<16xf32>
      %div3A = arith.divf %sub3A_267, %add3A_270 : vector<16xf32>
      %swap3A_271 = arith.index_cast %add3A_248 : i32 to index
      %swap3A_272 = arith.constant 0 : index
      %swap3A_273 = tpu.vector_load %arg21[%swap3A_271, %swap3A_272] {strides = array<i32>} : memref<32x128xf32, #tpu.memory_space<vmem>>, vector<1x16xf32>,
      %swap3A_274 = vector.shape_cast %swap3A_273 : vector<1x16xf32> to vector<16xf32>
      %swap3A_275 = vector.shape_cast %div3A : vector<16xf32> to vector<1x16xf32>
      tpu.vector_store %arg21[%swap3A_271, %swap3A_272], %swap3A_275 {strides = array<i32>} : memref<32x128xf32, #tpu.memory_space<vmem>>, vector<1x16xf32>,
      %get3A_276 = arith.index_cast %add3A_248 : i32 to index
      %get3A_277 = arith.constant 16 : index
      %get3A_278 = tpu.vector_load %arg15[%get3A_276, %get3A_277] {strides = array<i32>} : memref<32x128xf32, #tpu.memory_space<vmem>>, vector<1x16xf32>,
      %get3A_279 = vector.shape_cast %get3A_278 : vector<1x16xf32> to vector<16xf32>
      %get3A_280 = arith.index_cast %add3A_248 : i32 to index
      %get3A_281 = arith.constant 16 : index
      %get3A_282 = tpu.vector_load %arg17[%get3A_280, %get3A_281] {strides = array<i32>} : memref<32x128xf32, #tpu.memory_space<vmem>>, vector<1x16xf32>,
      %get3A_283 = vector.shape_cast %get3A_282 : vector<1x16xf32> to vector<16xf32>
      %add3A_284 = arith.addf %get3A_279, %get3A_283 : vector<16xf32>
      %get3A_285 = arith.index_cast %add3A_248 : i32 to index
      %get3A_286 = arith.constant 16 : index
      %get3A_287 = tpu.vector_load %arg19[%get3A_285, %get3A_286] {strides = array<i32>} : memref<32x128xf32, #tpu.memory_space<vmem>>, vector<1x16xf32>,
      %get3A_288 = vector.shape_cast %get3A_287 : vector<1x16xf32> to vector<16xf32>
      %add3A_289 = arith.addf %add3A_284, %get3A_288 : vector<16xf32>
      %min3A_290 = arith.constant 8.000000e+01 : f32
      %min3A_291 = vector.broadcast %min3A_290 : f32 to vector<16xf32>
      %min3A_292 = arith.minimumf %add3A_289, %min3A_291 : vector<16xf32>
      %exp3A_293 = math.exp %min3A_292 : vector<16xf32>
      %sub3A_294 = arith.constant 1.000000e+00 : f32
      %sub3A_295 = vector.broadcast %sub3A_294 : f32 to vector<16xf32>
      %sub3A_296 = arith.subf %sub3A_295, %exp3A_293 : vector<16xf32>
      %add3A_297 = arith.constant 1.000000e+00 : f32
      %add3A_298 = vector.broadcast %add3A_297 : f32 to vector<16xf32>
      %add3A_299 = arith.addf %add3A_298, %exp3A_293 : vector<16xf32>
      %div3A_300 = arith.divf %sub3A_296, %add3A_299 : vector<16xf32>
      %swap3A_301 = arith.index_cast %add3A_248 : i32 to index
      %swap3A_302 = arith.constant 16 : index
      %swap3A_303 = tpu.vector_load %arg21[%swap3A_301, %swap3A_302] {strides = array<i32>} : memref<32x128xf32, #tpu.memory_space<vmem>>, vector<1x16xf32>,
      %swap3A_304 = vector.shape_cast %swap3A_303 : vector<1x16xf32> to vector<16xf32>
      %swap3A_305 = vector.shape_cast %div3A_300 : vector<16xf32> to vector<1x16xf32>
      tpu.vector_store %arg21[%swap3A_301, %swap3A_302], %swap3A_305 {strides = array<i32>} : memref<32x128xf32, #tpu.memory_space<vmem>>, vector<1x16xf32>,
      %get3A_306 = arith.index_cast %add3A_248 : i32 to index
      %get3A_307 = arith.constant 32 : index
      %get3A_308 = tpu.vector_load %arg15[%get3A_306, %get3A_307] {strides = array<i32>} : memref<32x128xf32, #tpu.memory_space<vmem>>, vector<1x16xf32>,
      %get3A_309 = vector.shape_cast %get3A_308 : vector<1x16xf32> to vector<16xf32>
      %get3A_310 = arith.index_cast %add3A_248 : i32 to index
      %get3A_311 = arith.constant 32 : index
      %get3A_312 = tpu.vector_load %arg17[%get3A_310, %get3A_311] {strides = array<i32>} : memref<32x128xf32, #tpu.memory_space<vmem>>, vector<1x16xf32>,
      %get3A_313 = vector.shape_cast %get3A_312 : vector<1x16xf32> to vector<16xf32>
      %add3A_314 = arith.addf %get3A_309, %get3A_313 : vector<16xf32>
      %get3A_315 = arith.index_cast %add3A_248 : i32 to index
      %get3A_316 = arith.constant 32 : index
      %get3A_317 = tpu.vector_load %arg19[%get3A_315, %get3A_316] {strides = array<i32>} : memref<32x128xf32, #tpu.memory_space<vmem>>, vector<1x16xf32>,
      %get3A_318 = vector.shape_cast %get3A_317 : vector<1x16xf32> to vector<16xf32>
      %add3A_319 = arith.addf %add3A_314, %get3A_318 : vector<16xf32>
      %min3A_320 = arith.constant 8.000000e+01 : f32
      %min3A_321 = vector.broadcast %min3A_320 : f32 to vector<16xf32>
      %min3A_322 = arith.minimumf %add3A_319, %min3A_321 : vector<16xf32>
      %exp3A_323 = math.exp %min3A_322 : vector<16xf32>
      %sub3A_324 = arith.constant 1.000000e+00 : f32
      %sub3A_325 = vector.broadcast %sub3A_324 : f32 to vector<16xf32>
      %sub3A_326 = arith.subf %sub3A_325, %exp3A_323 : vector<16xf32>
      %add3A_327 = arith.constant 1.000000e+00 : f32
      %add3A_328 = vector.broadcast %add3A_327 : f32 to vector<16xf32>
      %add3A_329 = arith.addf %add3A_328, %exp3A_323 : vector<16xf32>
      %div3A_330 = arith.divf %sub3A_326, %add3A_329 : vector<16xf32>
      %swap3A_331 = arith.index_cast %add3A_248 : i32 to index
      %swap3A_332 = arith.constant 32 : index
      %swap3A_333 = tpu.vector_load %arg21[%swap3A_331, %swap3A_332] {strides = array<i32>} : memref<32x128xf32, #tpu.memory_space<vmem>>, vector<1x16xf32>,
      %swap3A_334 = vector.shape_cast %swap3A_333 : vector<1x16xf32> to vector<16xf32>
      %swap3A_335 = vector.shape_cast %div3A_330 : vector<16xf32> to vector<1x16xf32>
      tpu.vector_store %arg21[%swap3A_331, %swap3A_332], %swap3A_335 {strides = array<i32>} : memref<32x128xf32, #tpu.memory_space<vmem>>, vector<1x16xf32>,
      %get3A_336 = arith.index_cast %add3A_248 : i32 to index
      %get3A_337 = arith.constant 48 : index
      %get3A_338 = tpu.vector_load %arg15[%get3A_336, %get3A_337] {strides = array<i32>} : memref<32x128xf32, #tpu.memory_space<vmem>>, vector<1x16xf32>,
      %get3A_339 = vector.shape_cast %get3A_338 : vector<1x16xf32> to vector<16xf32>
      %get3A_340 = arith.index_cast %add3A_248 : i32 to index
      %get3A_341 = arith.constant 48 : index
      %get3A_342 = tpu.vector_load %arg17[%get3A_340, %get3A_341] {strides = array<i32>} : memref<32x128xf32, #tpu.memory_space<vmem>>, vector<1x16xf32>,
      %get3A_343 = vector.shape_cast %get3A_342 : vector<1x16xf32> to vector<16xf32>
      %add3A_344 = arith.addf %get3A_339, %get3A_343 : vector<16xf32>
      %get3A_345 = arith.index_cast %add3A_248 : i32 to index
      %get3A_346 = arith.constant 48 : index
      %get3A_347 = tpu.vector_load %arg19[%get3A_345, %get3A_346] {strides = array<i32>} : memref<32x128xf32, #tpu.memory_space<vmem>>, vector<1x16xf32>,
      %get3A_348 = vector.shape_cast %get3A_347 : vector<1x16xf32> to vector<16xf32>
      %add3A_349 = arith.addf %add3A_344, %get3A_348 : vector<16xf32>
      %min3A_350 = arith.constant 8.000000e+01 : f32
      %min3A_351 = vector.broadcast %min3A_350 : f32 to vector<16xf32>
      %min3A_352 = arith.minimumf %add3A_349, %min3A_351 : vector<16xf32>
      %exp3A_353 = math.exp %min3A_352 : vector<16xf32>
      %sub3A_354 = arith.constant 1.000000e+00 : f32
      %sub3A_355 = vector.broadcast %sub3A_354 : f32 to vector<16xf32>
      %sub3A_356 = arith.subf %sub3A_355, %exp3A_353 : vector<16xf32>
      %add3A_357 = arith.constant 1.000000e+00 : f32
      %add3A_358 = vector.broadcast %add3A_357 : f32 to vector<16xf32>
      %add3A_359 = arith.addf %add3A_358, %exp3A_353 : vector<16xf32>
      %div3A_360 = arith.divf %sub3A_356, %add3A_359 : vector<16xf32>
      %swap3A_361 = arith.index_cast %add3A_248 : i32 to index
      %swap3A_362 = arith.constant 48 : index
      %swap3A_363 = tpu.vector_load %arg21[%swap3A_361, %swap3A_362] {strides = array<i32>} : memref<32x128xf32, #tpu.memory_space<vmem>>, vector<1x16xf32>,
      %swap3A_364 = vector.shape_cast %swap3A_363 : vector<1x16xf32> to vector<16xf32>
      %swap3A_365 = vector.shape_cast %div3A_360 : vector<16xf32> to vector<1x16xf32>
      tpu.vector_store %arg21[%swap3A_361, %swap3A_362], %swap3A_365 {strides = array<i32>} : memref<32x128xf32, #tpu.memory_space<vmem>>, vector<1x16xf32>,
      %get3A_366 = arith.index_cast %add3A_248 : i32 to index
      %get3A_367 = arith.constant 64 : index
      %get3A_368 = tpu.vector_load %arg15[%get3A_366, %get3A_367] {strides = array<i32>} : memref<32x128xf32, #tpu.memory_space<vmem>>, vector<1x16xf32>,
      %get3A_369 = vector.shape_cast %get3A_368 : vector<1x16xf32> to vector<16xf32>
      %get3A_370 = arith.index_cast %add3A_248 : i32 to index
      %get3A_371 = arith.constant 64 : index
      %get3A_372 = tpu.vector_load %arg17[%get3A_370, %get3A_371] {strides = array<i32>} : memref<32x128xf32, #tpu.memory_space<vmem>>, vector<1x16xf32>,
      %get3A_373 = vector.shape_cast %get3A_372 : vector<1x16xf32> to vector<16xf32>
      %add3A_374 = arith.addf %get3A_369, %get3A_373 : vector<16xf32>
      %get3A_375 = arith.index_cast %add3A_248 : i32 to index
      %get3A_376 = arith.constant 64 : index
      %get3A_377 = tpu.vector_load %arg19[%get3A_375, %get3A_376] {strides = array<i32>} : memref<32x128xf32, #tpu.memory_space<vmem>>, vector<1x16xf32>,
      %get3A_378 = vector.shape_cast %get3A_377 : vector<1x16xf32> to vector<16xf32>
      %add3A_379 = arith.addf %add3A_374, %get3A_378 : vector<16xf32>
      %min3A_380 = arith.constant 8.000000e+01 : f32
      %min3A_381 = vector.broadcast %min3A_380 : f32 to vector<16xf32>
      %min3A_382 = arith.minimumf %add3A_379, %min3A_381 : vector<16xf32>
      %exp3A_383 = math.exp %min3A_382 : vector<16xf32>
      %sub3A_384 = arith.constant 1.000000e+00 : f32
      %sub3A_385 = vector.broadcast %sub3A_384 : f32 to vector<16xf32>
      %sub3A_386 = arith.subf %sub3A_385, %exp3A_383 : vector<16xf32>
      %add3A_387 = arith.constant 1.000000e+00 : f32
      %add3A_388 = vector.broadcast %add3A_387 : f32 to vector<16xf32>
      %add3A_389 = arith.addf %add3A_388, %exp3A_383 : vector<16xf32>
      %div3A_390 = arith.divf %sub3A_386, %add3A_389 : vector<16xf32>
      %swap3A_391 = arith.index_cast %add3A_248 : i32 to index
      %swap3A_392 = arith.constant 64 : index
      %swap3A_393 = tpu.vector_load %arg21[%swap3A_391, %swap3A_392] {strides = array<i32>} : memref<32x128xf32, #tpu.memory_space<vmem>>, vector<1x16xf32>,
      %swap3A_394 = vector.shape_cast %swap3A_393 : vector<1x16xf32> to vector<16xf32>
      %swap3A_395 = vector.shape_cast %div3A_390 : vector<16xf32> to vector<1x16xf32>
      tpu.vector_store %arg21[%swap3A_391, %swap3A_392], %swap3A_395 {strides = array<i32>} : memref<32x128xf32, #tpu.memory_space<vmem>>, vector<1x16xf32>,
      %get3A_396 = arith.index_cast %add3A_248 : i32 to index
      %get3A_397 = arith.constant 80 : index
      %get3A_398 = tpu.vector_load %arg15[%get3A_396, %get3A_397] {strides = array<i32>} : memref<32x128xf32, #tpu.memory_space<vmem>>, vector<1x16xf32>,
      %get3A_399 = vector.shape_cast %get3A_398 : vector<1x16xf32> to vector<16xf32>
      %get3A_400 = arith.index_cast %add3A_248 : i32 to index
      %get3A_401 = arith.constant 80 : index
      %get3A_402 = tpu.vector_load %arg17[%get3A_400, %get3A_401] {strides = array<i32>} : memref<32x128xf32, #tpu.memory_space<vmem>>, vector<1x16xf32>,
      %get3A_403 = vector.shape_cast %get3A_402 : vector<1x16xf32> to vector<16xf32>
      %add3A_404 = arith.addf %get3A_399, %get3A_403 : vector<16xf32>
      %get3A_405 = arith.index_cast %add3A_248 : i32 to index
      %get3A_406 = arith.constant 80 : index
      %get3A_407 = tpu.vector_load %arg19[%get3A_405, %get3A_406] {strides = array<i32>} : memref<32x128xf32, #tpu.memory_space<vmem>>, vector<1x16xf32>,
      %get3A_408 = vector.shape_cast %get3A_407 : vector<1x16xf32> to vector<16xf32>
      %add3A_409 = arith.addf %add3A_404, %get3A_408 : vector<16xf32>
      %min3A_410 = arith.constant 8.000000e+01 : f32
      %min3A_411 = vector.broadcast %min3A_410 : f32 to vector<16xf32>
      %min3A_412 = arith.minimumf %add3A_409, %min3A_411 : vector<16xf32>
      %exp3A_413 = math.exp %min3A_412 : vector<16xf32>
      %sub3A_414 = arith.constant 1.000000e+00 : f32
      %sub3A_415 = vector.broadcast %sub3A_414 : f32 to vector<16xf32>
      %sub3A_416 = arith.subf %sub3A_415, %exp3A_413 : vector<16xf32>
      %add3A_417 = arith.constant 1.000000e+00 : f32
      %add3A_418 = vector.broadcast %add3A_417 : f32 to vector<16xf32>
      %add3A_419 = arith.addf %add3A_418, %exp3A_413 : vector<16xf32>
      %div3A_420 = arith.divf %sub3A_416, %add3A_419 : vector<16xf32>
      %swap3A_421 = arith.index_cast %add3A_248 : i32 to index
      %swap3A_422 = arith.constant 80 : index
      %swap3A_423 = tpu.vector_load %arg21[%swap3A_421, %swap3A_422] {strides = array<i32>} : memref<32x128xf32, #tpu.memory_space<vmem>>, vector<1x16xf32>,
      %swap3A_424 = vector.shape_cast %swap3A_423 : vector<1x16xf32> to vector<16xf32>
      %swap3A_425 = vector.shape_cast %div3A_420 : vector<16xf32> to vector<1x16xf32>
      tpu.vector_store %arg21[%swap3A_421, %swap3A_422], %swap3A_425 {strides = array<i32>} : memref<32x128xf32, #tpu.memory_space<vmem>>, vector<1x16xf32>,
      %get3A_426 = arith.index_cast %add3A_248 : i32 to index
      %get3A_427 = arith.constant 96 : index
      %get3A_428 = tpu.vector_load %arg15[%get3A_426, %get3A_427] {strides = array<i32>} : memref<32x128xf32, #tpu.memory_space<vmem>>, vector<1x16xf32>,
      %get3A_429 = vector.shape_cast %get3A_428 : vector<1x16xf32> to vector<16xf32>
      %get3A_430 = arith.index_cast %add3A_248 : i32 to index
      %get3A_431 = arith.constant 96 : index
      %get3A_432 = tpu.vector_load %arg17[%get3A_430, %get3A_431] {strides = array<i32>} : memref<32x128xf32, #tpu.memory_space<vmem>>, vector<1x16xf32>,
      %get3A_433 = vector.shape_cast %get3A_432 : vector<1x16xf32> to vector<16xf32>
      %add3A_434 = arith.addf %get3A_429, %get3A_433 : vector<16xf32>
      %get3A_435 = arith.index_cast %add3A_248 : i32 to index
      %get3A_436 = arith.constant 96 : index
      %get3A_437 = tpu.vector_load %arg19[%get3A_435, %get3A_436] {strides = array<i32>} : memref<32x128xf32, #tpu.memory_space<vmem>>, vector<1x16xf32>,
      %get3A_438 = vector.shape_cast %get3A_437 : vector<1x16xf32> to vector<16xf32>
      %add3A_439 = arith.addf %add3A_434, %get3A_438 : vector<16xf32>
      %min3A_440 = arith.constant 8.000000e+01 : f32
      %min3A_441 = vector.broadcast %min3A_440 : f32 to vector<16xf32>
      %min3A_442 = arith.minimumf %add3A_439, %min3A_441 : vector<16xf32>
      %exp3A_443 = math.exp %min3A_442 : vector<16xf32>
      %sub3A_444 = arith.constant 1.000000e+00 : f32
      %sub3A_445 = vector.broadcast %sub3A_444 : f32 to vector<16xf32>
      %sub3A_446 = arith.subf %sub3A_445, %exp3A_443 : vector<16xf32>
      %add3A_447 = arith.constant 1.000000e+00 : f32
      %add3A_448 = vector.broadcast %add3A_447 : f32 to vector<16xf32>
      %add3A_449 = arith.addf %add3A_448, %exp3A_443 : vector<16xf32>
      %div3A_450 = arith.divf %sub3A_446, %add3A_449 : vector<16xf32>
      %swap3A_451 = arith.index_cast %add3A_248 : i32 to index
      %swap3A_452 = arith.constant 96 : index
      %swap3A_453 = tpu.vector_load %arg21[%swap3A_451, %swap3A_452] {strides = array<i32>} : memref<32x128xf32, #tpu.memory_space<vmem>>, vector<1x16xf32>,
      %swap3A_454 = vector.shape_cast %swap3A_453 : vector<1x16xf32> to vector<16xf32>
      %swap3A_455 = vector.shape_cast %div3A_450 : vector<16xf32> to vector<1x16xf32>
      tpu.vector_store %arg21[%swap3A_451, %swap3A_452], %swap3A_455 {strides = array<i32>} : memref<32x128xf32, #tpu.memory_space<vmem>>, vector<1x16xf32>,
      %get3A_456 = arith.index_cast %add3A_248 : i32 to index
      %get3A_457 = arith.constant 112 : index
      %get3A_458 = tpu.vector_load %arg15[%get3A_456, %get3A_457] {strides = array<i32>} : memref<32x128xf32, #tpu.memory_space<vmem>>, vector<1x16xf32>,
      %get3A_459 = vector.shape_cast %get3A_458 : vector<1x16xf32> to vector<16xf32>
      %get3A_460 = arith.index_cast %add3A_248 : i32 to index
      %get3A_461 = arith.constant 112 : index
      %get3A_462 = tpu.vector_load %arg17[%get3A_460, %get3A_461] {strides = array<i32>} : memref<32x128xf32, #tpu.memory_space<vmem>>, vector<1x16xf32>,
      %get3A_463 = vector.shape_cast %get3A_462 : vector<1x16xf32> to vector<16xf32>
      %add3A_464 = arith.addf %get3A_459, %get3A_463 : vector<16xf32>
      %get3A_465 = arith.index_cast %add3A_248 : i32 to index
      %get3A_466 = arith.constant 112 : index
      %get3A_467 = tpu.vector_load %arg19[%get3A_465, %get3A_466] {strides = array<i32>} : memref<32x128xf32, #tpu.memory_space<vmem>>, vector<1x16xf32>,
      %get3A_468 = vector.shape_cast %get3A_467 : vector<1x16xf32> to vector<16xf32>
      %add3A_469 = arith.addf %add3A_464, %get3A_468 : vector<16xf32>
      %min3A_470 = arith.constant 8.000000e+01 : f32
      %min3A_471 = vector.broadcast %min3A_470 : f32 to vector<16xf32>
      %min3A_472 = arith.minimumf %add3A_469, %min3A_471 : vector<16xf32>
      %exp3A_473 = math.exp %min3A_472 : vector<16xf32>
      %sub3A_474 = arith.constant 1.000000e+00 : f32
      %sub3A_475 = vector.broadcast %sub3A_474 : f32 to vector<16xf32>
      %sub3A_476 = arith.subf %sub3A_475, %exp3A_473 : vector<16xf32>
      %add3A_477 = arith.constant 1.000000e+00 : f32
      %add3A_478 = vector.broadcast %add3A_477 : f32 to vector<16xf32>
      %add3A_479 = arith.addf %add3A_478, %exp3A_473 : vector<16xf32>
      %div3A_480 = arith.divf %sub3A_476, %add3A_479 : vector<16xf32>
      %swap3A_481 = arith.index_cast %add3A_248 : i32 to index
      %swap3A_482 = arith.constant 112 : index
      %swap3A_483 = tpu.vector_load %arg21[%swap3A_481, %swap3A_482] {strides = array<i32>} : memref<32x128xf32, #tpu.memory_space<vmem>>, vector<1x16xf32>,
      %swap3A_484 = vector.shape_cast %swap3A_483 : vector<1x16xf32> to vector<16xf32>
      %swap3A_485 = vector.shape_cast %div3A_480 : vector<16xf32> to vector<1x16xf32>
      tpu.vector_store %arg21[%swap3A_481, %swap3A_482], %swap3A_485 {strides = array<i32>} : memref<32x128xf32, #tpu.memory_space<vmem>>, vector<1x16xf32>,
      %mul3A_486 = arith.constant 2 : i32
      %mul3A_487 = arith.muli %scan3A_243, %mul3A_486 : i32
      %add3A_488 = arith.constant 1 : i32
      %add3A_489 = arith.addi %mul3A_487, %add3A_488 : i32
      %get3A_490 = arith.index_cast %add3A_489 : i32 to index
      %get3A_491 = arith.constant 0 : index
      %get3A_492 = tpu.vector_load %arg15[%get3A_490, %get3A_491] {strides = array<i32>} : memref<32x128xf32, #tpu.memory_space<vmem>>, vector<1x16xf32>,
      %get3A_493 = vector.shape_cast %get3A_492 : vector<1x16xf32> to vector<16xf32>
      %get3A_494 = arith.index_cast %add3A_489 : i32 to index
      %get3A_495 = arith.constant 0 : index
      %get3A_496 = tpu.vector_load %arg17[%get3A_494, %get3A_495] {strides = array<i32>} : memref<32x128xf32, #tpu.memory_space<vmem>>, vector<1x16xf32>,
      %get3A_497 = vector.shape_cast %get3A_496 : vector<1x16xf32> to vector<16xf32>
      %add3A_498 = arith.addf %get3A_493, %get3A_497 : vector<16xf32>
      %get3A_499 = arith.index_cast %add3A_489 : i32 to index
      %get3A_500 = arith.constant 0 : index
      %get3A_501 = tpu.vector_load %arg19[%get3A_499, %get3A_500] {strides = array<i32>} : memref<32x128xf32, #tpu.memory_space<vmem>>, vector<1x16xf32>,
      %get3A_502 = vector.shape_cast %get3A_501 : vector<1x16xf32> to vector<16xf32>
      %add3A_503 = arith.addf %add3A_498, %get3A_502 : vector<16xf32>
      %min3A_504 = arith.constant 8.000000e+01 : f32
      %min3A_505 = vector.broadcast %min3A_504 : f32 to vector<16xf32>
      %min3A_506 = arith.minimumf %add3A_503, %min3A_505 : vector<16xf32>
      %exp3A_507 = math.exp %min3A_506 : vector<16xf32>
      %sub3A_508 = arith.constant 1.000000e+00 : f32
      %sub3A_509 = vector.broadcast %sub3A_508 : f32 to vector<16xf32>
      %sub3A_510 = arith.subf %sub3A_509, %exp3A_507 : vector<16xf32>
      %add3A_511 = arith.constant 1.000000e+00 : f32
      %add3A_512 = vector.broadcast %add3A_511 : f32 to vector<16xf32>
      %add3A_513 = arith.addf %add3A_512, %exp3A_507 : vector<16xf32>
      %div3A_514 = arith.divf %sub3A_510, %add3A_513 : vector<16xf32>
      %swap3A_515 = arith.index_cast %add3A_489 : i32 to index
      %swap3A_516 = arith.constant 0 : index
      %swap3A_517 = tpu.vector_load %arg21[%swap3A_515, %swap3A_516] {strides = array<i32>} : memref<32x128xf32, #tpu.memory_space<vmem>>, vector<1x16xf32>,
      %swap3A_518 = vector.shape_cast %swap3A_517 : vector<1x16xf32> to vector<16xf32>
      %swap3A_519 = vector.shape_cast %div3A_514 : vector<16xf32> to vector<1x16xf32>
      tpu.vector_store %arg21[%swap3A_515, %swap3A_516], %swap3A_519 {strides = array<i32>} : memref<32x128xf32, #tpu.memory_space<vmem>>, vector<1x16xf32>,
      %get3A_520 = arith.index_cast %add3A_489 : i32 to index
      %get3A_521 = arith.constant 16 : index
      %get3A_522 = tpu.vector_load %arg15[%get3A_520, %get3A_521] {strides = array<i32>} : memref<32x128xf32, #tpu.memory_space<vmem>>, vector<1x16xf32>,
      %get3A_523 = vector.shape_cast %get3A_522 : vector<1x16xf32> to vector<16xf32>
      %get3A_524 = arith.index_cast %add3A_489 : i32 to index
      %get3A_525 = arith.constant 16 : index
      %get3A_526 = tpu.vector_load %arg17[%get3A_524, %get3A_525] {strides = array<i32>} : memref<32x128xf32, #tpu.memory_space<vmem>>, vector<1x16xf32>,
      %get3A_527 = vector.shape_cast %get3A_526 : vector<1x16xf32> to vector<16xf32>
      %add3A_528 = arith.addf %get3A_523, %get3A_527 : vector<16xf32>
      %get3A_529 = arith.index_cast %add3A_489 : i32 to index
      %get3A_530 = arith.constant 16 : index
      %get3A_531 = tpu.vector_load %arg19[%get3A_529, %get3A_530] {strides = array<i32>} : memref<32x128xf32, #tpu.memory_space<vmem>>, vector<1x16xf32>,
      %get3A_532 = vector.shape_cast %get3A_531 : vector<1x16xf32> to vector<16xf32>
      %add3A_533 = arith.addf %add3A_528, %get3A_532 : vector<16xf32>
      %min3A_534 = arith.constant 8.000000e+01 : f32
      %min3A_535 = vector.broadcast %min3A_534 : f32 to vector<16xf32>
      %min3A_536 = arith.minimumf %add3A_533, %min3A_535 : vector<16xf32>
      %exp3A_537 = math.exp %min3A_536 : vector<16xf32>
      %sub3A_538 = arith.constant 1.000000e+00 : f32
      %sub3A_539 = vector.broadcast %sub3A_538 : f32 to vector<16xf32>
      %sub3A_540 = arith.subf %sub3A_539, %exp3A_537 : vector<16xf32>
      %add3A_541 = arith.constant 1.000000e+00 : f32
      %add3A_542 = vector.broadcast %add3A_541 : f32 to vector<16xf32>
      %add3A_543 = arith.addf %add3A_542, %exp3A_537 : vector<16xf32>
      %div3A_544 = arith.divf %sub3A_540, %add3A_543 : vector<16xf32>
      %swap3A_545 = arith.index_cast %add3A_489 : i32 to index
      %swap3A_546 = arith.constant 16 : index
      %swap3A_547 = tpu.vector_load %arg21[%swap3A_545, %swap3A_546] {strides = array<i32>} : memref<32x128xf32, #tpu.memory_space<vmem>>, vector<1x16xf32>,
      %swap3A_548 = vector.shape_cast %swap3A_547 : vector<1x16xf32> to vector<16xf32>
      %swap3A_549 = vector.shape_cast %div3A_544 : vector<16xf32> to vector<1x16xf32>
      tpu.vector_store %arg21[%swap3A_545, %swap3A_546], %swap3A_549 {strides = array<i32>} : memref<32x128xf32, #tpu.memory_space<vmem>>, vector<1x16xf32>,
      %get3A_550 = arith.index_cast %add3A_489 : i32 to index
      %get3A_551 = arith.constant 32 : index
      %get3A_552 = tpu.vector_load %arg15[%get3A_550, %get3A_551] {strides = array<i32>} : memref<32x128xf32, #tpu.memory_space<vmem>>, vector<1x16xf32>,
      %get3A_553 = vector.shape_cast %get3A_552 : vector<1x16xf32> to vector<16xf32>
      %get3A_554 = arith.index_cast %add3A_489 : i32 to index
      %get3A_555 = arith.constant 32 : index
      %get3A_556 = tpu.vector_load %arg17[%get3A_554, %get3A_555] {strides = array<i32>} : memref<32x128xf32, #tpu.memory_space<vmem>>, vector<1x16xf32>,
      %get3A_557 = vector.shape_cast %get3A_556 : vector<1x16xf32> to vector<16xf32>
      %add3A_558 = arith.addf %get3A_553, %get3A_557 : vector<16xf32>
      %get3A_559 = arith.index_cast %add3A_489 : i32 to index
      %get3A_560 = arith.constant 32 : index
      %get3A_561 = tpu.vector_load %arg19[%get3A_559, %get3A_560] {strides = array<i32>} : memref<32x128xf32, #tpu.memory_space<vmem>>, vector<1x16xf32>,
      %get3A_562 = vector.shape_cast %get3A_561 : vector<1x16xf32> to vector<16xf32>
      %add3A_563 = arith.addf %add3A_558, %get3A_562 : vector<16xf32>
      %min3A_564 = arith.constant 8.000000e+01 : f32
      %min3A_565 = vector.broadcast %min3A_564 : f32 to vector<16xf32>
      %min3A_566 = arith.minimumf %add3A_563, %min3A_565 : vector<16xf32>
      %exp3A_567 = math.exp %min3A_566 : vector<16xf32>
      %sub3A_568 = arith.constant 1.000000e+00 : f32
      %sub3A_569 = vector.broadcast %sub3A_568 : f32 to vector<16xf32>
      %sub3A_570 = arith.subf %sub3A_569, %exp3A_567 : vector<16xf32>
      %add3A_571 = arith.constant 1.000000e+00 : f32
      %add3A_572 = vector.broadcast %add3A_571 : f32 to vector<16xf32>
      %add3A_573 = arith.addf %add3A_572, %exp3A_567 : vector<16xf32>
      %div3A_574 = arith.divf %sub3A_570, %add3A_573 : vector<16xf32>
      %swap3A_575 = arith.index_cast %add3A_489 : i32 to index
      %swap3A_576 = arith.constant 32 : index
      %swap3A_577 = tpu.vector_load %arg21[%swap3A_575, %swap3A_576] {strides = array<i32>} : memref<32x128xf32, #tpu.memory_space<vmem>>, vector<1x16xf32>,
      %swap3A_578 = vector.shape_cast %swap3A_577 : vector<1x16xf32> to vector<16xf32>
      %swap3A_579 = vector.shape_cast %div3A_574 : vector<16xf32> to vector<1x16xf32>
      tpu.vector_store %arg21[%swap3A_575, %swap3A_576], %swap3A_579 {strides = array<i32>} : memref<32x128xf32, #tpu.memory_space<vmem>>, vector<1x16xf32>,
      %get3A_580 = arith.index_cast %add3A_489 : i32 to index
      %get3A_581 = arith.constant 48 : index
      %get3A_582 = tpu.vector_load %arg15[%get3A_580, %get3A_581] {strides = array<i32>} : memref<32x128xf32, #tpu.memory_space<vmem>>, vector<1x16xf32>,
      %get3A_583 = vector.shape_cast %get3A_582 : vector<1x16xf32> to vector<16xf32>
      %get3A_584 = arith.index_cast %add3A_489 : i32 to index
      %get3A_585 = arith.constant 48 : index
      %get3A_586 = tpu.vector_load %arg17[%get3A_584, %get3A_585] {strides = array<i32>} : memref<32x128xf32, #tpu.memory_space<vmem>>, vector<1x16xf32>,
      %get3A_587 = vector.shape_cast %get3A_586 : vector<1x16xf32> to vector<16xf32>
      %add3A_588 = arith.addf %get3A_583, %get3A_587 : vector<16xf32>
      %get3A_589 = arith.index_cast %add3A_489 : i32 to index
      %get3A_590 = arith.constant 48 : index
      %get3A_591 = tpu.vector_load %arg19[%get3A_589, %get3A_590] {strides = array<i32>} : memref<32x128xf32, #tpu.memory_space<vmem>>, vector<1x16xf32>,
      %get3A_592 = vector.shape_cast %get3A_591 : vector<1x16xf32> to vector<16xf32>
      %add3A_593 = arith.addf %add3A_588, %get3A_592 : vector<16xf32>
      %min3A_594 = arith.constant 8.000000e+01 : f32
      %min3A_595 = vector.broadcast %min3A_594 : f32 to vector<16xf32>
      %min3A_596 = arith.minimumf %add3A_593, %min3A_595 : vector<16xf32>
      %exp3A_597 = math.exp %min3A_596 : vector<16xf32>
      %sub3A_598 = arith.constant 1.000000e+00 : f32
      %sub3A_599 = vector.broadcast %sub3A_598 : f32 to vector<16xf32>
      %sub3A_600 = arith.subf %sub3A_599, %exp3A_597 : vector<16xf32>
      %add3A_601 = arith.constant 1.000000e+00 : f32
      %add3A_602 = vector.broadcast %add3A_601 : f32 to vector<16xf32>
      %add3A_603 = arith.addf %add3A_602, %exp3A_597 : vector<16xf32>
      %div3A_604 = arith.divf %sub3A_600, %add3A_603 : vector<16xf32>
      %swap3A_605 = arith.index_cast %add3A_489 : i32 to index
      %swap3A_606 = arith.constant 48 : index
      %swap3A_607 = tpu.vector_load %arg21[%swap3A_605, %swap3A_606] {strides = array<i32>} : memref<32x128xf32, #tpu.memory_space<vmem>>, vector<1x16xf32>,
      %swap3A_608 = vector.shape_cast %swap3A_607 : vector<1x16xf32> to vector<16xf32>
      %swap3A_609 = vector.shape_cast %div3A_604 : vector<16xf32> to vector<1x16xf32>
      tpu.vector_store %arg21[%swap3A_605, %swap3A_606], %swap3A_609 {strides = array<i32>} : memref<32x128xf32, #tpu.memory_space<vmem>>, vector<1x16xf32>,
      %get3A_610 = arith.index_cast %add3A_489 : i32 to index
      %get3A_611 = arith.constant 64 : index
      %get3A_612 = tpu.vector_load %arg15[%get3A_610, %get3A_611] {strides = array<i32>} : memref<32x128xf32, #tpu.memory_space<vmem>>, vector<1x16xf32>,
      %get3A_613 = vector.shape_cast %get3A_612 : vector<1x16xf32> to vector<16xf32>
      %get3A_614 = arith.index_cast %add3A_489 : i32 to index
      %get3A_615 = arith.constant 64 : index
      %get3A_616 = tpu.vector_load %arg17[%get3A_614, %get3A_615] {strides = array<i32>} : memref<32x128xf32, #tpu.memory_space<vmem>>, vector<1x16xf32>,
      %get3A_617 = vector.shape_cast %get3A_616 : vector<1x16xf32> to vector<16xf32>
      %add3A_618 = arith.addf %get3A_613, %get3A_617 : vector<16xf32>
      %get3A_619 = arith.index_cast %add3A_489 : i32 to index
      %get3A_620 = arith.constant 64 : index
      %get3A_621 = tpu.vector_load %arg19[%get3A_619, %get3A_620] {strides = array<i32>} : memref<32x128xf32, #tpu.memory_space<vmem>>, vector<1x16xf32>,
      %get3A_622 = vector.shape_cast %get3A_621 : vector<1x16xf32> to vector<16xf32>
      %add3A_623 = arith.addf %add3A_618, %get3A_622 : vector<16xf32>
      %min3A_624 = arith.constant 8.000000e+01 : f32
      %min3A_625 = vector.broadcast %min3A_624 : f32 to vector<16xf32>
      %min3A_626 = arith.minimumf %add3A_623, %min3A_625 : vector<16xf32>
      %exp3A_627 = math.exp %min3A_626 : vector<16xf32>
      %sub3A_628 = arith.constant 1.000000e+00 : f32
      %sub3A_629 = vector.broadcast %sub3A_628 : f32 to vector<16xf32>
      %sub3A_630 = arith.subf %sub3A_629, %exp3A_627 : vector<16xf32>
      %add3A_631 = arith.constant 1.000000e+00 : f32
      %add3A_632 = vector.broadcast %add3A_631 : f32 to vector<16xf32>
      %add3A_633 = arith.addf %add3A_632, %exp3A_627 : vector<16xf32>
      %div3A_634 = arith.divf %sub3A_630, %add3A_633 : vector<16xf32>
      %swap3A_635 = arith.index_cast %add3A_489 : i32 to index
      %swap3A_636 = arith.constant 64 : index
      %swap3A_637 = tpu.vector_load %arg21[%swap3A_635, %swap3A_636] {strides = array<i32>} : memref<32x128xf32, #tpu.memory_space<vmem>>, vector<1x16xf32>,
      %swap3A_638 = vector.shape_cast %swap3A_637 : vector<1x16xf32> to vector<16xf32>
      %swap3A_639 = vector.shape_cast %div3A_634 : vector<16xf32> to vector<1x16xf32>
      tpu.vector_store %arg21[%swap3A_635, %swap3A_636], %swap3A_639 {strides = array<i32>} : memref<32x128xf32, #tpu.memory_space<vmem>>, vector<1x16xf32>,
      %get3A_640 = arith.index_cast %add3A_489 : i32 to index
      %get3A_641 = arith.constant 80 : index
      %get3A_642 = tpu.vector_load %arg15[%get3A_640, %get3A_641] {strides = array<i32>} : memref<32x128xf32, #tpu.memory_space<vmem>>, vector<1x16xf32>,
      %get3A_643 = vector.shape_cast %get3A_642 : vector<1x16xf32> to vector<16xf32>
      %get3A_644 = arith.index_cast %add3A_489 : i32 to index
      %get3A_645 = arith.constant 80 : index
      %get3A_646 = tpu.vector_load %arg17[%get3A_644, %get3A_645] {strides = array<i32>} : memref<32x128xf32, #tpu.memory_space<vmem>>, vector<1x16xf32>,
      %get3A_647 = vector.shape_cast %get3A_646 : vector<1x16xf32> to vector<16xf32>
      %add3A_648 = arith.addf %get3A_643, %get3A_647 : vector<16xf32>
      %get3A_649 = arith.index_cast %add3A_489 : i32 to index
      %get3A_650 = arith.constant 80 : index
      %get3A_651 = tpu.vector_load %arg19[%get3A_649, %get3A_650] {strides = array<i32>} : memref<32x128xf32, #tpu.memory_space<vmem>>, vector<1x16xf32>,
      %get3A_652 = vector.shape_cast %get3A_651 : vector<1x16xf32> to vector<16xf32>
      %add3A_653 = arith.addf %add3A_648, %get3A_652 : vector<16xf32>
      %min3A_654 = arith.constant 8.000000e+01 : f32
      %min3A_655 = vector.broadcast %min3A_654 : f32 to vector<16xf32>
      %min3A_656 = arith.minimumf %add3A_653, %min3A_655 : vector<16xf32>
      %exp3A_657 = math.exp %min3A_656 : vector<16xf32>
      %sub3A_658 = arith.constant 1.000000e+00 : f32
      %sub3A_659 = vector.broadcast %sub3A_658 : f32 to vector<16xf32>
      %sub3A_660 = arith.subf %sub3A_659, %exp3A_657 : vector<16xf32>
      %add3A_661 = arith.constant 1.000000e+00 : f32
      %add3A_662 = vector.broadcast %add3A_661 : f32 to vector<16xf32>
      %add3A_663 = arith.addf %add3A_662, %exp3A_657 : vector<16xf32>
      %div3A_664 = arith.divf %sub3A_660, %add3A_663 : vector<16xf32>
      %swap3A_665 = arith.index_cast %add3A_489 : i32 to index
      %swap3A_666 = arith.constant 80 : index
      %swap3A_667 = tpu.vector_load %arg21[%swap3A_665, %swap3A_666] {strides = array<i32>} : memref<32x128xf32, #tpu.memory_space<vmem>>, vector<1x16xf32>,
      %swap3A_668 = vector.shape_cast %swap3A_667 : vector<1x16xf32> to vector<16xf32>
      %swap3A_669 = vector.shape_cast %div3A_664 : vector<16xf32> to vector<1x16xf32>
      tpu.vector_store %arg21[%swap3A_665, %swap3A_666], %swap3A_669 {strides = array<i32>} : memref<32x128xf32, #tpu.memory_space<vmem>>, vector<1x16xf32>,
      %get3A_670 = arith.index_cast %add3A_489 : i32 to index
      %get3A_671 = arith.constant 96 : index
      %get3A_672 = tpu.vector_load %arg15[%get3A_670, %get3A_671] {strides = array<i32>} : memref<32x128xf32, #tpu.memory_space<vmem>>, vector<1x16xf32>,
      %get3A_673 = vector.shape_cast %get3A_672 : vector<1x16xf32> to vector<16xf32>
      %get3A_674 = arith.index_cast %add3A_489 : i32 to index
      %get3A_675 = arith.constant 96 : index
      %get3A_676 = tpu.vector_load %arg17[%get3A_674, %get3A_675] {strides = array<i32>} : memref<32x128xf32, #tpu.memory_space<vmem>>, vector<1x16xf32>,
      %get3A_677 = vector.shape_cast %get3A_676 : vector<1x16xf32> to vector<16xf32>
      %add3A_678 = arith.addf %get3A_673, %get3A_677 : vector<16xf32>
      %get3A_679 = arith.index_cast %add3A_489 : i32 to index
      %get3A_680 = arith.constant 96 : index
      %get3A_681 = tpu.vector_load %arg19[%get3A_679, %get3A_680] {strides = array<i32>} : memref<32x128xf32, #tpu.memory_space<vmem>>, vector<1x16xf32>,
      %get3A_682 = vector.shape_cast %get3A_681 : vector<1x16xf32> to vector<16xf32>
      %add3A_683 = arith.addf %add3A_678, %get3A_682 : vector<16xf32>
      %min3A_684 = arith.constant 8.000000e+01 : f32
      %min3A_685 = vector.broadcast %min3A_684 : f32 to vector<16xf32>
      %min3A_686 = arith.minimumf %add3A_683, %min3A_685 : vector<16xf32>
      %exp3A_687 = math.exp %min3A_686 : vector<16xf32>
      %sub3A_688 = arith.constant 1.000000e+00 : f32
      %sub3A_689 = vector.broadcast %sub3A_688 : f32 to vector<16xf32>
      %sub3A_690 = arith.subf %sub3A_689, %exp3A_687 : vector<16xf32>
      %add3A_691 = arith.constant 1.000000e+00 : f32
      %add3A_692 = vector.broadcast %add3A_691 : f32 to vector<16xf32>
      %add3A_693 = arith.addf %add3A_692, %exp3A_687 : vector<16xf32>
      %div3A_694 = arith.divf %sub3A_690, %add3A_693 : vector<16xf32>
      %swap3A_695 = arith.index_cast %add3A_489 : i32 to index
      %swap3A_696 = arith.constant 96 : index
      %swap3A_697 = tpu.vector_load %arg21[%swap3A_695, %swap3A_696] {strides = array<i32>} : memref<32x128xf32, #tpu.memory_space<vmem>>, vector<1x16xf32>,
      %swap3A_698 = vector.shape_cast %swap3A_697 : vector<1x16xf32> to vector<16xf32>
      %swap3A_699 = vector.shape_cast %div3A_694 : vector<16xf32> to vector<1x16xf32>
      tpu.vector_store %arg21[%swap3A_695, %swap3A_696], %swap3A_699 {strides = array<i32>} : memref<32x128xf32, #tpu.memory_space<vmem>>, vector<1x16xf32>,
      %get3A_700 = arith.index_cast %add3A_489 : i32 to index
      %get3A_701 = arith.constant 112 : index
      %get3A_702 = tpu.vector_load %arg15[%get3A_700, %get3A_701] {strides = array<i32>} : memref<32x128xf32, #tpu.memory_space<vmem>>, vector<1x16xf32>,
      %get3A_703 = vector.shape_cast %get3A_702 : vector<1x16xf32> to vector<16xf32>
      %get3A_704 = arith.index_cast %add3A_489 : i32 to index
      %get3A_705 = arith.constant 112 : index
      %get3A_706 = tpu.vector_load %arg17[%get3A_704, %get3A_705] {strides = array<i32>} : memref<32x128xf32, #tpu.memory_space<vmem>>, vector<1x16xf32>,
      %get3A_707 = vector.shape_cast %get3A_706 : vector<1x16xf32> to vector<16xf32>
      %add3A_708 = arith.addf %get3A_703, %get3A_707 : vector<16xf32>
      %get3A_709 = arith.index_cast %add3A_489 : i32 to index
      %get3A_710 = arith.constant 112 : index
      %get3A_711 = tpu.vector_load %arg19[%get3A_709, %get3A_710] {strides = array<i32>} : memref<32x128xf32, #tpu.memory_space<vmem>>, vector<1x16xf32>,
      %get3A_712 = vector.shape_cast %get3A_711 : vector<1x16xf32> to vector<16xf32>
      %add3A_713 = arith.addf %add3A_708, %get3A_712 : vector<16xf32>
      %min3A_714 = arith.constant 8.000000e+01 : f32
      %min3A_715 = vector.broadcast %min3A_714 : f32 to vector<16xf32>
      %min3A_716 = arith.minimumf %add3A_713, %min3A_715 : vector<16xf32>
      %exp3A_717 = math.exp %min3A_716 : vector<16xf32>
      %sub3A_718 = arith.constant 1.000000e+00 : f32
      %sub3A_719 = vector.broadcast %sub3A_718 : f32 to vector<16xf32>
      %sub3A_720 = arith.subf %sub3A_719, %exp3A_717 : vector<16xf32>
      %add3A_721 = arith.constant 1.000000e+00 : f32
      %add3A_722 = vector.broadcast %add3A_721 : f32 to vector<16xf32>
      %add3A_723 = arith.addf %add3A_722, %exp3A_717 : vector<16xf32>
      %div3A_724 = arith.divf %sub3A_720, %add3A_723 : vector<16xf32>
      %swap3A_725 = arith.index_cast %add3A_489 : i32 to index
      %swap3A_726 = arith.constant 112 : index
      %swap3A_727 = tpu.vector_load %arg21[%swap3A_725, %swap3A_726] {strides = array<i32>} : memref<32x128xf32, #tpu.memory_space<vmem>>, vector<1x16xf32>,
      %swap3A_728 = vector.shape_cast %swap3A_727 : vector<1x16xf32> to vector<16xf32>
      %swap3A_729 = vector.shape_cast %div3A_724 : vector<16xf32> to vector<1x16xf32>
      tpu.vector_store %arg21[%swap3A_725, %swap3A_726], %swap3A_729 {strides = array<i32>} : memref<32x128xf32, #tpu.memory_space<vmem>>, vector<1x16xf32>,
      %scan3A_730 = arith.constant 0 : i32
      scf.yield %scan3A_730 : i32
    }
    %scan3A_162 = arith.constant 16 : i32
    %and3A_163 = arith.constant 624 : i32
    %and3A_164 = arith.constant 3 : i32
    %and3A_165 = arith.andi %and3A_163, %and3A_164 : i32
    %dma_start3A_166 = arith.constant 0 : i32
    %dma_start3A_167 = tpu.memref_slice %arg14[%and3A_165, %dma_start3A_166] : memref<4x32xi32, #tpu.memory_space<vmem>> -> memref<1x32xi32, #tpu.memory_space<vmem>>
    %dma_start3A_168 = tpu.memref_squeeze %dma_start3A_167 : memref<1x32xi32, #tpu.memory_space<vmem>> -> memref<32xi32, #tpu.memory_space<vmem>>
    %dma_start3A_169 = arith.constant 0 : i32
    %dma_start3A_170 = arith.constant 0 : i32
    %dma_start3A_171 = tpu.memref_slice %arg24[%dma_start3A_169, %dma_start3A_170] : memref<5040x128xf32, #tpu.memory_space<vmem_shared>> -> memref<5040x128xf32, #tpu.memory_space<vmem_shared>>
    tpu.enqueue_indirect_dma source(%arg21 : memref<32x128xf32, #tpu.memory_space<vmem>>) target(%dma_start3A_171 : memref<5040x128xf32, #tpu.memory_space<vmem_shared>>) offsets(%dma_start3A_168 : memref<32xi32, #tpu.memory_space<vmem>>) semaphore(%arg27 : memref<!tpu.dma_semaphore, #tpu.memory_space<semaphore_mem>>) {add = true}
    %dma_wait3A_172 = arith.constant 0 : i32
    %dma_wait3A_173 = arith.constant 0 : i32
    %dma_wait3A_174 = tpu.memref_slice %arg14[%dma_wait3A_172, %dma_wait3A_173] : memref<4x32xi32, #tpu.memory_space<vmem>> -> memref<1x32xi32, #tpu.memory_space<vmem>>
    %dma_wait3A_175 = tpu.memref_squeeze %dma_wait3A_174 : memref<1x32xi32, #tpu.memory_space<vmem>> -> memref<32xi32, #tpu.memory_space<vmem>>
    %dma_wait3A_176 = arith.constant 0 : i32
    %dma_wait3A_177 = arith.constant 0 : i32
    %dma_wait3A_178 = tpu.memref_slice %arg24[%dma_wait3A_176, %dma_wait3A_177] : memref<5040x128xf32, #tpu.memory_space<vmem_shared>> -> memref<5040x128xf32, #tpu.memory_space<vmem_shared>>
    tpu.wait_indirect_dma semaphore(%arg27 : memref<!tpu.dma_semaphore, #tpu.memory_space<semaphore_mem>>) src(%arg21 : memref<32x128xf32, #tpu.memory_space<vmem>>) dst(%dma_wait3A_178 : memref<5040x128xf32, #tpu.memory_space<vmem_shared>>)
    %dma_wait3A_179 = arith.constant 0 : i32
    %dma_wait3A_180 = arith.constant 0 : i32
    %dma_wait3A_181 = tpu.memref_slice %arg14[%dma_wait3A_179, %dma_wait3A_180] : memref<4x32xi32, #tpu.memory_space<vmem>> -> memref<1x32xi32, #tpu.memory_space<vmem>>
    %dma_wait3A_182 = tpu.memref_squeeze %dma_wait3A_181 : memref<1x32xi32, #tpu.memory_space<vmem>> -> memref<32xi32, #tpu.memory_space<vmem>>
    %dma_wait3A_183 = arith.constant 0 : i32
    %dma_wait3A_184 = arith.constant 0 : i32
    %dma_wait3A_185 = tpu.memref_slice %arg24[%dma_wait3A_183, %dma_wait3A_184] : memref<5040x128xf32, #tpu.memory_space<vmem_shared>> -> memref<5040x128xf32, #tpu.memory_space<vmem_shared>>
    tpu.wait_indirect_dma semaphore(%arg28 : memref<!tpu.dma_semaphore, #tpu.memory_space<semaphore_mem>>) src(%arg22 : memref<32x128xf32, #tpu.memory_space<vmem>>) dst(%dma_wait3A_185 : memref<5040x128xf32, #tpu.memory_space<vmem_shared>>)
    %barrier3A_186 = arith.constant 0 : index
    tpu.barrier barrier_id(%barrier3A_186)
    %add3A_187 = arith.constant 0 : i32
    %add3A_188 = arith.addi %arg1, %add3A_187 : i32
    %lt3A_189 = arith.constant 125 : i32
    %lt3A_190 = arith.cmpi slt, %add3A_188, %lt3A_189 : i32
    %convert_element_type3A_191 = arith.extui %lt3A_190 : i1 to i32
    %cond3A_192 = arith.constant 0 : i32
    %cond3A_193 = arith.cmpi ne, %convert_element_type3A_191, %cond3A_192 : i32
    scf.if %cond3A_193 {
      %mul3A_243 = arith.constant 40 : i32
      %mul3A_244 = arith.muli %add3A_188, %mul3A_243 : i32
      %multiple_of3A_245 = tpu.assume_multiple %mul3A_244, 8 : i32
      "tpu.region"() ({
        %run_scoped3A = tpu.sem_alloc : memref<!tpu.dma_semaphore, #tpu.memory_space<semaphore_mem>>
        %dma_start3A_248 = arith.constant 0 : i32
        %dma_start3A_249 = tpu.memref_slice %arg24[%multiple_of3A_245, %dma_start3A_248] : memref<5040x128xf32, #tpu.memory_space<vmem_shared>> -> memref<40x128xf32, #tpu.memory_space<vmem_shared>>
        %dma_start3A_250 = arith.constant 0 : i32
        %dma_start3A_251 = tpu.memref_slice %arg24[%multiple_of3A_245, %dma_start3A_250] : memref<5040x128xf32, #tpu.memory_space<vmem_shared>> -> memref<40x128xf32, #tpu.memory_space<vmem_shared>>
        tpu.enqueue_dma source(%dma_start3A_251 : memref<40x128xf32, #tpu.memory_space<vmem_shared>>) target(%arg23 : memref<40x128xf32, #tpu.memory_space<vmem>>) target_semaphore(%run_scoped3A : memref<!tpu.dma_semaphore, #tpu.memory_space<semaphore_mem>>)
        %dma_wait3A_252 = arith.constant 0 : i32
        %dma_wait3A_253 = tpu.memref_slice %arg24[%multiple_of3A_245, %dma_wait3A_252] : memref<5040x128xf32, #tpu.memory_space<vmem_shared>> -> memref<40x128xf32, #tpu.memory_space<vmem_shared>>
        %dma_wait3A_254 = arith.constant 0 : i32
        %dma_wait3A_255 = tpu.memref_slice %arg24[%multiple_of3A_245, %dma_wait3A_254] : memref<5040x128xf32, #tpu.memory_space<vmem_shared>> -> memref<40x128xf32, #tpu.memory_space<vmem_shared>>
        tpu.wait_dma2 semaphore(%run_scoped3A : memref<!tpu.dma_semaphore, #tpu.memory_space<semaphore_mem>>) src(%dma_wait3A_255 : memref<40x128xf32, #tpu.memory_space<vmem_shared>>) dst(%arg23 : memref<40x128xf32, #tpu.memory_space<vmem>>)
        tpu.yield
      }) : () -> ()
      %add3A_246 = arith.addi %mul3A_61, %multiple_of3A_245 : i32
      %multiple_of3A_247 = tpu.assume_multiple %add3A_246, 8 : i32
      "tpu.region"() ({
        %run_scoped3A = tpu.sem_alloc : memref<!tpu.dma_semaphore, #tpu.memory_space<semaphore_mem>>
        %dma_start3A_248 = arith.constant 0 : i32
        %dma_start3A_249 = tpu.memref_slice %arg7[%multiple_of3A_247, %dma_start3A_248] : memref<10000x128xf32, #tpu.memory_space<hbm>> -> memref<40x128xf32, #tpu.memory_space<hbm>>
        %dma_start3A_250 = arith.constant 0 : i32
        %dma_start3A_251 = tpu.memref_slice %arg7[%multiple_of3A_247, %dma_start3A_250] : memref<10000x128xf32, #tpu.memory_space<hbm>> -> memref<40x128xf32, #tpu.memory_space<hbm>>
        tpu.enqueue_dma source(%arg23 : memref<40x128xf32, #tpu.memory_space<vmem>>) target(%dma_start3A_251 : memref<40x128xf32, #tpu.memory_space<hbm>>) target_semaphore(%run_scoped3A : memref<!tpu.dma_semaphore, #tpu.memory_space<semaphore_mem>>)
        %dma_wait3A_252 = arith.constant 0 : i32
        %dma_wait3A_253 = tpu.memref_slice %arg7[%multiple_of3A_247, %dma_wait3A_252] : memref<10000x128xf32, #tpu.memory_space<hbm>> -> memref<40x128xf32, #tpu.memory_space<hbm>>
        %dma_wait3A_254 = arith.constant 0 : i32
        %dma_wait3A_255 = tpu.memref_slice %arg7[%multiple_of3A_247, %dma_wait3A_254] : memref<10000x128xf32, #tpu.memory_space<hbm>> -> memref<40x128xf32, #tpu.memory_space<hbm>>
        tpu.wait_dma2 semaphore(%run_scoped3A : memref<!tpu.dma_semaphore, #tpu.memory_space<semaphore_mem>>) src(%arg23 : memref<40x128xf32, #tpu.memory_space<vmem>>) dst(%dma_wait3A_255 : memref<40x128xf32, #tpu.memory_space<hbm>>)
        tpu.yield
      }) : () -> ()
    } else {
    }
    %add3A_194 = arith.constant 16 : i32
    %add3A_195 = arith.addi %arg1, %add3A_194 : i32
    %lt3A_196 = arith.constant 125 : i32
    %lt3A_197 = arith.cmpi slt, %add3A_195, %lt3A_196 : i32
    %convert_element_type3A_198 = arith.extui %lt3A_197 : i1 to i32
    %cond3A_199 = arith.constant 0 : i32
    %cond3A_200 = arith.cmpi ne, %convert_element_type3A_198, %cond3A_199 : i32
    scf.if %cond3A_200 {
      %mul3A_243 = arith.constant 40 : i32
      %mul3A_244 = arith.muli %add3A_195, %mul3A_243 : i32
      %multiple_of3A_245 = tpu.assume_multiple %mul3A_244, 8 : i32
      "tpu.region"() ({
        %run_scoped3A = tpu.sem_alloc : memref<!tpu.dma_semaphore, #tpu.memory_space<semaphore_mem>>
        %dma_start3A_248 = arith.constant 0 : i32
        %dma_start3A_249 = tpu.memref_slice %arg24[%multiple_of3A_245, %dma_start3A_248] : memref<5040x128xf32, #tpu.memory_space<vmem_shared>> -> memref<40x128xf32, #tpu.memory_space<vmem_shared>>
        %dma_start3A_250 = arith.constant 0 : i32
        %dma_start3A_251 = tpu.memref_slice %arg24[%multiple_of3A_245, %dma_start3A_250] : memref<5040x128xf32, #tpu.memory_space<vmem_shared>> -> memref<40x128xf32, #tpu.memory_space<vmem_shared>>
        tpu.enqueue_dma source(%dma_start3A_251 : memref<40x128xf32, #tpu.memory_space<vmem_shared>>) target(%arg23 : memref<40x128xf32, #tpu.memory_space<vmem>>) target_semaphore(%run_scoped3A : memref<!tpu.dma_semaphore, #tpu.memory_space<semaphore_mem>>)
        %dma_wait3A_252 = arith.constant 0 : i32
        %dma_wait3A_253 = tpu.memref_slice %arg24[%multiple_of3A_245, %dma_wait3A_252] : memref<5040x128xf32, #tpu.memory_space<vmem_shared>> -> memref<40x128xf32, #tpu.memory_space<vmem_shared>>
        %dma_wait3A_254 = arith.constant 0 : i32
        %dma_wait3A_255 = tpu.memref_slice %arg24[%multiple_of3A_245, %dma_wait3A_254] : memref<5040x128xf32, #tpu.memory_space<vmem_shared>> -> memref<40x128xf32, #tpu.memory_space<vmem_shared>>
        tpu.wait_dma2 semaphore(%run_scoped3A : memref<!tpu.dma_semaphore, #tpu.memory_space<semaphore_mem>>) src(%dma_wait3A_255 : memref<40x128xf32, #tpu.memory_space<vmem_shared>>) dst(%arg23 : memref<40x128xf32, #tpu.memory_space<vmem>>)
        tpu.yield
      }) : () -> ()
      %add3A_246 = arith.addi %mul3A_61, %multiple_of3A_245 : i32
      %multiple_of3A_247 = tpu.assume_multiple %add3A_246, 8 : i32
      "tpu.region"() ({
        %run_scoped3A = tpu.sem_alloc : memref<!tpu.dma_semaphore, #tpu.memory_space<semaphore_mem>>
        %dma_start3A_248 = arith.constant 0 : i32
        %dma_start3A_249 = tpu.memref_slice %arg7[%multiple_of3A_247, %dma_start3A_248] : memref<10000x128xf32, #tpu.memory_space<hbm>> -> memref<40x128xf32, #tpu.memory_space<hbm>>
        %dma_start3A_250 = arith.constant 0 : i32
        %dma_start3A_251 = tpu.memref_slice %arg7[%multiple_of3A_247, %dma_start3A_250] : memref<10000x128xf32, #tpu.memory_space<hbm>> -> memref<40x128xf32, #tpu.memory_space<hbm>>
        tpu.enqueue_dma source(%arg23 : memref<40x128xf32, #tpu.memory_space<vmem>>) target(%dma_start3A_251 : memref<40x128xf32, #tpu.memory_space<hbm>>) target_semaphore(%run_scoped3A : memref<!tpu.dma_semaphore, #tpu.memory_space<semaphore_mem>>)
        %dma_wait3A_252 = arith.constant 0 : i32
        %dma_wait3A_253 = tpu.memref_slice %arg7[%multiple_of3A_247, %dma_wait3A_252] : memref<10000x128xf32, #tpu.memory_space<hbm>> -> memref<40x128xf32, #tpu.memory_space<hbm>>
        %dma_wait3A_254 = arith.constant 0 : i32
        %dma_wait3A_255 = tpu.memref_slice %arg7[%multiple_of3A_247, %dma_wait3A_254] : memref<10000x128xf32, #tpu.memory_space<hbm>> -> memref<40x128xf32, #tpu.memory_space<hbm>>
        tpu.wait_dma2 semaphore(%run_scoped3A : memref<!tpu.dma_semaphore, #tpu.memory_space<semaphore_mem>>) src(%arg23 : memref<40x128xf32, #tpu.memory_space<vmem>>) dst(%dma_wait3A_255 : memref<40x128xf32, #tpu.memory_space<hbm>>)
        tpu.yield
      }) : () -> ()
    } else {
    }
    %add3A_201 = arith.constant 32 : i32
    %add3A_202 = arith.addi %arg1, %add3A_201 : i32
    %lt3A_203 = arith.constant 125 : i32
    %lt3A_204 = arith.cmpi slt, %add3A_202, %lt3A_203 : i32
    %convert_element_type3A_205 = arith.extui %lt3A_204 : i1 to i32
    %cond3A_206 = arith.constant 0 : i32
    %cond3A_207 = arith.cmpi ne, %convert_element_type3A_205, %cond3A_206 : i32
    scf.if %cond3A_207 {
      %mul3A_243 = arith.constant 40 : i32
      %mul3A_244 = arith.muli %add3A_202, %mul3A_243 : i32
      %multiple_of3A_245 = tpu.assume_multiple %mul3A_244, 8 : i32
      "tpu.region"() ({
        %run_scoped3A = tpu.sem_alloc : memref<!tpu.dma_semaphore, #tpu.memory_space<semaphore_mem>>
        %dma_start3A_248 = arith.constant 0 : i32
        %dma_start3A_249 = tpu.memref_slice %arg24[%multiple_of3A_245, %dma_start3A_248] : memref<5040x128xf32, #tpu.memory_space<vmem_shared>> -> memref<40x128xf32, #tpu.memory_space<vmem_shared>>
        %dma_start3A_250 = arith.constant 0 : i32
        %dma_start3A_251 = tpu.memref_slice %arg24[%multiple_of3A_245, %dma_start3A_250] : memref<5040x128xf32, #tpu.memory_space<vmem_shared>> -> memref<40x128xf32, #tpu.memory_space<vmem_shared>>
        tpu.enqueue_dma source(%dma_start3A_251 : memref<40x128xf32, #tpu.memory_space<vmem_shared>>) target(%arg23 : memref<40x128xf32, #tpu.memory_space<vmem>>) target_semaphore(%run_scoped3A : memref<!tpu.dma_semaphore, #tpu.memory_space<semaphore_mem>>)
        %dma_wait3A_252 = arith.constant 0 : i32
        %dma_wait3A_253 = tpu.memref_slice %arg24[%multiple_of3A_245, %dma_wait3A_252] : memref<5040x128xf32, #tpu.memory_space<vmem_shared>> -> memref<40x128xf32, #tpu.memory_space<vmem_shared>>
        %dma_wait3A_254 = arith.constant 0 : i32
        %dma_wait3A_255 = tpu.memref_slice %arg24[%multiple_of3A_245, %dma_wait3A_254] : memref<5040x128xf32, #tpu.memory_space<vmem_shared>> -> memref<40x128xf32, #tpu.memory_space<vmem_shared>>
        tpu.wait_dma2 semaphore(%run_scoped3A : memref<!tpu.dma_semaphore, #tpu.memory_space<semaphore_mem>>) src(%dma_wait3A_255 : memref<40x128xf32, #tpu.memory_space<vmem_shared>>) dst(%arg23 : memref<40x128xf32, #tpu.memory_space<vmem>>)
        tpu.yield
      }) : () -> ()
      %add3A_246 = arith.addi %mul3A_61, %multiple_of3A_245 : i32
      %multiple_of3A_247 = tpu.assume_multiple %add3A_246, 8 : i32
      "tpu.region"() ({
        %run_scoped3A = tpu.sem_alloc : memref<!tpu.dma_semaphore, #tpu.memory_space<semaphore_mem>>
        %dma_start3A_248 = arith.constant 0 : i32
        %dma_start3A_249 = tpu.memref_slice %arg7[%multiple_of3A_247, %dma_start3A_248] : memref<10000x128xf32, #tpu.memory_space<hbm>> -> memref<40x128xf32, #tpu.memory_space<hbm>>
        %dma_start3A_250 = arith.constant 0 : i32
        %dma_start3A_251 = tpu.memref_slice %arg7[%multiple_of3A_247, %dma_start3A_250] : memref<10000x128xf32, #tpu.memory_space<hbm>> -> memref<40x128xf32, #tpu.memory_space<hbm>>
        tpu.enqueue_dma source(%arg23 : memref<40x128xf32, #tpu.memory_space<vmem>>) target(%dma_start3A_251 : memref<40x128xf32, #tpu.memory_space<hbm>>) target_semaphore(%run_scoped3A : memref<!tpu.dma_semaphore, #tpu.memory_space<semaphore_mem>>)
        %dma_wait3A_252 = arith.constant 0 : i32
        %dma_wait3A_253 = tpu.memref_slice %arg7[%multiple_of3A_247, %dma_wait3A_252] : memref<10000x128xf32, #tpu.memory_space<hbm>> -> memref<40x128xf32, #tpu.memory_space<hbm>>
        %dma_wait3A_254 = arith.constant 0 : i32
        %dma_wait3A_255 = tpu.memref_slice %arg7[%multiple_of3A_247, %dma_wait3A_254] : memref<10000x128xf32, #tpu.memory_space<hbm>> -> memref<40x128xf32, #tpu.memory_space<hbm>>
        tpu.wait_dma2 semaphore(%run_scoped3A : memref<!tpu.dma_semaphore, #tpu.memory_space<semaphore_mem>>) src(%arg23 : memref<40x128xf32, #tpu.memory_space<vmem>>) dst(%dma_wait3A_255 : memref<40x128xf32, #tpu.memory_space<hbm>>)
        tpu.yield
      }) : () -> ()
    } else {
    }
    %add3A_208 = arith.constant 48 : i32
    %add3A_209 = arith.addi %arg1, %add3A_208 : i32
    %lt3A_210 = arith.constant 125 : i32
    %lt3A_211 = arith.cmpi slt, %add3A_209, %lt3A_210 : i32
    %convert_element_type3A_212 = arith.extui %lt3A_211 : i1 to i32
    %cond3A_213 = arith.constant 0 : i32
    %cond3A_214 = arith.cmpi ne, %convert_element_type3A_212, %cond3A_213 : i32
    scf.if %cond3A_214 {
      %mul3A_243 = arith.constant 40 : i32
      %mul3A_244 = arith.muli %add3A_209, %mul3A_243 : i32
      %multiple_of3A_245 = tpu.assume_multiple %mul3A_244, 8 : i32
      "tpu.region"() ({
        %run_scoped3A = tpu.sem_alloc : memref<!tpu.dma_semaphore, #tpu.memory_space<semaphore_mem>>
        %dma_start3A_248 = arith.constant 0 : i32
        %dma_start3A_249 = tpu.memref_slice %arg24[%multiple_of3A_245, %dma_start3A_248] : memref<5040x128xf32, #tpu.memory_space<vmem_shared>> -> memref<40x128xf32, #tpu.memory_space<vmem_shared>>
        %dma_start3A_250 = arith.constant 0 : i32
        %dma_start3A_251 = tpu.memref_slice %arg24[%multiple_of3A_245, %dma_start3A_250] : memref<5040x128xf32, #tpu.memory_space<vmem_shared>> -> memref<40x128xf32, #tpu.memory_space<vmem_shared>>
        tpu.enqueue_dma source(%dma_start3A_251 : memref<40x128xf32, #tpu.memory_space<vmem_shared>>) target(%arg23 : memref<40x128xf32, #tpu.memory_space<vmem>>) target_semaphore(%run_scoped3A : memref<!tpu.dma_semaphore, #tpu.memory_space<semaphore_mem>>)
        %dma_wait3A_252 = arith.constant 0 : i32
        %dma_wait3A_253 = tpu.memref_slice %arg24[%multiple_of3A_245, %dma_wait3A_252] : memref<5040x128xf32, #tpu.memory_space<vmem_shared>> -> memref<40x128xf32, #tpu.memory_space<vmem_shared>>
        %dma_wait3A_254 = arith.constant 0 : i32
        %dma_wait3A_255 = tpu.memref_slice %arg24[%multiple_of3A_245, %dma_wait3A_254] : memref<5040x128xf32, #tpu.memory_space<vmem_shared>> -> memref<40x128xf32, #tpu.memory_space<vmem_shared>>
        tpu.wait_dma2 semaphore(%run_scoped3A : memref<!tpu.dma_semaphore, #tpu.memory_space<semaphore_mem>>) src(%dma_wait3A_255 : memref<40x128xf32, #tpu.memory_space<vmem_shared>>) dst(%arg23 : memref<40x128xf32, #tpu.memory_space<vmem>>)
        tpu.yield
      }) : () -> ()
      %add3A_246 = arith.addi %mul3A_61, %multiple_of3A_245 : i32
      %multiple_of3A_247 = tpu.assume_multiple %add3A_246, 8 : i32
      "tpu.region"() ({
        %run_scoped3A = tpu.sem_alloc : memref<!tpu.dma_semaphore, #tpu.memory_space<semaphore_mem>>
        %dma_start3A_248 = arith.constant 0 : i32
        %dma_start3A_249 = tpu.memref_slice %arg7[%multiple_of3A_247, %dma_start3A_248] : memref<10000x128xf32, #tpu.memory_space<hbm>> -> memref<40x128xf32, #tpu.memory_space<hbm>>
        %dma_start3A_250 = arith.constant 0 : i32
        %dma_start3A_251 = tpu.memref_slice %arg7[%multiple_of3A_247, %dma_start3A_250] : memref<10000x128xf32, #tpu.memory_space<hbm>> -> memref<40x128xf32, #tpu.memory_space<hbm>>
        tpu.enqueue_dma source(%arg23 : memref<40x128xf32, #tpu.memory_space<vmem>>) target(%dma_start3A_251 : memref<40x128xf32, #tpu.memory_space<hbm>>) target_semaphore(%run_scoped3A : memref<!tpu.dma_semaphore, #tpu.memory_space<semaphore_mem>>)
        %dma_wait3A_252 = arith.constant 0 : i32
        %dma_wait3A_253 = tpu.memref_slice %arg7[%multiple_of3A_247, %dma_wait3A_252] : memref<10000x128xf32, #tpu.memory_space<hbm>> -> memref<40x128xf32, #tpu.memory_space<hbm>>
        %dma_wait3A_254 = arith.constant 0 : i32
        %dma_wait3A_255 = tpu.memref_slice %arg7[%multiple_of3A_247, %dma_wait3A_254] : memref<10000x128xf32, #tpu.memory_space<hbm>> -> memref<40x128xf32, #tpu.memory_space<hbm>>
        tpu.wait_dma2 semaphore(%run_scoped3A : memref<!tpu.dma_semaphore, #tpu.memory_space<semaphore_mem>>) src(%arg23 : memref<40x128xf32, #tpu.memory_space<vmem>>) dst(%dma_wait3A_255 : memref<40x128xf32, #tpu.memory_space<hbm>>)
        tpu.yield
      }) : () -> ()
    } else {
    }
    %add3A_215 = arith.constant 64 : i32
    %add3A_216 = arith.addi %arg1, %add3A_215 : i32
    %lt3A_217 = arith.constant 125 : i32
    %lt3A_218 = arith.cmpi slt, %add3A_216, %lt3A_217 : i32
    %convert_element_type3A_219 = arith.extui %lt3A_218 : i1 to i32
    %cond3A_220 = arith.constant 0 : i32
    %cond3A_221 = arith.cmpi ne, %convert_element_type3A_219, %cond3A_220 : i32
    scf.if %cond3A_221 {
      %mul3A_243 = arith.constant 40 : i32
      %mul3A_244 = arith.muli %add3A_216, %mul3A_243 : i32
      %multiple_of3A_245 = tpu.assume_multiple %mul3A_244, 8 : i32
      "tpu.region"() ({
        %run_scoped3A = tpu.sem_alloc : memref<!tpu.dma_semaphore, #tpu.memory_space<semaphore_mem>>
        %dma_start3A_248 = arith.constant 0 : i32
        %dma_start3A_249 = tpu.memref_slice %arg24[%multiple_of3A_245, %dma_start3A_248] : memref<5040x128xf32, #tpu.memory_space<vmem_shared>> -> memref<40x128xf32, #tpu.memory_space<vmem_shared>>
        %dma_start3A_250 = arith.constant 0 : i32
        %dma_start3A_251 = tpu.memref_slice %arg24[%multiple_of3A_245, %dma_start3A_250] : memref<5040x128xf32, #tpu.memory_space<vmem_shared>> -> memref<40x128xf32, #tpu.memory_space<vmem_shared>>
        tpu.enqueue_dma source(%dma_start3A_251 : memref<40x128xf32, #tpu.memory_space<vmem_shared>>) target(%arg23 : memref<40x128xf32, #tpu.memory_space<vmem>>) target_semaphore(%run_scoped3A : memref<!tpu.dma_semaphore, #tpu.memory_space<semaphore_mem>>)
        %dma_wait3A_252 = arith.constant 0 : i32
        %dma_wait3A_253 = tpu.memref_slice %arg24[%multiple_of3A_245, %dma_wait3A_252] : memref<5040x128xf32, #tpu.memory_space<vmem_shared>> -> memref<40x128xf32, #tpu.memory_space<vmem_shared>>
        %dma_wait3A_254 = arith.constant 0 : i32
        %dma_wait3A_255 = tpu.memref_slice %arg24[%multiple_of3A_245, %dma_wait3A_254] : memref<5040x128xf32, #tpu.memory_space<vmem_shared>> -> memref<40x128xf32, #tpu.memory_space<vmem_shared>>
        tpu.wait_dma2 semaphore(%run_scoped3A : memref<!tpu.dma_semaphore, #tpu.memory_space<semaphore_mem>>) src(%dma_wait3A_255 : memref<40x128xf32, #tpu.memory_space<vmem_shared>>) dst(%arg23 : memref<40x128xf32, #tpu.memory_space<vmem>>)
        tpu.yield
      }) : () -> ()
      %add3A_246 = arith.addi %mul3A_61, %multiple_of3A_245 : i32
      %multiple_of3A_247 = tpu.assume_multiple %add3A_246, 8 : i32
      "tpu.region"() ({
        %run_scoped3A = tpu.sem_alloc : memref<!tpu.dma_semaphore, #tpu.memory_space<semaphore_mem>>
        %dma_start3A_248 = arith.constant 0 : i32
        %dma_start3A_249 = tpu.memref_slice %arg7[%multiple_of3A_247, %dma_start3A_248] : memref<10000x128xf32, #tpu.memory_space<hbm>> -> memref<40x128xf32, #tpu.memory_space<hbm>>
        %dma_start3A_250 = arith.constant 0 : i32
        %dma_start3A_251 = tpu.memref_slice %arg7[%multiple_of3A_247, %dma_start3A_250] : memref<10000x128xf32, #tpu.memory_space<hbm>> -> memref<40x128xf32, #tpu.memory_space<hbm>>
        tpu.enqueue_dma source(%arg23 : memref<40x128xf32, #tpu.memory_space<vmem>>) target(%dma_start3A_251 : memref<40x128xf32, #tpu.memory_space<hbm>>) target_semaphore(%run_scoped3A : memref<!tpu.dma_semaphore, #tpu.memory_space<semaphore_mem>>)
        %dma_wait3A_252 = arith.constant 0 : i32
        %dma_wait3A_253 = tpu.memref_slice %arg7[%multiple_of3A_247, %dma_wait3A_252] : memref<10000x128xf32, #tpu.memory_space<hbm>> -> memref<40x128xf32, #tpu.memory_space<hbm>>
        %dma_wait3A_254 = arith.constant 0 : i32
        %dma_wait3A_255 = tpu.memref_slice %arg7[%multiple_of3A_247, %dma_wait3A_254] : memref<10000x128xf32, #tpu.memory_space<hbm>> -> memref<40x128xf32, #tpu.memory_space<hbm>>
        tpu.wait_dma2 semaphore(%run_scoped3A : memref<!tpu.dma_semaphore, #tpu.memory_space<semaphore_mem>>) src(%arg23 : memref<40x128xf32, #tpu.memory_space<vmem>>) dst(%dma_wait3A_255 : memref<40x128xf32, #tpu.memory_space<hbm>>)
        tpu.yield
      }) : () -> ()
    } else {
    }
    %add3A_222 = arith.constant 80 : i32
    %add3A_223 = arith.addi %arg1, %add3A_222 : i32
    %lt3A_224 = arith.constant 125 : i32
    %lt3A_225 = arith.cmpi slt, %add3A_223, %lt3A_224 : i32
    %convert_element_type3A_226 = arith.extui %lt3A_225 : i1 to i32
    %cond3A_227 = arith.constant 0 : i32
    %cond3A_228 = arith.cmpi ne, %convert_element_type3A_226, %cond3A_227 : i32
    scf.if %cond3A_228 {
      %mul3A_243 = arith.constant 40 : i32
      %mul3A_244 = arith.muli %add3A_223, %mul3A_243 : i32
      %multiple_of3A_245 = tpu.assume_multiple %mul3A_244, 8 : i32
      "tpu.region"() ({
        %run_scoped3A = tpu.sem_alloc : memref<!tpu.dma_semaphore, #tpu.memory_space<semaphore_mem>>
        %dma_start3A_248 = arith.constant 0 : i32
        %dma_start3A_249 = tpu.memref_slice %arg24[%multiple_of3A_245, %dma_start3A_248] : memref<5040x128xf32, #tpu.memory_space<vmem_shared>> -> memref<40x128xf32, #tpu.memory_space<vmem_shared>>
        %dma_start3A_250 = arith.constant 0 : i32
        %dma_start3A_251 = tpu.memref_slice %arg24[%multiple_of3A_245, %dma_start3A_250] : memref<5040x128xf32, #tpu.memory_space<vmem_shared>> -> memref<40x128xf32, #tpu.memory_space<vmem_shared>>
        tpu.enqueue_dma source(%dma_start3A_251 : memref<40x128xf32, #tpu.memory_space<vmem_shared>>) target(%arg23 : memref<40x128xf32, #tpu.memory_space<vmem>>) target_semaphore(%run_scoped3A : memref<!tpu.dma_semaphore, #tpu.memory_space<semaphore_mem>>)
        %dma_wait3A_252 = arith.constant 0 : i32
        %dma_wait3A_253 = tpu.memref_slice %arg24[%multiple_of3A_245, %dma_wait3A_252] : memref<5040x128xf32, #tpu.memory_space<vmem_shared>> -> memref<40x128xf32, #tpu.memory_space<vmem_shared>>
        %dma_wait3A_254 = arith.constant 0 : i32
        %dma_wait3A_255 = tpu.memref_slice %arg24[%multiple_of3A_245, %dma_wait3A_254] : memref<5040x128xf32, #tpu.memory_space<vmem_shared>> -> memref<40x128xf32, #tpu.memory_space<vmem_shared>>
        tpu.wait_dma2 semaphore(%run_scoped3A : memref<!tpu.dma_semaphore, #tpu.memory_space<semaphore_mem>>) src(%dma_wait3A_255 : memref<40x128xf32, #tpu.memory_space<vmem_shared>>) dst(%arg23 : memref<40x128xf32, #tpu.memory_space<vmem>>)
        tpu.yield
      }) : () -> ()
      %add3A_246 = arith.addi %mul3A_61, %multiple_of3A_245 : i32
      %multiple_of3A_247 = tpu.assume_multiple %add3A_246, 8 : i32
      "tpu.region"() ({
        %run_scoped3A = tpu.sem_alloc : memref<!tpu.dma_semaphore, #tpu.memory_space<semaphore_mem>>
        %dma_start3A_248 = arith.constant 0 : i32
        %dma_start3A_249 = tpu.memref_slice %arg7[%multiple_of3A_247, %dma_start3A_248] : memref<10000x128xf32, #tpu.memory_space<hbm>> -> memref<40x128xf32, #tpu.memory_space<hbm>>
        %dma_start3A_250 = arith.constant 0 : i32
        %dma_start3A_251 = tpu.memref_slice %arg7[%multiple_of3A_247, %dma_start3A_250] : memref<10000x128xf32, #tpu.memory_space<hbm>> -> memref<40x128xf32, #tpu.memory_space<hbm>>
        tpu.enqueue_dma source(%arg23 : memref<40x128xf32, #tpu.memory_space<vmem>>) target(%dma_start3A_251 : memref<40x128xf32, #tpu.memory_space<hbm>>) target_semaphore(%run_scoped3A : memref<!tpu.dma_semaphore, #tpu.memory_space<semaphore_mem>>)
        %dma_wait3A_252 = arith.constant 0 : i32
        %dma_wait3A_253 = tpu.memref_slice %arg7[%multiple_of3A_247, %dma_wait3A_252] : memref<10000x128xf32, #tpu.memory_space<hbm>> -> memref<40x128xf32, #tpu.memory_space<hbm>>
        %dma_wait3A_254 = arith.constant 0 : i32
        %dma_wait3A_255 = tpu.memref_slice %arg7[%multiple_of3A_247, %dma_wait3A_254] : memref<10000x128xf32, #tpu.memory_space<hbm>> -> memref<40x128xf32, #tpu.memory_space<hbm>>
        tpu.wait_dma2 semaphore(%run_scoped3A : memref<!tpu.dma_semaphore, #tpu.memory_space<semaphore_mem>>) src(%arg23 : memref<40x128xf32, #tpu.memory_space<vmem>>) dst(%dma_wait3A_255 : memref<40x128xf32, #tpu.memory_space<hbm>>)
        tpu.yield
      }) : () -> ()
    } else {
    }
    %add3A_229 = arith.constant 96 : i32
    %add3A_230 = arith.addi %arg1, %add3A_229 : i32
    %lt3A_231 = arith.constant 125 : i32
    %lt3A_232 = arith.cmpi slt, %add3A_230, %lt3A_231 : i32
    %convert_element_type3A_233 = arith.extui %lt3A_232 : i1 to i32
    %cond3A_234 = arith.constant 0 : i32
    %cond3A_235 = arith.cmpi ne, %convert_element_type3A_233, %cond3A_234 : i32
    scf.if %cond3A_235 {
      %mul3A_243 = arith.constant 40 : i32
      %mul3A_244 = arith.muli %add3A_230, %mul3A_243 : i32
      %multiple_of3A_245 = tpu.assume_multiple %mul3A_244, 8 : i32
      "tpu.region"() ({
        %run_scoped3A = tpu.sem_alloc : memref<!tpu.dma_semaphore, #tpu.memory_space<semaphore_mem>>
        %dma_start3A_248 = arith.constant 0 : i32
        %dma_start3A_249 = tpu.memref_slice %arg24[%multiple_of3A_245, %dma_start3A_248] : memref<5040x128xf32, #tpu.memory_space<vmem_shared>> -> memref<40x128xf32, #tpu.memory_space<vmem_shared>>
        %dma_start3A_250 = arith.constant 0 : i32
        %dma_start3A_251 = tpu.memref_slice %arg24[%multiple_of3A_245, %dma_start3A_250] : memref<5040x128xf32, #tpu.memory_space<vmem_shared>> -> memref<40x128xf32, #tpu.memory_space<vmem_shared>>
        tpu.enqueue_dma source(%dma_start3A_251 : memref<40x128xf32, #tpu.memory_space<vmem_shared>>) target(%arg23 : memref<40x128xf32, #tpu.memory_space<vmem>>) target_semaphore(%run_scoped3A : memref<!tpu.dma_semaphore, #tpu.memory_space<semaphore_mem>>)
        %dma_wait3A_252 = arith.constant 0 : i32
        %dma_wait3A_253 = tpu.memref_slice %arg24[%multiple_of3A_245, %dma_wait3A_252] : memref<5040x128xf32, #tpu.memory_space<vmem_shared>> -> memref<40x128xf32, #tpu.memory_space<vmem_shared>>
        %dma_wait3A_254 = arith.constant 0 : i32
        %dma_wait3A_255 = tpu.memref_slice %arg24[%multiple_of3A_245, %dma_wait3A_254] : memref<5040x128xf32, #tpu.memory_space<vmem_shared>> -> memref<40x128xf32, #tpu.memory_space<vmem_shared>>
        tpu.wait_dma2 semaphore(%run_scoped3A : memref<!tpu.dma_semaphore, #tpu.memory_space<semaphore_mem>>) src(%dma_wait3A_255 : memref<40x128xf32, #tpu.memory_space<vmem_shared>>) dst(%arg23 : memref<40x128xf32, #tpu.memory_space<vmem>>)
        tpu.yield
      }) : () -> ()
      %add3A_246 = arith.addi %mul3A_61, %multiple_of3A_245 : i32
      %multiple_of3A_247 = tpu.assume_multiple %add3A_246, 8 : i32
      "tpu.region"() ({
        %run_scoped3A = tpu.sem_alloc : memref<!tpu.dma_semaphore, #tpu.memory_space<semaphore_mem>>
        %dma_start3A_248 = arith.constant 0 : i32
        %dma_start3A_249 = tpu.memref_slice %arg7[%multiple_of3A_247, %dma_start3A_248] : memref<10000x128xf32, #tpu.memory_space<hbm>> -> memref<40x128xf32, #tpu.memory_space<hbm>>
        %dma_start3A_250 = arith.constant 0 : i32
        %dma_start3A_251 = tpu.memref_slice %arg7[%multiple_of3A_247, %dma_start3A_250] : memref<10000x128xf32, #tpu.memory_space<hbm>> -> memref<40x128xf32, #tpu.memory_space<hbm>>
        tpu.enqueue_dma source(%arg23 : memref<40x128xf32, #tpu.memory_space<vmem>>) target(%dma_start3A_251 : memref<40x128xf32, #tpu.memory_space<hbm>>) target_semaphore(%run_scoped3A : memref<!tpu.dma_semaphore, #tpu.memory_space<semaphore_mem>>)
        %dma_wait3A_252 = arith.constant 0 : i32
        %dma_wait3A_253 = tpu.memref_slice %arg7[%multiple_of3A_247, %dma_wait3A_252] : memref<10000x128xf32, #tpu.memory_space<hbm>> -> memref<40x128xf32, #tpu.memory_space<hbm>>
        %dma_wait3A_254 = arith.constant 0 : i32
        %dma_wait3A_255 = tpu.memref_slice %arg7[%multiple_of3A_247, %dma_wait3A_254] : memref<10000x128xf32, #tpu.memory_space<hbm>> -> memref<40x128xf32, #tpu.memory_space<hbm>>
        tpu.wait_dma2 semaphore(%run_scoped3A : memref<!tpu.dma_semaphore, #tpu.memory_space<semaphore_mem>>) src(%arg23 : memref<40x128xf32, #tpu.memory_space<vmem>>) dst(%dma_wait3A_255 : memref<40x128xf32, #tpu.memory_space<hbm>>)
        tpu.yield
      }) : () -> ()
    } else {
    }
    %add3A_236 = arith.constant 112 : i32
    %add3A_237 = arith.addi %arg1, %add3A_236 : i32
    %lt3A_238 = arith.constant 125 : i32
    %lt3A_239 = arith.cmpi slt, %add3A_237, %lt3A_238 : i32
    %convert_element_type3A_240 = arith.extui %lt3A_239 : i1 to i32
    %cond3A_241 = arith.constant 0 : i32
    %cond3A_242 = arith.cmpi ne, %convert_element_type3A_240, %cond3A_241 : i32
    scf.if %cond3A_242 {
      %mul3A_243 = arith.constant 40 : i32
      %mul3A_244 = arith.muli %add3A_237, %mul3A_243 : i32
      %multiple_of3A_245 = tpu.assume_multiple %mul3A_244, 8 : i32
      "tpu.region"() ({
        %run_scoped3A = tpu.sem_alloc : memref<!tpu.dma_semaphore, #tpu.memory_space<semaphore_mem>>
        %dma_start3A_248 = arith.constant 0 : i32
        %dma_start3A_249 = tpu.memref_slice %arg24[%multiple_of3A_245, %dma_start3A_248] : memref<5040x128xf32, #tpu.memory_space<vmem_shared>> -> memref<40x128xf32, #tpu.memory_space<vmem_shared>>
        %dma_start3A_250 = arith.constant 0 : i32
        %dma_start3A_251 = tpu.memref_slice %arg24[%multiple_of3A_245, %dma_start3A_250] : memref<5040x128xf32, #tpu.memory_space<vmem_shared>> -> memref<40x128xf32, #tpu.memory_space<vmem_shared>>
        tpu.enqueue_dma source(%dma_start3A_251 : memref<40x128xf32, #tpu.memory_space<vmem_shared>>) target(%arg23 : memref<40x128xf32, #tpu.memory_space<vmem>>) target_semaphore(%run_scoped3A : memref<!tpu.dma_semaphore, #tpu.memory_space<semaphore_mem>>)
        %dma_wait3A_252 = arith.constant 0 : i32
        %dma_wait3A_253 = tpu.memref_slice %arg24[%multiple_of3A_245, %dma_wait3A_252] : memref<5040x128xf32, #tpu.memory_space<vmem_shared>> -> memref<40x128xf32, #tpu.memory_space<vmem_shared>>
        %dma_wait3A_254 = arith.constant 0 : i32
        %dma_wait3A_255 = tpu.memref_slice %arg24[%multiple_of3A_245, %dma_wait3A_254] : memref<5040x128xf32, #tpu.memory_space<vmem_shared>> -> memref<40x128xf32, #tpu.memory_space<vmem_shared>>
        tpu.wait_dma2 semaphore(%run_scoped3A : memref<!tpu.dma_semaphore, #tpu.memory_space<semaphore_mem>>) src(%dma_wait3A_255 : memref<40x128xf32, #tpu.memory_space<vmem_shared>>) dst(%arg23 : memref<40x128xf32, #tpu.memory_space<vmem>>)
        tpu.yield
      }) : () -> ()
      %add3A_246 = arith.addi %mul3A_61, %multiple_of3A_245 : i32
      %multiple_of3A_247 = tpu.assume_multiple %add3A_246, 8 : i32
      "tpu.region"() ({
        %run_scoped3A = tpu.sem_alloc : memref<!tpu.dma_semaphore, #tpu.memory_space<semaphore_mem>>
        %dma_start3A_248 = arith.constant 0 : i32
        %dma_start3A_249 = tpu.memref_slice %arg7[%multiple_of3A_247, %dma_start3A_248] : memref<10000x128xf32, #tpu.memory_space<hbm>> -> memref<40x128xf32, #tpu.memory_space<hbm>>
        %dma_start3A_250 = arith.constant 0 : i32
        %dma_start3A_251 = tpu.memref_slice %arg7[%multiple_of3A_247, %dma_start3A_250] : memref<10000x128xf32, #tpu.memory_space<hbm>> -> memref<40x128xf32, #tpu.memory_space<hbm>>
        tpu.enqueue_dma source(%arg23 : memref<40x128xf32, #tpu.memory_space<vmem>>) target(%dma_start3A_251 : memref<40x128xf32, #tpu.memory_space<hbm>>) target_semaphore(%run_scoped3A : memref<!tpu.dma_semaphore, #tpu.memory_space<semaphore_mem>>)
        %dma_wait3A_252 = arith.constant 0 : i32
        %dma_wait3A_253 = tpu.memref_slice %arg7[%multiple_of3A_247, %dma_wait3A_252] : memref<10000x128xf32, #tpu.memory_space<hbm>> -> memref<40x128xf32, #tpu.memory_space<hbm>>
        %dma_wait3A_254 = arith.constant 0 : i32
        %dma_wait3A_255 = tpu.memref_slice %arg7[%multiple_of3A_247, %dma_wait3A_254] : memref<10000x128xf32, #tpu.memory_space<hbm>> -> memref<40x128xf32, #tpu.memory_space<hbm>>
        tpu.wait_dma2 semaphore(%run_scoped3A : memref<!tpu.dma_semaphore, #tpu.memory_space<semaphore_mem>>) src(%arg23 : memref<40x128xf32, #tpu.memory_space<vmem>>) dst(%dma_wait3A_255 : memref<40x128xf32, #tpu.memory_space<hbm>>)
        tpu.yield
      }) : () -> ()
    } else {
    }
    return
  }
}

module attributes {stable_mosaic.version = 14 : i64} {
  func.func @_ab_body(%arg0: i32, %arg1: memref<2000x128xf32, #tpu.memory_space<vmem>>, %arg2: memref<128x128xf32, #tpu.memory_space<vmem>>, %arg3: memref<128x128xf32, #tpu.memory_space<vmem>>, %arg4: memref<2000x128xf32, #tpu.memory_space<vmem>>, %arg5: memref<2000x128xf32, #tpu.memory_space<vmem>>) attributes {dimension_semantics = [#tpu.dimension_semantics<arbitrary>], iteration_bounds = array<i64: 5>, scalar_prefetch = 0 : i64, scratch_operands = 0 : i64, tpu.core_type = #tpu.core_type<tc>, window_params = [{transform_indices = @transform_0, window_bounds = array<i64: 2000, 128>}, {pipeline_mode = #tpu.pipeline_mode<synchronous>, transform_indices = @transform_1, window_bounds = array<i64: 128, 128>}, {pipeline_mode = #tpu.pipeline_mode<synchronous>, transform_indices = @transform_2, window_bounds = array<i64: 128, 128>}, {transform_indices = @transform_3, window_bounds = array<i64: 2000, 128>}, {transform_indices = @transform_4, window_bounds = array<i64: 2000, 128>}]} {
    %get3A = arith.constant 0 : index
    %get3A_0 = arith.constant 0 : index
    %get3A_1 = vector.load %arg1[%get3A, %get3A_0] : memref<2000x128xf32, #tpu.memory_space<vmem>>, vector<2000x128xf32>
    %get3A_2 = arith.constant 0 : index
    %get3A_3 = arith.constant 0 : index
    %get3A_4 = vector.load %arg2[%get3A_2, %get3A_3] : memref<128x128xf32, #tpu.memory_space<vmem>>, vector<128x128xf32>
    %dot_general3A = arith.constant dense<0.000000e+00> : vector<2000x128xf32>
    %dot_general3A_5 = tpu.matmul %get3A_1, %get3A_4, %dot_general3A {dimension_numbers = #tpu.dot_dimension_numbers<[1], [0], [0], [1], [0, 0, 1, 1], [], []>, transpose_lhs_hint = false} : vector<2000x128xf32>, vector<128x128xf32>, vector<2000x128xf32> -> vector<2000x128xf32>
    %swap3A = arith.constant 0 : index
    %swap3A_6 = arith.constant 0 : index
    %swap3A_7 = vector.load %arg4[%swap3A, %swap3A_6] : memref<2000x128xf32, #tpu.memory_space<vmem>>, vector<2000x128xf32>
    tpu.vector_store %arg4[%swap3A, %swap3A_6], %dot_general3A_5 {strides = array<i32>} : memref<2000x128xf32, #tpu.memory_space<vmem>>, vector<2000x128xf32>,
    %get3A_8 = arith.constant 0 : index
    %get3A_9 = arith.constant 0 : index
    %get3A_10 = vector.load %arg3[%get3A_8, %get3A_9] : memref<128x128xf32, #tpu.memory_space<vmem>>, vector<128x128xf32>
    %dot_general3A_11 = arith.constant dense<0.000000e+00> : vector<2000x128xf32>
    %dot_general3A_12 = tpu.matmul %get3A_1, %get3A_10, %dot_general3A_11 {dimension_numbers = #tpu.dot_dimension_numbers<[1], [0], [0], [1], [0, 0, 1, 1], [], []>, transpose_lhs_hint = false} : vector<2000x128xf32>, vector<128x128xf32>, vector<2000x128xf32> -> vector<2000x128xf32>
    %swap3A_13 = arith.constant 0 : index
    %swap3A_14 = arith.constant 0 : index
    %swap3A_15 = vector.load %arg5[%swap3A_13, %swap3A_14] : memref<2000x128xf32, #tpu.memory_space<vmem>>, vector<2000x128xf32>
    tpu.vector_store %arg5[%swap3A_13, %swap3A_14], %dot_general3A_12 {strides = array<i32>} : memref<2000x128xf32, #tpu.memory_space<vmem>>, vector<2000x128xf32>,
    return
  }
  func.func @transform_0(%arg0: i32) -> (i32, i32) {
    %c0_i32 = arith.constant 0 : i32
    %c0_i32_0 = arith.constant 0 : i32
    return %arg0, %c0_i32 : i32, i32
  }
  func.func @transform_1(%arg0: i32) -> (i32, i32) {
    %c0_i32 = arith.constant 0 : i32
    %c0_i32_0 = arith.constant 0 : i32
    %c0_i32_1 = arith.constant 0 : i32
    return %c0_i32, %c0_i32_0 : i32, i32
  }
  func.func @transform_2(%arg0: i32) -> (i32, i32) {
    %c0_i32 = arith.constant 0 : i32
    %c0_i32_0 = arith.constant 0 : i32
    %c0_i32_1 = arith.constant 0 : i32
    return %c0_i32, %c0_i32_0 : i32, i32
  }
  func.func @transform_3(%arg0: i32) -> (i32, i32) {
    %c0_i32 = arith.constant 0 : i32
    %c0_i32_0 = arith.constant 0 : i32
    return %arg0, %c0_i32 : i32, i32
  }
  func.func @transform_4(%arg0: i32) -> (i32, i32) {
    %c0_i32 = arith.constant 0 : i32
    %c0_i32_0 = arith.constant 0 : i32
    return %arg0, %c0_i32 : i32, i32
  }
}

module attributes {stable_mosaic.version = 14 : i64} {
  func.func @_c_body(%arg0: i32, %arg1: memref<8000x16xf32, #tpu.memory_space<vmem>>, %arg2: memref<16x128xf32, #tpu.memory_space<vmem>>, %arg3: memref<1x128xf32, #tpu.memory_space<vmem>>, %arg4: memref<8000x128xf32, #tpu.memory_space<vmem>>) attributes {dimension_semantics = [#tpu.dimension_semantics<arbitrary>], iteration_bounds = array<i64: 40>, scalar_prefetch = 0 : i64, scratch_operands = 0 : i64, tpu.core_type = #tpu.core_type<tc>, window_params = [{transform_indices = @transform_0, window_bounds = array<i64: 8000, 16>}, {pipeline_mode = #tpu.pipeline_mode<synchronous>, transform_indices = @transform_1, window_bounds = array<i64: 16, 128>}, {pipeline_mode = #tpu.pipeline_mode<synchronous>, transform_indices = @transform_2, window_bounds = array<i64: 1, 128>}, {transform_indices = @transform_3, window_bounds = array<i64: 8000, 128>}]} {
    %get3A = arith.constant 0 : index
    %get3A_0 = arith.constant 0 : index
    %get3A_1 = vector.load %arg1[%get3A, %get3A_0] : memref<8000x16xf32, #tpu.memory_space<vmem>>, vector<8000x16xf32>
    %get3A_2 = arith.constant 0 : index
    %get3A_3 = arith.constant 0 : index
    %get3A_4 = vector.load %arg2[%get3A_2, %get3A_3] : memref<16x128xf32, #tpu.memory_space<vmem>>, vector<16x128xf32>
    %dot_general3A = arith.constant dense<0.000000e+00> : vector<8000x128xf32>
    %dot_general3A_5 = tpu.matmul %get3A_1, %get3A_4, %dot_general3A {dimension_numbers = #tpu.dot_dimension_numbers<[1], [0], [0], [1], [0, 0, 1, 1], [], []>, transpose_lhs_hint = false} : vector<8000x16xf32>, vector<16x128xf32>, vector<8000x128xf32> -> vector<8000x128xf32>
    %get3A_6 = arith.constant 0 : index
    %get3A_7 = arith.constant 0 : index
    %get3A_8 = vector.load %arg3[%get3A_6, %get3A_7] : memref<1x128xf32, #tpu.memory_space<vmem>>, vector<1x128xf32>
    %add3A = vector.broadcast %get3A_8 : vector<1x128xf32> to vector<8000x128xf32>
    %add3A_9 = arith.addf %dot_general3A_5, %add3A : vector<8000x128xf32>
    %swap3A = arith.constant 0 : index
    %swap3A_10 = arith.constant 0 : index
    %swap3A_11 = vector.load %arg4[%swap3A, %swap3A_10] : memref<8000x128xf32, #tpu.memory_space<vmem>>, vector<8000x128xf32>
    tpu.vector_store %arg4[%swap3A, %swap3A_10], %add3A_9 {strides = array<i32>} : memref<8000x128xf32, #tpu.memory_space<vmem>>, vector<8000x128xf32>,
    return
  }
  func.func @transform_0(%arg0: i32) -> (i32, i32) {
    %c0_i32 = arith.constant 0 : i32
    %c0_i32_0 = arith.constant 0 : i32
    return %arg0, %c0_i32 : i32, i32
  }
  func.func @transform_1(%arg0: i32) -> (i32, i32) {
    %c0_i32 = arith.constant 0 : i32
    %c0_i32_0 = arith.constant 0 : i32
    %c0_i32_1 = arith.constant 0 : i32
    return %c0_i32, %c0_i32_0 : i32, i32
  }
  func.func @transform_2(%arg0: i32) -> (i32, i32) {
    %c0_i32 = arith.constant 0 : i32
    %c0_i32_0 = arith.constant 0 : i32
    %c0_i32_1 = arith.constant 0 : i32
    return %c0_i32, %c0_i32_0 : i32, i32
  }
  func.func @transform_3(%arg0: i32) -> (i32, i32) {
    %c0_i32 = arith.constant 0 : i32
    %c0_i32_0 = arith.constant 0 : i32
    return %arg0, %c0_i32 : i32, i32
  }
}

module attributes {stable_mosaic.version = 14 : i64} {
  func.func @_upd_mid_body(%arg0: i32, %arg1: memref<2000x128xf32, #tpu.memory_space<vmem>>, %arg2: memref<2000x128xf32, #tpu.memory_space<vmem>>, %arg3: memref<2000x128xf32, #tpu.memory_space<vmem>>, %arg4: memref<128x128xf32, #tpu.memory_space<vmem>>, %arg5: memref<128x128xf32, #tpu.memory_space<vmem>>, %arg6: memref<1x128xf32, #tpu.memory_space<vmem>>, %arg7: memref<128x128xf32, #tpu.memory_space<vmem>>, %arg8: memref<128x128xf32, #tpu.memory_space<vmem>>, %arg9: memref<2000x128xf32, #tpu.memory_space<vmem>>, %arg10: memref<2000x128xf32, #tpu.memory_space<vmem>>, %arg11: memref<2000x128xf32, #tpu.memory_space<vmem>>, %arg12: memref<2000x128xf32, #tpu.memory_space<vmem>>) attributes {dimension_semantics = [#tpu.dimension_semantics<arbitrary>], iteration_bounds = array<i64: 5>, scalar_prefetch = 0 : i64, scratch_operands = 0 : i64, tpu.core_type = #tpu.core_type<tc>, window_params = [{transform_indices = @transform_0, window_bounds = array<i64: 2000, 128>}, {transform_indices = @transform_1, window_bounds = array<i64: 2000, 128>}, {transform_indices = @transform_2, window_bounds = array<i64: 2000, 128>}, {pipeline_mode = #tpu.pipeline_mode<synchronous>, transform_indices = @transform_3, window_bounds = array<i64: 128, 128>}, {pipeline_mode = #tpu.pipeline_mode<synchronous>, transform_indices = @transform_4, window_bounds = array<i64: 128, 128>}, {pipeline_mode = #tpu.pipeline_mode<synchronous>, transform_indices = @transform_5, window_bounds = array<i64: 1, 128>}, {pipeline_mode = #tpu.pipeline_mode<synchronous>, transform_indices = @transform_6, window_bounds = array<i64: 128, 128>}, {pipeline_mode = #tpu.pipeline_mode<synchronous>, transform_indices = @transform_7, window_bounds = array<i64: 128, 128>}, {transform_indices = @transform_8, window_bounds = array<i64: 2000, 128>}, {transform_indices = @transform_9, window_bounds = array<i64: 2000, 128>}, {transform_indices = @transform_10, window_bounds = array<i64: 2000, 128>}, {transform_indices = @transform_11, window_bounds = array<i64: 2000, 128>}]} {
    %get3A = arith.constant 0 : index
    %get3A_0 = arith.constant 0 : index
    %get3A_1 = vector.load %arg2[%get3A, %get3A_0] : memref<2000x128xf32, #tpu.memory_space<vmem>>, vector<2000x128xf32>
    %get3A_2 = arith.constant 0 : index
    %get3A_3 = arith.constant 0 : index
    %get3A_4 = vector.load %arg1[%get3A_2, %get3A_3] : memref<2000x128xf32, #tpu.memory_space<vmem>>, vector<2000x128xf32>
    %add3A = arith.addf %get3A_1, %get3A_4 : vector<2000x128xf32>
    %get3A_5 = arith.constant 0 : index
    %get3A_6 = arith.constant 0 : index
    %get3A_7 = vector.load %arg4[%get3A_5, %get3A_6] : memref<128x128xf32, #tpu.memory_space<vmem>>, vector<128x128xf32>
    %dot_general3A = arith.constant dense<0.000000e+00> : vector<2000x128xf32>
    %dot_general3A_8 = tpu.matmul %add3A, %get3A_7, %dot_general3A {dimension_numbers = #tpu.dot_dimension_numbers<[1], [0], [0], [1], [0, 0, 1, 1], [], []>, transpose_lhs_hint = false} : vector<2000x128xf32>, vector<128x128xf32>, vector<2000x128xf32> -> vector<2000x128xf32>
    %get3A_9 = arith.constant 0 : index
    %get3A_10 = arith.constant 0 : index
    %get3A_11 = vector.load %arg3[%get3A_9, %get3A_10] : memref<2000x128xf32, #tpu.memory_space<vmem>>, vector<2000x128xf32>
    %get3A_12 = arith.constant 0 : index
    %get3A_13 = arith.constant 0 : index
    %get3A_14 = vector.load %arg5[%get3A_12, %get3A_13] : memref<128x128xf32, #tpu.memory_space<vmem>>, vector<128x128xf32>
    %dot_general3A_15 = arith.constant dense<0.000000e+00> : vector<2000x128xf32>
    %dot_general3A_16 = tpu.matmul %get3A_11, %get3A_14, %dot_general3A_15 {dimension_numbers = #tpu.dot_dimension_numbers<[1], [0], [0], [1], [0, 0, 1, 1], [], []>, transpose_lhs_hint = false} : vector<2000x128xf32>, vector<128x128xf32>, vector<2000x128xf32> -> vector<2000x128xf32>
    %add3A_17 = arith.addf %dot_general3A_8, %dot_general3A_16 : vector<2000x128xf32>
    %get3A_18 = arith.constant 0 : index
    %get3A_19 = arith.constant 0 : index
    %get3A_20 = vector.load %arg6[%get3A_18, %get3A_19] : memref<1x128xf32, #tpu.memory_space<vmem>>, vector<1x128xf32>
    %add3A_21 = vector.broadcast %get3A_20 : vector<1x128xf32> to vector<2000x128xf32>
    %add3A_22 = arith.addf %add3A_17, %add3A_21 : vector<2000x128xf32>
    %tanh3A = math.tanh %add3A_22 : vector<2000x128xf32>
    %swap3A = arith.constant 0 : index
    %swap3A_23 = arith.constant 0 : index
    %swap3A_24 = vector.load %arg9[%swap3A, %swap3A_23] : memref<2000x128xf32, #tpu.memory_space<vmem>>, vector<2000x128xf32>
    tpu.vector_store %arg9[%swap3A, %swap3A_23], %add3A {strides = array<i32>} : memref<2000x128xf32, #tpu.memory_space<vmem>>, vector<2000x128xf32>,
    %swap3A_25 = arith.constant 0 : index
    %swap3A_26 = arith.constant 0 : index
    %swap3A_27 = vector.load %arg10[%swap3A_25, %swap3A_26] : memref<2000x128xf32, #tpu.memory_space<vmem>>, vector<2000x128xf32>
    tpu.vector_store %arg10[%swap3A_25, %swap3A_26], %tanh3A {strides = array<i32>} : memref<2000x128xf32, #tpu.memory_space<vmem>>, vector<2000x128xf32>,
    %get3A_28 = arith.constant 0 : index
    %get3A_29 = arith.constant 0 : index
    %get3A_30 = vector.load %arg7[%get3A_28, %get3A_29] : memref<128x128xf32, #tpu.memory_space<vmem>>, vector<128x128xf32>
    %dot_general3A_31 = arith.constant dense<0.000000e+00> : vector<2000x128xf32>
    %dot_general3A_32 = tpu.matmul %tanh3A, %get3A_30, %dot_general3A_31 {dimension_numbers = #tpu.dot_dimension_numbers<[1], [0], [0], [1], [0, 0, 1, 1], [], []>, transpose_lhs_hint = false} : vector<2000x128xf32>, vector<128x128xf32>, vector<2000x128xf32> -> vector<2000x128xf32>
    %swap3A_33 = arith.constant 0 : index
    %swap3A_34 = arith.constant 0 : index
    %swap3A_35 = vector.load %arg11[%swap3A_33, %swap3A_34] : memref<2000x128xf32, #tpu.memory_space<vmem>>, vector<2000x128xf32>
    tpu.vector_store %arg11[%swap3A_33, %swap3A_34], %dot_general3A_32 {strides = array<i32>} : memref<2000x128xf32, #tpu.memory_space<vmem>>, vector<2000x128xf32>,
    %get3A_36 = arith.constant 0 : index
    %get3A_37 = arith.constant 0 : index
    %get3A_38 = vector.load %arg8[%get3A_36, %get3A_37] : memref<128x128xf32, #tpu.memory_space<vmem>>, vector<128x128xf32>
    %dot_general3A_39 = arith.constant dense<0.000000e+00> : vector<2000x128xf32>
    %dot_general3A_40 = tpu.matmul %tanh3A, %get3A_38, %dot_general3A_39 {dimension_numbers = #tpu.dot_dimension_numbers<[1], [0], [0], [1], [0, 0, 1, 1], [], []>, transpose_lhs_hint = false} : vector<2000x128xf32>, vector<128x128xf32>, vector<2000x128xf32> -> vector<2000x128xf32>
    %swap3A_41 = arith.constant 0 : index
    %swap3A_42 = arith.constant 0 : index
    %swap3A_43 = vector.load %arg12[%swap3A_41, %swap3A_42] : memref<2000x128xf32, #tpu.memory_space<vmem>>, vector<2000x128xf32>
    tpu.vector_store %arg12[%swap3A_41, %swap3A_42], %dot_general3A_40 {strides = array<i32>} : memref<2000x128xf32, #tpu.memory_space<vmem>>, vector<2000x128xf32>,
    return
  }
  func.func @transform_0(%arg0: i32) -> (i32, i32) {
    %c0_i32 = arith.constant 0 : i32
    %c0_i32_0 = arith.constant 0 : i32
    return %arg0, %c0_i32 : i32, i32
  }
  func.func @transform_1(%arg0: i32) -> (i32, i32) {
    %c0_i32 = arith.constant 0 : i32
    %c0_i32_0 = arith.constant 0 : i32
    return %arg0, %c0_i32 : i32, i32
  }
  func.func @transform_2(%arg0: i32) -> (i32, i32) {
    %c0_i32 = arith.constant 0 : i32
    %c0_i32_0 = arith.constant 0 : i32
    return %arg0, %c0_i32 : i32, i32
  }
  func.func @transform_3(%arg0: i32) -> (i32, i32) {
    %c0_i32 = arith.constant 0 : i32
    %c0_i32_0 = arith.constant 0 : i32
    %c0_i32_1 = arith.constant 0 : i32
    return %c0_i32, %c0_i32_0 : i32, i32
  }
  func.func @transform_4(%arg0: i32) -> (i32, i32) {
    %c0_i32 = arith.constant 0 : i32
    %c0_i32_0 = arith.constant 0 : i32
    %c0_i32_1 = arith.constant 0 : i32
    return %c0_i32, %c0_i32_0 : i32, i32
  }
  func.func @transform_5(%arg0: i32) -> (i32, i32) {
    %c0_i32 = arith.constant 0 : i32
    %c0_i32_0 = arith.constant 0 : i32
    %c0_i32_1 = arith.constant 0 : i32
    return %c0_i32, %c0_i32_0 : i32, i32
  }
  func.func @transform_6(%arg0: i32) -> (i32, i32) {
    %c0_i32 = arith.constant 0 : i32
    %c0_i32_0 = arith.constant 0 : i32
    %c0_i32_1 = arith.constant 0 : i32
    return %c0_i32, %c0_i32_0 : i32, i32
  }
  func.func @transform_7(%arg0: i32) -> (i32, i32) {
    %c0_i32 = arith.constant 0 : i32
    %c0_i32_0 = arith.constant 0 : i32
    %c0_i32_1 = arith.constant 0 : i32
    return %c0_i32, %c0_i32_0 : i32, i32
  }
  func.func @transform_8(%arg0: i32) -> (i32, i32) {
    %c0_i32 = arith.constant 0 : i32
    %c0_i32_0 = arith.constant 0 : i32
    return %arg0, %c0_i32 : i32, i32
  }
  func.func @transform_9(%arg0: i32) -> (i32, i32) {
    %c0_i32 = arith.constant 0 : i32
    %c0_i32_0 = arith.constant 0 : i32
    return %arg0, %c0_i32 : i32, i32
  }
  func.func @transform_10(%arg0: i32) -> (i32, i32) {
    %c0_i32 = arith.constant 0 : i32
    %c0_i32_0 = arith.constant 0 : i32
    return %arg0, %c0_i32 : i32, i32
  }
  func.func @transform_11(%arg0: i32) -> (i32, i32) {
    %c0_i32 = arith.constant 0 : i32
    %c0_i32_0 = arith.constant 0 : i32
    return %arg0, %c0_i32 : i32, i32
  }
}

module attributes {stable_mosaic.version = 14 : i64} {
  func.func @_readout_body(%arg0: i32, %arg1: memref<2000x128xf32, #tpu.memory_space<vmem>>, %arg2: memref<128x128xf32, #tpu.memory_space<vmem>>, %arg3: memref<1x128xf32, #tpu.memory_space<vmem>>, %arg4: memref<1x128xf32, #tpu.memory_space<vmem>>, %arg5: memref<1x128xf32, #tpu.memory_space<vmem>>) attributes {dimension_semantics = [#tpu.dimension_semantics<arbitrary>], iteration_bounds = array<i64: 5>, scalar_prefetch = 0 : i64, scratch_operands = 1 : i64, tpu.core_type = #tpu.core_type<tc>, window_params = [{transform_indices = @transform_0, window_bounds = array<i64: 2000, 128>}, {pipeline_mode = #tpu.pipeline_mode<synchronous>, transform_indices = @transform_1, window_bounds = array<i64: 128, 128>}, {pipeline_mode = #tpu.pipeline_mode<synchronous>, transform_indices = @transform_2, window_bounds = array<i64: 1, 128>}, {pipeline_mode = #tpu.pipeline_mode<synchronous>, transform_indices = @transform_3, window_bounds = array<i64: 1, 128>}]} {
    %get3A = arith.constant 0 : index
    %get3A_0 = arith.constant 0 : index
    %get3A_1 = vector.load %arg1[%get3A, %get3A_0] : memref<2000x128xf32, #tpu.memory_space<vmem>>, vector<2000x128xf32>
    %reduce_sum3A = arith.constant dense<0.000000e+00> : vector<128xf32>
    %reduce_sum3A_2 = vector.multi_reduction <add>, %get3A_1, %reduce_sum3A [0] : vector<2000x128xf32> to vector<128xf32>
    %broadcast_in_dim3A = vector.shape_cast %reduce_sum3A_2 : vector<128xf32> to vector<1x128xf32>
    %eq3A = arith.constant 0 : i32
    %eq3A_3 = arith.cmpi eq, %arg0, %eq3A : i32
    %convert_element_type3A = arith.extui %eq3A_3 : i1 to i32
    %cond3A = arith.constant 0 : i32
    %cond3A_4 = arith.cmpi ne, %convert_element_type3A, %cond3A : i32
    scf.if %cond3A_4 {
      %swap3A = arith.constant 0 : index
      %swap3A_14 = arith.constant 0 : index
      %swap3A_15 = vector.load %arg5[%swap3A, %swap3A_14] : memref<1x128xf32, #tpu.memory_space<vmem>>, vector<1x128xf32>
      tpu.vector_store %arg5[%swap3A, %swap3A_14], %broadcast_in_dim3A {strides = array<i32>} : memref<1x128xf32, #tpu.memory_space<vmem>>, vector<1x128xf32>,
    } else {
    }
    %gt3A = arith.constant 0 : i32
    %gt3A_5 = arith.cmpi sgt, %arg0, %gt3A : i32
    %convert_element_type3A_6 = arith.extui %gt3A_5 : i1 to i32
    %cond3A_7 = arith.constant 0 : i32
    %cond3A_8 = arith.cmpi ne, %convert_element_type3A_6, %cond3A_7 : i32
    scf.if %cond3A_8 {
      %get3A_14 = arith.constant 0 : index
      %get3A_15 = arith.constant 0 : index
      %get3A_16 = vector.load %arg5[%get3A_14, %get3A_15] : memref<1x128xf32, #tpu.memory_space<vmem>>, vector<1x128xf32>
      %add3A = arith.addf %get3A_16, %broadcast_in_dim3A : vector<1x128xf32>
      %swap3A = arith.constant 0 : index
      %swap3A_17 = arith.constant 0 : index
      %swap3A_18 = vector.load %arg5[%swap3A, %swap3A_17] : memref<1x128xf32, #tpu.memory_space<vmem>>, vector<1x128xf32>
      tpu.vector_store %arg5[%swap3A, %swap3A_17], %add3A {strides = array<i32>} : memref<1x128xf32, #tpu.memory_space<vmem>>, vector<1x128xf32>,
    } else {
    }
    %eq3A_9 = arith.constant 4 : i32
    %eq3A_10 = arith.cmpi eq, %arg0, %eq3A_9 : i32
    %convert_element_type3A_11 = arith.extui %eq3A_10 : i1 to i32
    %cond3A_12 = arith.constant 0 : i32
    %cond3A_13 = arith.cmpi ne, %convert_element_type3A_11, %cond3A_12 : i32
    scf.if %cond3A_13 {
      %get3A_14 = arith.constant 0 : index
      %get3A_15 = arith.constant 0 : index
      %get3A_16 = vector.load %arg5[%get3A_14, %get3A_15] : memref<1x128xf32, #tpu.memory_space<vmem>>, vector<1x128xf32>
      %get3A_17 = arith.constant 0 : index
      %get3A_18 = arith.constant 0 : index
      %get3A_19 = vector.load %arg2[%get3A_17, %get3A_18] : memref<128x128xf32, #tpu.memory_space<vmem>>, vector<128x128xf32>
      %dot_general3A = arith.constant dense<0.000000e+00> : vector<1x128xf32>
      %dot_general3A_20 = tpu.matmul %get3A_16, %get3A_19, %dot_general3A {dimension_numbers = #tpu.dot_dimension_numbers<[1], [0], [0], [1], [0, 0, 1, 1], [], []>, transpose_lhs_hint = false} : vector<1x128xf32>, vector<128x128xf32>, vector<1x128xf32> -> vector<1x128xf32>
      %get3A_21 = arith.constant 0 : index
      %get3A_22 = arith.constant 0 : index
      %get3A_23 = vector.load %arg3[%get3A_21, %get3A_22] : memref<1x128xf32, #tpu.memory_space<vmem>>, vector<1x128xf32>
      %add3A = arith.addf %dot_general3A_20, %get3A_23 : vector<1x128xf32>
      %tanh3A = math.tanh %add3A : vector<1x128xf32>
      %swap3A = arith.constant 0 : index
      %swap3A_24 = arith.constant 0 : index
      %swap3A_25 = vector.load %arg4[%swap3A, %swap3A_24] : memref<1x128xf32, #tpu.memory_space<vmem>>, vector<1x128xf32>
      tpu.vector_store %arg4[%swap3A, %swap3A_24], %tanh3A {strides = array<i32>} : memref<1x128xf32, #tpu.memory_space<vmem>>, vector<1x128xf32>,
    } else {
    }
    return
  }
  func.func @transform_0(%arg0: i32) -> (i32, i32) {
    %c0_i32 = arith.constant 0 : i32
    %c0_i32_0 = arith.constant 0 : i32
    return %arg0, %c0_i32 : i32, i32
  }
  func.func @transform_1(%arg0: i32) -> (i32, i32) {
    %c0_i32 = arith.constant 0 : i32
    %c0_i32_0 = arith.constant 0 : i32
    %c0_i32_1 = arith.constant 0 : i32
    return %c0_i32, %c0_i32_0 : i32, i32
  }
  func.func @transform_2(%arg0: i32) -> (i32, i32) {
    %c0_i32 = arith.constant 0 : i32
    %c0_i32_0 = arith.constant 0 : i32
    %c0_i32_1 = arith.constant 0 : i32
    return %c0_i32, %c0_i32_0 : i32, i32
  }
  func.func @transform_3(%arg0: i32) -> (i32, i32) {
    %c0_i32 = arith.constant 0 : i32
    %c0_i32_0 = arith.constant 0 : i32
    %c0_i32_1 = arith.constant 0 : i32
    return %c0_i32, %c0_i32_0 : i32, i32
  }
}

</mosaic_0001>

<sc_bundles>
// kernel: closed_call.17.cloned.1.call-start
scs
__scs_entry_jumppad:
0x0: {  	(pc) =	sbr.rel $0x88, $3  }
0x1: {  	(tag) =	ssettag $0x0;
	lr =	simm.s32 $0x1  }
0x2: {  	[smem:$0x3F98] =	sst lr;
	_ =	strace $0xD0000000  }
0x3: {  	_ = 	snop  }
0x4: {  	_ = 	snop  }
0x5: {  	_ = 	snop  }
0x6: {  	_ = 	snop  }
0x7: {  	_ = 	snop  }
__scs_overlays_trampoline_lowered:
0x8: {  	[smem:$0x3FA7] =	sst s0  }
0x9: {  	[smem:$0x3FA8] =	sst s1  }
0xa: {  	[smem:$0x3FA9] =	sst s2  }
0xb: {  	[smem:$0x3FAA] =	sst s3  }
0xc: {  	[smem:$0x3FAB] =	sst s4  }
0xd: {  	[smem:$0x3FAC] =	sst s5  }
0xe: {  	[smem:$0x3FAD] =	sst s6  }
0xf: {  	[smem:$0x3FAE] =	sst s7  }
0x10: {  	[smem:$0x3FAF] =	sst s8  }
0x11: {  	[smem:$0x3FB0] =	sst s9;
	s0 =	simm.s32 @!p0 $0x0  }
0x12: {  	s1 =	sld [smem:$0x3F96];
	s0 =	simm.s32 @p0 $0x1  }
0x13: {  	[smem:$0x3FB1] =	sst s0;
	s0 =	simm.s32 @!p1 $0x0  }
0x14: {  	s2 =	sld [smem:$0x3F95];
	s0 =	simm.s32 @p1 $0x1  }
0x15: {  	[smem:$0x3FB2] =	sst s0;
	s0 =	simm.s32 @!p2 $0x0  }
0x16: {  	s3 =	sld [smem:$0x3FDB];
	s0 =	simm.s32 @p2 $0x1  }
0x17: {  	s4 =	simm.s32 $0x1BF5;
	[smem:$0x3FB4] =	sst s0  }
0x18: {  	s0 =	sld [smem:$0x3F97];
	_ =	swait.ge [sflag:s4], $0x0  }
0x19: {  	s7 =	sld [smem:$0x3F98]  }
0x1a: {  	s8 =	sadd.s32 $0xFFFFE003, lr  }
0x1b: {  	s9 =	sadd.s32 $0xFFFFFEF7, lr;
	s5 =	simm.s32 $0xFFFFFFFF;
	p2 =	slt.u32 s8, $0xFFFFF086  }
0x1c: {  	p1 =	slt.u32 s9, $0xF7A;
	s5 =	simm.s32 @!p2 $0x0  }
0x1d: {  	s5 =	simm.s32 @p1 $0x1;
	p0 =	seq.s32 s7, s2  }
0x1e: {  	s7 =	smul.u32 @!p0 $0xF7A, s2;
	p2 =	seq.s32 @!p0 s5, $0x0  }
0x1f: {  	s9 =	smul.u32 $0xF7A, s1;
	s8 =	simm.s32 @!p0 $0x1BF5;
	p2 =	por !p2, p0  }
0x20: {  	[sflag:s8] =	ssyncset.s32 @!p0 $0xFFFFF086;
	s6 =	sadd.s32 @!p0 s3, s7;
	s7 =	simm.s32 @!p0 $0x108  }
0x21: {  	s3 =	sadd.s32 s3, s9;
	s6 =	sadd.s32 @!p0 $0x88, s6;
	s7 =	simm.s32 @p2 $0x1082  }
0x22: {  	[simem:s7], [sflag:s8] =	dma.local @!p0 [hbm:s6], $0xF7A  }
0x23: {  	s9 =	sor.u32 $0xD0000000, s2;
	s6 =	simm.s32 $0x108;
	_ =	swait.ge @!p0 [sflag:s8], $0x0  }
0x24: {  	s3 =	sadd.s32 $0x88, s3;
	s6 =	simm.s32 @!p1 $0x1082;
	[sflag:s4] =	ssyncset.s32 $0xFFFFF086  }
0x25: {  	[simem:s6], [sflag:s4] =	dma.local [hbm:s3], $0xF7A  }
0x26: {  	[smem:$0x3F98] =	sst s1;
	(tag) =	ssettag s2;
	_ =	strace s9  }
0x27: {  	s1 =	sld [smem:$0x3FA8]  }
0x28: {  	s2 =	sld [smem:$0x3FA9]  }
0x29: {  	s4 =	sld [smem:$0x3FAB]  }
0x2a: {  	p0 =	seq.s32 s5, $0x0;
	s5 =	sld [smem:$0x3FAC]  }
0x2b: {  	s6 =	sld [smem:$0x3FAD]  }
0x2c: {  	s7 =	sld [smem:$0x3FAE]  }
0x2d: {  	s3 =	simm.s32 $0x108;
	s8 =	sld [smem:$0x3FAF]  }
0x2e: {  	s3 =	simm.s32 @!p0 $0x1082;
	s9 =	sld [smem:$0x3FB0]  }
0x2f: {  	lr =	sadd.s32 s0, s3;
	s0 =	sld [smem:$0x3FA7]  }
0x30: {  	s3 =	sld [smem:$0x3FAA]  }
0x31: {  	[smem:$0x3FB3] =	sst s10  }
0x32: {  	s10 =	sld [smem:$0x3FB1];
	_ =	sdelay $0x3  }
0x33: {  	p0 =	seq.s32 s10, $0x1;
	s10 =	sld [smem:$0x3FB3];
	_ =	sdelay $0x3  }
0x34: {  	[smem:$0x3FB3] =	sst s10  }
0x35: {  	s10 =	sld [smem:$0x3FB2];
	_ =	sdelay $0x3  }
0x36: {  	p1 =	seq.s32 s10, $0x1;
	s10 =	sld [smem:$0x3FB3];
	_ =	sdelay $0x3  }
0x37: {  	[smem:$0x3FB3] =	sst s10  }
0x38: {  	s10 =	sld [smem:$0x3FB4]  }
0x39: {  	_ = 	snop;
	(pc) =	sbr.ind lr, $3  }
0x3a: {  	_ = 	snop  }
0x3b: {  	_ = 	snop  }
0x3c: {  	p2 =	seq.s32 s10, $0x1;
	s10 =	sld [smem:$0x3FB3]  }
0x3d: {  	_ =	shalt  }
0x3e: {  	_ =	shalt  }
0x3f: {  	_ =	shalt  }
0x40: {  	_ =	shalt  }
0x41: {  	_ =	shalt  }
0x42: {  	_ =	shalt  }
0x43: {  	_ =	shalt  }
0x44: {  	_ =	shalt  }
0x45: {  	_ =	shalt  }
0x46: {  	_ =	shalt  }
0x47: {  	_ =	shalt  }
0x48: {  	_ =	shalt  }
0x49: {  	_ =	shalt  }
0x4a: {  	_ =	shalt  }
0x4b: {  	_ =	shalt  }
0x4c: {  	_ =	shalt  }
0x4d: {  	_ =	shalt  }
0x4e: {  	_ =	shalt  }
0x4f: {  	_ =	shalt  }
0x50: {  	_ =	shalt  }
0x51: {  	_ =	shalt  }
0x52: {  	_ =	shalt  }
0x53: {  	_ =	shalt  }
0x54: {  	_ =	shalt  }
0x55: {  	_ =	shalt  }
0x56: {  	_ =	shalt  }
0x57: {  	_ =	shalt  }
0x58: {  	_ =	shalt  }
0x59: {  	_ =	shalt  }
0x5a: {  	_ =	shalt  }
0x5b: {  	_ =	shalt  }
0x5c: {  	_ =	shalt  }
0x5d: {  	_ =	shalt  }
0x5e: {  	_ =	shalt  }
0x5f: {  	_ =	shalt  }
0x60: {  	_ =	shalt  }
0x61: {  	_ =	shalt  }
0x62: {  	_ =	shalt  }
0x63: {  	_ =	shalt  }
0x64: {  	_ =	shalt  }
0x65: {  	_ =	shalt  }
0x66: {  	_ =	shalt  }
0x67: {  	_ =	shalt  }
0x68: {  	_ =	shalt  }
0x69: {  	_ =	shalt  }
0x6a: {  	_ =	shalt  }
0x6b: {  	_ =	shalt  }
0x6c: {  	_ =	shalt  }
0x6d: {  	_ =	shalt  }
0x6e: {  	_ =	shalt  }
0x6f: {  	_ =	shalt  }
0x70: {  	_ =	shalt  }
0x71: {  	_ =	shalt  }
0x72: {  	_ =	shalt  }
0x73: {  	_ =	shalt  }
0x74: {  	_ =	shalt  }
0x75: {  	_ =	shalt  }
0x76: {  	_ =	shalt  }
0x77: {  	_ =	shalt  }
0x78: {  	_ =	shalt  }
0x79: {  	_ =	shalt  }
0x7a: {  	_ =	shalt  }
0x7b: {  	_ =	shalt  }
0x7c: {  	_ =	shalt  }
0x7d: {  	_ =	shalt  }
0x7e: {  	_ =	shalt  }
0x7f: {  	_ =	shalt  }
0x80: {  	_ =	shalt  }
0x81: {  	_ =	shalt  }
0x82: {  	_ =	shalt  }
0x83: {  	_ =	shalt  }
0x84: {  	_ =	shalt  }
0x85: {  	_ =	shalt  }
0x86: {  	_ =	shalt  }
0x87: {  	_ =	shalt  }
.Lfunc_end0:
.L_simem_size_0:
called_computation_lowered:
.L_overlay_start_0:
0x88: {  	s2 =	sld [smem:$0x3FD9]  }
0x89: {  	s3 =	sld [smem:$0x3FFE];
	_ =	sdelay $0x1  }
0x8a: {  	s1 =	srdreg.scid  }
0x8b: {  	s0 =	sand.u32 $0x1, s1  }
0x8c: {  	s16 =	sshll.u32 s0, $0xA;
	s2 =	sadd.s32 s3, s2  }
0x8d: {  	s2 =	sadd.s32 s2, s16  }
0x8e: {  	[smem:$0x3FBF] =	sst s2  }
0x8f: {  	_ = 	snop  }
0x90: {  	(tm) =	ssettm $0x1  }
0x91: {  	s17 =	sld [smem:$0x3FFB];
	_ =	sdelay $0x3  }
0x92: {  	_ =	strace s17  }
0x93: {  	s2 =	sld [smem:$0x3FFC];
	_ =	sdelay $0x3  }
0x94: {  	_ =	strace s2  }
0x95: {  	s2 =	sld [smem:$0x3FFD];
	_ =	sdelay $0x3  }
0x96: {  	_ =	strace s2  }
0x97: {  	_ =	strace $0x8FFFFFFF  }
0x98: {  	s18 =	sld [smem:$0x3FDB];
	_ =	sdelay $0x1  }
0x99: {  	s19 =	simm.s32 $_scs_section_size  }
0x9a: {  	s4 =	simm.s32 $_size__tile_overlayer_lowered;
	s5 =	simm.s32 $_tile_overlayer_lowered  }
0x9b: {  	s22 =	simm.s32 $0x1BFF;
	s21 =	sshll.u32 s5, $0x1;
	s2 =	sadd.s32 s19, s18  }
0x9c: {  	s6 =	simm.s32 $0x0;
	s20 =	sshll.u32 s4, $0x1;
	s4 =	sadd.s32 s21, s2  }
0x9d: {  	[timem:s6], [sflag:s22] =	dma.local [hbm:s4], s20  }
0x9e: {  	_ =	swait.ge [sflag:s22], s20  }
0x9f: {  	s3 =	ssub.s32 $0x0, s20;
	[sflag:s22] =	ssyncset.done $0x0  }
0xa0: {  	[sflag:s22] =	ssyncadd.s32 s3;
	_ =	sdelay $0x1  }
0xa1: {  	s23 =	simm.s32 $0x1B8B  }
0xa2: {  	_ =	swait.ge [sflag:s23], $0x1  }
0xa3: {  	[sflag:s23] =	ssyncset.done $0x0  }
0xa4: {  	s25 =	simm.s32 $0x1B8E;
	s24 =	sld [smem:$0x3FFE];
	[sflag:s23] =	ssyncadd.s32 $0xFFFFFFFF  }
0xa5: {  	s26 =	simm.s32 $execute0_lowered;
	[smem:$0x3FD2] =	sst s25  }
0xa6: {  	s4 =	sshll.u32 s26, $0x1;
	_ =	strace $0x80000046;
	[dreg:$0x1] =	wrdreg $0xFFFFFFFF  }
0xa7: {  	s28 =	simm.s32 $_size_execute0_lowered;
	s2 =	sadd.s32 s2, s4;
	[dreg:$0x0] =	wrdreg $0x0  }
0xa8: {  	s4 =	sshll.u32 s28, $0x1;
	[dreg:$0x2] =	wrdreg s2  }
0xa9: {  	[dreg:$0x3] =	wrdreg s4  }
0xaa: {  	[dreg:$0x4] =	wrdreg $0xC0  }
0xab: {  	_ =	task [dreg:s6], $0x5FFFF  }
0xac: {  	[dreg:$0x1] =	wrdreg $0xFFFFFFFF  }
0xad: {  	[dreg:$0x0] =	wrdreg $0x60  }
0xae: {  	[dreg:$0x2] =	wrdreg s24  }
0xaf: {  	[dreg:$0x3] =	wrdreg $0x135000  }
0xb0: {  	[dreg:$0x4] =	wrdreg $0x9  }
0xb1: {  	_ =	task.clear_ibuf [dreg:s6], $0x5FFFF;
	_ =	strace $0x90000046  }
0xb2: {  	s29 =	simm.s32 $0x9;
	_ =	strace $0x80000048  }
0xb3: {  	_ =	swait.ge [sflag:s29], $0x1  }
0xb4: {  	[sflag:s29] =	ssyncadd.s32 $0xFFFFFFFF  }
0xb5: {  	_ =	strace $0x90000048  }
0xb6: {  	_ =	sfence  }
0xb7: {  	s30 =	sld [smem:$0x0];
	_ =	sdelay $0x2  }
0xb8: {  	s31 =	sshll.u32 s1, $0xD;
	s1 =	sshrl.u32 s1, $0x2  }
0xb9: {  	s3 =	sand.u32 $0x4000, s31;
	s1 =	sadd.s32 s1, s30  }
0xba: {  	s0 =	sor.u32 s3, s0;
	s1 =	sshll.u32 s1, $0x11  }
0xbb: {  	s0 =	sor.u32 s1, s0  }
0xbc: {  	s0 =	sadd.s32 $0x8F2B, s0  }
0xbd: {  	[sflag:s0] =	ssyncadd.remote.s32 $0x1  }
0xbe: {  	_ =	sfence.sel $0xFFFF  }
0xbf: {  	[dreg:$0x0] =	wrdreg $0xFFFFFFFF;
	(pc) =	sbr.abs _section_cstart, $3  }
0xc0: {  	[dreg:$0x1] =	wrdreg $0xFFFFFFFF  }
0xc1: {  	_ =	task.clear_ibuf [dreg:s6], $0x2FFFF;
	_ =	strace $0x9FFFFFFF  }
0xc2: {  	(tm) =	ssettm $0x7FFFFFFF  }
0xc3: {  	_ =	shalt  }
tec
execute0_lowered:
.L_overlay_start_1:
0x0: {  	(tag) =	ssettag $0x1  }
0x1: {  	s1 =	rddreg [dreg:$0x0]  }
0x2: {  	s2 =	rddreg [dreg:$0x1];
	s3 =	simm.s32 $0x0;
	s20 =	stileid.u32  }
0x3: {  	s0 =	srdreg.scid;
	s29 =	simm.s32 $0x12100;
	s30 =	simm.s32 $0x5  }
0x4: {  	s31 =	simm.s32 $0xA100;
	s28 =	simm.s32 $0x11100;
	s4 =	smul.u32 $0x4E20, s20  }
0x5: {  	[smem:$0x7FF] =	sst s3;
	s0 =	sand.u32 $0x1, s0;
	s7 =	smul.u32 $0x5000, s20  }
0x6: {  	s5 =	sadd.s32 $0x2C000, s1;
	s8 =	sadd.s32 $0xB5200, s1;
	s26 =	smul.u32 $0x28, s20  }
0x7: {  	s10 =	sor.u32 $0x20, s20;
	s11 =	sor.u32 $0x30, s20;
	s16 =	smul.u32 $0x1388, s0  }
0x8: {  	s12 =	sor.u32 $0x40, s20;
	s13 =	sor.u32 $0x50, s20;
	s15 =	smul.u32 $0x28, s10  }
0x9: {  	s17 =	sor.u32 $0x60, s20;
	s18 =	sor.u32 $0x70, s20;
	s19 =	smul.u32 $0x28, s11  }
0xa: {  	p0 =	sgt.u32 s20, $0xD;
	s6 =	ssub.s32 $0x2, s0;
	s22 =	smul.u32 $0x28, s12  }
0xb: {  	p1 =	sgt.u32 s20, $0xC;
	s24 =	smul.u32 $0x28, s13;
	s9 =	sshrl.u32 s6, $0x1  }
0xc: {  	s0 =	ssub.s32 s6, s9;
	s23 =	sadd.s32 s16, s19;
	s19 =	smul.u32 $0x28, s17  }
0xd: {  	s6 =	sor.u32 $0x10, s20;
	s9 =	sadd.s32 s26, s16;
	s26 =	smul.u32 $0x28, s18  }
0xe: {  	_ =	strace $0x80000047;
	s15 =	sadd.s32 s16, s15;
	s14 =	smul.u32 $0x28, s6  }
0xf: {  	s9 =	sshll.u32 s9, $0x4;
	s21 =	sshll.u32 s15, $0x4;
	s6 =	smul.u32 $0x5000, s6  }
0x10: {  	s15 =	sadd.s32 s16, s24;
	s24 =	smul.u32 $0x5000, s10;
	s0 =	smax.u32 s0, $0x1  }
0x11: {  	s9 =	sadd.s32 s8, s9;
	s19 =	sadd.s32 s16, s19;
	[dreg:$0x16] =	wrdreg s0  }
0x12: {  	s0 =	simm.s32 $0x20;
	[dreg:$0x3] =	wrdreg s9;
	s14 =	sadd.s32 s16, s14  }
0x13: {  	s10 =	sshrl.u32 s6, $0x2;
	s9 =	sshll.u32 s14, $0x4;
	s14 =	sadd.s32 s16, s22  }
0x14: {  	s25 =	sshll.u32 s14, $0x4;
	s14 =	sadd.s32 s16, s26;
	s26 =	smul.u32 $0x5000, s11  }
0x15: {  	s9 =	sadd.s32 s8, s9;
	s11 =	smul.u32 $0x5000, s12;
	s12 =	sshrl.u32 s24, $0x2  }
0x16: {  	[dreg:$0x4] =	wrdreg s9;
	s9 =	sadd.s32 s8, s21;
	s22 =	sshll.u32 s14, $0x4  }
0x17: {  	s14 =	sadd.s32 $0x53200, s1;
	[dreg:$0x5] =	wrdreg s9;
	s9 =	sshll.u32 s23, $0x4  }
0x18: {  	s23 =	sshrl.u32 s4, $0x3;
	s24 =	sshrl.u32 s26, $0x2;
	s26 =	smul.u32 $0x5000, s18  }
0x19: {  	s6 =	sshrl.u32 s11, $0x2;
	s18 =	smul.u32 $0x4E200, s20;
	s9 =	sadd.s32 s8, s9  }
0x1a: {  	s11 =	sadd.s32 s6, s2;
	s6 =	simm.s32 $0x9E00;
	[dreg:$0x6] =	wrdreg s9  }
0x1b: {  	s9 =	sadd.s32 s8, s25;
	s25 =	sshrl.u32 s7, $0x2;
	[dreg:$0xf] =	wrdreg s11  }
0x1c: {  	s7 =	simm.s32 $0xC100;
	[dreg:$0x7] =	wrdreg s9;
	s9 =	sshll.u32 s15, $0x4  }
0x1d: {  	s15 =	sshll.u32 s19, $0x4;
	s19 =	smul.u32 $0x5000, s13;
	s9 =	sadd.s32 s8, s9  }
0x1e: {  	s21 =	sadd.s32 s8, s15;
	s8 =	sadd.s32 s8, s22;
	[dreg:$0x8] =	wrdreg s9  }
0x1f: {  	s15 =	sadd.s32 $0x55C400, s1;
	s22 =	sadd.s32 s10, s2;
	[dreg:$0x9] =	wrdreg s21  }
0x20: {  	[dreg:$0xa] =	wrdreg s8;
	s8 =	sadd.s32 s23, s1;
	s21 =	sadd.s32 s25, s2  }
0x21: {  	s25 =	smul.u32 $0x5000, s17;
	s1 =	sadd.s32 s24, s2;
	[dreg:$0xc] =	wrdreg s22  }
0x22: {  	s17 =	sshrl.u32 s26, $0x2;
	s26 =	sadd.s32 s15, s18;
	[dreg:$0xe] =	wrdreg s1  }
0x23: {  	s11 =	simm.s32 $0x9E80;
	s10 =	simm.s32 $0xB100;
	[dreg:$0x15] =	wrdreg s26  }
0x24: {  	s23 =	sadd.s32 s12, s2;
	s9 =	sshrl.u32 s19, $0x2;
	[dreg:$0xb] =	wrdreg s21  }
0x25: {  	s12 =	sadd.s32 s9, s2;
	s19 =	sadd.s32 s17, s2;
	[dreg:$0xd] =	wrdreg s23  }
0x26: {  	s24 =	sadd.s32 $0xAB400, s8;
	s9 =	simm.s32 $0x9D80;
	[dreg:$0x10] =	wrdreg s12  }
0x27: {  	s26 =	simm.s32 $0x2;
	s17 =	simm.s32 $0x0;
	[dreg:$0x12] =	wrdreg s19  }
0x28: {  	s13 =	sshrl.u32 s25, $0x2;
	[dreg:$0x13] =	wrdreg s24;
	s25 =	sadd.s32 $0xA1600, s8  }
0x29: {  	s8 =	simm.s32 $0xE100;
	s12 =	simm.s32 $0xD100;
	s24 =	simm.s32 $0x1  }
0x2a: {  	s1 =	sadd.s32 s13, s2;
	[dreg:$0x14] =	wrdreg s25;
	s13 =	simm.s32 $0xF100  }
0x2b: {  	v1 =	vimm.f32 $0.0e+00;
	v0 =	vmov s16;
	s25 =	simm.s32 $0x10100;
	[dreg:$0x11] =	wrdreg s1;
	s1 =	simm.s32 $0x9D00  }
.LBB2_1:
0x2c: {  	s16 =	sand.u32 $0x7E00, s3  }
0x2d: {  	s18 =	sand.u32 $0x70, s3;
	s19 =	sshrl.u32 s16, $0x2  }
0x2e: {  	s16 =	simm.s32 $0x40;
	s19 =	sor.u32 s18, s19;
	s18 =	simm.s32 $0x0  }
.LBB2_2:
0x2f: {  	p2 =	sne.s32 s16, $0x4FC0  }
0x30: {  	[tilespmem:s19+$0x12100] =	vst v1;
	s18 =	sadd.s32 $0x10, s18;
	s19 =	smov.u32 s16;
	s16 =	sadd.s32 $0x40, s16  }
.Ltmp0:
0x31: {  	(pc) =	sbr.rel @p2 .LBB2_2-.Ltmp0, $4  }
0x32: {  	_ = 	snop  }
0x33: {  	s19 =	sand.u32 $0x7E00, s19  }
0x34: {  	s20 =	sand.u32 $0x70, s18;
	s19 =	sshrl.u32 s19, $0x2  }
0x35: {  	s19 =	sor.u32 s20, s19  }
0x36: {  	[tilespmem:s19+$0x12100] =	vst v1  }
0x37: {  	[spmem:s21] =	stream.linear.scatter [tilespmem:s29], [sflag:$0x5], $0x1400, $0x38;
	[tilespmem:$0x1D280] =	vst v63  }
0x38: {  	_ =	swait.ge [sflag:s30], $0x1400  }
0x39: {  	[sflag:s30] =	ssyncset.done $0x0  }
0x3a: {  	[sflag:s30] =	ssyncadd.s32 $0xFFFFEC00  }
0x3b: {  	[spmem:s22] =	stream.linear.scatter [tilespmem:s29], [sflag:$0x5], $0x1400, $0x38;
	[tilespmem:$0x1D280] =	vst v63  }
0x3c: {  	_ =	swait.ge [sflag:s30], $0x1400  }
0x3d: {  	[sflag:s30] =	ssyncset.done $0x0  }
0x3e: {  	[sflag:s30] =	ssyncadd.s32 $0xFFFFEC00  }
0x3f: {  	[spmem:s23] =	stream.linear.scatter [tilespmem:s29], [sflag:$0x5], $0x1400, $0x38;
	[tilespmem:$0x1D280] =	vst v63  }
0x40: {  	_ =	swait.ge [sflag:s30], $0x1400  }
0x41: {  	[sflag:s30] =	ssyncset.done $0x0  }
0x42: {  	s16 =	rddreg [dreg:$0xe];
	[sflag:s30] =	ssyncadd.s32 $0xFFFFEC00  }
0x43: {  	[spmem:s16] =	stream.linear.scatter [tilespmem:s29], [sflag:$0x5], $0x1400, $0x38;
	[tilespmem:$0x1D280] =	vst v63  }
0x44: {  	_ =	swait.ge [sflag:s30], $0x1400  }
0x45: {  	[sflag:s30] =	ssyncset.done $0x0  }
0x46: {  	s23 =	rddreg [dreg:$0xf];
	[sflag:s30] =	ssyncadd.s32 $0xFFFFEC00  }
0x47: {  	[spmem:s23] =	stream.linear.scatter [tilespmem:s29], [sflag:$0x5], $0x1400, $0x38;
	[tilespmem:$0x1D280] =	vst v63  }
0x48: {  	_ =	swait.ge [sflag:s30], $0x1400  }
0x49: {  	[sflag:s30] =	ssyncset.done $0x0  }
0x4a: {  	s18 =	rddreg [dreg:$0x10];
	[sflag:s30] =	ssyncadd.s32 $0xFFFFEC00  }
0x4b: {  	[spmem:s18] =	stream.linear.scatter [tilespmem:s29], [sflag:$0x5], $0x1400, $0x38;
	[tilespmem:$0x1D280] =	vst v63  }
0x4c: {  	_ =	swait.ge [sflag:s30], $0x1400  }
0x4d: {  	[sflag:s30] =	ssyncset.done $0x0  }
0x4e: {  	s19 =	rddreg [dreg:$0x11];
	[sflag:s30] =	ssyncadd.s32 $0xFFFFEC00  }
0x4f: {  	[spmem:s19] =	stream.linear.scatter [tilespmem:s29], [sflag:$0x5], $0x1400, $0x38;
	[tilespmem:$0x1D280] =	vst v63  }
0x50: {  	_ =	swait.ge [sflag:s30], $0x1400  }
0x51: {  	[sflag:s30] =	ssyncset.done $0x0  }
0x52: {  	s16 =	simm.s32 @!p0 $0x12100;
	s18 =	rddreg [dreg:$0x12];
	[sflag:s30] =	ssyncadd.s32 $0xFFFFEC00  }
0x53: {  	[spmem:s18] =	stream.linear.scatter @!p0 [tilespmem:s16], [sflag:$0x5], $0x1400, $0x38;
	[tilespmem:$0x1D280] =	vst v63  }
0x54: {  	s16 =	simm.s32 @!p0 $0x5  }
0x55: {  	_ =	swait.ge @!p0 [sflag:s16], $0x1400  }
0x56: {  	[sflag:s16] =	ssyncset.done @!p0 $0x0  }
0x57: {  	[sflag:s16] =	ssyncadd.s32 @!p0 $0xFFFFEC00  }
0x58: {  	[bflag:$0x0] =	sbarrier.arrive $0xFFFF  }
0x59: {  	s18 =	simm.s32 $0x0;
	s20 =	rddreg [dreg:$0x13]  }
0x5a: {  	[tilespmem:s18], [sflag:$0x5] =	stream.linear.gather [hbm4b:s20+s18], $0x4E20, $0x38;
	[tilespmem:$0x1D280] =	vst v63  }
0x5b: {  	_ =	swait.ge [sflag:s30], $0x4E20  }
0x5c: {  	[sflag:s30] =	ssyncset.done $0x0  }
0x5d: {  	s22 =	simm.s32 $0x4E80;
	s21 =	rddreg [dreg:$0x14];
	[sflag:s30] =	ssyncadd.s32 $0xFFFFB1E0  }
0x5e: {  	[tilespmem:s22], [sflag:$0x5] =	stream.linear.gather [hbm4b:s21+s18], $0x4E20, $0x38;
	[tilespmem:$0x1D280] =	vst v63  }
0x5f: {  	_ =	swait.ge [sflag:s30], $0x4E20  }
0x60: {  	[sflag:s30] =	ssyncset.done $0x0  }
0x61: {  	[sflag:s30] =	ssyncadd.s32 $0xFFFFB1E0  }
0x62: {  	v2 =	vld [tilespmem:$0x0]  }
0x63: {  	v3 =	vld [tilespmem:$0x4E80]  }
0x64: {  	v4 =	vld [tilespmem:$0x10];
	_ =	sdelay $0x1  }
0x65: {  	v5 =	vld [tilespmem:$0x4E90]  }
0x66: {  	[tilespmem:$0x9D00] =	vst v2  }
0x67: {  	v2 =	vsub.s32 v2, v0;
	[tilespmem:$0x9E00] =	vst v3  }
0x68: {  	[tilespmem:$0x9D10] =	vst v4;
	v2 =	vmin.u32 v2, $0x1388  }
0x69: {  	[tilespmem:$0x9F00] =	vst v2;
	v2 =	vsub.s32 v4, v0  }
0x6a: {  	[tilespmem:$0x9E10] =	vst v5;
	v2 =	vmin.u32 v2, $0x1388  }
0x6b: {  	[tilespmem:$0x9F10] =	vst v2  }
0x6c: {  	[tilespmem:s31], [sflag:$0x1] =	stream.indirect.gather [hbm4b:s5+s0], $0x80, s1, s0, $0xb8;
	[tilespmem:$0x1D280] =	vst v63  }
0x6d: {  	_ = 	snop  }
0x6e: {  	[tilespmem:s7], [sflag:$0x1] =	stream.indirect.gather [hbm4b:s14+s0], $0x80, s6, s0, $0xb8;
	[tilespmem:$0x1D280] =	vst v63  }
0x6f: {  	s23 =	rddreg [dreg:$0x15]  }
0x70: {  	[tilespmem:s8], [sflag:$0x1] =	stream.linear.gather [hbm4b:s23+s18], $0x1000, $0x38;
	[tilespmem:$0x1D280] =	vst v63  }
.LBB2_4:
0x71: {  	s16 =	sshllo.u32 s18, $0x1  }
0x72: {  	s20 =	sshll.u32 s16, $0x5  }
0x73: {  	v2 =	vld [tilespmem:s20+$0x0];
	_ =	sdelay $0x4  }
0x74: {  	[tilespmem:$0x9D80] =	vst v2  }
0x75: {  	v3 =	vld [tilespmem:s20+$0x4E80];
	_ =	sdelay $0x3  }
0x76: {  	s16 =	sshll.u32 s16, $0x7;
	v2 =	vsub.s32 v2, v0  }
0x77: {  	s19 =	sand.u32 $0x180, s16;
	v2 =	vmin.u32 v2, $0x1388;
	[tilespmem:$0x9E80] =	vst v3  }
0x78: {  	[tilespmem:s19+$0x9F00] =	vst v2  }
0x79: {  	v2 =	vld [tilespmem:s20+$0x10];
	_ =	sdelay $0x4  }
0x7a: {  	[tilespmem:$0x9D90] =	vst v2  }
0x7b: {  	v3 =	vld [tilespmem:s20+$0x4E90];
	_ =	sdelay $0x3  }
0x7c: {  	v2 =	vsub.s32 v2, v0  }
0x7d: {  	v2 =	vmin.u32 v2, $0x1388;
	[tilespmem:$0x9E90] =	vst v3  }
0x7e: {  	s23 =	sadd.s32 s4, s20;
	[tilespmem:s19+$0x9F10] =	vst v2  }
0x7f: {  	[tilespmem:s10], [sflag:$0x2] =	stream.indirect.gather [hbm4b:s5+s0], $0x80, s9, s0, $0xb8;
	[tilespmem:$0x1D280] =	vst v63  }
0x80: {  	s16 =	sshll.u32 s23, $0x4  }
0x81: {  	[tilespmem:s12], [sflag:$0x2] =	stream.indirect.gather [hbm4b:s14+s0], $0x80, s11, s0, $0xb8;
	[tilespmem:$0x1D280] =	vst v63  }
0x82: {  	s16 =	sadd.s32 s15, s16  }
0x83: {  	[tilespmem:s13], [sflag:$0x2] =	stream.linear.gather [hbm4b:s16+s3], $0x1000, $0x38;
	[tilespmem:$0x1D280] =	vst v63  }
0x84: {  	_ =	swait.ge [sflag:s24], $0x1000  }
0x85: {  	[sflag:s24] =	ssyncset.done $0x0  }
0x86: {  	[sflag:s24] =	ssyncadd.s32 $0xFFFFF000  }
0x87: {  	_ =	swait.ge [sflag:s24], $0x1000  }
0x88: {  	[sflag:s24] =	ssyncset.done $0x0  }
0x89: {  	[sflag:s24] =	ssyncadd.s32 $0xFFFFF000  }
0x8a: {  	_ =	swait.ge [sflag:s24], $0x1000  }
0x8b: {  	p2 =	seq.s32 s18, $0x0;
	[sflag:s24] =	ssyncset.done $0x0  }
0x8c: {  	s16 =	simm.s32 @!p2 $0x3;
	[sflag:s24] =	ssyncadd.s32 $0xFFFFF000  }
0x8d: {  	_ =	swait.ge @!p2 [sflag:s16], $0x1000  }
0x8e: {  	[sflag:s16] =	ssyncset.done @!p2 $0x0  }
0x8f: {  	s22 =	simm.s32 $0x0;
	[sflag:s16] =	ssyncadd.s32 @!p2 $0xFFFFF000  }
0x90: {  	v2 =	vld [tilespmem:s22+$0xA1F0]  }
0x91: {  	v3 =	vld [tilespmem:s22+$0xC1F0]  }
0x92: {  	v4 =	vld [tilespmem:s22+$0xA100]  }
0x93: {  	v5 =	vld [tilespmem:s22+$0xE1F0]  }
0x94: {  	v6 =	vld [tilespmem:s22+$0xC100]  }
0x95: {  	v7 =	vld [tilespmem:s22+$0xA110]  }
0x96: {  	v8 =	vld [tilespmem:s22+$0xC110]  }
0x97: {  	v9 =	vld [tilespmem:s22+$0xC120]  }
0x98: {  	v10 =	vld [tilespmem:s22+$0xC130]  }
0x99: {  	v11 =	vld [tilespmem:s22+$0xA140]  }
0x9a: {  	v12 =	vld [tilespmem:s22+$0xC140]  }
0x9b: {  	v13 =	vld [tilespmem:s22+$0xA150]  }
0x9c: {  	v14 =	vld [tilespmem:s22+$0xA160]  }
0x9d: {  	v15 =	vld [tilespmem:s22+$0xC160]  }
0x9e: {  	v16 =	vld [tilespmem:s22+$0xA170]  }
0x9f: {  	v17 =	vld [tilespmem:s22+$0xC170];
	v2 =	vadd.f32 v3, v2  }
0xa0: {  	v18 =	vld [tilespmem:s22+$0xA180]  }
0xa1: {  	v19 =	vld [tilespmem:s22+$0xC180];
	v2 =	vadd.f32 v5, v2  }
0xa2: {  	v20 =	vld [tilespmem:s22+$0xA190]  }
0xa3: {  	v21 =	vld [tilespmem:s22+$0xC190];
	v2 =	vmin.f32 v2, $8.000000000e+01  }
0xa4: {  	v23 =	vld [tilespmem:s22+$0xA1A0];
	v2 =	vmul.f32 $1.442695020e+00, v2  }
0xa5: {  	v25 =	vld [tilespmem:s22+$0xC1A0]  }
0xa6: {  	v26 =	vld [tilespmem:s22+$0xA1B0];
	(erf) = vpow2.f32 v2  }
0xa7: {  	v27 =	vld [tilespmem:s22+$0xA1C0]  }
0xa8: {  	v28 =	vld [tilespmem:s22+$0xC1C0]  }
0xa9: {  	v29 =	vld [tilespmem:s22+$0xA1D0]  }
0xaa: {  	v30 =	vld [tilespmem:s22+$0xC1D0]  }
0xab: {  	v31 =	vld [tilespmem:s22+$0xA1E0]  }
0xac: {  	v32 =	vld [tilespmem:s22+$0xC1E0]  }
0xad: {  	v33 =	vld [tilespmem:s22+$0xE100]  }
0xae: {  	v34 =	vld [tilespmem:s22+$0xE110]  }
0xaf: {  	v36 =	vld [tilespmem:s22+$0xE120];
	v22 =	vpop (erf)  }
0xb0: {  	v3 =	vld [tilespmem:s22+$0xA120];
	v24 =	vadd.f32 $1.000000000e+00, v22  }
0xb1: {  	v55 =	vld [tilespmem:s22+$0xE130]  }
0xb2: {  	v37 =	vld [tilespmem:s22+$0xE140];
	(erf) = vrcp.f32 v24  }
0xb3: {  	v4 =	vadd.f32 v6, v4;
	v6 =	vadd.f32 v8, v7;
	v7 =	vld [tilespmem:s22+$0xE150]  }
0xb4: {  	v8 =	vld [tilespmem:s22+$0xE160]  }
0xb5: {  	v5 =	vld [tilespmem:s22+$0xA130];
	v3 =	vadd.f32 v9, v3  }
0xb6: {  	v9 =	vadd.f32 v12, v11;
	v12 =	vadd.f32 v17, v16;
	v16 =	vld [tilespmem:s22+$0xE190]  }
0xb7: {  	v11 =	vadd.f32 v15, v14;
	v14 =	vadd.f32 v19, v18;
	v19 =	vld [tilespmem:s22+$0xE1A0]  }
0xb8: {  	v15 =	vadd.f32 v21, v20;
	v21 =	vld [tilespmem:s22+$0xE1B0]  }
0xb9: {  	v4 =	vadd.f32 v33, v4;
	v6 =	vadd.f32 v34, v6;
	v2 =	vld [tilespmem:s22+$0xC150]  }
0xba: {  	v17 =	vadd.f32 v25, v23;
	v23 =	vld [tilespmem:s22+$0xE1C0];
	v22 =	vsub.f32 $1.000000000e+00, v22  }
0xbb: {  	v4 =	vmin.f32 v4, $8.000000000e+01;
	v6 =	vmin.f32 v6, $8.000000000e+01;
	v25 =	vld [tilespmem:s22+$0xE1D0];
	v35 =	vpop (erf)  }
0xbc: {  	v20 =	vadd.f32 v28, v27;
	v5 =	vadd.f32 v10, v5;
	v24 =	vld [tilespmem:s22+$0xC1B0];
	v22 =	vmul.f32 v35, v22  }
0xbd: {  	v4 =	vmul.f32 $1.442695020e+00, v4;
	v10 =	vld [tilespmem:s22+$0xE170];
	v3 =	vadd.f32 v36, v3;
	v9 =	vadd.f32 v37, v9  }
0xbe: {  	s20 =	simm.s32 $0x100;
	v6 =	vmul.f32 $1.442695020e+00, v6;
	v8 =	vadd.f32 v8, v11;
	v2 =	vadd.f32 v2, v13;
	v13 =	vld [tilespmem:s22+$0xE180];
	[tilespmem:s22+$0x101F0] =	vst v22  }
0xbf: {  	v5 =	vadd.f32 v55, v5;
	v3 =	vmin.f32 v3, $8.000000000e+01;
	v9 =	vmin.f32 v9, $8.000000000e+01;
	v27 =	vld [tilespmem:s20+$0xA1F0]  }
0xc0: {  	v8 =	vmin.f32 v8, $8.000000000e+01;
	v3 =	vmul.f32 $1.442695020e+00, v3;
	v2 =	vadd.f32 v7, v2;
	v7 =	vld [tilespmem:s20+$0xC1F0]  }
0xc1: {  	v9 =	vmul.f32 $1.442695020e+00, v9;
	v15 =	vadd.f32 v16, v15;
	v18 =	vadd.f32 v24, v26;
	v26 =	vld [tilespmem:s22+$0xE1E0]  }
0xc2: {  	v16 =	vadd.f32 v19, v17;
	v5 =	vmin.f32 v5, $8.000000000e+01;
	v10 =	vadd.f32 v10, v12;
	v12 =	vld [tilespmem:s20+$0xE1F0]  }
0xc3: {  	v8 =	vmul.f32 $1.442695020e+00, v8;
	v17 =	vadd.f32 v23, v20;
	v5 =	vmul.f32 $1.442695020e+00, v5;
	v11 =	vld [tilespmem:s20+$0xA100]  }
0xc4: {  	v15 =	vmin.f32 v15, $8.000000000e+01;
	v16 =	vmin.f32 v16, $8.000000000e+01;
	v13 =	vadd.f32 v13, v14;
	v14 =	vld [tilespmem:s20+$0xC100]  }
0xc5: {  	v15 =	vmul.f32 $1.442695020e+00, v15;
	(erf) = vpow2.f32 v4;
	v4 =	vld [tilespmem:s20+$0xA110];
	v7 =	vadd.f32 v7, v27  }
0xc6: {  	v17 =	vmin.f32 v17, $8.000000000e+01;
	v16 =	vmul.f32 $1.442695020e+00, v16;
	(erf) = vpow2.f32 v6;
	v6 =	vld [tilespmem:s20+$0xC110]  }
0xc7: {  	v2 =	vmin.f32 v2, $8.000000000e+01;
	(erf) = vpow2.f32 v3;
	v3 =	vld [tilespmem:s20+$0xA120];
	v7 =	vadd.f32 v12, v7  }
0xc8: {  	v10 =	vmin.f32 v10, $8.000000000e+01;
	v2 =	vmul.f32 $1.442695020e+00, v2;
	(erf) = vpow2.f32 v5;
	v5 =	vld [tilespmem:s20+$0xC120]  }
0xc9: {  	v10 =	vmul.f32 $1.442695020e+00, v10;
	(erf) = vpow2.f32 v9;
	v9 =	vld [tilespmem:s20+$0xA130];
	v7 =	vmin.f32 v7, $8.000000000e+01  }
0xca: {  	v13 =	vmin.f32 v13, $8.000000000e+01;
	(erf) = vpow2.f32 v2;
	v2 =	vld [tilespmem:s20+$0xC130];
	v7 =	vmul.f32 $1.442695020e+00, v7  }
0xcb: {  	v13 =	vmul.f32 $1.442695020e+00, v13;
	v24 =	vadd.f32 v32, v31;
	(erf) = vpow2.f32 v8;
	v8 =	vld [tilespmem:s20+$0xA140]  }
0xcc: {  	(erf) = vpow2.f32 v10;
	v22 =	vadd.f32 v30, v29;
	v10 =	vld [tilespmem:s20+$0xC140];
	v12 =	vadd.f32 v21, v18  }
0xcd: {  	v17 =	vmul.f32 $1.442695020e+00, v17;
	(erf) = vpow2.f32 v13;
	v20 =	vadd.f32 v26, v24;
	v13 =	vld [tilespmem:s20+$0xA150]  }
0xce: {  	v19 =	vld [tilespmem:s20+$0xC150];
	v18 =	vadd.f32 v25, v22;
	v12 =	vmin.f32 v12, $8.000000000e+01;
	(erf) = vpow2.f32 v7;
	v7 =	vpop (erf)  }
0xcf: {  	v30 =	vld [tilespmem:s20+$0xA190];
	v12 =	vmul.f32 $1.442695020e+00, v12;
	(erf) = vpow2.f32 v15;
	v21 =	vpop (erf)  }
0xd0: {  	v20 =	vmin.f32 v20, $8.000000000e+01;
	v56 =	vld [tilespmem:s20+$0xC190];
	v18 =	vmin.f32 v18, $8.000000000e+01;
	(erf) = vpow2.f32 v16;
	v22 =	vpop (erf)  }
0xd1: {  	v61 =	vld [tilespmem:s20+$0xA1B0];
	v18 =	vmul.f32 $1.442695020e+00, v18;
	v25 =	vadd.f32 $1.000000000e+00, v7;
	(erf) = vpow2.f32 v12;
	v23 =	vpop (erf)  }
0xd2: {  	v20 =	vmul.f32 $1.442695020e+00, v20;
	v41 =	vld [tilespmem:s20+$0xC1D0];
	v27 =	vadd.f32 $1.000000000e+00, v21;
	(erf) = vpow2.f32 v17;
	v24 =	vpop (erf)  }
0xd3: {  	v62 =	vadd.f32 v6, v4;
	v4 =	vld [tilespmem:s20+$0xC1B0];
	(erf) = vpow2.f32 v18;
	v26 =	vpop (erf)  }
0xd4: {  	v51 =	vld [tilespmem:s20+$0xE110];
	v11 =	vadd.f32 v14, v11;
	v31 =	vadd.f32 $1.000000000e+00, v23;
	(erf) = vpow2.f32 v20;
	v28 =	vpop (erf)  }
0xd5: {  	v63 =	vadd.f32 v2, v9;
	v9 =	vld [tilespmem:s20+$0xA1C0];
	v29 =	vadd.f32 $1.000000000e+00, v22;
	(erf) = vrcp.f32 v25;
	v25 =	vpop (erf)  }
0xd6: {  	v38 =	vadd.f32 v5, v3;
	v13 =	vadd.f32 v19, v13;
	v15 =	vld [tilespmem:s20+$0xA160];
	(erf) = vrcp.f32 v27;
	v27 =	vpop (erf)  }
0xd7: {  	v30 =	vadd.f32 v56, v30;
	v16 =	vld [tilespmem:s20+$0xC160];
	v57 =	vadd.f32 $1.000000000e+00, v24;
	(erf) = vrcp.f32 v29;
	v58 =	vpop (erf)  }
0xd8: {  	v33 =	vadd.f32 v4, v61;
	v12 =	vld [tilespmem:s20+$0xA170];
	(erf) = vrcp.f32 v31;
	v59 =	vadd.f32 $1.000000000e+00, v58;
	v31 =	vpop (erf)  }
0xd9: {  	v6 =	vsub.f32 $1.000000000e+00, v21;
	v21 =	vadd.f32 v10, v8;
	v8 =	vld [tilespmem:s20+$0xC1C0];
	(erf) = vrcp.f32 v57;
	v14 =	vpop (erf)  }
0xda: {  	v5 =	vsub.f32 $1.000000000e+00, v7;
	v17 =	vld [tilespmem:s20+$0xC170];
	v7 =	vsub.f32 $1.000000000e+00, v22;
	(erf) = vrcp.f32 v59;
	v3 =	vpop (erf)  }
0xdb: {  	v22 =	vld [tilespmem:s20+$0xA1D0];
	v23 =	vsub.f32 $1.000000000e+00, v23;
	v24 =	vsub.f32 $1.000000000e+00, v24;
	v2 =	vpop (erf)  }
0xdc: {  	v18 =	vld [tilespmem:s20+$0xA180];
	v39 =	vadd.f32 $1.000000000e+00, v26;
	v15 =	vadd.f32 v16, v15;
	v10 =	vpop (erf)  }
0xdd: {  	v20 =	vld [tilespmem:s20+$0xC180];
	v26 =	vsub.f32 $1.000000000e+00, v26;
	v42 =	vadd.f32 $1.000000000e+00, v28;
	v19 =	vpop (erf)  }
0xde: {  	v60 =	vld [tilespmem:s20+$0xC1A0];
	v28 =	vsub.f32 $1.000000000e+00, v28;
	v8 =	vadd.f32 v8, v9;
	v40 =	vpop (erf)  }
0xdf: {  	v29 =	vld [tilespmem:s20+$0xA1A0];
	v44 =	vadd.f32 $1.000000000e+00, v25;
	v48 =	vadd.f32 v17, v12;
	v16 =	vpop (erf)  }
0xe0: {  	v17 =	vld [tilespmem:s20+$0xE100];
	v25 =	vsub.f32 $1.000000000e+00, v25;
	v9 =	vadd.f32 v41, v22;
	v45 =	vpop (erf)  }
0xe1: {  	v22 =	vadd.f32 v51, v62;
	v47 =	vadd.f32 $1.000000000e+00, v27;
	(erf) = vrcp.f32 v39;
	v12 =	vpop (erf)  }
0xe2: {  	v49 =	vadd.f32 v20, v18;
	v18 =	vsub.f32 $1.000000000e+00, v58;
	(erf) = vrcp.f32 v42;
	v20 =	vpop (erf)  }
0xe3: {  	v27 =	vsub.f32 $1.000000000e+00, v27;
	v54 =	vadd.f32 $1.000000000e+00, v31;
	(erf) = vrcp.f32 v44;
	v52 =	vpop (erf)  }
0xe4: {  	v56 =	vadd.f32 $1.000000000e+00, v14;
	v59 =	vld [tilespmem:s20+$0xE150];
	v29 =	vadd.f32 v60, v29;
	v18 =	vmul.f32 v52, v18  }
0xe5: {  	v43 =	vld [tilespmem:s20+$0xA1E0];
	v11 =	vadd.f32 v17, v11;
	v4 =	vmul.f32 v16, v6;
	(erf) = vrcp.f32 v47  }
0xe6: {  	v46 =	vld [tilespmem:s20+$0xC1E0];
	v16 =	vadd.f32 $1.000000000e+00, v10;
	(erf) = vrcp.f32 v54;
	[tilespmem:s20+$0x101F0] =	vst v18;
	v18 =	vadd.f32 $1.000000000e+00, v3  }
0xe7: {  	v53 =	vld [tilespmem:s20+$0xE120];
	v58 =	vadd.f32 $1.000000000e+00, v2;
	v5 =	vmul.f32 v40, v5;
	(erf) = vrcp.f32 v56  }
0xe8: {  	v55 =	vld [tilespmem:s20+$0xE130];
	v11 =	vmin.f32 v11, $8.000000000e+01;
	v12 =	vmul.f32 v12, v23;
	(erf) = vrcp.f32 v18  }
0xe9: {  	v57 =	vld [tilespmem:s20+$0xE140];
	v13 =	vadd.f32 v59, v13;
	v45 =	vmul.f32 v45, v7;
	[tilespmem:s22+$0x10100] =	vst v5;
	(erf) = vrcp.f32 v58  }
0xea: {  	v60 =	vadd.f32 $1.000000000e+00, v19;
	v6 =	vsub.f32 $1.000000000e+00, v14;
	v61 =	vld [tilespmem:s20+$0xE160];
	[tilespmem:s22+$0x10110] =	vst v4;
	(erf) = vrcp.f32 v16;
	v16 =	vpop (erf)  }
0xeb: {  	v7 =	vsub.f32 $1.000000000e+00, v31;
	v13 =	vmin.f32 v13, $8.000000000e+01;
	v4 =	vsub.f32 $1.000000000e+00, v2;
	v14 =	vld [tilespmem:s20+$0xE170];
	[tilespmem:s22+$0x10120] =	vst v45;
	v18 =	vpop (erf)  }
0xec: {  	v2 =	vsub.f32 $1.000000000e+00, v19;
	v19 =	vmul.f32 v20, v24;
	v20 =	vmul.f32 $1.442695020e+00, v11;
	v31 =	vld [tilespmem:s20+$0xE180];
	[tilespmem:s22+$0x10130] =	vst v12;
	v12 =	vpop (erf)  }
0xed: {  	v11 =	vmin.f32 v22, $8.000000000e+01;
	v25 =	vmul.f32 v12, v25;
	v12 =	vadd.f32 v53, v38  }
0xee: {  	v5 =	vsub.f32 $1.000000000e+00, v3;
	v22 =	vmul.f32 $1.442695020e+00, v11;
	(erf) = vrcp.f32 v60  }
0xef: {  	v16 =	vmul.f32 v16, v26;
	v11 =	vmin.f32 v12, $8.000000000e+01;
	v12 =	vadd.f32 v57, v21  }
0xf0: {  	v3 =	vsub.f32 $1.000000000e+00, v10;
	v10 =	vadd.f32 v46, v43;
	v24 =	vld [tilespmem:s20+$0xE190];
	[tilespmem:s22+$0x10140] =	vst v19;
	v18 =	vmul.f32 v18, v28;
	v17 =	vpop (erf)  }
0xf1: {  	v62 =	vld [tilespmem:s20+$0xE1A0];
	[tilespmem:s22+$0x10150] =	vst v16;
	v15 =	vadd.f32 v61, v15;
	v28 =	vmul.f32 v17, v27;
	v17 =	vadd.f32 v55, v63  }
0xf2: {  	v63 =	vld [tilespmem:s20+$0xE1B0];
	[tilespmem:s22+$0x10160] =	vst v18;
	v14 =	vadd.f32 v14, v48;
	v18 =	vmul.f32 $1.442695020e+00, v13;
	v23 =	vmul.f32 $1.442695020e+00, v11;
	v11 =	vpop (erf)  }
0xf3: {  	v26 =	vld [tilespmem:s20+$0xE1C0];
	[tilespmem:s22+$0x10170] =	vst v25;
	v13 =	vmin.f32 v15, $8.000000000e+01;
	v16 =	vmin.f32 v17, $8.000000000e+01;
	v17 =	vmin.f32 v12, $8.000000000e+01;
	v12 =	vpop (erf)  }
0xf4: {  	v25 =	vadd.f32 v31, v49;
	v27 =	vld [tilespmem:s20+$0xE1D0];
	[tilespmem:s22+$0x10180] =	vst v28;
	v21 =	vmul.f32 $1.442695020e+00, v13;
	v14 =	vmin.f32 v14, $8.000000000e+01;
	v19 =	vpop (erf)  }
0xf5: {  	v30 =	vadd.f32 v24, v30;
	v16 =	vmul.f32 $1.442695020e+00, v16;
	v28 =	vld [tilespmem:s20+$0xE1E0];
	v24 =	vmul.f32 $1.442695020e+00, v14;
	v15 =	vpop (erf)  }
0xf6: {  	s23 =	simm.s32 $0x200;
	v25 =	vmin.f32 v25, $8.000000000e+01;
	v31 =	vadd.f32 v62, v29;
	v17 =	vmul.f32 $1.442695020e+00, v17;
	v13 =	vpop (erf)  }
0xf7: {  	s21 =	sshll.u32 s18, $0x1;
	s19 =	sadd.s32 $0x9F00, s19;
	s16 =	simm.s32 $0xC00;
	v29 =	vld [tilespmem:s23+$0xA1F0];
	v25 =	vmul.f32 $1.442695020e+00, v25;
	v32 =	vmin.f32 v30, $8.000000000e+01;
	v30 =	vadd.f32 v63, v33;
	v14 =	vpop (erf)  }
.LBB2_5:
0xf8: {  	p3 =	sne.s32 s16, $0x3C00;
	v33 =	vld [tilespmem:s23+$0xC1F0];
	v32 =	vmul.f32 $1.442695020e+00, v32;
	v31 =	vmin.f32 v31, $8.000000000e+01;
	v8 =	vadd.f32 v26, v8  }
0xf9: {  	v26 =	vld [tilespmem:s23+$0xA100];
	v31 =	vmul.f32 $1.442695020e+00, v31;
	v30 =	vmin.f32 v30, $8.000000000e+01;
	v9 =	vadd.f32 v27, v9  }
0xfa: {  	v27 =	vld [tilespmem:s23+$0xE1F0];
	v30 =	vmul.f32 $1.442695020e+00, v30;
	v8 =	vmin.f32 v8, $8.000000000e+01;
	v10 =	vadd.f32 v28, v10  }
0xfb: {  	v28 =	vld [tilespmem:s23+$0xC100];
	v8 =	vmul.f32 $1.442695020e+00, v8;
	v9 =	vmin.f32 v9, $8.000000000e+01;
	(erf) = vpow2.f32 v20  }
0xfc: {  	v20 =	vld [tilespmem:s23+$0xA110];
	v9 =	vmul.f32 $1.442695020e+00, v9;
	v10 =	vmin.f32 v10, $8.000000000e+01;
	(erf) = vpow2.f32 v22  }
0xfd: {  	v22 =	vld [tilespmem:s23+$0xC110];
	v29 =	vadd.f32 v33, v29;
	v33 =	vmul.f32 $1.442695020e+00, v10;
	(erf) = vpow2.f32 v23  }
0xfe: {  	v7 =	vmul.f32 v11, v7;
	v10 =	vld [tilespmem:s23+$0xA120];
	(erf) = vpow2.f32 v16  }
0xff: {  	v6 =	vmul.f32 v12, v6;
	v16 =	vld [tilespmem:s23+$0xC120];
	v23 =	vadd.f32 v27, v29;
	(erf) = vpow2.f32 v17  }
0x100: {  	v5 =	vmul.f32 v19, v5;
	v11 =	vadd.f32 v28, v26;
	v17 =	vld [tilespmem:s23+$0xA130];
	(erf) = vpow2.f32 v18;
	[tilespmem:s22+$0x10190] =	vst v7  }
0x101: {  	v4 =	vmul.f32 v15, v4;
	v7 =	vld [tilespmem:s23+$0xC130];
	v18 =	vmin.f32 v23, $8.000000000e+01;
	(erf) = vpow2.f32 v21;
	[tilespmem:s22+$0x101A0] =	vst v6  }
0x102: {  	v12 =	vadd.f32 v22, v20;
	v6 =	vld [tilespmem:s23+$0xA140];
	v18 =	vmul.f32 $1.442695020e+00, v18;
	(erf) = vpow2.f32 v24;
	[tilespmem:s22+$0x101B0] =	vst v5  }
0x103: {  	v3 =	vmul.f32 v13, v3;
	v5 =	vld [tilespmem:s23+$0xC140];
	(erf) = vpow2.f32 v25;
	[tilespmem:s22+$0x101C0] =	vst v4  }
0x104: {  	v2 =	vmul.f32 v14, v2;
	v13 =	vadd.f32 v16, v10;
	v4 =	vld [tilespmem:s23+$0xA150];
	(erf) = vpow2.f32 v18;
	v15 =	vpop (erf)  }
0x105: {  	v16 =	vld [tilespmem:s23+$0xC150];
	v10 =	vsub.f32 $1.000000000e+00, v15;
	v18 =	vadd.f32 $1.000000000e+00, v15;
	v15 =	vpop (erf);
	(erf) = vpow2.f32 v32;
	[tilespmem:s22+$0x101D0] =	vst v3  }
0x106: {  	v14 =	vadd.f32 v7, v17;
	v3 =	vld [tilespmem:s23+$0xA160];
	v7 =	vadd.f32 $1.000000000e+00, v15;
	v17 =	vpop (erf);
	(erf) = vpow2.f32 v31;
	[tilespmem:s22+$0x101E0] =	vst v2;
	s22 =	smov.u32 s20;
	s20 =	smov.u32 s23  }
0x107: {  	v19 =	vsub.f32 $1.000000000e+00, v15;
	v2 =	vld [tilespmem:s20+$0xC160];
	v20 =	vadd.f32 $1.000000000e+00, v17;
	v21 =	vpop (erf);
	(erf) = vpow2.f32 v30  }
0x108: {  	v15 =	vadd.f32 v5, v6;
	v5 =	vld [tilespmem:s20+$0xA170];
	v6 =	vadd.f32 $1.000000000e+00, v21;
	v22 =	vpop (erf);
	(erf) = vpow2.f32 v8  }
0x109: {  	v23 =	vsub.f32 $1.000000000e+00, v17;
	v8 =	vld [tilespmem:s20+$0xC170];
	v24 =	vadd.f32 $1.000000000e+00, v22;
	v25 =	vpop (erf);
	(erf) = vpow2.f32 v9  }
0x10a: {  	v16 =	vadd.f32 v16, v4;
	v4 =	vld [tilespmem:s20+$0xA180];
	v9 =	vadd.f32 $1.000000000e+00, v25;
	v26 =	vpop (erf);
	(erf) = vpow2.f32 v33  }
0x10b: {  	v28 =	vsub.f32 $1.000000000e+00, v21;
	v27 =	vld [tilespmem:s20+$0xC180];
	v29 =	vadd.f32 $1.000000000e+00, v26;
	(erf) = vrcp.f32 v18;
	v30 =	vpop (erf)  }
0x10c: {  	v17 =	vadd.f32 v2, v3;
	v2 =	vld [tilespmem:s20+$0xA190];
	v3 =	vadd.f32 $1.000000000e+00, v30;
	(erf) = vrcp.f32 v7;
	v7 =	vpop (erf)  }
0x10d: {  	v22 =	vsub.f32 $1.000000000e+00, v22;
	v31 =	vld [tilespmem:s20+$0xC190];
	v32 =	vpop (erf);
	v33 =	vadd.f32 $1.000000000e+00, v7;
	(erf) = vrcp.f32 v20  }
0x10e: {  	v18 =	vadd.f32 v8, v5;
	v5 =	vld [tilespmem:s20+$0xA1A0];
	v8 =	vadd.f32 $1.000000000e+00, v32;
	(erf) = vrcp.f32 v6;
	v6 =	vpop (erf)  }
0x10f: {  	v25 =	vsub.f32 $1.000000000e+00, v25;
	v20 =	vld [tilespmem:s20+$0xC1A0];
	v34 =	vadd.f32 $1.000000000e+00, v6;
	(erf) = vrcp.f32 v24;
	v35 =	vpop (erf)  }
0x110: {  	v21 =	vadd.f32 v27, v4;
	v4 =	vld [tilespmem:s20+$0xA1B0];
	(erf) = vrcp.f32 v8;
	v8 =	vadd.f32 $1.000000000e+00, v35;
	v27 =	vpop (erf)  }
0x111: {  	v26 =	vsub.f32 $1.000000000e+00, v26;
	v36 =	vld [tilespmem:s20+$0xC1B0];
	v37 =	vadd.f32 $1.000000000e+00, v27;
	(erf) = vrcp.f32 v9;
	v9 =	vpop (erf)  }
0x112: {  	v24 =	vadd.f32 v31, v2;
	v2 =	vld [tilespmem:s20+$0xA1C0];
	v31 =	vadd.f32 $1.000000000e+00, v9;
	(erf) = vrcp.f32 v29;
	v29 =	vpop (erf)  }
0x113: {  	v30 =	vsub.f32 $1.000000000e+00, v30;
	v38 =	vld [tilespmem:s20+$0xC1C0];
	v39 =	vadd.f32 $1.000000000e+00, v29;
	(erf) = vrcp.f32 v3;
	v40 =	vpop (erf)  }
0x114: {  	v41 =	vadd.f32 v20, v5;
	v20 =	vld [tilespmem:s20+$0xA1D0];
	v42 =	vadd.f32 $1.000000000e+00, v40;
	v43 =	vpop (erf);
	(erf) = vrcp.f32 v33  }
0x115: {  	v44 =	vsub.f32 $1.000000000e+00, v7;
	v7 =	vsub.f32 $1.000000000e+00, v6;
	v33 =	vld [tilespmem:s20+$0xC1D0];
	v45 =	vpop (erf);
	(erf) = vrcp.f32 v34  }
0x116: {  	v6 =	vsub.f32 $1.000000000e+00, v35;
	v34 =	vadd.f32 v36, v4;
	v36 =	vld [tilespmem:s20+$0xA1E0];
	v35 =	vpop (erf);
	(erf) = vrcp.f32 v8  }
0x117: {  	v5 =	vsub.f32 $1.000000000e+00, v27;
	v4 =	vsub.f32 $1.000000000e+00, v9;
	v46 =	vld [tilespmem:s20+$0xC1E0];
	v27 =	vpop (erf);
	(erf) = vrcp.f32 v37  }
0x118: {  	v48 =	vsub.f32 $1.000000000e+00, v32;
	v37 =	vld [tilespmem:s20+$0xE100];
	v8 =	vadd.f32 v38, v2;
	v38 =	vpop (erf);
	(erf) = vrcp.f32 v31  }
0x119: {  	v3 =	vsub.f32 $1.000000000e+00, v29;
	v2 =	vsub.f32 $1.000000000e+00, v40;
	v31 =	vld [tilespmem:s20+$0xE110];
	v47 =	vpop (erf);
	(erf) = vrcp.f32 v39  }
0x11a: {  	v29 =	vld [tilespmem:s20+$0xE120];
	v9 =	vadd.f32 v33, v20;
	v20 =	vmul.f32 v47, v48;
	v32 =	vpop (erf);
	(erf) = vrcp.f32 v42  }
0x11b: {  	v19 =	vmul.f32 v45, v19;
	v39 =	vmul.f32 v43, v10;
	v33 =	vld [tilespmem:s20+$0xE130];
	v40 =	vpop (erf)  }
0x11c: {  	v42 =	vld [tilespmem:s20+$0xE140];
	v10 =	vadd.f32 v46, v36;
	[tilespmem:s20+$0x101F0] =	vst v20;
	v20 =	vmul.f32 v35, v23;
	v23 =	vmul.f32 v27, v28;
	v27 =	vpop (erf)  }
0x11d: {  	v25 =	vmul.f32 v32, v25;
	v36 =	vmul.f32 v38, v22;
	v28 =	vadd.f32 v37, v11;
	v35 =	vld [tilespmem:s20+$0xE150];
	[tilespmem:s22+$0x10100] =	vst v39;
	v22 =	vpop (erf)  }
0x11e: {  	v26 =	vmul.f32 v40, v26;
	v27 =	vmul.f32 v27, v30;
	v31 =	vadd.f32 v31, v12;
	v32 =	vld [tilespmem:s20+$0xE160];
	[tilespmem:s22+$0x10110] =	vst v19;
	v11 =	vpop (erf)  }
0x11f: {  	v37 =	vmin.f32 v28, $8.000000000e+01;
	v39 =	vadd.f32 v29, v13;
	v28 =	vld [tilespmem:s20+$0xE170];
	[tilespmem:s22+$0x10120] =	vst v20;
	v29 =	vmul.f32 v22, v44;
	v12 =	vpop (erf)  }
0x120: {  	v20 =	vmul.f32 $1.442695020e+00, v37;
	v22 =	vmin.f32 v31, $8.000000000e+01;
	v40 =	vadd.f32 v33, v14;
	v30 =	vld [tilespmem:s20+$0xE180];
	[tilespmem:s22+$0x10130] =	vst v23;
	v19 =	vpop (erf)  }
0x121: {  	v22 =	vmul.f32 $1.442695020e+00, v22;
	v37 =	vmin.f32 v39, $8.000000000e+01;
	v31 =	vadd.f32 v42, v15;
	v33 =	vld [tilespmem:s20+$0xE190];
	[tilespmem:s22+$0x10140] =	vst v36;
	v15 =	vpop (erf)  }
0x122: {  	v23 =	vmul.f32 $1.442695020e+00, v37;
	v38 =	vmin.f32 v40, $8.000000000e+01;
	v35 =	vadd.f32 v35, v16;
	v36 =	vld [tilespmem:s20+$0xE1A0];
	[tilespmem:s22+$0x10150] =	vst v25;
	v13 =	vpop (erf)  }
0x123: {  	v16 =	vmul.f32 $1.442695020e+00, v38;
	v25 =	vmin.f32 v31, $8.000000000e+01;
	v31 =	vadd.f32 v32, v17;
	v37 =	vld [tilespmem:s20+$0xE1B0];
	[tilespmem:s22+$0x10160] =	vst v26;
	v14 =	vpop (erf)  }
.Ltmp1:
0x124: {  	v17 =	vmul.f32 $1.442695020e+00, v25;
	v25 =	vmin.f32 v35, $8.000000000e+01;
	v28 =	vadd.f32 v28, v18;
	v26 =	vld [tilespmem:s20+$0xE1C0];
	[tilespmem:s22+$0x10170] =	vst v27;
	(pc) =	sbr.rel @p3 .LBB2_5-.Ltmp1, $4  }
0x125: {  	v18 =	vmul.f32 $1.442695020e+00, v25;
	v25 =	vmin.f32 v31, $8.000000000e+01;
	v30 =	vadd.f32 v30, v21;
	v27 =	vld [tilespmem:s20+$0xE1D0];
	[tilespmem:s22+$0x10180] =	vst v29  }
0x126: {  	v21 =	vmul.f32 $1.442695020e+00, v25;
	v25 =	vmin.f32 v28, $8.000000000e+01;
	v32 =	vadd.f32 v33, v24;
	v28 =	vld [tilespmem:s20+$0xE1E0]  }
0x127: {  	s23 =	sshra.s32 s16, $0x2;
	v24 =	vmul.f32 $1.442695020e+00, v25;
	v25 =	vmin.f32 v30, $8.000000000e+01;
	v31 =	vadd.f32 v36, v41  }
0x128: {  	s16 =	sadd.s32 $0x400, s16;
	v29 =	vld [tilespmem:s23+$0xA1F0];
	v25 =	vmul.f32 $1.442695020e+00, v25;
	v32 =	vmin.f32 v32, $8.000000000e+01;
	v30 =	vadd.f32 v37, v34  }
0x129: {  	v33 =	vld [tilespmem:s23+$0xC1F0]  }
0x12a: {  	v34 =	vld [tilespmem:s23+$0xA100]  }
0x12b: {  	v35 =	vld [tilespmem:s23+$0xE1F0]  }
0x12c: {  	v36 =	vld [tilespmem:s23+$0xC100]  }
0x12d: {  	v37 =	vld [tilespmem:s23+$0xA110]  }
0x12e: {  	v38 =	vld [tilespmem:s23+$0xC110]  }
0x12f: {  	v39 =	vld [tilespmem:s23+$0xA120];
	v7 =	vmul.f32 v11, v7  }
0x130: {  	v11 =	vld [tilespmem:s23+$0xC120];
	v6 =	vmul.f32 v12, v6;
	(erf) = vpow2.f32 v20  }
0x131: {  	v40 =	vld [tilespmem:s23+$0xA130];
	v5 =	vmul.f32 v19, v5;
	(erf) = vpow2.f32 v22;
	[tilespmem:s22+$0x10190] =	vst v7;
	v12 =	vadd.f32 v33, v29  }
0x132: {  	v4 =	vmul.f32 v15, v4;
	v8 =	vadd.f32 v26, v8;
	(erf) = vpow2.f32 v23;
	v7 =	vld [tilespmem:s23+$0xC130];
	[tilespmem:s22+$0x101A0] =	vst v6  }
0x133: {  	v3 =	vmul.f32 v13, v3;
	(erf) = vpow2.f32 v16;
	v19 =	vld [tilespmem:s23+$0xA140];
	[tilespmem:s22+$0x101B0] =	vst v5;
	v12 =	vadd.f32 v35, v12  }
0x134: {  	v2 =	vmul.f32 v14, v2;
	v8 =	vmin.f32 v8, $8.000000000e+01;
	(erf) = vpow2.f32 v17;
	v15 =	vld [tilespmem:s23+$0xC140];
	[tilespmem:s22+$0x101C0] =	vst v4  }
0x135: {  	v6 =	vmul.f32 $1.442695020e+00, v32;
	(erf) = vpow2.f32 v18;
	v13 =	vld [tilespmem:s23+$0xC150];
	v4 =	vmin.f32 v12, $8.000000000e+01  }
0x136: {  	v10 =	vadd.f32 v28, v10;
	(erf) = vpow2.f32 v21;
	v12 =	vld [tilespmem:s23+$0xA150];
	[tilespmem:s22+$0x101D0] =	vst v3;
	v4 =	vmul.f32 $1.442695020e+00, v4  }
0x137: {  	v16 =	vmin.f32 v30, $8.000000000e+01;
	v5 =	vmin.f32 v31, $8.000000000e+01;
	(erf) = vpow2.f32 v24;
	v14 =	vld [tilespmem:s23+$0xA160];
	[tilespmem:s22+$0x101E0] =	vst v2  }
0x138: {  	v26 =	vadd.f32 v36, v34;
	v29 =	vadd.f32 v38, v37;
	(erf) = vpow2.f32 v25;
	v25 =	vld [tilespmem:s23+$0xA190]  }
0x139: {  	v5 =	vmul.f32 $1.442695020e+00, v5;
	v11 =	vadd.f32 v11, v39;
	v7 =	vadd.f32 v7, v40;
	v28 =	vld [tilespmem:s23+$0xC190]  }
0x13a: {  	v3 =	vadd.f32 v27, v9;
	v9 =	vmul.f32 $1.442695020e+00, v16;
	v48 =	vld [tilespmem:s23+$0xE100];
	(erf) = vpow2.f32 v4;
	v4 =	vpop (erf)  }
0x13b: {  	v2 =	vmul.f32 $1.442695020e+00, v8;
	v8 =	vmin.f32 v10, $8.000000000e+01;
	v56 =	vld [tilespmem:s23+$0xE110];
	(erf) = vpow2.f32 v6;
	v16 =	vpop (erf)  }
0x13c: {  	v3 =	vmin.f32 v3, $8.000000000e+01;
	v8 =	vmul.f32 $1.442695020e+00, v8;
	v58 =	vld [tilespmem:s23+$0xE120];
	(erf) = vpow2.f32 v5;
	v6 =	vpop (erf)  }
0x13d: {  	v15 =	vadd.f32 v15, v19;
	v60 =	vld [tilespmem:s23+$0xE130];
	v3 =	vmul.f32 $1.442695020e+00, v3;
	(erf) = vpow2.f32 v9;
	v10 =	vpop (erf)  }
0x13e: {  	v12 =	vadd.f32 v13, v12;
	v25 =	vadd.f32 v28, v25;
	(erf) = vpow2.f32 v2;
	v17 =	vpop (erf)  }
0x13f: {  	v26 =	vadd.f32 v48, v26;
	v2 =	vadd.f32 $1.000000000e+00, v4;
	(erf) = vpow2.f32 v3;
	v20 =	vpop (erf)  }
0x140: {  	v29 =	vadd.f32 v56, v29;
	v3 =	vadd.f32 $1.000000000e+00, v16;
	(erf) = vpow2.f32 v8;
	v22 =	vpop (erf)  }
0x141: {  	v5 =	vld [tilespmem:s23+$0xC160];
	v11 =	vadd.f32 v58, v11;
	v23 =	vadd.f32 $1.000000000e+00, v6;
	(erf) = vrcp.f32 v2;
	v24 =	vpop (erf)  }
0x142: {  	v18 =	vld [tilespmem:s23+$0xC170];
	v7 =	vadd.f32 v60, v7;
	v2 =	vadd.f32 $1.000000000e+00, v10;
	(erf) = vrcp.f32 v3;
	v27 =	vpop (erf)  }
0x143: {  	v9 =	vld [tilespmem:s23+$0xA170];
	v4 =	vsub.f32 $1.000000000e+00, v4;
	v3 =	vadd.f32 $1.000000000e+00, v17;
	(erf) = vrcp.f32 v23;
	v30 =	vpop (erf)  }
0x144: {  	v21 =	vld [tilespmem:s23+$0xA180];
	v6 =	vsub.f32 $1.000000000e+00, v6;
	(erf) = vrcp.f32 v2;
	v31 =	vadd.f32 $1.000000000e+00, v30;
	v32 =	vpop (erf)  }
0x145: {  	v62 =	vld [tilespmem:s23+$0xC1A0];
	v16 =	vsub.f32 $1.000000000e+00, v16;
	v51 =	vadd.f32 $1.000000000e+00, v20;
	(erf) = vrcp.f32 v3;
	v34 =	vpop (erf)  }
0x146: {  	v8 =	vld [tilespmem:s23+$0xC180];
	v10 =	vsub.f32 $1.000000000e+00, v10;
	v5 =	vadd.f32 v5, v14;
	(erf) = vrcp.f32 v31;
	v19 =	vpop (erf)  }
0x147: {  	v11 =	vmin.f32 v11, $8.000000000e+01;
	v20 =	vsub.f32 $1.000000000e+00, v20;
	v53 =	vadd.f32 $1.000000000e+00, v22;
	v23 =	vld [tilespmem:s23+$0xA1A0];
	v13 =	vpop (erf)  }
0x148: {  	v7 =	vmin.f32 v7, $8.000000000e+01;
	v17 =	vsub.f32 $1.000000000e+00, v17;
	v9 =	vadd.f32 v18, v9;
	v2 =	vpop (erf)  }
0x149: {  	v63 =	vld [tilespmem:s23+$0xA1B0];
	v11 =	vmul.f32 $1.442695020e+00, v11;
	v22 =	vsub.f32 $1.000000000e+00, v22;
	v54 =	vadd.f32 $1.000000000e+00, v24;
	v3 =	vpop (erf)  }
0x14a: {  	v7 =	vmul.f32 $1.442695020e+00, v7;
	v24 =	vsub.f32 $1.000000000e+00, v24;
	v43 =	vadd.f32 $1.000000000e+00, v27;
	v31 =	vld [tilespmem:s23+$0xC1B0];
	v41 =	vpop (erf)  }
0x14b: {  	v27 =	vsub.f32 $1.000000000e+00, v27;
	v8 =	vadd.f32 v8, v21;
	(erf) = vrcp.f32 v51;
	v18 =	vpop (erf)  }
0x14c: {  	v28 =	vsub.f32 $1.000000000e+00, v30;
	v23 =	vadd.f32 v62, v23;
	v62 =	vld [tilespmem:s23+$0xE140];
	(erf) = vrcp.f32 v53;
	v46 =	vpop (erf)  }
0x14d: {  	v36 =	vld [tilespmem:s23+$0xA1C0];
	v45 =	vadd.f32 $1.000000000e+00, v32;
	v32 =	vsub.f32 $1.000000000e+00, v32;
	(erf) = vrcp.f32 v54;
	v55 =	vpop (erf)  }
0x14e: {  	v52 =	vld [tilespmem:s23+$0xC1C0];
	v21 =	vadd.f32 $1.000000000e+00, v34;
	v59 =	vadd.f32 $1.000000000e+00, v19;
	(erf) = vrcp.f32 v43;
	v30 =	vpop (erf)  }
0x14f: {  	v42 =	vld [tilespmem:s23+$0xC1D0];
	v61 =	vadd.f32 $1.000000000e+00, v13;
	v31 =	vadd.f32 v31, v63;
	v4 =	vmul.f32 v41, v4;
	v57 =	vpop (erf)  }
0x150: {  	v14 =	vld [tilespmem:s23+$0xA1D0];
	v63 =	vadd.f32 $1.000000000e+00, v2;
	v16 =	vmul.f32 v18, v16;
	v28 =	vmul.f32 v57, v28  }
0x151: {  	v44 =	vld [tilespmem:s23+$0xA1E0];
	v15 =	vadd.f32 v62, v15;
	v6 =	vmul.f32 v46, v6;
	(erf) = vrcp.f32 v45  }
0x152: {  	v18 =	vsub.f32 $1.000000000e+00, v19;
	v10 =	vmul.f32 v55, v10;
	(erf) = vrcp.f32 v21;
	v21 =	vld [tilespmem:s23+$0xE150];
	[tilespmem:s23+$0x101F0] =	vst v28  }
0x153: {  	v47 =	vld [tilespmem:s23+$0xC1E0];
	v15 =	vmin.f32 v15, $8.000000000e+01;
	v17 =	vmul.f32 v30, v17;
	(erf) = vrcp.f32 v59;
	[tilespmem:s20+$0x10100] =	vst v4  }
0x154: {  	v15 =	vmul.f32 $1.442695020e+00, v15;
	(erf) = vrcp.f32 v61;
	v28 =	vadd.f32 $1.000000000e+00, v3;
	v43 =	vpop (erf);
	v19 =	vld [tilespmem:s23+$0xE160]  }
0x155: {  	v14 =	vadd.f32 v42, v14;
	(erf) = vrcp.f32 v63;
	v45 =	vpop (erf);
	v20 =	vmul.f32 v43, v20;
	[tilespmem:s20+$0x10110] =	vst v16  }
0x156: {  	v16 =	vadd.f32 v52, v36;
	(erf) = vrcp.f32 v28;
	v22 =	vmul.f32 v45, v22;
	v28 =	vld [tilespmem:s23+$0xE170];
	[tilespmem:s20+$0x10120] =	vst v6;
	v6 =	vpop (erf)  }
0x157: {  	v12 =	vadd.f32 v21, v12;
	v30 =	vld [tilespmem:s23+$0xE180];
	v46 =	vpop (erf);
	v6 =	vmul.f32 v6, v24;
	v24 =	vmin.f32 v26, $8.000000000e+01;
	[tilespmem:s20+$0x10130] =	vst v10  }
0x158: {  	v26 =	vmin.f32 v29, $8.000000000e+01;
	v10 =	vmul.f32 v46, v27;
	v27 =	vld [tilespmem:s23+$0xE190];
	v24 =	vmul.f32 $1.442695020e+00, v24;
	[tilespmem:s20+$0x10140] =	vst v17  }
0x159: {  	v12 =	vmin.f32 v12, $8.000000000e+01;
	v26 =	vmul.f32 $1.442695020e+00, v26;
	v17 =	vld [tilespmem:s23+$0xE1A0];
	v5 =	vadd.f32 v19, v5  }
0x15a: {  	v21 =	vadd.f32 v47, v44;
	v12 =	vmul.f32 $1.442695020e+00, v12;
	[tilespmem:s20+$0x10150] =	vst v20;
	(erf) = vpow2.f32 v24  }
0x15b: {  	v19 =	vld [tilespmem:s23+$0xE1B0];
	[tilespmem:s20+$0x10160] =	vst v22;
	v9 =	vadd.f32 v28, v9;
	(erf) = vpow2.f32 v26;
	v5 =	vmin.f32 v5, $8.000000000e+01  }
0x15c: {  	v20 =	vld [tilespmem:s23+$0xE1C0];
	[tilespmem:s20+$0x10170] =	vst v6;
	v8 =	vadd.f32 v30, v8;
	(erf) = vpow2.f32 v11;
	v5 =	vmul.f32 $1.442695020e+00, v5  }
0x15d: {  	v11 =	vpop (erf);
	v6 =	vmin.f32 v9, $8.000000000e+01;
	v9 =	vld [tilespmem:s23+$0xE1D0];
	v22 =	vadd.f32 v27, v25;
	[tilespmem:s20+$0x10180] =	vst v10;
	(erf) = vpow2.f32 v7  }
0x15e: {  	v6 =	vmul.f32 $1.442695020e+00, v6;
	v8 =	vmin.f32 v8, $8.000000000e+01;
	v10 =	vadd.f32 v17, v23;
	v17 =	vld [tilespmem:s23+$0xE1E0]  }
0x15f: {  	v7 =	vpop (erf);
	(erf) = vpow2.f32 v15;
	v8 =	vmul.f32 $1.442695020e+00, v8;
	v22 =	vmin.f32 v22, $8.000000000e+01  }
0x160: {  	v15 =	vpop (erf);
	v19 =	vadd.f32 v19, v31;
	(erf) = vpow2.f32 v12;
	v22 =	vmul.f32 $1.442695020e+00, v22  }
0x161: {  	v12 =	vpop (erf);
	v10 =	vmin.f32 v10, $8.000000000e+01;
	v16 =	vadd.f32 v20, v16;
	(erf) = vpow2.f32 v5  }
0x162: {  	v5 =	vpop (erf);
	v19 =	vmin.f32 v19, $8.000000000e+01;
	(erf) = vpow2.f32 v6;
	v9 =	vadd.f32 v9, v14  }
0x163: {  	v6 =	vpop (erf);
	(erf) = vpow2.f32 v8;
	v8 =	vmin.f32 v16, $8.000000000e+01;
	v16 =	vadd.f32 v17, v21  }
0x164: {  	v13 =	vsub.f32 $1.000000000e+00, v13;
	v10 =	vmul.f32 $1.442695020e+00, v10;
	v14 =	vmul.f32 $1.442695020e+00, v19  }
0x165: {  	v17 =	vpop (erf);
	(erf) = vpow2.f32 v22;
	v8 =	vmul.f32 $1.442695020e+00, v8;
	v9 =	vmin.f32 v9, $8.000000000e+01  }
0x166: {  	v19 =	vpop (erf);
	(erf) = vpow2.f32 v10;
	v9 =	vmul.f32 $1.442695020e+00, v9;
	v10 =	vmin.f32 v16, $8.000000000e+01  }
0x167: {  	v4 =	vsub.f32 $1.000000000e+00, v34;
	v10 =	vmul.f32 $1.442695020e+00, v10;
	v16 =	vpop (erf);
	(erf) = vpow2.f32 v14  }
0x168: {  	v2 =	vsub.f32 $1.000000000e+00, v2;
	v3 =	vsub.f32 $1.000000000e+00, v3;
	v14 =	vpop (erf);
	(erf) = vpow2.f32 v8  }
0x169: {  	v4 =	vmul.f32 v7, v4;
	v8 =	vadd.f32 $1.000000000e+00, v17;
	v20 =	vpop (erf);
	(erf) = vpow2.f32 v9  }
0x16a: {  	v9 =	vmul.f32 v11, v32;
	v11 =	vadd.f32 $1.000000000e+00, v19;
	v21 =	vpop (erf);
	(erf) = vpow2.f32 v10  }
0x16b: {  	v7 =	vadd.f32 $1.000000000e+00, v16;
	v10 =	vpop (erf);
	(erf) = vrcp.f32 v8;
	v8 =	vmul.f32 v15, v18  }
0x16c: {  	v18 =	vpop (erf);
	(erf) = vrcp.f32 v11;
	v11 =	vmul.f32 v12, v13;
	v12 =	vadd.f32 $1.000000000e+00, v20  }
0x16d: {  	v2 =	vmul.f32 v5, v2;
	v15 =	vadd.f32 $1.000000000e+00, v14  }
0x16e: {  	v3 =	vmul.f32 v6, v3;
	v13 =	vpop (erf);
	(erf) = vrcp.f32 v7  }
0x16f: {  	v5 =	vadd.f32 $1.000000000e+00, v21;
	v6 =	vadd.f32 $1.000000000e+00, v10;
	(erf) = vrcp.f32 v15;
	v7 =	vpop (erf)  }
0x170: {  	v15 =	vsub.f32 $1.000000000e+00, v17;
	v17 =	vadd.f32 $1.000000000e+00, v18;
	(erf) = vrcp.f32 v12;
	v12 =	vpop (erf)  }
0x171: {  	[tilespmem:s20+$0x10190] =	vst v9;
	v9 =	vadd.f32 $1.000000000e+00, v13;
	(erf) = vrcp.f32 v5;
	v22 =	vpop (erf)  }
0x172: {  	v5 =	vsub.f32 $1.000000000e+00, v19;
	v19 =	vpop (erf);
	(erf) = vrcp.f32 v6;
	v6 =	vadd.f32 $1.000000000e+00, v7  }
0x173: {  	[tilespmem:s20+$0x101A0] =	vst v4;
	v4 =	vsub.f32 $1.000000000e+00, v16;
	v16 =	vpop (erf);
	(erf) = vrcp.f32 v17  }
0x174: {  	[tilespmem:s20+$0x101B0] =	vst v8;
	v8 =	vsub.f32 $1.000000000e+00, v14;
	v14 =	vadd.f32 $1.000000000e+00, v12;
	v17 =	vpop (erf);
	(erf) = vrcp.f32 v9  }
0x175: {  	[tilespmem:s20+$0x101C0] =	vst v11;
	v11 =	vadd.f32 $1.000000000e+00, v22;
	v9 =	vsub.f32 $1.000000000e+00, v20;
	v20 =	vpop (erf);
	(erf) = vrcp.f32 v6  }
0x176: {  	v6 =	vpop (erf);
	(erf) = vrcp.f32 v14;
	v14 =	vmul.f32 v20, v15  }
0x177: {  	[tilespmem:s20+$0x101D0] =	vst v2;
	v2 =	vadd.f32 $1.000000000e+00, v19  }
0x178: {  	[tilespmem:s20+$0x101E0] =	vst v3;
	v3 =	vadd.f32 $1.000000000e+00, v16;
	v15 =	vpop (erf);
	(erf) = vrcp.f32 v11;
	v5 =	vmul.f32 v6, v5  }
0x179: {  	v6 =	vadd.f32 $1.000000000e+00, v17;
	v11 =	vpop (erf);
	(erf) = vrcp.f32 v2;
	v2 =	vmul.f32 v15, v4;
	[tilespmem:s23+$0x10100] =	vst v14  }
0x17a: {  	v4 =	vsub.f32 $1.000000000e+00, v21;
	[tilespmem:s23+$0x10110] =	vst v5;
	v14 =	vpop (erf);
	(erf) = vrcp.f32 v3;
	v3 =	vmul.f32 v11, v8  }
0x17b: {  	v5 =	vsub.f32 $1.000000000e+00, v10;
	[tilespmem:s23+$0x10120] =	vst v2;
	v8 =	vpop (erf);
	(erf) = vrcp.f32 v6;
	v6 =	vmul.f32 v14, v9  }
0x17c: {  	v2 =	vsub.f32 $1.000000000e+00, v18;
	v9 =	vpop (erf);
	v4 =	vmul.f32 v8, v4;
	[tilespmem:s23+$0x10130] =	vst v3  }
0x17d: {  	v3 =	vsub.f32 $1.000000000e+00, v13;
	v8 =	vpop (erf);
	v5 =	vmul.f32 v9, v5;
	[tilespmem:s23+$0x10140] =	vst v6  }
0x17e: {  	v6 =	vsub.f32 $1.000000000e+00, v7;
	v7 =	vpop (erf);
	v2 =	vmul.f32 v8, v2;
	[tilespmem:s23+$0x10150] =	vst v4  }
0x17f: {  	v4 =	vsub.f32 $1.000000000e+00, v12;
	v8 =	vpop (erf);
	v3 =	vmul.f32 v7, v3;
	[tilespmem:s23+$0x10160] =	vst v5  }
0x180: {  	v5 =	vsub.f32 $1.000000000e+00, v22;
	v7 =	vpop (erf);
	[tilespmem:s23+$0x10170] =	vst v2;
	v2 =	vmul.f32 v8, v6;
	v6 =	vsub.f32 $1.000000000e+00, v19  }
0x181: {  	v8 =	vpop (erf);
	[tilespmem:s23+$0x10180] =	vst v3;
	v3 =	vmul.f32 v7, v4  }
0x182: {  	v4 =	vsub.f32 $1.000000000e+00, v16;
	v7 =	vpop (erf);
	[tilespmem:s23+$0x10190] =	vst v2;
	v2 =	vmul.f32 v8, v5  }
0x183: {  	v5 =	vsub.f32 $1.000000000e+00, v17;
	v8 =	vpop (erf);
	[tilespmem:s23+$0x101A0] =	vst v3;
	v3 =	vmul.f32 v7, v6  }
0x184: {  	v6 =	vpop (erf);
	[tilespmem:s23+$0x101B0] =	vst v2;
	v2 =	vmul.f32 v8, v4  }
0x185: {  	s16 =	sshll.u32 s18, $0x8;
	[tilespmem:s23+$0x101C0] =	vst v3;
	v3 =	vmul.f32 v6, v5  }
0x186: {  	s21 =	sadd.s32 $0x2, s21;
	s16 =	sand.u32 $0x100, s16;
	[tilespmem:s23+$0x101D0] =	vst v2  }
0x187: {  	s16 =	sadd.s32 $0x9F00, s16;
	s22 =	sshll.u32 s21, $0x5;
	[tilespmem:s23+$0x101E0] =	vst v3  }
0x188: {  	[spmem:s2] =	stream.indirect.scatter.add.f32 [tilespmem:s25], [sflag:$0x3], $0x80, s16, s0, $0xb8;
	[tilespmem:$0x1D280] =	vst v63  }
0x189: {  	v2 =	vld [tilespmem:s22+$0x0];
	_ =	sdelay $0x4  }
0x18a: {  	[tilespmem:$0x9D00] =	vst v2  }
0x18b: {  	v3 =	vld [tilespmem:s22+$0x4E80];
	_ =	sdelay $0x3  }
0x18c: {  	s16 =	sshll.u32 s21, $0x7;
	v2 =	vsub.s32 v2, v0  }
0x18d: {  	s16 =	sand.u32 $0x100, s16;
	v2 =	vmin.u32 v2, $0x1388;
	[tilespmem:$0x9E00] =	vst v3  }
0x18e: {  	[tilespmem:s16+$0x9F00] =	vst v2  }
0x18f: {  	v2 =	vld [tilespmem:s22+$0x10];
	_ =	sdelay $0x4  }
0x190: {  	[tilespmem:$0x9D10] =	vst v2  }
0x191: {  	v3 =	vld [tilespmem:s22+$0x4E90];
	_ =	sdelay $0x3  }
0x192: {  	v2 =	vsub.s32 v2, v0  }
0x193: {  	v2 =	vmin.u32 v2, $0x1388;
	[tilespmem:$0x9E10] =	vst v3  }
0x194: {  	s23 =	sadd.s32 s4, s22;
	[tilespmem:s16+$0x9F10] =	vst v2  }
0x195: {  	[tilespmem:s31], [sflag:$0x1] =	stream.indirect.gather [hbm4b:s5+s0], $0x80, s1, s0, $0xb8;
	[tilespmem:$0x1D280] =	vst v63  }
0x196: {  	s16 =	sshll.u32 s23, $0x4  }
0x197: {  	[tilespmem:s7], [sflag:$0x1] =	stream.indirect.gather [hbm4b:s14+s0], $0x80, s6, s0, $0xb8;
	[tilespmem:$0x1D280] =	vst v63  }
0x198: {  	s16 =	sadd.s32 s15, s16  }
0x199: {  	[tilespmem:s8], [sflag:$0x1] =	stream.linear.gather [hbm4b:s16+s3], $0x1000, $0x38;
	[tilespmem:$0x1D280] =	vst v63  }
0x19a: {  	_ =	swait.ge [sflag:s26], $0x1000  }
0x19b: {  	[sflag:s26] =	ssyncset.done $0x0  }
0x19c: {  	[sflag:s26] =	ssyncadd.s32 $0xFFFFF000  }
0x19d: {  	_ =	swait.ge [sflag:s26], $0x1000  }
0x19e: {  	[sflag:s26] =	ssyncset.done $0x0  }
0x19f: {  	[sflag:s26] =	ssyncadd.s32 $0xFFFFF000  }
0x1a0: {  	_ =	swait.ge [sflag:s26], $0x1000  }
0x1a1: {  	[sflag:s26] =	ssyncset.done $0x0  }
0x1a2: {  	s16 =	simm.s32 @!p2 $0x4;
	[sflag:s26] =	ssyncadd.s32 $0xFFFFF000  }
0x1a3: {  	_ =	swait.ge @!p2 [sflag:s16], $0x1000  }
0x1a4: {  	[sflag:s16] =	ssyncset.done @!p2 $0x0  }
0x1a5: {  	s21 =	simm.s32 $0x0;
	[sflag:s16] =	ssyncadd.s32 @!p2 $0xFFFFF000  }
0x1a6: {  	v2 =	vld [tilespmem:s21+$0xB1F0]  }
0x1a7: {  	v3 =	vld [tilespmem:s21+$0xD1F0]  }
0x1a8: {  	v4 =	vld [tilespmem:s21+$0xB100]  }
0x1a9: {  	v5 =	vld [tilespmem:s21+$0xF1F0]  }
0x1aa: {  	v6 =	vld [tilespmem:s21+$0xD100]  }
0x1ab: {  	v7 =	vld [tilespmem:s21+$0xB110]  }
0x1ac: {  	v8 =	vld [tilespmem:s21+$0xD110]  }
0x1ad: {  	v9 =	vld [tilespmem:s21+$0xD120]  }
0x1ae: {  	v10 =	vld [tilespmem:s21+$0xD130]  }
0x1af: {  	v11 =	vld [tilespmem:s21+$0xB140]  }
0x1b0: {  	v12 =	vld [tilespmem:s21+$0xD140]  }
0x1b1: {  	v13 =	vld [tilespmem:s21+$0xB150]  }
0x1b2: {  	v14 =	vld [tilespmem:s21+$0xB160]  }
0x1b3: {  	v15 =	vld [tilespmem:s21+$0xD160]  }
0x1b4: {  	v16 =	vld [tilespmem:s21+$0xB170]  }
0x1b5: {  	v17 =	vld [tilespmem:s21+$0xD170];
	v2 =	vadd.f32 v3, v2  }
0x1b6: {  	v18 =	vld [tilespmem:s21+$0xB180]  }
0x1b7: {  	v19 =	vld [tilespmem:s21+$0xD180];
	v2 =	vadd.f32 v5, v2  }
0x1b8: {  	v20 =	vld [tilespmem:s21+$0xB190]  }
0x1b9: {  	v21 =	vld [tilespmem:s21+$0xD190];
	v2 =	vmin.f32 v2, $8.000000000e+01  }
0x1ba: {  	v23 =	vld [tilespmem:s21+$0xB1A0];
	v2 =	vmul.f32 $1.442695020e+00, v2  }
0x1bb: {  	v25 =	vld [tilespmem:s21+$0xD1A0]  }
0x1bc: {  	v26 =	vld [tilespmem:s21+$0xB1B0];
	(erf) = vpow2.f32 v2  }
0x1bd: {  	v27 =	vld [tilespmem:s21+$0xB1C0]  }
0x1be: {  	v28 =	vld [tilespmem:s21+$0xD1C0]  }
0x1bf: {  	v29 =	vld [tilespmem:s21+$0xB1D0]  }
0x1c0: {  	v30 =	vld [tilespmem:s21+$0xD1D0]  }
0x1c1: {  	v31 =	vld [tilespmem:s21+$0xB1E0]  }
0x1c2: {  	v47 =	vld [tilespmem:s21+$0xD1E0]  }
0x1c3: {  	v48 =	vld [tilespmem:s21+$0xF100]  }
0x1c4: {  	v49 =	vld [tilespmem:s21+$0xF110]  }
0x1c5: {  	v51 =	vld [tilespmem:s21+$0xF120];
	v22 =	vpop (erf)  }
0x1c6: {  	v3 =	vld [tilespmem:s21+$0xB120];
	v24 =	vadd.f32 $1.000000000e+00, v22  }
0x1c7: {  	v52 =	vld [tilespmem:s21+$0xF130]  }
0x1c8: {  	v53 =	vld [tilespmem:s21+$0xF140];
	(erf) = vrcp.f32 v24  }
0x1c9: {  	v4 =	vadd.f32 v6, v4;
	v6 =	vadd.f32 v8, v7;
	v7 =	vld [tilespmem:s21+$0xF150]  }
0x1ca: {  	v8 =	vld [tilespmem:s21+$0xF160]  }
0x1cb: {  	v5 =	vld [tilespmem:s21+$0xB130];
	v3 =	vadd.f32 v9, v3  }
0x1cc: {  	v9 =	vadd.f32 v12, v11;
	v12 =	vadd.f32 v17, v16;
	v16 =	vld [tilespmem:s21+$0xF190]  }
0x1cd: {  	v11 =	vadd.f32 v15, v14;
	v14 =	vadd.f32 v19, v18;
	v19 =	vld [tilespmem:s21+$0xF1A0]  }
0x1ce: {  	v15 =	vadd.f32 v21, v20;
	v21 =	vld [tilespmem:s21+$0xF1B0]  }
0x1cf: {  	v4 =	vadd.f32 v48, v4;
	v6 =	vadd.f32 v49, v6;
	v2 =	vld [tilespmem:s21+$0xD150]  }
0x1d0: {  	v17 =	vadd.f32 v25, v23;
	v23 =	vld [tilespmem:s21+$0xF1C0];
	v22 =	vsub.f32 $1.000000000e+00, v22  }
0x1d1: {  	v4 =	vmin.f32 v4, $8.000000000e+01;
	v6 =	vmin.f32 v6, $8.000000000e+01;
	v25 =	vld [tilespmem:s21+$0xF1D0];
	v50 =	vpop (erf)  }
0x1d2: {  	v20 =	vadd.f32 v28, v27;
	v5 =	vadd.f32 v10, v5;
	v24 =	vld [tilespmem:s21+$0xD1B0];
	v22 =	vmul.f32 v50, v22  }
0x1d3: {  	v4 =	vmul.f32 $1.442695020e+00, v4;
	v10 =	vld [tilespmem:s21+$0xF170];
	v3 =	vadd.f32 v51, v3;
	v9 =	vadd.f32 v53, v9  }
0x1d4: {  	s20 =	simm.s32 $0x100;
	v6 =	vmul.f32 $1.442695020e+00, v6;
	v8 =	vadd.f32 v8, v11;
	v2 =	vadd.f32 v2, v13;
	v13 =	vld [tilespmem:s21+$0xF180];
	[tilespmem:s21+$0x111F0] =	vst v22  }
0x1d5: {  	v5 =	vadd.f32 v52, v5;
	v3 =	vmin.f32 v3, $8.000000000e+01;
	v9 =	vmin.f32 v9, $8.000000000e+01;
	v27 =	vld [tilespmem:s20+$0xB1F0]  }
0x1d6: {  	v8 =	vmin.f32 v8, $8.000000000e+01;
	v3 =	vmul.f32 $1.442695020e+00, v3;
	v2 =	vadd.f32 v7, v2;
	v7 =	vld [tilespmem:s20+$0xD1F0]  }
0x1d7: {  	v9 =	vmul.f32 $1.442695020e+00, v9;
	v15 =	vadd.f32 v16, v15;
	v18 =	vadd.f32 v24, v26;
	v26 =	vld [tilespmem:s21+$0xF1E0]  }
0x1d8: {  	v16 =	vadd.f32 v19, v17;
	v5 =	vmin.f32 v5, $8.000000000e+01;
	v10 =	vadd.f32 v10, v12;
	v12 =	vld [tilespmem:s20+$0xF1F0]  }
0x1d9: {  	v8 =	vmul.f32 $1.442695020e+00, v8;
	v17 =	vadd.f32 v23, v20;
	v5 =	vmul.f32 $1.442695020e+00, v5;
	v11 =	vld [tilespmem:s20+$0xB100]  }
0x1da: {  	v15 =	vmin.f32 v15, $8.000000000e+01;
	v16 =	vmin.f32 v16, $8.000000000e+01;
	v13 =	vadd.f32 v13, v14;
	v14 =	vld [tilespmem:s20+$0xD100]  }
0x1db: {  	v15 =	vmul.f32 $1.442695020e+00, v15;
	(erf) = vpow2.f32 v4;
	v4 =	vld [tilespmem:s20+$0xB110];
	v7 =	vadd.f32 v7, v27  }
0x1dc: {  	v17 =	vmin.f32 v17, $8.000000000e+01;
	v16 =	vmul.f32 $1.442695020e+00, v16;
	(erf) = vpow2.f32 v6;
	v6 =	vld [tilespmem:s20+$0xD110]  }
0x1dd: {  	v2 =	vmin.f32 v2, $8.000000000e+01;
	(erf) = vpow2.f32 v3;
	v3 =	vld [tilespmem:s20+$0xB120];
	v7 =	vadd.f32 v12, v7  }
0x1de: {  	v10 =	vmin.f32 v10, $8.000000000e+01;
	v2 =	vmul.f32 $1.442695020e+00, v2;
	(erf) = vpow2.f32 v5;
	v5 =	vld [tilespmem:s20+$0xD120]  }
0x1df: {  	v10 =	vmul.f32 $1.442695020e+00, v10;
	(erf) = vpow2.f32 v9;
	v9 =	vld [tilespmem:s20+$0xB130];
	v7 =	vmin.f32 v7, $8.000000000e+01  }
0x1e0: {  	v13 =	vmin.f32 v13, $8.000000000e+01;
	(erf) = vpow2.f32 v2;
	v2 =	vld [tilespmem:s20+$0xD130];
	v7 =	vmul.f32 $1.442695020e+00, v7  }
0x1e1: {  	v13 =	vmul.f32 $1.442695020e+00, v13;
	v24 =	vadd.f32 v47, v31;
	(erf) = vpow2.f32 v8;
	v8 =	vld [tilespmem:s20+$0xB140]  }
0x1e2: {  	(erf) = vpow2.f32 v10;
	v22 =	vadd.f32 v30, v29;
	v10 =	vld [tilespmem:s20+$0xD140];
	v12 =	vadd.f32 v21, v18  }
0x1e3: {  	v17 =	vmul.f32 $1.442695020e+00, v17;
	(erf) = vpow2.f32 v13;
	v20 =	vadd.f32 v26, v24;
	v13 =	vld [tilespmem:s20+$0xB150]  }
0x1e4: {  	v19 =	vld [tilespmem:s20+$0xD150];
	v18 =	vadd.f32 v25, v22;
	v12 =	vmin.f32 v12, $8.000000000e+01;
	(erf) = vpow2.f32 v7;
	v7 =	vpop (erf)  }
0x1e5: {  	v20 =	vmin.f32 v20, $8.000000000e+01;
	v30 =	vld [tilespmem:s20+$0xB190];
	v12 =	vmul.f32 $1.442695020e+00, v12;
	(erf) = vpow2.f32 v15;
	v21 =	vpop (erf)  }
0x1e6: {  	v20 =	vmul.f32 $1.442695020e+00, v20;
	v54 =	vld [tilespmem:s20+$0xD190];
	v18 =	vmin.f32 v18, $8.000000000e+01;
	(erf) = vpow2.f32 v16;
	v22 =	vpop (erf)  }
0x1e7: {  	v33 =	vld [tilespmem:s20+$0xB1B0];
	v18 =	vmul.f32 $1.442695020e+00, v18;
	v25 =	vadd.f32 $1.000000000e+00, v7;
	(erf) = vpow2.f32 v12;
	v23 =	vpop (erf)  }
0x1e8: {  	v37 =	vadd.f32 v6, v4;
	v4 =	vld [tilespmem:s20+$0xD1B0];
	v27 =	vadd.f32 $1.000000000e+00, v21;
	(erf) = vpow2.f32 v17;
	v24 =	vpop (erf)  }
0x1e9: {  	v35 =	vadd.f32 v2, v9;
	v9 =	vld [tilespmem:s20+$0xB1C0];
	(erf) = vpow2.f32 v18;
	v26 =	vpop (erf)  }
0x1ea: {  	v39 =	vadd.f32 v10, v8;
	v8 =	vld [tilespmem:s20+$0xD1C0];
	v31 =	vadd.f32 $1.000000000e+00, v23;
	(erf) = vpow2.f32 v20;
	v28 =	vpop (erf)  }
0x1eb: {  	v41 =	vld [tilespmem:s20+$0xD1D0];
	v29 =	vadd.f32 $1.000000000e+00, v22;
	(erf) = vrcp.f32 v25;
	v25 =	vpop (erf)  }
0x1ec: {  	v11 =	vadd.f32 v14, v11;
	v38 =	vadd.f32 v5, v3;
	v15 =	vld [tilespmem:s20+$0xB160];
	(erf) = vrcp.f32 v27;
	v27 =	vpop (erf)  }
0x1ed: {  	v13 =	vadd.f32 v19, v13;
	v16 =	vld [tilespmem:s20+$0xD160];
	v55 =	vadd.f32 $1.000000000e+00, v24;
	(erf) = vrcp.f32 v29;
	v56 =	vpop (erf)  }
0x1ee: {  	v30 =	vadd.f32 v54, v30;
	v12 =	vld [tilespmem:s20+$0xB170];
	(erf) = vrcp.f32 v31;
	v57 =	vadd.f32 $1.000000000e+00, v56;
	v31 =	vpop (erf)  }
0x1ef: {  	v33 =	vadd.f32 v4, v33;
	v8 =	vadd.f32 v8, v9;
	v17 =	vld [tilespmem:s20+$0xD170];
	(erf) = vrcp.f32 v55;
	v14 =	vpop (erf)  }
0x1f0: {  	v5 =	vsub.f32 $1.000000000e+00, v7;
	v6 =	vsub.f32 $1.000000000e+00, v21;
	v21 =	vld [tilespmem:s20+$0xB1D0];
	(erf) = vrcp.f32 v57;
	v3 =	vpop (erf)  }
0x1f1: {  	v58 =	vld [tilespmem:s20+$0xD1A0];
	v7 =	vsub.f32 $1.000000000e+00, v22;
	v23 =	vsub.f32 $1.000000000e+00, v23;
	v2 =	vpop (erf)  }
0x1f2: {  	v18 =	vld [tilespmem:s20+$0xB180];
	v24 =	vsub.f32 $1.000000000e+00, v24;
	v22 =	vadd.f32 $1.000000000e+00, v26;
	v10 =	vpop (erf)  }
0x1f3: {  	v20 =	vld [tilespmem:s20+$0xD180];
	v15 =	vadd.f32 v16, v15;
	v26 =	vsub.f32 $1.000000000e+00, v26;
	v19 =	vpop (erf)  }
0x1f4: {  	v60 =	vadd.f32 $1.000000000e+00, v28;
	v48 =	vadd.f32 v17, v12;
	v17 =	vld [tilespmem:s20+$0xF100];
	v59 =	vpop (erf)  }
0x1f5: {  	v28 =	vsub.f32 $1.000000000e+00, v28;
	v9 =	vadd.f32 v41, v21;
	v29 =	vld [tilespmem:s20+$0xB1A0];
	v16 =	vpop (erf)  }
0x1f6: {  	v61 =	vadd.f32 $1.000000000e+00, v25;
	v25 =	vsub.f32 $1.000000000e+00, v25;
	v45 =	vpop (erf)  }
0x1f7: {  	v63 =	vadd.f32 $1.000000000e+00, v27;
	v27 =	vsub.f32 $1.000000000e+00, v27;
	(erf) = vrcp.f32 v22;
	v12 =	vpop (erf)  }
0x1f8: {  	v20 =	vadd.f32 v20, v18;
	v18 =	vsub.f32 $1.000000000e+00, v56;
	(erf) = vrcp.f32 v60;
	v22 =	vpop (erf)  }
0x1f9: {  	v43 =	vld [tilespmem:s20+$0xB1E0];
	v55 =	vadd.f32 $1.000000000e+00, v31;
	v11 =	vadd.f32 v17, v11;
	(erf) = vrcp.f32 v61;
	v53 =	vpop (erf)  }
0x1fa: {  	v57 =	vadd.f32 $1.000000000e+00, v14;
	v29 =	vadd.f32 v58, v29;
	v60 =	vld [tilespmem:s20+$0xF150];
	v18 =	vmul.f32 v53, v18  }
0x1fb: {  	v62 =	vld [tilespmem:s20+$0xD1E0];
	v11 =	vmin.f32 v11, $8.000000000e+01;
	v4 =	vmul.f32 v16, v6;
	(erf) = vrcp.f32 v63  }
0x1fc: {  	v52 =	vld [tilespmem:s20+$0xF110];
	v16 =	vadd.f32 $1.000000000e+00, v10;
	(erf) = vrcp.f32 v55;
	[tilespmem:s20+$0x111F0] =	vst v18;
	v18 =	vadd.f32 $1.000000000e+00, v3  }
0x1fd: {  	v54 =	vld [tilespmem:s20+$0xF120];
	v5 =	vmul.f32 v59, v5;
	v59 =	vadd.f32 $1.000000000e+00, v2;
	(erf) = vrcp.f32 v57  }
0x1fe: {  	v56 =	vld [tilespmem:s20+$0xF130];
	v49 =	vadd.f32 $1.000000000e+00, v19;
	v12 =	vmul.f32 v12, v23;
	(erf) = vrcp.f32 v18  }
0x1ff: {  	v58 =	vld [tilespmem:s20+$0xF140];
	v45 =	vmul.f32 v45, v7;
	v13 =	vadd.f32 v60, v13;
	[tilespmem:s21+$0x11100] =	vst v5;
	(erf) = vrcp.f32 v59  }
0x200: {  	v21 =	vmul.f32 $1.442695020e+00, v11;
	v6 =	vsub.f32 $1.000000000e+00, v14;
	v61 =	vld [tilespmem:s20+$0xF160];
	[tilespmem:s21+$0x11110] =	vst v4;
	(erf) = vrcp.f32 v16;
	v16 =	vpop (erf)  }
0x201: {  	v7 =	vsub.f32 $1.000000000e+00, v31;
	v13 =	vmin.f32 v13, $8.000000000e+01;
	v4 =	vsub.f32 $1.000000000e+00, v2;
	v14 =	vld [tilespmem:s20+$0xF170];
	[tilespmem:s21+$0x11120] =	vst v45;
	v18 =	vpop (erf)  }
0x202: {  	v2 =	vsub.f32 $1.000000000e+00, v19;
	v19 =	vmul.f32 v22, v24;
	v22 =	vadd.f32 v52, v37;
	v31 =	vld [tilespmem:s20+$0xF180];
	[tilespmem:s21+$0x11130] =	vst v12;
	v12 =	vpop (erf)  }
0x203: {  	v5 =	vsub.f32 $1.000000000e+00, v3;
	v25 =	vmul.f32 v12, v25;
	v12 =	vadd.f32 v54, v38  }
0x204: {  	v11 =	vmin.f32 v22, $8.000000000e+01;
	(erf) = vrcp.f32 v49;
	v16 =	vmul.f32 v16, v26  }
0x205: {  	v22 =	vmul.f32 $1.442695020e+00, v11;
	v11 =	vmin.f32 v12, $8.000000000e+01;
	v12 =	vadd.f32 v58, v39  }
0x206: {  	v3 =	vsub.f32 $1.000000000e+00, v10;
	v10 =	vadd.f32 v62, v43;
	v24 =	vld [tilespmem:s20+$0xF190];
	[tilespmem:s21+$0x11140] =	vst v19;
	v18 =	vmul.f32 v18, v28;
	v17 =	vpop (erf)  }
0x207: {  	v62 =	vld [tilespmem:s20+$0xF1A0];
	[tilespmem:s21+$0x11150] =	vst v16;
	v15 =	vadd.f32 v61, v15;
	v28 =	vmul.f32 v17, v27;
	v17 =	vadd.f32 v56, v35  }
0x208: {  	v63 =	vld [tilespmem:s20+$0xF1B0];
	[tilespmem:s21+$0x11160] =	vst v18;
	v14 =	vadd.f32 v14, v48;
	v18 =	vmul.f32 $1.442695020e+00, v13;
	v23 =	vmul.f32 $1.442695020e+00, v11;
	v11 =	vpop (erf)  }
0x209: {  	v26 =	vld [tilespmem:s20+$0xF1C0];
	[tilespmem:s21+$0x11170] =	vst v25;
	v13 =	vmin.f32 v15, $8.000000000e+01;
	v16 =	vmin.f32 v17, $8.000000000e+01;
	v17 =	vmin.f32 v12, $8.000000000e+01;
	v12 =	vpop (erf)  }
0x20a: {  	v25 =	vadd.f32 v31, v20;
	v27 =	vld [tilespmem:s20+$0xF1D0];
	[tilespmem:s21+$0x11180] =	vst v28;
	v20 =	vmul.f32 $1.442695020e+00, v13;
	v14 =	vmin.f32 v14, $8.000000000e+01;
	v19 =	vpop (erf)  }
0x20b: {  	v30 =	vadd.f32 v24, v30;
	v16 =	vmul.f32 $1.442695020e+00, v16;
	v28 =	vld [tilespmem:s20+$0xF1E0];
	v24 =	vmul.f32 $1.442695020e+00, v14;
	v15 =	vpop (erf)  }
0x20c: {  	s22 =	simm.s32 $0x200;
	v25 =	vmin.f32 v25, $8.000000000e+01;
	v31 =	vadd.f32 v62, v29;
	v17 =	vmul.f32 $1.442695020e+00, v17;
	v13 =	vpop (erf)  }
0x20d: {  	s16 =	simm.s32 $0xC00;
	v29 =	vld [tilespmem:s22+$0xB1F0];
	v25 =	vmul.f32 $1.442695020e+00, v25;
	v32 =	vmin.f32 v30, $8.000000000e+01;
	v30 =	vadd.f32 v63, v33;
	v14 =	vpop (erf)  }
.LBB2_7:
0x20e: {  	p2 =	sne.s32 s16, $0x3C00;
	v33 =	vld [tilespmem:s22+$0xD1F0];
	v32 =	vmul.f32 $1.442695020e+00, v32;
	v31 =	vmin.f32 v31, $8.000000000e+01;
	v8 =	vadd.f32 v26, v8  }
0x20f: {  	v26 =	vld [tilespmem:s22+$0xB100];
	v31 =	vmul.f32 $1.442695020e+00, v31;
	v30 =	vmin.f32 v30, $8.000000000e+01;
	v9 =	vadd.f32 v27, v9  }
0x210: {  	v27 =	vld [tilespmem:s22+$0xF1F0];
	v30 =	vmul.f32 $1.442695020e+00, v30;
	v8 =	vmin.f32 v8, $8.000000000e+01;
	v10 =	vadd.f32 v28, v10  }
0x211: {  	v28 =	vld [tilespmem:s22+$0xD100];
	v8 =	vmul.f32 $1.442695020e+00, v8;
	v9 =	vmin.f32 v9, $8.000000000e+01;
	(erf) = vpow2.f32 v21  }
0x212: {  	v21 =	vld [tilespmem:s22+$0xB110];
	v9 =	vmul.f32 $1.442695020e+00, v9;
	v10 =	vmin.f32 v10, $8.000000000e+01;
	(erf) = vpow2.f32 v22  }
0x213: {  	v22 =	vld [tilespmem:s22+$0xD110];
	v29 =	vadd.f32 v33, v29;
	v33 =	vmul.f32 $1.442695020e+00, v10;
	(erf) = vpow2.f32 v23  }
0x214: {  	v7 =	vmul.f32 v11, v7;
	v10 =	vld [tilespmem:s22+$0xB120];
	(erf) = vpow2.f32 v16  }
0x215: {  	v6 =	vmul.f32 v12, v6;
	v16 =	vld [tilespmem:s22+$0xD120];
	v23 =	vadd.f32 v27, v29;
	(erf) = vpow2.f32 v17  }
0x216: {  	v5 =	vmul.f32 v19, v5;
	v11 =	vadd.f32 v28, v26;
	v17 =	vld [tilespmem:s22+$0xB130];
	(erf) = vpow2.f32 v18;
	[tilespmem:s21+$0x11190] =	vst v7  }
0x217: {  	v4 =	vmul.f32 v15, v4;
	v7 =	vld [tilespmem:s22+$0xD130];
	v18 =	vmin.f32 v23, $8.000000000e+01;
	(erf) = vpow2.f32 v20;
	[tilespmem:s21+$0x111A0] =	vst v6  }
0x218: {  	v12 =	vadd.f32 v22, v21;
	v6 =	vld [tilespmem:s22+$0xB140];
	v18 =	vmul.f32 $1.442695020e+00, v18;
	(erf) = vpow2.f32 v24;
	[tilespmem:s21+$0x111B0] =	vst v5  }
0x219: {  	v3 =	vmul.f32 v13, v3;
	v5 =	vld [tilespmem:s22+$0xD140];
	(erf) = vpow2.f32 v25;
	[tilespmem:s21+$0x111C0] =	vst v4  }
0x21a: {  	v2 =	vmul.f32 v14, v2;
	v13 =	vadd.f32 v16, v10;
	v4 =	vld [tilespmem:s22+$0xB150];
	(erf) = vpow2.f32 v18;
	v15 =	vpop (erf)  }
0x21b: {  	v16 =	vld [tilespmem:s22+$0xD150];
	v10 =	vsub.f32 $1.000000000e+00, v15;
	v18 =	vadd.f32 $1.000000000e+00, v15;
	v15 =	vpop (erf);
	(erf) = vpow2.f32 v32;
	[tilespmem:s21+$0x111D0] =	vst v3  }
0x21c: {  	v14 =	vadd.f32 v7, v17;
	v3 =	vld [tilespmem:s22+$0xB160];
	v7 =	vadd.f32 $1.000000000e+00, v15;
	v17 =	vpop (erf);
	(erf) = vpow2.f32 v31;
	[tilespmem:s21+$0x111E0] =	vst v2;
	s21 =	smov.u32 s20;
	s20 =	smov.u32 s22  }
0x21d: {  	v19 =	vsub.f32 $1.000000000e+00, v15;
	v2 =	vld [tilespmem:s20+$0xD160];
	v20 =	vadd.f32 $1.000000000e+00, v17;
	v21 =	vpop (erf);
	(erf) = vpow2.f32 v30  }
0x21e: {  	v15 =	vadd.f32 v5, v6;
	v5 =	vld [tilespmem:s20+$0xB170];
	v6 =	vadd.f32 $1.000000000e+00, v21;
	v22 =	vpop (erf);
	(erf) = vpow2.f32 v8  }
0x21f: {  	v23 =	vsub.f32 $1.000000000e+00, v17;
	v8 =	vld [tilespmem:s20+$0xD170];
	v24 =	vadd.f32 $1.000000000e+00, v22;
	v25 =	vpop (erf);
	(erf) = vpow2.f32 v9  }
0x220: {  	v16 =	vadd.f32 v16, v4;
	v4 =	vld [tilespmem:s20+$0xB180];
	v9 =	vadd.f32 $1.000000000e+00, v25;
	v26 =	vpop (erf);
	(erf) = vpow2.f32 v33  }
0x221: {  	v21 =	vsub.f32 $1.000000000e+00, v21;
	v27 =	vld [tilespmem:s20+$0xD180];
	v28 =	vadd.f32 $1.000000000e+00, v26;
	(erf) = vrcp.f32 v18;
	v29 =	vpop (erf)  }
0x222: {  	v17 =	vadd.f32 v2, v3;
	v2 =	vld [tilespmem:s20+$0xB190];
	v3 =	vadd.f32 $1.000000000e+00, v29;
	(erf) = vrcp.f32 v7;
	v7 =	vpop (erf)  }
0x223: {  	v22 =	vsub.f32 $1.000000000e+00, v22;
	v30 =	vld [tilespmem:s20+$0xD190];
	v31 =	vpop (erf);
	v32 =	vadd.f32 $1.000000000e+00, v7;
	(erf) = vrcp.f32 v20  }
0x224: {  	v18 =	vadd.f32 v8, v5;
	v5 =	vld [tilespmem:s20+$0xB1A0];
	v8 =	vadd.f32 $1.000000000e+00, v31;
	(erf) = vrcp.f32 v6;
	v6 =	vpop (erf)  }
0x225: {  	v25 =	vsub.f32 $1.000000000e+00, v25;
	v33 =	vld [tilespmem:s20+$0xD1A0];
	v34 =	vadd.f32 $1.000000000e+00, v6;
	(erf) = vrcp.f32 v24;
	v35 =	vpop (erf)  }
0x226: {  	v20 =	vadd.f32 v27, v4;
	v4 =	vld [tilespmem:s20+$0xB1B0];
	(erf) = vrcp.f32 v8;
	v8 =	vadd.f32 $1.000000000e+00, v35;
	v27 =	vpop (erf)  }
0x227: {  	v26 =	vsub.f32 $1.000000000e+00, v26;
	v36 =	vld [tilespmem:s20+$0xD1B0];
	v37 =	vadd.f32 $1.000000000e+00, v27;
	(erf) = vrcp.f32 v9;
	v9 =	vpop (erf)  }
0x228: {  	v24 =	vadd.f32 v30, v2;
	v2 =	vld [tilespmem:s20+$0xB1C0];
	v30 =	vadd.f32 $1.000000000e+00, v9;
	(erf) = vrcp.f32 v28;
	v28 =	vpop (erf)  }
0x229: {  	v29 =	vsub.f32 $1.000000000e+00, v29;
	v38 =	vld [tilespmem:s20+$0xD1C0];
	v39 =	vadd.f32 $1.000000000e+00, v28;
	(erf) = vrcp.f32 v3;
	v40 =	vpop (erf)  }
0x22a: {  	v33 =	vadd.f32 v33, v5;
	v41 =	vld [tilespmem:s20+$0xB1D0];
	v42 =	vadd.f32 $1.000000000e+00, v40;
	v43 =	vpop (erf);
	(erf) = vrcp.f32 v32  }
0x22b: {  	v44 =	vsub.f32 $1.000000000e+00, v7;
	v7 =	vsub.f32 $1.000000000e+00, v6;
	v32 =	vld [tilespmem:s20+$0xD1D0];
	v45 =	vpop (erf);
	(erf) = vrcp.f32 v34  }
0x22c: {  	v6 =	vsub.f32 $1.000000000e+00, v35;
	v34 =	vadd.f32 v36, v4;
	v36 =	vld [tilespmem:s20+$0xB1E0];
	v35 =	vpop (erf);
	(erf) = vrcp.f32 v8  }
0x22d: {  	v5 =	vsub.f32 $1.000000000e+00, v27;
	v4 =	vsub.f32 $1.000000000e+00, v9;
	v46 =	vld [tilespmem:s20+$0xD1E0];
	v27 =	vpop (erf);
	(erf) = vrcp.f32 v37  }
0x22e: {  	v31 =	vsub.f32 $1.000000000e+00, v31;
	v37 =	vld [tilespmem:s20+$0xF100];
	v8 =	vadd.f32 v38, v2;
	v38 =	vpop (erf);
	(erf) = vrcp.f32 v30  }
0x22f: {  	v3 =	vsub.f32 $1.000000000e+00, v28;
	v2 =	vsub.f32 $1.000000000e+00, v40;
	v30 =	vld [tilespmem:s20+$0xF110];
	v47 =	vpop (erf);
	(erf) = vrcp.f32 v39  }
0x230: {  	v28 =	vld [tilespmem:s20+$0xF120];
	v9 =	vadd.f32 v32, v41;
	v31 =	vmul.f32 v47, v31;
	v32 =	vpop (erf);
	(erf) = vrcp.f32 v42  }
0x231: {  	v19 =	vmul.f32 v45, v19;
	v40 =	vmul.f32 v43, v10;
	v39 =	vld [tilespmem:s20+$0xF130];
	v41 =	vpop (erf)  }
0x232: {  	v23 =	vmul.f32 v35, v23;
	v27 =	vmul.f32 v27, v21;
	v42 =	vld [tilespmem:s20+$0xF140];
	v10 =	vadd.f32 v46, v36;
	[tilespmem:s20+$0x111F0] =	vst v31;
	v21 =	vpop (erf)  }
0x233: {  	v25 =	vmul.f32 v32, v25;
	v36 =	vmul.f32 v38, v22;
	v31 =	vadd.f32 v37, v11;
	v35 =	vld [tilespmem:s20+$0xF150];
	[tilespmem:s21+$0x11100] =	vst v40;
	v22 =	vpop (erf)  }
0x234: {  	v26 =	vmul.f32 v41, v26;
	v29 =	vmul.f32 v21, v29;
	v30 =	vadd.f32 v30, v12;
	v32 =	vld [tilespmem:s20+$0xF160];
	[tilespmem:s21+$0x11110] =	vst v19;
	v11 =	vpop (erf)  }
0x235: {  	v37 =	vmin.f32 v31, $8.000000000e+01;
	v40 =	vadd.f32 v28, v13;
	v28 =	vld [tilespmem:s20+$0xF170];
	[tilespmem:s21+$0x11120] =	vst v23;
	v31 =	vmul.f32 v22, v44;
	v12 =	vpop (erf)  }
0x236: {  	v21 =	vmul.f32 $1.442695020e+00, v37;
	v22 =	vmin.f32 v30, $8.000000000e+01;
	v41 =	vadd.f32 v39, v14;
	v30 =	vld [tilespmem:s20+$0xF180];
	[tilespmem:s21+$0x11130] =	vst v27;
	v19 =	vpop (erf)  }
0x237: {  	v22 =	vmul.f32 $1.442695020e+00, v22;
	v38 =	vmin.f32 v40, $8.000000000e+01;
	v27 =	vadd.f32 v42, v15;
	v37 =	vld [tilespmem:s20+$0xF190];
	[tilespmem:s21+$0x11140] =	vst v36;
	v15 =	vpop (erf)  }
0x238: {  	v23 =	vmul.f32 $1.442695020e+00, v38;
	v39 =	vmin.f32 v41, $8.000000000e+01;
	v35 =	vadd.f32 v35, v16;
	v36 =	vld [tilespmem:s20+$0xF1A0];
	[tilespmem:s21+$0x11150] =	vst v25;
	v13 =	vpop (erf)  }
0x239: {  	v16 =	vmul.f32 $1.442695020e+00, v39;
	v25 =	vmin.f32 v27, $8.000000000e+01;
	v27 =	vadd.f32 v32, v17;
	v38 =	vld [tilespmem:s20+$0xF1B0];
	[tilespmem:s21+$0x11160] =	vst v26;
	v14 =	vpop (erf)  }
.Ltmp2:
0x23a: {  	v17 =	vmul.f32 $1.442695020e+00, v25;
	v25 =	vmin.f32 v35, $8.000000000e+01;
	v28 =	vadd.f32 v28, v18;
	v26 =	vld [tilespmem:s20+$0xF1C0];
	[tilespmem:s21+$0x11170] =	vst v29;
	(pc) =	sbr.rel @p2 .LBB2_7-.Ltmp2, $4  }
0x23b: {  	v18 =	vmul.f32 $1.442695020e+00, v25;
	v25 =	vmin.f32 v27, $8.000000000e+01;
	v29 =	vadd.f32 v30, v20;
	v27 =	vld [tilespmem:s20+$0xF1D0];
	[tilespmem:s21+$0x11180] =	vst v31  }
0x23c: {  	v20 =	vmul.f32 $1.442695020e+00, v25;
	v25 =	vmin.f32 v28, $8.000000000e+01;
	v30 =	vadd.f32 v37, v24;
	v28 =	vld [tilespmem:s20+$0xF1E0]  }
0x23d: {  	s22 =	sshra.s32 s16, $0x2;
	v24 =	vmul.f32 $1.442695020e+00, v25;
	v25 =	vmin.f32 v29, $8.000000000e+01;
	v31 =	vadd.f32 v36, v33  }
0x23e: {  	s16 =	sadd.s32 $0x400, s16;
	v29 =	vld [tilespmem:s22+$0xB1F0];
	v25 =	vmul.f32 $1.442695020e+00, v25;
	v32 =	vmin.f32 v30, $8.000000000e+01;
	v30 =	vadd.f32 v38, v34  }
0x23f: {  	v33 =	vld [tilespmem:s22+$0xD1F0]  }
0x240: {  	v34 =	vld [tilespmem:s22+$0xB100]  }
0x241: {  	v35 =	vld [tilespmem:s22+$0xF1F0]  }
0x242: {  	v36 =	vld [tilespmem:s22+$0xD100]  }
0x243: {  	v37 =	vld [tilespmem:s22+$0xB110]  }
0x244: {  	v38 =	vld [tilespmem:s22+$0xD110]  }
0x245: {  	v39 =	vld [tilespmem:s22+$0xB120];
	v7 =	vmul.f32 v11, v7  }
0x246: {  	v63 =	vld [tilespmem:s22+$0xD120];
	v6 =	vmul.f32 v12, v6;
	(erf) = vpow2.f32 v21  }
0x247: {  	v40 =	vld [tilespmem:s22+$0xB130];
	v5 =	vmul.f32 v19, v5;
	v32 =	vmul.f32 $1.442695020e+00, v32;
	[tilespmem:s21+$0x11190] =	vst v7  }
0x248: {  	v4 =	vmul.f32 v15, v4;
	v41 =	vmin.f32 v31, $8.000000000e+01;
	(erf) = vpow2.f32 v22;
	v7 =	vld [tilespmem:s22+$0xD130];
	[tilespmem:s21+$0x111A0] =	vst v6  }
0x249: {  	v3 =	vmul.f32 v13, v3;
	v8 =	vadd.f32 v26, v8;
	(erf) = vpow2.f32 v23;
	v19 =	vld [tilespmem:s22+$0xB140];
	[tilespmem:s21+$0x111B0] =	vst v5  }
0x24a: {  	v2 =	vmul.f32 v14, v2;
	v46 =	vmin.f32 v30, $8.000000000e+01;
	(erf) = vpow2.f32 v16;
	v42 =	vld [tilespmem:s22+$0xD140];
	[tilespmem:s21+$0x111C0] =	vst v4  }
0x24b: {  	v47 =	vmul.f32 $1.442695020e+00, v46;
	(erf) = vpow2.f32 v17;
	v33 =	vadd.f32 v33, v29;
	v44 =	vld [tilespmem:s22+$0xB150]  }
0x24c: {  	v8 =	vmin.f32 v8, $8.000000000e+01;
	v10 =	vadd.f32 v28, v10;
	(erf) = vpow2.f32 v18;
	v45 =	vld [tilespmem:s22+$0xD150];
	[tilespmem:s21+$0x111D0] =	vst v3  }
0x24d: {  	v5 =	vmul.f32 $1.442695020e+00, v41;
	(erf) = vpow2.f32 v20;
	v12 =	vadd.f32 v35, v33;
	v14 =	vld [tilespmem:s22+$0xB160];
	[tilespmem:s21+$0x111E0] =	vst v2  }
0x24e: {  	v51 =	vmin.f32 v10, $8.000000000e+01;
	v3 =	vadd.f32 v27, v9;
	(erf) = vpow2.f32 v24;
	v53 =	vld [tilespmem:s22+$0xB170]  }
0x24f: {  	v2 =	vmul.f32 $1.442695020e+00, v8;
	v8 =	vmul.f32 $1.442695020e+00, v51;
	v54 =	vld [tilespmem:s22+$0xD170];
	v43 =	vmin.f32 v12, $8.000000000e+01  }
0x250: {  	v11 =	vadd.f32 v63, v39;
	(erf) = vpow2.f32 v25;
	v25 =	vld [tilespmem:s22+$0xB190];
	v4 =	vmul.f32 $1.442695020e+00, v43  }
0x251: {  	v33 =	vadd.f32 v38, v37;
	v3 =	vmin.f32 v3, $8.000000000e+01;
	v27 =	vld [tilespmem:s22+$0xD190];
	v7 =	vadd.f32 v7, v40;
	v48 =	vpop (erf)  }
0x252: {  	v59 =	vld [tilespmem:s22+$0xB1A0];
	v3 =	vmul.f32 $1.442695020e+00, v3;
	v49 =	vpop (erf);
	v15 =	vadd.f32 v42, v19;
	(erf) = vpow2.f32 v4  }
0x253: {  	v61 =	vld [tilespmem:s22+$0xD1A0];
	v50 =	vpop (erf);
	v16 =	vsub.f32 $1.000000000e+00, v49;
	v12 =	vadd.f32 v45, v44;
	(erf) = vpow2.f32 v32  }
0x254: {  	v18 =	vld [tilespmem:s22+$0xF130];
	v57 =	vadd.f32 $1.000000000e+00, v50;
	v4 =	vsub.f32 $1.000000000e+00, v48;
	(erf) = vpow2.f32 v5  }
0x255: {  	v52 =	vpop (erf);
	v6 =	vsub.f32 $1.000000000e+00, v50;
	v32 =	vadd.f32 v36, v34;
	(erf) = vpow2.f32 v47  }
0x256: {  	v17 =	vpop (erf);
	v10 =	vsub.f32 $1.000000000e+00, v52;
	v9 =	vadd.f32 v54, v53;
	(erf) = vpow2.f32 v2  }
0x257: {  	v25 =	vadd.f32 v27, v25;
	v20 =	vpop (erf);
	v2 =	vadd.f32 $1.000000000e+00, v48;
	(erf) = vpow2.f32 v3  }
0x258: {  	v55 =	vld [tilespmem:s22+$0xB180];
	v23 =	vadd.f32 v61, v59;
	v22 =	vpop (erf);
	v3 =	vadd.f32 $1.000000000e+00, v49;
	(erf) = vpow2.f32 v8  }
0x259: {  	v27 =	vld [tilespmem:s22+$0xF120];
	v7 =	vadd.f32 v18, v7;
	v46 =	vadd.f32 $1.000000000e+00, v20;
	v24 =	vpop (erf);
	(erf) = vrcp.f32 v2  }
0x25a: {  	v56 =	vld [tilespmem:s22+$0xD180];
	v20 =	vsub.f32 $1.000000000e+00, v20;
	v26 =	vpop (erf);
	v2 =	vadd.f32 $1.000000000e+00, v52;
	(erf) = vrcp.f32 v3  }
0x25b: {  	v5 =	vld [tilespmem:s22+$0xD160];
	v7 =	vmin.f32 v7, $8.000000000e+01;
	v3 =	vadd.f32 $1.000000000e+00, v17;
	v58 =	vpop (erf);
	(erf) = vrcp.f32 v57  }
0x25c: {  	v62 =	vld [tilespmem:s22+$0xB1B0];
	v47 =	vadd.f32 $1.000000000e+00, v22;
	v60 =	vadd.f32 $1.000000000e+00, v58;
	(erf) = vrcp.f32 v2;
	v30 =	vpop (erf)  }
0x25d: {  	v63 =	vld [tilespmem:s22+$0xD1B0];
	v48 =	vadd.f32 $1.000000000e+00, v24;
	v61 =	vsub.f32 $1.000000000e+00, v24;
	(erf) = vrcp.f32 v3;
	v34 =	vpop (erf)  }
0x25e: {  	v43 =	vadd.f32 $1.000000000e+00, v26;
	v11 =	vadd.f32 v27, v11;
	(erf) = vrcp.f32 v60;
	v29 =	vpop (erf)  }
0x25f: {  	v7 =	vmul.f32 $1.442695020e+00, v7;
	v8 =	vadd.f32 v56, v55;
	v26 =	vsub.f32 $1.000000000e+00, v26;
	v37 =	vpop (erf)  }
0x260: {  	v5 =	vadd.f32 v5, v14;
	v17 =	vsub.f32 $1.000000000e+00, v17;
	v11 =	vmin.f32 v11, $8.000000000e+01;
	v2 =	vpop (erf)  }
0x261: {  	v11 =	vmul.f32 $1.442695020e+00, v11;
	v55 =	vsub.f32 $1.000000000e+00, v58;
	v51 =	vadd.f32 $1.000000000e+00, v30;
	v3 =	vpop (erf)  }
0x262: {  	v60 =	vsub.f32 $1.000000000e+00, v22;
	v22 =	vadd.f32 v63, v62;
	v63 =	vld [tilespmem:s22+$0xF150];
	(erf) = vrcp.f32 v46;
	v49 =	vpop (erf)  }
0x263: {  	v38 =	vld [tilespmem:s22+$0xB1C0];
	v30 =	vsub.f32 $1.000000000e+00, v30;
	v53 =	vadd.f32 $1.000000000e+00, v34;
	(erf) = vrcp.f32 v47;
	v50 =	vpop (erf)  }
0x264: {  	v34 =	vsub.f32 $1.000000000e+00, v34;
	v59 =	vadd.f32 $1.000000000e+00, v37;
	v46 =	vld [tilespmem:s22+$0xF100];
	(erf) = vrcp.f32 v48;
	v52 =	vpop (erf)  }
0x265: {  	v57 =	vld [tilespmem:s22+$0xF110];
	v35 =	vsub.f32 $1.000000000e+00, v37;
	v62 =	vadd.f32 $1.000000000e+00, v2;
	(erf) = vrcp.f32 v43;
	v54 =	vpop (erf)  }
0x266: {  	v39 =	vld [tilespmem:s22+$0xD1C0];
	v47 =	vadd.f32 $1.000000000e+00, v29;
	v4 =	vmul.f32 v49, v4;
	(erf) = vrcp.f32 v51;
	v56 =	vpop (erf)  }
0x267: {  	v41 =	vld [tilespmem:s22+$0xB1D0];
	v12 =	vadd.f32 v63, v12;
	v16 =	vmul.f32 v50, v16;
	(erf) = vrcp.f32 v53;
	v58 =	vpop (erf)  }
0x268: {  	v40 =	vadd.f32 $1.000000000e+00, v3;
	(erf) = vrcp.f32 v47;
	v47 =	vld [tilespmem:s22+$0xF140];
	v14 =	vmul.f32 v58, v55  }
0x269: {  	v42 =	vld [tilespmem:s22+$0xD1D0];
	v6 =	vmul.f32 v52, v6;
	v12 =	vmin.f32 v12, $8.000000000e+01;
	v32 =	vadd.f32 v46, v32  }
0x26a: {  	v44 =	vld [tilespmem:s22+$0xB1E0];
	v10 =	vmul.f32 v54, v10;
	v63 =	vmul.f32 $1.442695020e+00, v12;
	v55 =	vadd.f32 v57, v33;
	[tilespmem:s22+$0x111F0] =	vst v14  }
0x26b: {  	v45 =	vld [tilespmem:s22+$0xD1E0];
	v17 =	vmul.f32 v56, v17;
	(erf) = vrcp.f32 v59;
	v58 =	vmin.f32 v32, $8.000000000e+01;
	[tilespmem:s20+$0x11100] =	vst v4  }
0x26c: {  	(erf) = vrcp.f32 v62;
	v19 =	vmul.f32 $1.442695020e+00, v58;
	v21 =	vmin.f32 v55, $8.000000000e+01;
	v48 =	vld [tilespmem:s22+$0xF160];
	[tilespmem:s20+$0x11110] =	vst v16  }
0x26d: {  	v51 =	vpop (erf);
	(erf) = vrcp.f32 v40;
	v21 =	vmul.f32 $1.442695020e+00, v21;
	v15 =	vadd.f32 v47, v15;
	v52 =	vld [tilespmem:s22+$0xF170];
	[tilespmem:s20+$0x11120] =	vst v6  }
0x26e: {  	v2 =	vsub.f32 $1.000000000e+00, v2;
	v53 =	vpop (erf);
	v20 =	vmul.f32 v51, v20;
	(erf) = vpow2.f32 v19;
	v56 =	vld [tilespmem:s22+$0xF180]  }
0x26f: {  	v54 =	vpop (erf);
	v14 =	vmul.f32 v53, v60;
	(erf) = vpow2.f32 v21;
	[tilespmem:s20+$0x11130] =	vst v10;
	v15 =	vmin.f32 v15, $8.000000000e+01  }
0x270: {  	v49 =	vadd.f32 v39, v38;
	v57 =	vpop (erf);
	(erf) = vpow2.f32 v11;
	v60 =	vld [tilespmem:s22+$0xF190];
	[tilespmem:s20+$0x11140] =	vst v17;
	v62 =	vmul.f32 $1.442695020e+00, v15  }
0x271: {  	v6 =	vmul.f32 v54, v61;
	v28 =	vpop (erf);
	(erf) = vpow2.f32 v7;
	v17 =	vld [tilespmem:s22+$0xF1A0];
	[tilespmem:s20+$0x11150] =	vst v20;
	v5 =	vadd.f32 v48, v5  }
0x272: {  	v50 =	vadd.f32 v42, v41;
	v59 =	vmul.f32 v57, v26;
	v32 =	vpop (erf);
	v20 =	vld [tilespmem:s22+$0xF1B0];
	[tilespmem:s20+$0x11160] =	vst v14;
	(erf) = vpow2.f32 v62  }
0x273: {  	v4 =	vadd.f32 v52, v9;
	v24 =	vld [tilespmem:s22+$0xF1C0];
	v5 =	vmin.f32 v5, $8.000000000e+01;
	v8 =	vadd.f32 v56, v8  }
0x274: {  	v61 =	vadd.f32 v45, v44;
	v36 =	vpop (erf);
	[tilespmem:s20+$0x11170] =	vst v6;
	(erf) = vpow2.f32 v63;
	v5 =	vmul.f32 $1.442695020e+00, v5  }
0x275: {  	v6 =	vld [tilespmem:s22+$0xF1D0];
	[tilespmem:s20+$0x11180] =	vst v59;
	v4 =	vmin.f32 v4, $8.000000000e+01;
	v27 =	vadd.f32 v60, v25;
	v8 =	vmin.f32 v8, $8.000000000e+01  }
0x276: {  	v33 =	vld [tilespmem:s22+$0xF1E0];
	v4 =	vmul.f32 $1.442695020e+00, v4;
	v31 =	vadd.f32 v17, v23;
	v8 =	vmul.f32 $1.442695020e+00, v8  }
0x277: {  	v38 =	vpop (erf);
	v15 =	vmin.f32 v27, $8.000000000e+01;
	v37 =	vadd.f32 v20, v22;
	(erf) = vpow2.f32 v5  }
0x278: {  	v15 =	vmul.f32 $1.442695020e+00, v15;
	v10 =	vmin.f32 v31, $8.000000000e+01;
	v12 =	vadd.f32 v24, v49  }
0x279: {  	v39 =	vpop (erf);
	(erf) = vpow2.f32 v4;
	v10 =	vmul.f32 $1.442695020e+00, v10;
	v40 =	vmin.f32 v37, $8.000000000e+01  }
0x27a: {  	v41 =	vpop (erf);
	v6 =	vadd.f32 v6, v50;
	(erf) = vpow2.f32 v8;
	v13 =	vmul.f32 $1.442695020e+00, v40  }
0x27b: {  	v44 =	vpop (erf);
	v42 =	vmin.f32 v12, $8.000000000e+01;
	v43 =	vadd.f32 v33, v61;
	(erf) = vpow2.f32 v15  }
0x27c: {  	v45 =	vpop (erf);
	v8 =	vmul.f32 $1.442695020e+00, v42;
	v6 =	vmin.f32 v6, $8.000000000e+01;
	(erf) = vpow2.f32 v10  }
0x27d: {  	v47 =	vpop (erf);
	v6 =	vmul.f32 $1.442695020e+00, v6;
	v46 =	vmin.f32 v43, $8.000000000e+01;
	(erf) = vpow2.f32 v13  }
0x27e: {  	v29 =	vsub.f32 $1.000000000e+00, v29;
	v48 =	vpop (erf);
	v10 =	vmul.f32 $1.442695020e+00, v46;
	(erf) = vpow2.f32 v8  }
0x27f: {  	v3 =	vsub.f32 $1.000000000e+00, v3;
	v49 =	vadd.f32 $1.000000000e+00, v44;
	v50 =	vpop (erf);
	(erf) = vpow2.f32 v6  }
0x280: {  	v51 =	vmul.f32 v28, v30;
	v52 =	vadd.f32 $1.000000000e+00, v45;
	v53 =	vpop (erf);
	(erf) = vpow2.f32 v10  }
0x281: {  	v7 =	vmul.f32 v32, v34;
	v54 =	vadd.f32 $1.000000000e+00, v47;
	v55 =	vpop (erf);
	(erf) = vrcp.f32 v49  }
0x282: {  	v9 =	vmul.f32 v38, v35;
	v57 =	vadd.f32 $1.000000000e+00, v48;
	v58 =	vpop (erf);
	(erf) = vrcp.f32 v52  }
0x283: {  	v56 =	vmul.f32 v36, v29;
	v59 =	vadd.f32 $1.000000000e+00, v50;
	v60 =	vpop (erf);
	(erf) = vrcp.f32 v54  }
0x284: {  	v2 =	vmul.f32 v39, v2;
	v61 =	vadd.f32 $1.000000000e+00, v53;
	(erf) = vrcp.f32 v57;
	v62 =	vpop (erf)  }
0x285: {  	v3 =	vmul.f32 v41, v3;
	v63 =	vadd.f32 $1.000000000e+00, v55;
	(erf) = vrcp.f32 v59;
	v24 =	vpop (erf)  }
0x286: {  	v25 =	vsub.f32 $1.000000000e+00, v44;
	v26 =	vadd.f32 $1.000000000e+00, v58;
	v27 =	vpop (erf);
	(erf) = vrcp.f32 v61  }
0x287: {  	[tilespmem:s20+$0x11190] =	vst v51;
	v28 =	vsub.f32 $1.000000000e+00, v45;
	v29 =	vadd.f32 $1.000000000e+00, v60;
	v30 =	vpop (erf);
	(erf) = vrcp.f32 v63  }
0x288: {  	[tilespmem:s20+$0x111A0] =	vst v7;
	v31 =	vsub.f32 $1.000000000e+00, v47;
	v32 =	vadd.f32 $1.000000000e+00, v62;
	v33 =	vpop (erf);
	(erf) = vrcp.f32 v26  }
0x289: {  	[tilespmem:s20+$0x111C0] =	vst v9;
	v34 =	vsub.f32 $1.000000000e+00, v48;
	v35 =	vadd.f32 $1.000000000e+00, v24;
	v36 =	vpop (erf);
	(erf) = vrcp.f32 v29  }
0x28a: {  	[tilespmem:s20+$0x111B0] =	vst v56;
	v37 =	vsub.f32 $1.000000000e+00, v50;
	v38 =	vadd.f32 $1.000000000e+00, v27;
	v39 =	vpop (erf);
	(erf) = vrcp.f32 v32  }
0x28b: {  	[tilespmem:s20+$0x111D0] =	vst v2;
	v2 =	vadd.f32 $1.000000000e+00, v30;
	v40 =	vpop (erf);
	(erf) = vrcp.f32 v35;
	v41 =	vmul.f32 v39, v25  }
0x28c: {  	[tilespmem:s20+$0x111E0] =	vst v3;
	v3 =	vadd.f32 $1.000000000e+00, v33;
	v42 =	vpop (erf);
	(erf) = vrcp.f32 v38;
	v5 =	vmul.f32 v40, v28  }
0x28d: {  	v43 =	vadd.f32 $1.000000000e+00, v36;
	v44 =	vpop (erf);
	(erf) = vrcp.f32 v2;
	v2 =	vmul.f32 v42, v31;
	[tilespmem:s22+$0x11100] =	vst v41  }
0x28e: {  	v45 =	vsub.f32 $1.000000000e+00, v53;
	v46 =	vpop (erf);
	(erf) = vrcp.f32 v3;
	v3 =	vmul.f32 v44, v34;
	[tilespmem:s22+$0x11110] =	vst v5  }
0x28f: {  	v47 =	vsub.f32 $1.000000000e+00, v55;
	v48 =	vpop (erf);
	(erf) = vrcp.f32 v43;
	v6 =	vmul.f32 v46, v37;
	[tilespmem:s22+$0x11120] =	vst v2  }
0x290: {  	v2 =	vsub.f32 $1.000000000e+00, v58;
	v49 =	vpop (erf);
	v4 =	vmul.f32 v48, v45;
	[tilespmem:s22+$0x11130] =	vst v3  }
0x291: {  	v3 =	vsub.f32 $1.000000000e+00, v60;
	v50 =	vpop (erf);
	v5 =	vmul.f32 v49, v47;
	[tilespmem:s22+$0x11140] =	vst v6  }
0x292: {  	v51 =	vsub.f32 $1.000000000e+00, v62;
	v52 =	vpop (erf);
	v2 =	vmul.f32 v50, v2;
	[tilespmem:s22+$0x11150] =	vst v4  }
0x293: {  	v53 =	vsub.f32 $1.000000000e+00, v24;
	v54 =	vpop (erf);
	v3 =	vmul.f32 v52, v3;
	[tilespmem:s22+$0x11160] =	vst v5  }
0x294: {  	v55 =	vsub.f32 $1.000000000e+00, v27;
	v56 =	vpop (erf);
	[tilespmem:s22+$0x11170] =	vst v2;
	v2 =	vmul.f32 v54, v51  }
0x295: {  	v57 =	vsub.f32 $1.000000000e+00, v30;
	v58 =	vpop (erf);
	[tilespmem:s22+$0x11180] =	vst v3;
	v3 =	vmul.f32 v56, v53  }
0x296: {  	s18 =	sadd.s32 $0x1, s18;
	v59 =	vsub.f32 $1.000000000e+00, v33;
	v60 =	vpop (erf);
	[tilespmem:s22+$0x11190] =	vst v2;
	v2 =	vmul.f32 v58, v55  }
0x297: {  	p2 =	sne.s32 s18, $0x138;
	v61 =	vsub.f32 $1.000000000e+00, v36;
	v62 =	vpop (erf);
	[tilespmem:s22+$0x111A0] =	vst v3;
	v3 =	vmul.f32 v60, v57  }
.Ltmp3:
0x298: {  	v63 =	vpop (erf);
	[tilespmem:s22+$0x111B0] =	vst v2;
	v2 =	vmul.f32 v62, v59;
	(pc) =	sbr.rel @p2 .LBB2_4-.Ltmp3, $4  }
0x299: {  	[tilespmem:s22+$0x111C0] =	vst v3;
	v3 =	vmul.f32 v63, v61  }
0x29a: {  	[tilespmem:s22+$0x111D0] =	vst v2  }
0x29b: {  	[tilespmem:s22+$0x111E0] =	vst v3  }
0x29c: {  	[spmem:s2] =	stream.indirect.scatter.add.f32 [tilespmem:s28], [sflag:$0x4], $0x80, s19, s0, $0xb8;
	[tilespmem:$0x1D280] =	vst v63  }
0x29d: {  	_ =	swait.ge [sflag:s24], $0x1000  }
0x29e: {  	[sflag:s24] =	ssyncset.done $0x0  }
0x29f: {  	[sflag:s24] =	ssyncadd.s32 $0xFFFFF000  }
0x2a0: {  	_ =	swait.ge [sflag:s24], $0x1000  }
0x2a1: {  	[sflag:s24] =	ssyncset.done $0x0  }
0x2a2: {  	[sflag:s24] =	ssyncadd.s32 $0xFFFFF000  }
0x2a3: {  	_ =	swait.ge [sflag:s24], $0x1000  }
0x2a4: {  	[sflag:s24] =	ssyncset.done $0x0  }
0x2a5: {  	s16 =	simm.s32 $0x3;
	[sflag:s24] =	ssyncadd.s32 $0xFFFFF000  }
0x2a6: {  	_ =	swait.ge [sflag:s16], $0x1000  }
0x2a7: {  	[sflag:s16] =	ssyncset.done $0x0  }
0x2a8: {  	s19 =	simm.s32 $0x0;
	[sflag:s16] =	ssyncadd.s32 $0xFFFFF000  }
0x2a9: {  	v2 =	vld [tilespmem:s19+$0xA1F0]  }
0x2aa: {  	v3 =	vld [tilespmem:s19+$0xC1F0]  }
0x2ab: {  	v4 =	vld [tilespmem:s19+$0xA100]  }
0x2ac: {  	v5 =	vld [tilespmem:s19+$0xE1F0]  }
0x2ad: {  	v6 =	vld [tilespmem:s19+$0xC100]  }
0x2ae: {  	v7 =	vld [tilespmem:s19+$0xA110]  }
0x2af: {  	v8 =	vld [tilespmem:s19+$0xC110]  }
0x2b0: {  	v9 =	vld [tilespmem:s19+$0xC120]  }
0x2b1: {  	v10 =	vld [tilespmem:s19+$0xC130]  }
0x2b2: {  	v11 =	vld [tilespmem:s19+$0xA140]  }
0x2b3: {  	v12 =	vld [tilespmem:s19+$0xC140]  }
0x2b4: {  	v13 =	vld [tilespmem:s19+$0xA150]  }
0x2b5: {  	v14 =	vld [tilespmem:s19+$0xA160]  }
0x2b6: {  	v15 =	vld [tilespmem:s19+$0xC160]  }
0x2b7: {  	v16 =	vld [tilespmem:s19+$0xA170]  }
0x2b8: {  	v17 =	vld [tilespmem:s19+$0xC170];
	v2 =	vadd.f32 v3, v2  }
0x2b9: {  	v18 =	vld [tilespmem:s19+$0xA180]  }
0x2ba: {  	v19 =	vld [tilespmem:s19+$0xC180];
	v2 =	vadd.f32 v5, v2  }
0x2bb: {  	v20 =	vld [tilespmem:s19+$0xA190]  }
0x2bc: {  	v21 =	vld [tilespmem:s19+$0xC190];
	v2 =	vmin.f32 v2, $8.000000000e+01  }
0x2bd: {  	v23 =	vld [tilespmem:s19+$0xA1A0];
	v2 =	vmul.f32 $1.442695020e+00, v2  }
0x2be: {  	v25 =	vld [tilespmem:s19+$0xC1A0]  }
0x2bf: {  	v26 =	vld [tilespmem:s19+$0xA1B0];
	(erf) = vpow2.f32 v2  }
0x2c0: {  	v27 =	vld [tilespmem:s19+$0xA1C0]  }
0x2c1: {  	v28 =	vld [tilespmem:s19+$0xC1C0]  }
0x2c2: {  	v29 =	vld [tilespmem:s19+$0xA1D0]  }
0x2c3: {  	v30 =	vld [tilespmem:s19+$0xC1D0]  }
0x2c4: {  	v31 =	vld [tilespmem:s19+$0xA1E0]  }
0x2c5: {  	v32 =	vld [tilespmem:s19+$0xC1E0]  }
0x2c6: {  	v33 =	vld [tilespmem:s19+$0xE100]  }
0x2c7: {  	v34 =	vld [tilespmem:s19+$0xE110]  }
0x2c8: {  	v36 =	vld [tilespmem:s19+$0xE120];
	v22 =	vpop (erf)  }
0x2c9: {  	v3 =	vld [tilespmem:s19+$0xA120];
	v24 =	vadd.f32 $1.000000000e+00, v22  }
0x2ca: {  	v55 =	vld [tilespmem:s19+$0xE130]  }
0x2cb: {  	v37 =	vld [tilespmem:s19+$0xE140];
	(erf) = vrcp.f32 v24  }
0x2cc: {  	v4 =	vadd.f32 v6, v4;
	v6 =	vadd.f32 v8, v7;
	v7 =	vld [tilespmem:s19+$0xE150]  }
0x2cd: {  	v8 =	vld [tilespmem:s19+$0xE160]  }
0x2ce: {  	v5 =	vld [tilespmem:s19+$0xA130];
	v3 =	vadd.f32 v9, v3  }
0x2cf: {  	v9 =	vadd.f32 v12, v11;
	v12 =	vadd.f32 v17, v16;
	v16 =	vld [tilespmem:s19+$0xE190]  }
0x2d0: {  	v11 =	vadd.f32 v15, v14;
	v14 =	vadd.f32 v19, v18;
	v19 =	vld [tilespmem:s19+$0xE1A0]  }
0x2d1: {  	v15 =	vadd.f32 v21, v20;
	v21 =	vld [tilespmem:s19+$0xE1B0]  }
0x2d2: {  	v4 =	vadd.f32 v33, v4;
	v6 =	vadd.f32 v34, v6;
	v2 =	vld [tilespmem:s19+$0xC150]  }
0x2d3: {  	v17 =	vadd.f32 v25, v23;
	v23 =	vld [tilespmem:s19+$0xE1C0];
	v22 =	vsub.f32 $1.000000000e+00, v22  }
0x2d4: {  	v4 =	vmin.f32 v4, $8.000000000e+01;
	v6 =	vmin.f32 v6, $8.000000000e+01;
	v25 =	vld [tilespmem:s19+$0xE1D0];
	v35 =	vpop (erf)  }
0x2d5: {  	v20 =	vadd.f32 v28, v27;
	v5 =	vadd.f32 v10, v5;
	v24 =	vld [tilespmem:s19+$0xC1B0];
	v22 =	vmul.f32 v35, v22  }
0x2d6: {  	v4 =	vmul.f32 $1.442695020e+00, v4;
	v10 =	vld [tilespmem:s19+$0xE170];
	v3 =	vadd.f32 v36, v3;
	v9 =	vadd.f32 v37, v9  }
0x2d7: {  	s18 =	simm.s32 $0x100;
	v6 =	vmul.f32 $1.442695020e+00, v6;
	v8 =	vadd.f32 v8, v11;
	v2 =	vadd.f32 v2, v13;
	v13 =	vld [tilespmem:s19+$0xE180];
	[tilespmem:s19+$0x101F0] =	vst v22  }
0x2d8: {  	v5 =	vadd.f32 v55, v5;
	v3 =	vmin.f32 v3, $8.000000000e+01;
	v9 =	vmin.f32 v9, $8.000000000e+01;
	v27 =	vld [tilespmem:s18+$0xA1F0]  }
0x2d9: {  	v8 =	vmin.f32 v8, $8.000000000e+01;
	v3 =	vmul.f32 $1.442695020e+00, v3;
	v2 =	vadd.f32 v7, v2;
	v7 =	vld [tilespmem:s18+$0xC1F0]  }
0x2da: {  	v9 =	vmul.f32 $1.442695020e+00, v9;
	v15 =	vadd.f32 v16, v15;
	v18 =	vadd.f32 v24, v26;
	v26 =	vld [tilespmem:s19+$0xE1E0]  }
0x2db: {  	v16 =	vadd.f32 v19, v17;
	v5 =	vmin.f32 v5, $8.000000000e+01;
	v10 =	vadd.f32 v10, v12;
	v12 =	vld [tilespmem:s18+$0xE1F0]  }
0x2dc: {  	v8 =	vmul.f32 $1.442695020e+00, v8;
	v17 =	vadd.f32 v23, v20;
	v5 =	vmul.f32 $1.442695020e+00, v5;
	v11 =	vld [tilespmem:s18+$0xA100]  }
0x2dd: {  	v15 =	vmin.f32 v15, $8.000000000e+01;
	v16 =	vmin.f32 v16, $8.000000000e+01;
	v13 =	vadd.f32 v13, v14;
	v14 =	vld [tilespmem:s18+$0xC100]  }
0x2de: {  	v15 =	vmul.f32 $1.442695020e+00, v15;
	(erf) = vpow2.f32 v4;
	v4 =	vld [tilespmem:s18+$0xA110];
	v7 =	vadd.f32 v7, v27  }
0x2df: {  	v17 =	vmin.f32 v17, $8.000000000e+01;
	v16 =	vmul.f32 $1.442695020e+00, v16;
	(erf) = vpow2.f32 v6;
	v6 =	vld [tilespmem:s18+$0xC110]  }
0x2e0: {  	v2 =	vmin.f32 v2, $8.000000000e+01;
	(erf) = vpow2.f32 v3;
	v3 =	vld [tilespmem:s18+$0xA120];
	v7 =	vadd.f32 v12, v7  }
0x2e1: {  	v10 =	vmin.f32 v10, $8.000000000e+01;
	v2 =	vmul.f32 $1.442695020e+00, v2;
	(erf) = vpow2.f32 v5;
	v5 =	vld [tilespmem:s18+$0xC120]  }
0x2e2: {  	v10 =	vmul.f32 $1.442695020e+00, v10;
	(erf) = vpow2.f32 v9;
	v9 =	vld [tilespmem:s18+$0xA130];
	v7 =	vmin.f32 v7, $8.000000000e+01  }
0x2e3: {  	v13 =	vmin.f32 v13, $8.000000000e+01;
	(erf) = vpow2.f32 v2;
	v2 =	vld [tilespmem:s18+$0xC130];
	v7 =	vmul.f32 $1.442695020e+00, v7  }
0x2e4: {  	v13 =	vmul.f32 $1.442695020e+00, v13;
	v24 =	vadd.f32 v32, v31;
	(erf) = vpow2.f32 v8;
	v8 =	vld [tilespmem:s18+$0xA140]  }
0x2e5: {  	(erf) = vpow2.f32 v10;
	v22 =	vadd.f32 v30, v29;
	v10 =	vld [tilespmem:s18+$0xC140];
	v12 =	vadd.f32 v21, v18  }
0x2e6: {  	v17 =	vmul.f32 $1.442695020e+00, v17;
	(erf) = vpow2.f32 v13;
	v20 =	vadd.f32 v26, v24;
	v13 =	vld [tilespmem:s18+$0xA150]  }
0x2e7: {  	v19 =	vld [tilespmem:s18+$0xC150];
	v18 =	vadd.f32 v25, v22;
	v12 =	vmin.f32 v12, $8.000000000e+01;
	(erf) = vpow2.f32 v7;
	v7 =	vpop (erf)  }
0x2e8: {  	v30 =	vld [tilespmem:s18+$0xA190];
	v12 =	vmul.f32 $1.442695020e+00, v12;
	(erf) = vpow2.f32 v15;
	v21 =	vpop (erf)  }
0x2e9: {  	v20 =	vmin.f32 v20, $8.000000000e+01;
	v56 =	vld [tilespmem:s18+$0xC190];
	v18 =	vmin.f32 v18, $8.000000000e+01;
	(erf) = vpow2.f32 v16;
	v22 =	vpop (erf)  }
0x2ea: {  	v61 =	vld [tilespmem:s18+$0xA1B0];
	v18 =	vmul.f32 $1.442695020e+00, v18;
	v25 =	vadd.f32 $1.000000000e+00, v7;
	(erf) = vpow2.f32 v12;
	v23 =	vpop (erf)  }
0x2eb: {  	v20 =	vmul.f32 $1.442695020e+00, v20;
	v41 =	vld [tilespmem:s18+$0xC1D0];
	v27 =	vadd.f32 $1.000000000e+00, v21;
	(erf) = vpow2.f32 v17;
	v24 =	vpop (erf)  }
0x2ec: {  	v62 =	vadd.f32 v6, v4;
	v4 =	vld [tilespmem:s18+$0xC1B0];
	(erf) = vpow2.f32 v18;
	v26 =	vpop (erf)  }
0x2ed: {  	v63 =	vadd.f32 v2, v9;
	v9 =	vld [tilespmem:s18+$0xA1C0];
	v31 =	vadd.f32 $1.000000000e+00, v23;
	(erf) = vpow2.f32 v20;
	v28 =	vpop (erf)  }
0x2ee: {  	v39 =	vadd.f32 v10, v8;
	v8 =	vld [tilespmem:s18+$0xC1C0];
	v29 =	vadd.f32 $1.000000000e+00, v22;
	(erf) = vrcp.f32 v25;
	v25 =	vpop (erf)  }
0x2ef: {  	v11 =	vadd.f32 v14, v11;
	v38 =	vadd.f32 v5, v3;
	v15 =	vld [tilespmem:s18+$0xA160];
	(erf) = vrcp.f32 v27;
	v27 =	vpop (erf)  }
0x2f0: {  	v13 =	vadd.f32 v19, v13;
	v16 =	vld [tilespmem:s18+$0xC160];
	v57 =	vadd.f32 $1.000000000e+00, v24;
	(erf) = vrcp.f32 v29;
	v58 =	vpop (erf)  }
0x2f1: {  	v30 =	vadd.f32 v56, v30;
	v12 =	vld [tilespmem:s18+$0xA170];
	(erf) = vrcp.f32 v31;
	v59 =	vadd.f32 $1.000000000e+00, v58;
	v31 =	vpop (erf)  }
0x2f2: {  	v33 =	vadd.f32 v4, v61;
	v6 =	vsub.f32 $1.000000000e+00, v21;
	v21 =	vld [tilespmem:s18+$0xA1D0];
	(erf) = vrcp.f32 v57;
	v14 =	vpop (erf)  }
0x2f3: {  	v8 =	vadd.f32 v8, v9;
	v5 =	vsub.f32 $1.000000000e+00, v7;
	v17 =	vld [tilespmem:s18+$0xC170];
	(erf) = vrcp.f32 v59;
	v3 =	vpop (erf)  }
0x2f4: {  	v60 =	vld [tilespmem:s18+$0xC1A0];
	v7 =	vsub.f32 $1.000000000e+00, v22;
	v23 =	vsub.f32 $1.000000000e+00, v23;
	v2 =	vpop (erf)  }
0x2f5: {  	v18 =	vld [tilespmem:s18+$0xA180];
	v24 =	vsub.f32 $1.000000000e+00, v24;
	v22 =	vadd.f32 $1.000000000e+00, v26;
	v10 =	vpop (erf)  }
0x2f6: {  	v20 =	vld [tilespmem:s18+$0xC180];
	v15 =	vadd.f32 v16, v15;
	v26 =	vsub.f32 $1.000000000e+00, v26;
	v19 =	vpop (erf)  }
0x2f7: {  	v42 =	vadd.f32 $1.000000000e+00, v28;
	v28 =	vsub.f32 $1.000000000e+00, v28;
	v29 =	vld [tilespmem:s18+$0xA1A0];
	v40 =	vpop (erf)  }
0x2f8: {  	v9 =	vadd.f32 v41, v21;
	v48 =	vadd.f32 v17, v12;
	v17 =	vld [tilespmem:s18+$0xE100];
	v16 =	vpop (erf)  }
0x2f9: {  	v44 =	vadd.f32 $1.000000000e+00, v25;
	v25 =	vsub.f32 $1.000000000e+00, v25;
	v45 =	vpop (erf)  }
0x2fa: {  	v47 =	vadd.f32 $1.000000000e+00, v27;
	v27 =	vsub.f32 $1.000000000e+00, v27;
	(erf) = vrcp.f32 v22;
	v12 =	vpop (erf)  }
0x2fb: {  	v20 =	vadd.f32 v20, v18;
	v18 =	vsub.f32 $1.000000000e+00, v58;
	(erf) = vrcp.f32 v42;
	v22 =	vpop (erf)  }
0x2fc: {  	v43 =	vld [tilespmem:s18+$0xA1E0];
	v55 =	vadd.f32 $1.000000000e+00, v31;
	v57 =	vadd.f32 $1.000000000e+00, v14;
	(erf) = vrcp.f32 v44;
	v53 =	vpop (erf)  }
0x2fd: {  	v29 =	vadd.f32 v60, v29;
	v60 =	vld [tilespmem:s18+$0xE150];
	v11 =	vadd.f32 v17, v11;
	v18 =	vmul.f32 v53, v18  }
0x2fe: {  	v46 =	vld [tilespmem:s18+$0xC1E0];
	v59 =	vadd.f32 $1.000000000e+00, v2;
	v4 =	vmul.f32 v16, v6;
	(erf) = vrcp.f32 v47  }
0x2ff: {  	v52 =	vld [tilespmem:s18+$0xE110];
	v16 =	vadd.f32 $1.000000000e+00, v10;
	(erf) = vrcp.f32 v55;
	[tilespmem:s18+$0x101F0] =	vst v18;
	v18 =	vadd.f32 $1.000000000e+00, v3  }
0x300: {  	v54 =	vld [tilespmem:s18+$0xE120];
	v11 =	vmin.f32 v11, $8.000000000e+01;
	v5 =	vmul.f32 v40, v5;
	(erf) = vrcp.f32 v57  }
0x301: {  	v56 =	vld [tilespmem:s18+$0xE130];
	v49 =	vadd.f32 $1.000000000e+00, v19;
	v12 =	vmul.f32 v12, v23;
	(erf) = vrcp.f32 v18  }
0x302: {  	v58 =	vld [tilespmem:s18+$0xE140];
	v13 =	vadd.f32 v60, v13;
	v45 =	vmul.f32 v45, v7;
	[tilespmem:s19+$0x10100] =	vst v5;
	(erf) = vrcp.f32 v59  }
0x303: {  	v21 =	vmul.f32 $1.442695020e+00, v11;
	v6 =	vsub.f32 $1.000000000e+00, v14;
	v61 =	vld [tilespmem:s18+$0xE160];
	[tilespmem:s19+$0x10110] =	vst v4;
	(erf) = vrcp.f32 v16;
	v16 =	vpop (erf)  }
0x304: {  	v7 =	vsub.f32 $1.000000000e+00, v31;
	v13 =	vmin.f32 v13, $8.000000000e+01;
	v4 =	vsub.f32 $1.000000000e+00, v2;
	v14 =	vld [tilespmem:s18+$0xE170];
	[tilespmem:s19+$0x10120] =	vst v45;
	v18 =	vpop (erf)  }
0x305: {  	v2 =	vsub.f32 $1.000000000e+00, v19;
	v19 =	vmul.f32 v22, v24;
	v22 =	vadd.f32 v52, v62;
	v31 =	vld [tilespmem:s18+$0xE180];
	[tilespmem:s19+$0x10130] =	vst v12;
	v12 =	vpop (erf)  }
0x306: {  	v5 =	vsub.f32 $1.000000000e+00, v3;
	v25 =	vmul.f32 v12, v25;
	v12 =	vadd.f32 v54, v38  }
0x307: {  	v11 =	vmin.f32 v22, $8.000000000e+01;
	(erf) = vrcp.f32 v49;
	v16 =	vmul.f32 v16, v26  }
0x308: {  	v22 =	vmul.f32 $1.442695020e+00, v11;
	v11 =	vmin.f32 v12, $8.000000000e+01;
	v12 =	vadd.f32 v58, v39  }
0x309: {  	v3 =	vsub.f32 $1.000000000e+00, v10;
	v10 =	vadd.f32 v46, v43;
	v24 =	vld [tilespmem:s18+$0xE190];
	[tilespmem:s19+$0x10140] =	vst v19;
	v18 =	vmul.f32 v18, v28;
	v17 =	vpop (erf)  }
0x30a: {  	v62 =	vld [tilespmem:s18+$0xE1A0];
	[tilespmem:s19+$0x10150] =	vst v16;
	v15 =	vadd.f32 v61, v15;
	v28 =	vmul.f32 v17, v27;
	v17 =	vadd.f32 v56, v63  }
0x30b: {  	v63 =	vld [tilespmem:s18+$0xE1B0];
	[tilespmem:s19+$0x10160] =	vst v18;
	v14 =	vadd.f32 v14, v48;
	v18 =	vmul.f32 $1.442695020e+00, v13;
	v23 =	vmul.f32 $1.442695020e+00, v11;
	v11 =	vpop (erf)  }
0x30c: {  	v26 =	vld [tilespmem:s18+$0xE1C0];
	[tilespmem:s19+$0x10170] =	vst v25;
	v13 =	vmin.f32 v15, $8.000000000e+01;
	v16 =	vmin.f32 v17, $8.000000000e+01;
	v17 =	vmin.f32 v12, $8.000000000e+01;
	v12 =	vpop (erf)  }
0x30d: {  	v25 =	vadd.f32 v31, v20;
	v27 =	vld [tilespmem:s18+$0xE1D0];
	[tilespmem:s19+$0x10180] =	vst v28;
	v20 =	vmul.f32 $1.442695020e+00, v13;
	v14 =	vmin.f32 v14, $8.000000000e+01;
	v19 =	vpop (erf)  }
0x30e: {  	v30 =	vadd.f32 v24, v30;
	v16 =	vmul.f32 $1.442695020e+00, v16;
	v28 =	vld [tilespmem:s18+$0xE1E0];
	v24 =	vmul.f32 $1.442695020e+00, v14;
	v15 =	vpop (erf)  }
0x30f: {  	s20 =	simm.s32 $0x200;
	v25 =	vmin.f32 v25, $8.000000000e+01;
	v31 =	vadd.f32 v62, v29;
	v17 =	vmul.f32 $1.442695020e+00, v17;
	v13 =	vpop (erf)  }
0x310: {  	s16 =	simm.s32 $0xC00;
	v29 =	vld [tilespmem:s20+$0xA1F0];
	v25 =	vmul.f32 $1.442695020e+00, v25;
	v32 =	vmin.f32 v30, $8.000000000e+01;
	v30 =	vadd.f32 v63, v33;
	v14 =	vpop (erf)  }
.LBB2_10:
0x311: {  	p2 =	sne.s32 s16, $0x3C00;
	v33 =	vld [tilespmem:s20+$0xC1F0];
	v32 =	vmul.f32 $1.442695020e+00, v32;
	v31 =	vmin.f32 v31, $8.000000000e+01;
	v8 =	vadd.f32 v26, v8  }
0x312: {  	v26 =	vld [tilespmem:s20+$0xA100];
	v31 =	vmul.f32 $1.442695020e+00, v31;
	v30 =	vmin.f32 v30, $8.000000000e+01;
	v9 =	vadd.f32 v27, v9  }
0x313: {  	v27 =	vld [tilespmem:s20+$0xE1F0];
	v30 =	vmul.f32 $1.442695020e+00, v30;
	v8 =	vmin.f32 v8, $8.000000000e+01;
	v10 =	vadd.f32 v28, v10  }
0x314: {  	v28 =	vld [tilespmem:s20+$0xC100];
	v8 =	vmul.f32 $1.442695020e+00, v8;
	v9 =	vmin.f32 v9, $8.000000000e+01;
	(erf) = vpow2.f32 v21  }
0x315: {  	v21 =	vld [tilespmem:s20+$0xA110];
	v9 =	vmul.f32 $1.442695020e+00, v9;
	v10 =	vmin.f32 v10, $8.000000000e+01;
	(erf) = vpow2.f32 v22  }
0x316: {  	v22 =	vld [tilespmem:s20+$0xC110];
	v29 =	vadd.f32 v33, v29;
	v33 =	vmul.f32 $1.442695020e+00, v10;
	(erf) = vpow2.f32 v23  }
0x317: {  	v7 =	vmul.f32 v11, v7;
	v10 =	vld [tilespmem:s20+$0xA120];
	(erf) = vpow2.f32 v16  }
0x318: {  	v6 =	vmul.f32 v12, v6;
	v16 =	vld [tilespmem:s20+$0xC120];
	v23 =	vadd.f32 v27, v29;
	(erf) = vpow2.f32 v17  }
0x319: {  	v5 =	vmul.f32 v19, v5;
	v11 =	vadd.f32 v28, v26;
	v17 =	vld [tilespmem:s20+$0xA130];
	(erf) = vpow2.f32 v18;
	[tilespmem:s19+$0x10190] =	vst v7  }
0x31a: {  	v4 =	vmul.f32 v15, v4;
	v7 =	vld [tilespmem:s20+$0xC130];
	v18 =	vmin.f32 v23, $8.000000000e+01;
	(erf) = vpow2.f32 v20;
	[tilespmem:s19+$0x101A0] =	vst v6  }
0x31b: {  	v12 =	vadd.f32 v22, v21;
	v6 =	vld [tilespmem:s20+$0xA140];
	v18 =	vmul.f32 $1.442695020e+00, v18;
	(erf) = vpow2.f32 v24;
	[tilespmem:s19+$0x101B0] =	vst v5  }
0x31c: {  	v3 =	vmul.f32 v13, v3;
	v5 =	vld [tilespmem:s20+$0xC140];
	(erf) = vpow2.f32 v25;
	[tilespmem:s19+$0x101C0] =	vst v4  }
0x31d: {  	v2 =	vmul.f32 v14, v2;
	v13 =	vadd.f32 v16, v10;
	v4 =	vld [tilespmem:s20+$0xA150];
	(erf) = vpow2.f32 v18;
	v15 =	vpop (erf)  }
0x31e: {  	v16 =	vld [tilespmem:s20+$0xC150];
	v10 =	vsub.f32 $1.000000000e+00, v15;
	v18 =	vadd.f32 $1.000000000e+00, v15;
	v15 =	vpop (erf);
	(erf) = vpow2.f32 v32;
	[tilespmem:s19+$0x101D0] =	vst v3  }
0x31f: {  	v14 =	vadd.f32 v7, v17;
	v3 =	vld [tilespmem:s20+$0xA160];
	v7 =	vadd.f32 $1.000000000e+00, v15;
	v17 =	vpop (erf);
	(erf) = vpow2.f32 v31;
	[tilespmem:s19+$0x101E0] =	vst v2;
	s19 =	smov.u32 s18;
	s18 =	smov.u32 s20  }
0x320: {  	v19 =	vsub.f32 $1.000000000e+00, v15;
	v2 =	vld [tilespmem:s18+$0xC160];
	v20 =	vadd.f32 $1.000000000e+00, v17;
	v21 =	vpop (erf);
	(erf) = vpow2.f32 v30  }
0x321: {  	v15 =	vadd.f32 v5, v6;
	v5 =	vld [tilespmem:s18+$0xA170];
	v6 =	vadd.f32 $1.000000000e+00, v21;
	v22 =	vpop (erf);
	(erf) = vpow2.f32 v8  }
0x322: {  	v23 =	vsub.f32 $1.000000000e+00, v17;
	v8 =	vld [tilespmem:s18+$0xC170];
	v24 =	vadd.f32 $1.000000000e+00, v22;
	v25 =	vpop (erf);
	(erf) = vpow2.f32 v9  }
0x323: {  	v16 =	vadd.f32 v16, v4;
	v4 =	vld [tilespmem:s18+$0xA180];
	v9 =	vadd.f32 $1.000000000e+00, v25;
	v26 =	vpop (erf);
	(erf) = vpow2.f32 v33  }
0x324: {  	v21 =	vsub.f32 $1.000000000e+00, v21;
	v27 =	vld [tilespmem:s18+$0xC180];
	v28 =	vadd.f32 $1.000000000e+00, v26;
	(erf) = vrcp.f32 v18;
	v29 =	vpop (erf)  }
0x325: {  	v17 =	vadd.f32 v2, v3;
	v2 =	vld [tilespmem:s18+$0xA190];
	v3 =	vadd.f32 $1.000000000e+00, v29;
	(erf) = vrcp.f32 v7;
	v7 =	vpop (erf)  }
0x326: {  	v22 =	vsub.f32 $1.000000000e+00, v22;
	v30 =	vld [tilespmem:s18+$0xC190];
	v31 =	vpop (erf);
	v32 =	vadd.f32 $1.000000000e+00, v7;
	(erf) = vrcp.f32 v20  }
0x327: {  	v18 =	vadd.f32 v8, v5;
	v5 =	vld [tilespmem:s18+$0xA1A0];
	v8 =	vadd.f32 $1.000000000e+00, v31;
	(erf) = vrcp.f32 v6;
	v6 =	vpop (erf)  }
0x328: {  	v25 =	vsub.f32 $1.000000000e+00, v25;
	v33 =	vld [tilespmem:s18+$0xC1A0];
	v34 =	vadd.f32 $1.000000000e+00, v6;
	(erf) = vrcp.f32 v24;
	v35 =	vpop (erf)  }
0x329: {  	v20 =	vadd.f32 v27, v4;
	v4 =	vld [tilespmem:s18+$0xA1B0];
	(erf) = vrcp.f32 v8;
	v8 =	vadd.f32 $1.000000000e+00, v35;
	v27 =	vpop (erf)  }
0x32a: {  	v26 =	vsub.f32 $1.000000000e+00, v26;
	v36 =	vld [tilespmem:s18+$0xC1B0];
	v37 =	vadd.f32 $1.000000000e+00, v27;
	(erf) = vrcp.f32 v9;
	v9 =	vpop (erf)  }
0x32b: {  	v24 =	vadd.f32 v30, v2;
	v2 =	vld [tilespmem:s18+$0xA1C0];
	v30 =	vadd.f32 $1.000000000e+00, v9;
	(erf) = vrcp.f32 v28;
	v28 =	vpop (erf)  }
0x32c: {  	v29 =	vsub.f32 $1.000000000e+00, v29;
	v38 =	vld [tilespmem:s18+$0xC1C0];
	v39 =	vadd.f32 $1.000000000e+00, v28;
	(erf) = vrcp.f32 v3;
	v40 =	vpop (erf)  }
0x32d: {  	v33 =	vadd.f32 v33, v5;
	v41 =	vld [tilespmem:s18+$0xA1D0];
	v42 =	vadd.f32 $1.000000000e+00, v40;
	v43 =	vpop (erf);
	(erf) = vrcp.f32 v32  }
0x32e: {  	v44 =	vsub.f32 $1.000000000e+00, v7;
	v7 =	vsub.f32 $1.000000000e+00, v6;
	v32 =	vld [tilespmem:s18+$0xC1D0];
	v45 =	vpop (erf);
	(erf) = vrcp.f32 v34  }
0x32f: {  	v6 =	vsub.f32 $1.000000000e+00, v35;
	v34 =	vadd.f32 v36, v4;
	v36 =	vld [tilespmem:s18+$0xA1E0];
	v35 =	vpop (erf);
	(erf) = vrcp.f32 v8  }
0x330: {  	v5 =	vsub.f32 $1.000000000e+00, v27;
	v4 =	vsub.f32 $1.000000000e+00, v9;
	v46 =	vld [tilespmem:s18+$0xC1E0];
	v27 =	vpop (erf);
	(erf) = vrcp.f32 v37  }
0x331: {  	v31 =	vsub.f32 $1.000000000e+00, v31;
	v37 =	vld [tilespmem:s18+$0xE100];
	v8 =	vadd.f32 v38, v2;
	v38 =	vpop (erf);
	(erf) = vrcp.f32 v30  }
0x332: {  	v3 =	vsub.f32 $1.000000000e+00, v28;
	v2 =	vsub.f32 $1.000000000e+00, v40;
	v30 =	vld [tilespmem:s18+$0xE110];
	v47 =	vpop (erf);
	(erf) = vrcp.f32 v39  }
0x333: {  	v28 =	vld [tilespmem:s18+$0xE120];
	v9 =	vadd.f32 v32, v41;
	v31 =	vmul.f32 v47, v31;
	v32 =	vpop (erf);
	(erf) = vrcp.f32 v42  }
0x334: {  	v19 =	vmul.f32 v45, v19;
	v40 =	vmul.f32 v43, v10;
	v39 =	vld [tilespmem:s18+$0xE130];
	v41 =	vpop (erf)  }
0x335: {  	v23 =	vmul.f32 v35, v23;
	v27 =	vmul.f32 v27, v21;
	v42 =	vld [tilespmem:s18+$0xE140];
	v10 =	vadd.f32 v46, v36;
	[tilespmem:s18+$0x101F0] =	vst v31;
	v21 =	vpop (erf)  }
0x336: {  	v25 =	vmul.f32 v32, v25;
	v36 =	vmul.f32 v38, v22;
	v31 =	vadd.f32 v37, v11;
	v35 =	vld [tilespmem:s18+$0xE150];
	[tilespmem:s19+$0x10100] =	vst v40;
	v22 =	vpop (erf)  }
0x337: {  	v26 =	vmul.f32 v41, v26;
	v29 =	vmul.f32 v21, v29;
	v30 =	vadd.f32 v30, v12;
	v32 =	vld [tilespmem:s18+$0xE160];
	[tilespmem:s19+$0x10110] =	vst v19;
	v11 =	vpop (erf)  }
0x338: {  	v37 =	vmin.f32 v31, $8.000000000e+01;
	v40 =	vadd.f32 v28, v13;
	v28 =	vld [tilespmem:s18+$0xE170];
	[tilespmem:s19+$0x10120] =	vst v23;
	v31 =	vmul.f32 v22, v44;
	v12 =	vpop (erf)  }
0x339: {  	v21 =	vmul.f32 $1.442695020e+00, v37;
	v22 =	vmin.f32 v30, $8.000000000e+01;
	v41 =	vadd.f32 v39, v14;
	v30 =	vld [tilespmem:s18+$0xE180];
	[tilespmem:s19+$0x10130] =	vst v27;
	v19 =	vpop (erf)  }
0x33a: {  	v22 =	vmul.f32 $1.442695020e+00, v22;
	v38 =	vmin.f32 v40, $8.000000000e+01;
	v27 =	vadd.f32 v42, v15;
	v37 =	vld [tilespmem:s18+$0xE190];
	[tilespmem:s19+$0x10140] =	vst v36;
	v15 =	vpop (erf)  }
0x33b: {  	v23 =	vmul.f32 $1.442695020e+00, v38;
	v39 =	vmin.f32 v41, $8.000000000e+01;
	v35 =	vadd.f32 v35, v16;
	v36 =	vld [tilespmem:s18+$0xE1A0];
	[tilespmem:s19+$0x10150] =	vst v25;
	v13 =	vpop (erf)  }
0x33c: {  	v16 =	vmul.f32 $1.442695020e+00, v39;
	v25 =	vmin.f32 v27, $8.000000000e+01;
	v27 =	vadd.f32 v32, v17;
	v38 =	vld [tilespmem:s18+$0xE1B0];
	[tilespmem:s19+$0x10160] =	vst v26;
	v14 =	vpop (erf)  }
.Ltmp4:
0x33d: {  	v17 =	vmul.f32 $1.442695020e+00, v25;
	v25 =	vmin.f32 v35, $8.000000000e+01;
	v28 =	vadd.f32 v28, v18;
	v26 =	vld [tilespmem:s18+$0xE1C0];
	[tilespmem:s19+$0x10170] =	vst v29;
	(pc) =	sbr.rel @p2 .LBB2_10-.Ltmp4, $4  }
0x33e: {  	v18 =	vmul.f32 $1.442695020e+00, v25;
	v25 =	vmin.f32 v27, $8.000000000e+01;
	v29 =	vadd.f32 v30, v20;
	v27 =	vld [tilespmem:s18+$0xE1D0];
	[tilespmem:s19+$0x10180] =	vst v31  }
0x33f: {  	v20 =	vmul.f32 $1.442695020e+00, v25;
	v25 =	vmin.f32 v28, $8.000000000e+01;
	v30 =	vadd.f32 v37, v24;
	v28 =	vld [tilespmem:s18+$0xE1E0]  }
0x340: {  	s20 =	sshra.s32 s16, $0x2;
	v24 =	vmul.f32 $1.442695020e+00, v25;
	v25 =	vmin.f32 v29, $8.000000000e+01;
	v31 =	vadd.f32 v36, v33  }
0x341: {  	s16 =	sadd.s32 $0x400, s16;
	v29 =	vld [tilespmem:s20+$0xA1F0];
	v25 =	vmul.f32 $1.442695020e+00, v25;
	v32 =	vmin.f32 v30, $8.000000000e+01;
	v30 =	vadd.f32 v38, v34  }
0x342: {  	v33 =	vld [tilespmem:s20+$0xC1F0]  }
0x343: {  	v34 =	vld [tilespmem:s20+$0xA100]  }
0x344: {  	v35 =	vld [tilespmem:s20+$0xE1F0]  }
0x345: {  	v36 =	vld [tilespmem:s20+$0xC100]  }
0x346: {  	v37 =	vld [tilespmem:s20+$0xA110]  }
0x347: {  	v38 =	vld [tilespmem:s20+$0xC110]  }
0x348: {  	v39 =	vld [tilespmem:s20+$0xA120];
	v7 =	vmul.f32 v11, v7  }
0x349: {  	v63 =	vld [tilespmem:s20+$0xC120];
	v6 =	vmul.f32 v12, v6;
	(erf) = vpow2.f32 v21  }
0x34a: {  	v40 =	vld [tilespmem:s20+$0xA130];
	v5 =	vmul.f32 v19, v5;
	v32 =	vmul.f32 $1.442695020e+00, v32;
	[tilespmem:s19+$0x10190] =	vst v7  }
0x34b: {  	v4 =	vmul.f32 v15, v4;
	v41 =	vmin.f32 v31, $8.000000000e+01;
	(erf) = vpow2.f32 v22;
	v7 =	vld [tilespmem:s20+$0xC130];
	[tilespmem:s19+$0x101A0] =	vst v6  }
0x34c: {  	v3 =	vmul.f32 v13, v3;
	v8 =	vadd.f32 v26, v8;
	(erf) = vpow2.f32 v23;
	v19 =	vld [tilespmem:s20+$0xA140];
	[tilespmem:s19+$0x101B0] =	vst v5  }
0x34d: {  	v2 =	vmul.f32 v14, v2;
	v46 =	vmin.f32 v30, $8.000000000e+01;
	(erf) = vpow2.f32 v16;
	v42 =	vld [tilespmem:s20+$0xC140];
	[tilespmem:s19+$0x101C0] =	vst v4  }
0x34e: {  	v47 =	vmul.f32 $1.442695020e+00, v46;
	(erf) = vpow2.f32 v17;
	v33 =	vadd.f32 v33, v29;
	v44 =	vld [tilespmem:s20+$0xA150]  }
0x34f: {  	v8 =	vmin.f32 v8, $8.000000000e+01;
	v10 =	vadd.f32 v28, v10;
	(erf) = vpow2.f32 v18;
	v45 =	vld [tilespmem:s20+$0xC150];
	[tilespmem:s19+$0x101D0] =	vst v3  }
0x350: {  	v5 =	vmul.f32 $1.442695020e+00, v41;
	(erf) = vpow2.f32 v20;
	v12 =	vadd.f32 v35, v33;
	v14 =	vld [tilespmem:s20+$0xA160];
	[tilespmem:s19+$0x101E0] =	vst v2  }
0x351: {  	v51 =	vmin.f32 v10, $8.000000000e+01;
	v3 =	vadd.f32 v27, v9;
	(erf) = vpow2.f32 v24;
	v53 =	vld [tilespmem:s20+$0xA170]  }
0x352: {  	v2 =	vmul.f32 $1.442695020e+00, v8;
	v8 =	vmul.f32 $1.442695020e+00, v51;
	v54 =	vld [tilespmem:s20+$0xC170];
	v43 =	vmin.f32 v12, $8.000000000e+01  }
0x353: {  	v11 =	vadd.f32 v63, v39;
	(erf) = vpow2.f32 v25;
	v25 =	vld [tilespmem:s20+$0xA190];
	v4 =	vmul.f32 $1.442695020e+00, v43  }
0x354: {  	v33 =	vadd.f32 v38, v37;
	v3 =	vmin.f32 v3, $8.000000000e+01;
	v27 =	vld [tilespmem:s20+$0xC190];
	v7 =	vadd.f32 v7, v40;
	v48 =	vpop (erf)  }
0x355: {  	v59 =	vld [tilespmem:s20+$0xA1A0];
	v3 =	vmul.f32 $1.442695020e+00, v3;
	v49 =	vpop (erf);
	v15 =	vadd.f32 v42, v19;
	(erf) = vpow2.f32 v4  }
0x356: {  	v61 =	vld [tilespmem:s20+$0xC1A0];
	v50 =	vpop (erf);
	v16 =	vsub.f32 $1.000000000e+00, v49;
	v12 =	vadd.f32 v45, v44;
	(erf) = vpow2.f32 v32  }
0x357: {  	v18 =	vld [tilespmem:s20+$0xE130];
	v57 =	vadd.f32 $1.000000000e+00, v50;
	v4 =	vsub.f32 $1.000000000e+00, v48;
	(erf) = vpow2.f32 v5  }
0x358: {  	v52 =	vpop (erf);
	v6 =	vsub.f32 $1.000000000e+00, v50;
	v32 =	vadd.f32 v36, v34;
	(erf) = vpow2.f32 v47  }
0x359: {  	v17 =	vpop (erf);
	v10 =	vsub.f32 $1.000000000e+00, v52;
	v9 =	vadd.f32 v54, v53;
	(erf) = vpow2.f32 v2  }
0x35a: {  	v25 =	vadd.f32 v27, v25;
	v20 =	vpop (erf);
	v2 =	vadd.f32 $1.000000000e+00, v48;
	(erf) = vpow2.f32 v3  }
0x35b: {  	v55 =	vld [tilespmem:s20+$0xA180];
	v23 =	vadd.f32 v61, v59;
	v22 =	vpop (erf);
	v3 =	vadd.f32 $1.000000000e+00, v49;
	(erf) = vpow2.f32 v8  }
0x35c: {  	v27 =	vld [tilespmem:s20+$0xE120];
	v7 =	vadd.f32 v18, v7;
	v46 =	vadd.f32 $1.000000000e+00, v20;
	v24 =	vpop (erf);
	(erf) = vrcp.f32 v2  }
0x35d: {  	v56 =	vld [tilespmem:s20+$0xC180];
	v20 =	vsub.f32 $1.000000000e+00, v20;
	v26 =	vpop (erf);
	v2 =	vadd.f32 $1.000000000e+00, v52;
	(erf) = vrcp.f32 v3  }
0x35e: {  	v5 =	vld [tilespmem:s20+$0xC160];
	v7 =	vmin.f32 v7, $8.000000000e+01;
	v3 =	vadd.f32 $1.000000000e+00, v17;
	v58 =	vpop (erf);
	(erf) = vrcp.f32 v57  }
0x35f: {  	v62 =	vld [tilespmem:s20+$0xA1B0];
	v47 =	vadd.f32 $1.000000000e+00, v22;
	v60 =	vadd.f32 $1.000000000e+00, v58;
	(erf) = vrcp.f32 v2;
	v30 =	vpop (erf)  }
0x360: {  	v63 =	vld [tilespmem:s20+$0xC1B0];
	v48 =	vadd.f32 $1.000000000e+00, v24;
	v61 =	vsub.f32 $1.000000000e+00, v24;
	(erf) = vrcp.f32 v3;
	v34 =	vpop (erf)  }
0x361: {  	v43 =	vadd.f32 $1.000000000e+00, v26;
	v11 =	vadd.f32 v27, v11;
	(erf) = vrcp.f32 v60;
	v29 =	vpop (erf)  }
0x362: {  	v7 =	vmul.f32 $1.442695020e+00, v7;
	v8 =	vadd.f32 v56, v55;
	v26 =	vsub.f32 $1.000000000e+00, v26;
	v37 =	vpop (erf)  }
0x363: {  	v5 =	vadd.f32 v5, v14;
	v17 =	vsub.f32 $1.000000000e+00, v17;
	v11 =	vmin.f32 v11, $8.000000000e+01;
	v2 =	vpop (erf)  }
0x364: {  	v11 =	vmul.f32 $1.442695020e+00, v11;
	v55 =	vsub.f32 $1.000000000e+00, v58;
	v51 =	vadd.f32 $1.000000000e+00, v30;
	v3 =	vpop (erf)  }
0x365: {  	v60 =	vsub.f32 $1.000000000e+00, v22;
	v22 =	vadd.f32 v63, v62;
	v63 =	vld [tilespmem:s20+$0xE150];
	(erf) = vrcp.f32 v46;
	v49 =	vpop (erf)  }
0x366: {  	v38 =	vld [tilespmem:s20+$0xA1C0];
	v30 =	vsub.f32 $1.000000000e+00, v30;
	v53 =	vadd.f32 $1.000000000e+00, v34;
	(erf) = vrcp.f32 v47;
	v50 =	vpop (erf)  }
0x367: {  	v34 =	vsub.f32 $1.000000000e+00, v34;
	v59 =	vadd.f32 $1.000000000e+00, v37;
	v46 =	vld [tilespmem:s20+$0xE100];
	(erf) = vrcp.f32 v48;
	v52 =	vpop (erf)  }
0x368: {  	v57 =	vld [tilespmem:s20+$0xE110];
	v35 =	vsub.f32 $1.000000000e+00, v37;
	v62 =	vadd.f32 $1.000000000e+00, v2;
	(erf) = vrcp.f32 v43;
	v54 =	vpop (erf)  }
0x369: {  	v39 =	vld [tilespmem:s20+$0xC1C0];
	v47 =	vadd.f32 $1.000000000e+00, v29;
	v4 =	vmul.f32 v49, v4;
	(erf) = vrcp.f32 v51;
	v56 =	vpop (erf)  }
0x36a: {  	v41 =	vld [tilespmem:s20+$0xA1D0];
	v12 =	vadd.f32 v63, v12;
	v16 =	vmul.f32 v50, v16;
	(erf) = vrcp.f32 v53;
	v58 =	vpop (erf)  }
0x36b: {  	v40 =	vadd.f32 $1.000000000e+00, v3;
	(erf) = vrcp.f32 v47;
	v47 =	vld [tilespmem:s20+$0xE140];
	v14 =	vmul.f32 v58, v55  }
0x36c: {  	v42 =	vld [tilespmem:s20+$0xC1D0];
	v6 =	vmul.f32 v52, v6;
	v12 =	vmin.f32 v12, $8.000000000e+01;
	v32 =	vadd.f32 v46, v32  }
0x36d: {  	v44 =	vld [tilespmem:s20+$0xA1E0];
	v10 =	vmul.f32 v54, v10;
	v63 =	vmul.f32 $1.442695020e+00, v12;
	v55 =	vadd.f32 v57, v33;
	[tilespmem:s20+$0x101F0] =	vst v14  }
0x36e: {  	v45 =	vld [tilespmem:s20+$0xC1E0];
	v17 =	vmul.f32 v56, v17;
	(erf) = vrcp.f32 v59;
	v58 =	vmin.f32 v32, $8.000000000e+01;
	[tilespmem:s18+$0x10100] =	vst v4  }
0x36f: {  	(erf) = vrcp.f32 v62;
	v19 =	vmul.f32 $1.442695020e+00, v58;
	v21 =	vmin.f32 v55, $8.000000000e+01;
	v48 =	vld [tilespmem:s20+$0xE160];
	[tilespmem:s18+$0x10110] =	vst v16  }
0x370: {  	v51 =	vpop (erf);
	(erf) = vrcp.f32 v40;
	v21 =	vmul.f32 $1.442695020e+00, v21;
	v15 =	vadd.f32 v47, v15;
	v52 =	vld [tilespmem:s20+$0xE170];
	[tilespmem:s18+$0x10120] =	vst v6  }
0x371: {  	v2 =	vsub.f32 $1.000000000e+00, v2;
	v53 =	vpop (erf);
	v20 =	vmul.f32 v51, v20;
	(erf) = vpow2.f32 v19;
	v56 =	vld [tilespmem:s20+$0xE180]  }
0x372: {  	v54 =	vpop (erf);
	v14 =	vmul.f32 v53, v60;
	(erf) = vpow2.f32 v21;
	[tilespmem:s18+$0x10130] =	vst v10;
	v15 =	vmin.f32 v15, $8.000000000e+01  }
0x373: {  	v49 =	vadd.f32 v39, v38;
	v57 =	vpop (erf);
	(erf) = vpow2.f32 v11;
	v60 =	vld [tilespmem:s20+$0xE190];
	[tilespmem:s18+$0x10140] =	vst v17;
	v62 =	vmul.f32 $1.442695020e+00, v15  }
0x374: {  	v6 =	vmul.f32 v54, v61;
	v28 =	vpop (erf);
	(erf) = vpow2.f32 v7;
	v17 =	vld [tilespmem:s20+$0xE1A0];
	[tilespmem:s18+$0x10150] =	vst v20;
	v5 =	vadd.f32 v48, v5  }
0x375: {  	v50 =	vadd.f32 v42, v41;
	v59 =	vmul.f32 v57, v26;
	v32 =	vpop (erf);
	v20 =	vld [tilespmem:s20+$0xE1B0];
	[tilespmem:s18+$0x10160] =	vst v14;
	(erf) = vpow2.f32 v62  }
0x376: {  	v4 =	vadd.f32 v52, v9;
	v24 =	vld [tilespmem:s20+$0xE1C0];
	v5 =	vmin.f32 v5, $8.000000000e+01;
	v8 =	vadd.f32 v56, v8  }
0x377: {  	v61 =	vadd.f32 v45, v44;
	v36 =	vpop (erf);
	[tilespmem:s18+$0x10170] =	vst v6;
	(erf) = vpow2.f32 v63;
	v5 =	vmul.f32 $1.442695020e+00, v5  }
0x378: {  	v6 =	vld [tilespmem:s20+$0xE1D0];
	[tilespmem:s18+$0x10180] =	vst v59;
	v4 =	vmin.f32 v4, $8.000000000e+01;
	v27 =	vadd.f32 v60, v25;
	v8 =	vmin.f32 v8, $8.000000000e+01  }
0x379: {  	v33 =	vld [tilespmem:s20+$0xE1E0];
	v4 =	vmul.f32 $1.442695020e+00, v4;
	v31 =	vadd.f32 v17, v23;
	v8 =	vmul.f32 $1.442695020e+00, v8  }
0x37a: {  	v38 =	vpop (erf);
	v15 =	vmin.f32 v27, $8.000000000e+01;
	v37 =	vadd.f32 v20, v22;
	(erf) = vpow2.f32 v5  }
0x37b: {  	v15 =	vmul.f32 $1.442695020e+00, v15;
	v10 =	vmin.f32 v31, $8.000000000e+01;
	v12 =	vadd.f32 v24, v49  }
0x37c: {  	v39 =	vpop (erf);
	(erf) = vpow2.f32 v4;
	v10 =	vmul.f32 $1.442695020e+00, v10;
	v40 =	vmin.f32 v37, $8.000000000e+01  }
0x37d: {  	v41 =	vpop (erf);
	v6 =	vadd.f32 v6, v50;
	(erf) = vpow2.f32 v8;
	v13 =	vmul.f32 $1.442695020e+00, v40  }
0x37e: {  	v44 =	vpop (erf);
	v42 =	vmin.f32 v12, $8.000000000e+01;
	v43 =	vadd.f32 v33, v61;
	(erf) = vpow2.f32 v15  }
0x37f: {  	v45 =	vpop (erf);
	v8 =	vmul.f32 $1.442695020e+00, v42;
	v6 =	vmin.f32 v6, $8.000000000e+01;
	(erf) = vpow2.f32 v10  }
0x380: {  	v47 =	vpop (erf);
	v6 =	vmul.f32 $1.442695020e+00, v6;
	v46 =	vmin.f32 v43, $8.000000000e+01;
	(erf) = vpow2.f32 v13  }
0x381: {  	v29 =	vsub.f32 $1.000000000e+00, v29;
	v48 =	vpop (erf);
	v10 =	vmul.f32 $1.442695020e+00, v46;
	(erf) = vpow2.f32 v8  }
0x382: {  	v3 =	vsub.f32 $1.000000000e+00, v3;
	v49 =	vadd.f32 $1.000000000e+00, v44;
	v50 =	vpop (erf);
	(erf) = vpow2.f32 v6  }
0x383: {  	v51 =	vmul.f32 v28, v30;
	v52 =	vadd.f32 $1.000000000e+00, v45;
	v53 =	vpop (erf);
	(erf) = vpow2.f32 v10  }
0x384: {  	v7 =	vmul.f32 v32, v34;
	v54 =	vadd.f32 $1.000000000e+00, v47;
	v55 =	vpop (erf);
	(erf) = vrcp.f32 v49  }
0x385: {  	v9 =	vmul.f32 v38, v35;
	v57 =	vadd.f32 $1.000000000e+00, v48;
	v58 =	vpop (erf);
	(erf) = vrcp.f32 v52  }
0x386: {  	v56 =	vmul.f32 v36, v29;
	v59 =	vadd.f32 $1.000000000e+00, v50;
	v60 =	vpop (erf);
	(erf) = vrcp.f32 v54  }
0x387: {  	v2 =	vmul.f32 v39, v2;
	v61 =	vadd.f32 $1.000000000e+00, v53;
	(erf) = vrcp.f32 v57;
	v62 =	vpop (erf)  }
0x388: {  	v3 =	vmul.f32 v41, v3;
	v63 =	vadd.f32 $1.000000000e+00, v55;
	(erf) = vrcp.f32 v59;
	v24 =	vpop (erf)  }
0x389: {  	v25 =	vsub.f32 $1.000000000e+00, v44;
	v26 =	vadd.f32 $1.000000000e+00, v58;
	v27 =	vpop (erf);
	(erf) = vrcp.f32 v61  }
0x38a: {  	[tilespmem:s18+$0x10190] =	vst v51;
	v28 =	vsub.f32 $1.000000000e+00, v45;
	v29 =	vadd.f32 $1.000000000e+00, v60;
	v30 =	vpop (erf);
	(erf) = vrcp.f32 v63  }
0x38b: {  	[tilespmem:s18+$0x101A0] =	vst v7;
	v31 =	vsub.f32 $1.000000000e+00, v47;
	v32 =	vadd.f32 $1.000000000e+00, v62;
	v33 =	vpop (erf);
	(erf) = vrcp.f32 v26  }
0x38c: {  	[tilespmem:s18+$0x101C0] =	vst v9;
	v34 =	vsub.f32 $1.000000000e+00, v48;
	v35 =	vadd.f32 $1.000000000e+00, v24;
	v36 =	vpop (erf);
	(erf) = vrcp.f32 v29  }
0x38d: {  	[tilespmem:s18+$0x101B0] =	vst v56;
	v37 =	vsub.f32 $1.000000000e+00, v50;
	v38 =	vadd.f32 $1.000000000e+00, v27;
	v39 =	vpop (erf);
	(erf) = vrcp.f32 v32  }
0x38e: {  	[tilespmem:s18+$0x101D0] =	vst v2;
	v2 =	vadd.f32 $1.000000000e+00, v30;
	v40 =	vpop (erf);
	(erf) = vrcp.f32 v35;
	v41 =	vmul.f32 v39, v25  }
0x38f: {  	[tilespmem:s18+$0x101E0] =	vst v3;
	v3 =	vadd.f32 $1.000000000e+00, v33;
	v42 =	vpop (erf);
	(erf) = vrcp.f32 v38;
	v5 =	vmul.f32 v40, v28  }
0x390: {  	v43 =	vadd.f32 $1.000000000e+00, v36;
	v44 =	vpop (erf);
	(erf) = vrcp.f32 v2;
	v2 =	vmul.f32 v42, v31;
	[tilespmem:s20+$0x10100] =	vst v41  }
0x391: {  	v45 =	vsub.f32 $1.000000000e+00, v53;
	v46 =	vpop (erf);
	(erf) = vrcp.f32 v3;
	v3 =	vmul.f32 v44, v34;
	[tilespmem:s20+$0x10110] =	vst v5  }
0x392: {  	v47 =	vsub.f32 $1.000000000e+00, v55;
	v48 =	vpop (erf);
	(erf) = vrcp.f32 v43;
	v6 =	vmul.f32 v46, v37;
	[tilespmem:s20+$0x10120] =	vst v2  }
0x393: {  	v2 =	vsub.f32 $1.000000000e+00, v58;
	v49 =	vpop (erf);
	v4 =	vmul.f32 v48, v45;
	[tilespmem:s20+$0x10130] =	vst v3  }
0x394: {  	v3 =	vsub.f32 $1.000000000e+00, v60;
	v50 =	vpop (erf);
	v5 =	vmul.f32 v49, v47;
	[tilespmem:s20+$0x10140] =	vst v6  }
0x395: {  	v51 =	vsub.f32 $1.000000000e+00, v62;
	v52 =	vpop (erf);
	v2 =	vmul.f32 v50, v2;
	[tilespmem:s20+$0x10150] =	vst v4  }
0x396: {  	v53 =	vsub.f32 $1.000000000e+00, v24;
	v54 =	vpop (erf);
	v3 =	vmul.f32 v52, v3;
	[tilespmem:s20+$0x10160] =	vst v5  }
0x397: {  	v55 =	vsub.f32 $1.000000000e+00, v27;
	v56 =	vpop (erf);
	[tilespmem:s20+$0x10170] =	vst v2;
	v2 =	vmul.f32 v54, v51  }
0x398: {  	v57 =	vsub.f32 $1.000000000e+00, v30;
	v58 =	vpop (erf);
	[tilespmem:s20+$0x10180] =	vst v3;
	v3 =	vmul.f32 v56, v53  }
0x399: {  	v59 =	vsub.f32 $1.000000000e+00, v33;
	v60 =	vpop (erf);
	[tilespmem:s20+$0x10190] =	vst v2;
	v2 =	vmul.f32 v58, v55  }
0x39a: {  	v61 =	vsub.f32 $1.000000000e+00, v36;
	v62 =	vpop (erf);
	[tilespmem:s20+$0x101A0] =	vst v3;
	v3 =	vmul.f32 v60, v57  }
0x39b: {  	v63 =	vpop (erf);
	[tilespmem:s20+$0x101B0] =	vst v2;
	v2 =	vmul.f32 v62, v59  }
0x39c: {  	[tilespmem:s20+$0x101C0] =	vst v3;
	v3 =	vmul.f32 v63, v61  }
0x39d: {  	[tilespmem:s20+$0x101D0] =	vst v2  }
0x39e: {  	s16 =	simm.s32 $0x9F00;
	s22 =	simm.s32 $0x3;
	[tilespmem:s20+$0x101E0] =	vst v3  }
0x39f: {  	[spmem:s2] =	stream.indirect.scatter.add.f32 [tilespmem:s25], [sflag:$0x3], $0x80, s16, s0, $0xb8;
	[tilespmem:$0x1D280] =	vst v63  }
0x3a0: {  	_ =	swait.ge [sflag:s22], $0x1000  }
0x3a1: {  	[sflag:s22] =	ssyncset.done $0x0  }
0x3a2: {  	s23 =	simm.s32 $0x4;
	[sflag:s22] =	ssyncadd.s32 $0xFFFFF000  }
0x3a3: {  	_ =	swait.ge [sflag:s23], $0x1000  }
0x3a4: {  	[sflag:s23] =	ssyncset.done $0x0  }
0x3a5: {  	[sflag:s23] =	ssyncadd.s32 $0xFFFFF000  }
0x3a6: {  	[bflag:$0x0] =	sbarrier.arrive $0xFFFF  }
0x3a7: {  	s21 =	rddreg [dreg:$0xb]  }
0x3a8: {  	[tilespmem:s29], [sflag:$0x5] =	stream.linear.gather [spmem:s21], $0x1400, $0x38;
	[tilespmem:$0x1D280] =	vst v63  }
0x3a9: {  	_ =	swait.ge [sflag:s30], $0x1400  }
0x3aa: {  	[sflag:s30] =	ssyncset.done $0x0  }
0x3ab: {  	s18 =	rddreg [dreg:$0x3];
	[sflag:s30] =	ssyncadd.s32 $0xFFFFEC00  }
0x3ac: {  	[hbm4b:s18+s3] =	stream.linear.scatter [tilespmem:s29], [sflag:$0x5], $0x1400, $0x38;
	[tilespmem:$0x1D280] =	vst v63  }
0x3ad: {  	_ =	swait.ge [sflag:s30], $0x1400  }
0x3ae: {  	[sflag:s30] =	ssyncset.done $0x0  }
0x3af: {  	s22 =	rddreg [dreg:$0xc];
	[sflag:s30] =	ssyncadd.s32 $0xFFFFEC00  }
0x3b0: {  	[tilespmem:s29], [sflag:$0x5] =	stream.linear.gather [spmem:s22], $0x1400, $0x38;
	[tilespmem:$0x1D280] =	vst v63  }
0x3b1: {  	_ =	swait.ge [sflag:s30], $0x1400  }
0x3b2: {  	[sflag:s30] =	ssyncset.done $0x0  }
0x3b3: {  	s19 =	rddreg [dreg:$0x4];
	[sflag:s30] =	ssyncadd.s32 $0xFFFFEC00  }
0x3b4: {  	[hbm4b:s19+s3] =	stream.linear.scatter [tilespmem:s29], [sflag:$0x5], $0x1400, $0x38;
	[tilespmem:$0x1D280] =	vst v63  }
0x3b5: {  	_ =	swait.ge [sflag:s30], $0x1400  }
0x3b6: {  	[sflag:s30] =	ssyncset.done $0x0  }
0x3b7: {  	s23 =	rddreg [dreg:$0xd];
	[sflag:s30] =	ssyncadd.s32 $0xFFFFEC00  }
0x3b8: {  	[tilespmem:s29], [sflag:$0x5] =	stream.linear.gather [spmem:s23], $0x1400, $0x38;
	[tilespmem:$0x1D280] =	vst v63  }
0x3b9: {  	_ =	swait.ge [sflag:s30], $0x1400  }
0x3ba: {  	[sflag:s30] =	ssyncset.done $0x0  }
0x3bb: {  	s20 =	rddreg [dreg:$0x5];
	[sflag:s30] =	ssyncadd.s32 $0xFFFFEC00  }
0x3bc: {  	[hbm4b:s20+s3] =	stream.linear.scatter [tilespmem:s29], [sflag:$0x5], $0x1400, $0x38;
	[tilespmem:$0x1D280] =	vst v63  }
0x3bd: {  	_ =	swait.ge [sflag:s30], $0x1400  }
0x3be: {  	[sflag:s30] =	ssyncset.done $0x0  }
0x3bf: {  	s18 =	rddreg [dreg:$0xe];
	[sflag:s30] =	ssyncadd.s32 $0xFFFFEC00  }
0x3c0: {  	[tilespmem:s29], [sflag:$0x5] =	stream.linear.gather [spmem:s18], $0x1400, $0x38;
	[tilespmem:$0x1D280] =	vst v63  }
0x3c1: {  	_ =	swait.ge [sflag:s30], $0x1400  }
0x3c2: {  	[sflag:s30] =	ssyncset.done $0x0  }
0x3c3: {  	s19 =	rddreg [dreg:$0x6];
	[sflag:s30] =	ssyncadd.s32 $0xFFFFEC00  }
0x3c4: {  	[hbm4b:s19+s3] =	stream.linear.scatter [tilespmem:s29], [sflag:$0x5], $0x1400, $0x38;
	[tilespmem:$0x1D280] =	vst v63  }
0x3c5: {  	_ =	swait.ge [sflag:s30], $0x1400  }
0x3c6: {  	[sflag:s30] =	ssyncset.done $0x0  }
0x3c7: {  	s20 =	rddreg [dreg:$0xf];
	[sflag:s30] =	ssyncadd.s32 $0xFFFFEC00  }
0x3c8: {  	[tilespmem:s29], [sflag:$0x5] =	stream.linear.gather [spmem:s20], $0x1400, $0x38;
	[tilespmem:$0x1D280] =	vst v63  }
0x3c9: {  	_ =	swait.ge [sflag:s30], $0x1400  }
0x3ca: {  	[sflag:s30] =	ssyncset.done $0x0  }
0x3cb: {  	s18 =	rddreg [dreg:$0x7];
	[sflag:s30] =	ssyncadd.s32 $0xFFFFEC00  }
0x3cc: {  	[hbm4b:s18+s3] =	stream.linear.scatter [tilespmem:s29], [sflag:$0x5], $0x1400, $0x38;
	[tilespmem:$0x1D280] =	vst v63  }
0x3cd: {  	_ =	swait.ge [sflag:s30], $0x1400  }
0x3ce: {  	[sflag:s30] =	ssyncset.done $0x0  }
0x3cf: {  	s19 =	rddreg [dreg:$0x10];
	[sflag:s30] =	ssyncadd.s32 $0xFFFFEC00  }
0x3d0: {  	[tilespmem:s29], [sflag:$0x5] =	stream.linear.gather [spmem:s19], $0x1400, $0x38;
	[tilespmem:$0x1D280] =	vst v63  }
0x3d1: {  	_ =	swait.ge [sflag:s30], $0x1400  }
0x3d2: {  	[sflag:s30] =	ssyncset.done $0x0  }
0x3d3: {  	s20 =	rddreg [dreg:$0x8];
	[sflag:s30] =	ssyncadd.s32 $0xFFFFEC00  }
0x3d4: {  	[hbm4b:s20+s3] =	stream.linear.scatter [tilespmem:s29], [sflag:$0x5], $0x1400, $0x38;
	[tilespmem:$0x1D280] =	vst v63  }
0x3d5: {  	_ =	swait.ge [sflag:s30], $0x1400  }
0x3d6: {  	[sflag:s30] =	ssyncset.done $0x0  }
0x3d7: {  	s18 =	rddreg [dreg:$0x11];
	[sflag:s30] =	ssyncadd.s32 $0xFFFFEC00  }
0x3d8: {  	[tilespmem:s29], [sflag:$0x5] =	stream.linear.gather [spmem:s18], $0x1400, $0x38;
	[tilespmem:$0x1D280] =	vst v63  }
0x3d9: {  	_ =	swait.ge [sflag:s30], $0x1400  }
0x3da: {  	[sflag:s30] =	ssyncset.done $0x0  }
0x3db: {  	s19 =	rddreg [dreg:$0x9];
	[sflag:s30] =	ssyncadd.s32 $0xFFFFEC00  }
0x3dc: {  	[hbm4b:s19+s3] =	stream.linear.scatter [tilespmem:s29], [sflag:$0x5], $0x1400, $0x38;
	[tilespmem:$0x1D280] =	vst v63  }
0x3dd: {  	_ =	swait.ge [sflag:s30], $0x1400  }
0x3de: {  	[sflag:s30] =	ssyncset.done $0x0  }
0x3df: {  	s16 =	simm.s32 @!p1 $0x12100;
	s18 =	rddreg [dreg:$0x12];
	[sflag:s30] =	ssyncadd.s32 $0xFFFFEC00  }
0x3e0: {  	[tilespmem:s16], [sflag:$0x5] =	stream.linear.gather @!p1 [spmem:s18], $0x1400, $0x38;
	[tilespmem:$0x1D280] =	vst v63  }
0x3e1: {  	s18 =	simm.s32 @!p1 $0x5  }
0x3e2: {  	_ =	swait.ge @!p1 [sflag:s18], $0x1400  }
0x3e3: {  	[sflag:s18] =	ssyncset.done @!p1 $0x0  }
0x3e4: {  	s19 =	simm.s32 @!p1 $0x0;
	s20 =	rddreg [dreg:$0xa];
	[sflag:s18] =	ssyncadd.s32 @!p1 $0xFFFFEC00  }
0x3e5: {  	[hbm4b:s20+s19] =	stream.linear.scatter @!p1 [tilespmem:s16], [sflag:$0x5], $0x1400, $0x38;
	[tilespmem:$0x1D280] =	vst v63  }
0x3e6: {  	_ =	swait.ge @!p1 [sflag:s18], $0x1400  }
0x3e7: {  	s17 =	sadd.s32 $0x1, s17;
	s20 =	rddreg [dreg:$0x16]  }
0x3e8: {  	p2 =	sne.s32 s17, s20  }
.Ltmp5:
0x3e9: {  	_ = 	snop;
	(pc) =	sbr.rel @p2 .LBB2_1-.Ltmp5, $3  }
0x3ea: {  	_ =	sdelay $0x1  }
0x3eb: {  	[sflag:s18] =	ssyncset.done @!p1 $0x0  }
0x3ec: {  	[sflag:s18] =	ssyncadd.s32 @!p1 $0xFFFFEC00  }
0x3ed: {  	_ =	sfence.sel $0x180000  }
0x3ee: {  	[bflag:$0x0] =	sbarrier.arrive $0xFFFF  }
0x3ef: {  	_ =	strace $0x90000047  }
0x3f0: {  	s0 =	stileid.u32;
	[bflag:$0x2] =	sbarrier.arrive $0xFFFF  }
0x3f1: {  	p0 =	sne.s32 s0, $0x0;
	s0 =	rddreg [dreg:$0x2]  }
0x3f2: {  	s0 =	sadd.s32 @!p0 $0x100000, s0  }
0x3f3: {  	[sflag:s0] =	ssyncadd.tile.s32 @!p0 $0x1;
	_ =	shalt  }
.Lfunc_end2:
_tile_overlayer_lowered:
.L_overlay_start_2:
0x3f4: {  	(tag) =	ssettag $0x2  }
0x3f5: {  	s0 =	rddreg [dreg:$0x0];
	s2 =	stileid.u32  }
0x3f6: {  	s1 =	rddreg [dreg:$0x1];
	p0 =	sne.s32 s2, $0x0  }
0x3f7: {  	s3 =	rddreg [dreg:$0x2];
	[bflag:$0x3] =	sbarrier.arrive $0xFFFF;
	s2 =	simm.s32 @!p0 $0x1C05  }
0x3f8: {  	[timem:s3], [sflag:s2] =	dma.local @!p0 [hbm:s0], s1  }
0x3f9: {  	s0 =	simm.s32 @!p0 $0x5  }
0x3fa: {  	_ =	swait.ge @!p0 [sflag:s0], s1  }
0x3fb: {  	s1 =	ssub.s32 @!p0 $0x0, s1;
	[sflag:s0] =	ssyncset.done @!p0 $0x0  }
0x3fc: {  	[sflag:s0] =	ssyncadd.s32 @!p0 s1  }
0x3fd: {  	[bflag:$0x3] =	sbarrier.arrive $0xFFFF  }
0x3fe: {  	_ =	shalt  }

</sc_bundles>
